<compile_context>
chip_gen: v7x
topology: tpu7x:2x2x1
jax: 0.10.2.dev20260603
libtpu: 0.0.44.dev20260713+nightly
codegen_flags: <defaults>
</compile_context>

<pallas_src>
import jax
import jax.numpy as jnp
from jax import lax
from jax.experimental import pallas as pl
from jax.experimental.pallas import tpu as pltpu
from jax.experimental.pallas import tpu_sc as plsc

VOCAB = 1000000
EMBED = 64
NCLS = 5
BATCH = 16384
HIST = 200

DP = 8
NC, NS = 2, 16
NW = NC * NS
SPW = BATCH // NW
CS = 16
NCHUNK = SPW // CS

RB = 32768
SLOTS = 128 // DP
SB = RB // SLOTS
SHIFT = 11
NBLK = -(-VOCAB // RB)
VP = NBLK * RB


def _proj_body(et_ref, w_ref, p_ref):
    lhs = jnp.concatenate(
        [et_ref[:, SB * m:SB * (m + 1)] for m in range(SLOTS)], axis=0)
    p_ref[...] = lax.dot_general(lhs, w_ref[...],
                                 dimension_numbers=(((0,), (0,)), ((), ())),
                                 preferred_element_type=jnp.float32)


def _project_table(embed_t, w_pad):
    return pl.pallas_call(
        _proj_body,
        grid=(NBLK,),
        in_specs=[
            pl.BlockSpec((EMBED, RB), lambda i: (0, i)),
            pl.BlockSpec((SLOTS * EMBED, 128), lambda i: (0, 0)),
        ],
        out_specs=pl.BlockSpec((RB // SLOTS, 128), lambda i: (i, 0)),
        out_shape=jax.ShapeDtypeStruct((VP // SLOTS, 128), jnp.float32),
    )(embed_t, w_pad)


def _sc_body(p_hbm, idx_hbm, b_hbm, out_hbm,
             idxb0, idxb1, rowsb0, rowsb1, outv, bvecb, foldb,
             semg0, semg1, semi0, semi1):
    wid = lax.axis_index("s") * NC + lax.axis_index("c")
    base = wid * SPW
    pltpu.sync_copy(b_hbm, bvecb)
    foldb[pl.ds(8, 16)] = jnp.zeros((16,), jnp.float32)
    bufs = ((idxb0, rowsb0, semg0, semi0), (idxb1, rowsb1, semg1, semi1))

    def stage_idx(c, idxb, semi):
        pltpu.async_copy(
            idx_hbm.at[pl.ds((base + c * CS) * HIST, CS * HIST)], idxb, semi)

    def wait_idx(c, idxb, semi):
        pltpu.make_async_copy(
            idx_hbm.at[pl.ds((base + c * CS) * HIST, CS * HIST)],
            idxb, semi).wait()

    def remap(idxb):
        def rbody(j, carry):
            sl = pl.ds(j * 16, 16)
            vv = idxb[sl]
            idxb[sl] = ((vv & jnp.int32(~(RB - 1)))
                        | ((vv & jnp.int32(SB - 1)) << 4)
                        | ((vv >> SHIFT) & (SLOTS - 1)))
            return carry
        lax.fori_loop(0, CS * HIST // 16, rbody, 0)

    def fire_gathers(idxb, rowsb, semg):
        for k in range(CS * HIST // 128):
            pltpu.async_copy(p_hbm.at[idxb.at[pl.ds(128 * k, 128)]],
                             rowsb.at[pl.ds(128 * k, 128)], semg)

    def drain_gathers(rowsb, semg):
        pltpu.make_async_copy(p_hbm.at[pl.ds(0, CS * HIST)], rowsb, semg).wait()

    def accumulate(c, rowsb):
        bv = bvecb[...]
        z = jnp.zeros((16,), jnp.float32)
        rowpat = (lax.iota(jnp.int32, 16) >> 3) & 1
        colpat = lax.iota(jnp.int32, 16) & 7
        for s in range(CS):
            def body(j, accs):
                r = HIST * s + 8 * j
                return tuple(
                    accs[t] + plsc.load_gather(
                        rowsb, [rowpat + (r + 2 * t), colpat])
                    for t in range(4))
            accs = lax.fori_loop(0, HIST // 8, body, (z,) * 4)
            tot = (accs[0] + accs[1]) + (accs[2] + accs[3])
            foldb[pl.ds(0, 16)] = tot
            outv[c * CS + s] = tot + foldb[pl.ds(8, 16)] + bv

    idxb, rowsb, semg, semi = bufs[0]
    stage_idx(0, idxb, semi)
    wait_idx(0, idxb, semi)
    remap(idxb)
    fire_gathers(idxb, rowsb, semg)
    stage_idx(1, bufs[1][0], bufs[1][3])
    wait_idx(1, bufs[1][0], bufs[1][3])
    remap(bufs[1][0])

    def half(c, b):
        idxb, rowsb, semg, semi = bufs[b]
        nidxb, nrowsb, nsemg, nsemi = bufs[1 - b]
        drain_gathers(rowsb, semg)

        @pl.when(c + 1 < NCHUNK)
        def _():
            fire_gathers(nidxb, nrowsb, nsemg)

        @pl.when(c + 2 < NCHUNK)
        def _():
            stage_idx(c + 2, idxb, semi)

        accumulate(c, rowsb)

        @pl.when(c + 2 < NCHUNK)
        def _():
            wait_idx(c + 2, idxb, semi)
            remap(idxb)

    def pair(cc, carry):
        half(2 * cc, 0)
        half(2 * cc + 1, 1)
        return carry

    lax.fori_loop(0, NCHUNK // 2, pair, 0)
    pltpu.sync_copy(outv, out_hbm.at[pl.ds(base, SPW)])


@jax.jit
def kernel(inputs, embed_table, W, b):
    b_pad = jnp.zeros((16,), jnp.float32).at[:NCLS].set(b)
    w_bd = jnp.zeros((SLOTS * EMBED, 128), jnp.float32)
    for _m in range(SLOTS):
        w_bd = w_bd.at[EMBED * _m:EMBED * (_m + 1),
                       DP * _m:DP * _m + NCLS].set(W)
    p = jnp.reshape(_project_table(embed_table.T, w_bd), (VP, DP))
    idx1 = jnp.reshape(inputs.astype(jnp.int32), (BATCH * HIST,))

    mesh = plsc.VectorSubcoreMesh(core_axis_name="c", subcore_axis_name="s")
    out16 = pl.kernel(
        _sc_body,
        out_type=jax.ShapeDtypeStruct((BATCH, 16), jnp.float32),
        mesh=mesh,
        compiler_params=pltpu.CompilerParams(use_tc_tiling_on_sc=False,
                                             needs_layout_passes=False),
        scratch_types=[
            pltpu.VMEM((CS * HIST,), jnp.int32),
            pltpu.VMEM((CS * HIST,), jnp.int32),
            pltpu.VMEM((CS * HIST, DP), jnp.float32),
            pltpu.VMEM((CS * HIST, DP), jnp.float32),
            pltpu.VMEM((SPW, 16), jnp.float32),
            pltpu.VMEM((16,), jnp.float32),
            pltpu.VMEM((24,), jnp.float32),
            pltpu.SemaphoreType.DMA,
            pltpu.SemaphoreType.DMA,
            pltpu.SemaphoreType.DMA,
            pltpu.SemaphoreType.DMA,
        ],
    )(p, idx1, b_pad)
    return out16[:, :NCLS]

# --- scband reference (transcript-rebuilt; emitter-appended) ---
"""Pipeline reference for scband-cbow-70446053589251 (READ-ONLY COPY).

The authoritative reference and input builder live on the scoring server;
editing this copy changes nothing except your own understanding.
"""

import jax, jax.numpy as jnp
import numpy as np

VOCAB_SIZE = 1000000
EMBED_DIM = 64
NUM_CLASSES = 5
BATCH = 16384
HIST = 200

def setup_inputs(seed: int = 0) -> dict:
    key = jax.random.key(seed)
    k0, k1, k2, k3 = jax.random.split(key, 4)
    inputs = jax.random.randint(k0, (BATCH, HIST), 0, VOCAB_SIZE, dtype=jnp.int64 if jax.config.jax_enable_x64 else jnp.int32)
    embed_table = jax.random.normal(k1, (VOCAB_SIZE, EMBED_DIM), dtype=jnp.float32) * 0.02
    W = jax.random.normal(k2, (EMBED_DIM, NUM_CLASSES), dtype=jnp.float32) * (1.0 / np.sqrt(EMBED_DIM))
    b = jax.random.normal(k3, (NUM_CLASSES,), dtype=jnp.float32) * 0.01
    return {"inputs": inputs, "embed_table": embed_table, "W": W, "b": b}

def reference(inputs, embed_table, W, b):
    # embeds = self.embed(inputs)  -> gather rows from the embedding table
    embeds = jnp.take(embed_table, inputs, axis=0)  # [B, L, D]
    # embeds = embeds.sum(1)
    summed = embeds.sum(axis=1)  # [B, D]
    # logits = self.projector(embeds)
    logits = summed @ W + b  # [B, num_classes]
    return logits

if __name__ == "__main__":
    import jax
    _d = setup_inputs()
    print(jax.jit(kernel)(*tuple(_d.values())))

</pallas_src>

<mosaic_0001>
#map = affine_map<(d0, d1) -> (0, 0)>
#map1 = affine_map<(d0, d1) -> (0)>
module attributes {stable_mosaic.version = 14 : i64} {
  func.func @_sc_body(%arg0: i32, %arg1: i32, %arg2: memref<1015808x8xf32, #tpu.memory_space<hbm>>, %arg3: memref<3276800xi32, #tpu.memory_space<hbm>>, %arg4: memref<16xf32, #tpu.memory_space<hbm>>, %arg5: memref<16384x16xf32, #tpu.memory_space<hbm>>, %arg6: memref<3200xi32, #tpu.memory_space<vmem>>, %arg7: memref<3200xi32, #tpu.memory_space<vmem>>, %arg8: memref<3200x8xf32, #tpu.memory_space<vmem>>, %arg9: memref<3200x8xf32, #tpu.memory_space<vmem>>, %arg10: memref<512x16xf32, #tpu.memory_space<vmem>>, %arg11: memref<16xf32, #tpu.memory_space<vmem>>, %arg12: memref<24xf32, #tpu.memory_space<vmem>>, %arg13: memref<!tpu.dma_semaphore, #tpu.memory_space<semaphore_mem>>, %arg14: memref<!tpu.dma_semaphore, #tpu.memory_space<semaphore_mem>>, %arg15: memref<!tpu.dma_semaphore, #tpu.memory_space<semaphore_mem>>, %arg16: memref<!tpu.dma_semaphore, #tpu.memory_space<semaphore_mem>>) attributes {dimension_semantics = [#tpu.dimension_semantics<core_parallel>, #tpu.dimension_semantics<subcore_parallel>], iteration_bounds = array<i64: 2, 16>, scalar_prefetch = 0 : i64, scratch_operands = 11 : i64, tpu.core_type = #tpu.core_type<sc_vector_subcore>, window_params = [{transform_indices = #map}, {transform_indices = #map1}, {transform_indices = #map1}, {transform_indices = #map}]} {
    %mul3A = arith.constant 2 : i32
    %mul3A_0 = arith.muli %arg1, %mul3A : i32
    %add3A = arith.addi %mul3A_0, %arg0 : i32
    %mul3A_1 = arith.constant 512 : i32
    %mul3A_2 = arith.muli %add3A, %mul3A_1 : i32
    "tpu.region"() ({
      %run_scoped3A = tpu.sem_alloc : memref<!tpu.dma_semaphore, #tpu.memory_space<semaphore_mem>>
      tpu.enqueue_dma source(%arg4 : memref<16xf32, #tpu.memory_space<hbm>>) target(%arg11 : memref<16xf32, #tpu.memory_space<vmem>>) target_semaphore(%run_scoped3A : memref<!tpu.dma_semaphore, #tpu.memory_space<semaphore_mem>>)
      tpu.wait_dma2 semaphore(%run_scoped3A : memref<!tpu.dma_semaphore, #tpu.memory_space<semaphore_mem>>) src(%arg4 : memref<16xf32, #tpu.memory_space<hbm>>) dst(%arg11 : memref<16xf32, #tpu.memory_space<vmem>>)
      tpu.yield
    }) : () -> ()
    %broadcast_in_dim3A = arith.constant 0.000000e+00 : f32
    %broadcast_in_dim3A_3 = vector.broadcast %broadcast_in_dim3A : f32 to vector<16xf32>
    %swap3A = arith.constant 8 : index
    %swap3A_4 = tpu.vector_load %arg12[%swap3A] {strides = array<i32>} : memref<24xf32, #tpu.memory_space<vmem>>, vector<16xf32>,
    tpu.vector_store %arg12[%swap3A], %broadcast_in_dim3A_3 {strides = array<i32>} : memref<24xf32, #tpu.memory_space<vmem>>, vector<16xf32>,
    %add3A_5 = arith.constant 0 : i32
    %add3A_6 = arith.addi %mul3A_2, %add3A_5 : i32
    %mul3A_7 = arith.constant 200 : i32
    %mul3A_8 = arith.muli %add3A_6, %mul3A_7 : i32
    %dma_start3A = tpu.memref_slice %arg3[%mul3A_8] : memref<3276800xi32, #tpu.memory_space<hbm>> -> memref<3200xi32, #tpu.memory_space<hbm>>
    %dma_start3A_9 = tpu.memref_slice %arg3[%mul3A_8] : memref<3276800xi32, #tpu.memory_space<hbm>> -> memref<3200xi32, #tpu.memory_space<hbm>>
    tpu.enqueue_dma source(%dma_start3A_9 : memref<3200xi32, #tpu.memory_space<hbm>>) target(%arg6 : memref<3200xi32, #tpu.memory_space<vmem>>) target_semaphore(%arg15 : memref<!tpu.dma_semaphore, #tpu.memory_space<semaphore_mem>>)
    %add3A_10 = arith.constant 0 : i32
    %add3A_11 = arith.addi %mul3A_2, %add3A_10 : i32
    %mul3A_12 = arith.constant 200 : i32
    %mul3A_13 = arith.muli %add3A_11, %mul3A_12 : i32
    %dma_wait3A = tpu.memref_slice %arg3[%mul3A_13] : memref<3276800xi32, #tpu.memory_space<hbm>> -> memref<3200xi32, #tpu.memory_space<hbm>>
    %dma_wait3A_14 = tpu.memref_slice %arg3[%mul3A_13] : memref<3276800xi32, #tpu.memory_space<hbm>> -> memref<3200xi32, #tpu.memory_space<hbm>>
    tpu.wait_dma2 semaphore(%arg15 : memref<!tpu.dma_semaphore, #tpu.memory_space<semaphore_mem>>) src(%dma_wait3A_14 : memref<3200xi32, #tpu.memory_space<hbm>>) dst(%arg6 : memref<3200xi32, #tpu.memory_space<vmem>>)
    %scan3A = arith.constant 0 : i32
    %scan3A_15 = arith.constant 0 : i32
    %scan3A_16 = arith.constant 200 : i32
    %scan3A_17 = arith.addi %scan3A_15, %scan3A_16 : i32
    %scan3A_18 = arith.constant 1 : i32
    scf.for %scan3A_244 = %scan3A_15 to %scan3A_17 step %scan3A_18  : i32 {
      %mul3A_245 = arith.constant 16 : i32
      %mul3A_246 = arith.muli %scan3A_244, %mul3A_245 : i32
      %get3A = arith.index_cast %mul3A_246 : i32 to index
      %get3A_247 = tpu.vector_load %arg6[%get3A] {strides = array<i32>} : memref<3200xi32, #tpu.memory_space<vmem>>, vector<16xi32>,
      %and3A = arith.constant -32768 : i32
      %and3A_248 = vector.broadcast %and3A : i32 to vector<16xi32>
      %and3A_249 = arith.andi %get3A_247, %and3A_248 : vector<16xi32>
      %and3A_250 = arith.constant 2047 : i32
      %and3A_251 = vector.broadcast %and3A_250 : i32 to vector<16xi32>
      %and3A_252 = arith.andi %get3A_247, %and3A_251 : vector<16xi32>
      %shift_left3A = arith.constant 4 : i32
      %shift_left3A_253 = vector.broadcast %shift_left3A : i32 to vector<16xi32>
      %shift_left3A_254 = arith.shli %and3A_252, %shift_left3A_253 : vector<16xi32>
      %or3A = arith.ori %and3A_249, %shift_left3A_254 : vector<16xi32>
      %shift_right_arithmetic3A = arith.constant 11 : i32
      %shift_right_arithmetic3A_255 = vector.broadcast %shift_right_arithmetic3A : i32 to vector<16xi32>
      %shift_right_arithmetic3A_256 = arith.shrsi %get3A_247, %shift_right_arithmetic3A_255 : vector<16xi32>
      %and3A_257 = arith.constant 15 : i32
      %and3A_258 = vector.broadcast %and3A_257 : i32 to vector<16xi32>
      %and3A_259 = arith.andi %shift_right_arithmetic3A_256, %and3A_258 : vector<16xi32>
      %or3A_260 = arith.ori %or3A, %and3A_259 : vector<16xi32>
      %swap3A_261 = arith.index_cast %mul3A_246 : i32 to index
      %swap3A_262 = tpu.vector_load %arg6[%swap3A_261] {strides = array<i32>} : memref<3200xi32, #tpu.memory_space<vmem>>, vector<16xi32>,
      tpu.vector_store %arg6[%swap3A_261], %or3A_260 {strides = array<i32>} : memref<3200xi32, #tpu.memory_space<vmem>>, vector<16xi32>,
    }
    %scan3A_19 = arith.constant 200 : i32
    %dma_start3A_20 = arith.constant 0 : i32
    %dma_start3A_21 = arith.constant 0 : i32
    %dma_start3A_22 = tpu.memref_slice %arg8[%dma_start3A_20, %dma_start3A_21] : memref<3200x8xf32, #tpu.memory_space<vmem>> -> memref<128x8xf32, #tpu.memory_space<vmem>>
    %dma_start3A_23 = arith.constant 0 : i32
    %dma_start3A_24 = tpu.memref_slice %arg6[%dma_start3A_23] : memref<3200xi32, #tpu.memory_space<vmem>> -> memref<128xi32, #tpu.memory_space<vmem>>
    %dma_start3A_25 = arith.constant 0 : i32
    %dma_start3A_26 = arith.constant 0 : i32
    %dma_start3A_27 = tpu.memref_slice %arg2[%dma_start3A_25, %dma_start3A_26] : memref<1015808x8xf32, #tpu.memory_space<hbm>> -> memref<1015808x8xf32, #tpu.memory_space<hbm>>
    tpu.enqueue_indirect_dma source(%dma_start3A_27 : memref<1015808x8xf32, #tpu.memory_space<hbm>>) target(%dma_start3A_22 : memref<128x8xf32, #tpu.memory_space<vmem>>) offsets(%dma_start3A_24 : memref<128xi32, #tpu.memory_space<vmem>>) semaphore(%arg13 : memref<!tpu.dma_semaphore, #tpu.memory_space<semaphore_mem>>)
    %dma_start3A_28 = arith.constant 128 : i32
    %dma_start3A_29 = arith.constant 0 : i32
    %dma_start3A_30 = tpu.memref_slice %arg8[%dma_start3A_28, %dma_start3A_29] : memref<3200x8xf32, #tpu.memory_space<vmem>> -> memref<128x8xf32, #tpu.memory_space<vmem>>
    %dma_start3A_31 = arith.constant 128 : i32
    %dma_start3A_32 = tpu.memref_slice %arg6[%dma_start3A_31] : memref<3200xi32, #tpu.memory_space<vmem>> -> memref<128xi32, #tpu.memory_space<vmem>>
    %dma_start3A_33 = arith.constant 0 : i32
    %dma_start3A_34 = arith.constant 0 : i32
    %dma_start3A_35 = tpu.memref_slice %arg2[%dma_start3A_33, %dma_start3A_34] : memref<1015808x8xf32, #tpu.memory_space<hbm>> -> memref<1015808x8xf32, #tpu.memory_space<hbm>>
    tpu.enqueue_indirect_dma source(%dma_start3A_35 : memref<1015808x8xf32, #tpu.memory_space<hbm>>) target(%dma_start3A_30 : memref<128x8xf32, #tpu.memory_space<vmem>>) offsets(%dma_start3A_32 : memref<128xi32, #tpu.memory_space<vmem>>) semaphore(%arg13 : memref<!tpu.dma_semaphore, #tpu.memory_space<semaphore_mem>>)
    %dma_start3A_36 = arith.constant 256 : i32
    %dma_start3A_37 = arith.constant 0 : i32
    %dma_start3A_38 = tpu.memref_slice %arg8[%dma_start3A_36, %dma_start3A_37] : memref<3200x8xf32, #tpu.memory_space<vmem>> -> memref<128x8xf32, #tpu.memory_space<vmem>>
    %dma_start3A_39 = arith.constant 256 : i32
    %dma_start3A_40 = tpu.memref_slice %arg6[%dma_start3A_39] : memref<3200xi32, #tpu.memory_space<vmem>> -> memref<128xi32, #tpu.memory_space<vmem>>
    %dma_start3A_41 = arith.constant 0 : i32
    %dma_start3A_42 = arith.constant 0 : i32
    %dma_start3A_43 = tpu.memref_slice %arg2[%dma_start3A_41, %dma_start3A_42] : memref<1015808x8xf32, #tpu.memory_space<hbm>> -> memref<1015808x8xf32, #tpu.memory_space<hbm>>
    tpu.enqueue_indirect_dma source(%dma_start3A_43 : memref<1015808x8xf32, #tpu.memory_space<hbm>>) target(%dma_start3A_38 : memref<128x8xf32, #tpu.memory_space<vmem>>) offsets(%dma_start3A_40 : memref<128xi32, #tpu.memory_space<vmem>>) semaphore(%arg13 : memref<!tpu.dma_semaphore, #tpu.memory_space<semaphore_mem>>)
    %dma_start3A_44 = arith.constant 384 : i32
    %dma_start3A_45 = arith.constant 0 : i32
    %dma_start3A_46 = tpu.memref_slice %arg8[%dma_start3A_44, %dma_start3A_45] : memref<3200x8xf32, #tpu.memory_space<vmem>> -> memref<128x8xf32, #tpu.memory_space<vmem>>
    %dma_start3A_47 = arith.constant 384 : i32
    %dma_start3A_48 = tpu.memref_slice %arg6[%dma_start3A_47] : memref<3200xi32, #tpu.memory_space<vmem>> -> memref<128xi32, #tpu.memory_space<vmem>>
    %dma_start3A_49 = arith.constant 0 : i32
    %dma_start3A_50 = arith.constant 0 : i32
    %dma_start3A_51 = tpu.memref_slice %arg2[%dma_start3A_49, %dma_start3A_50] : memref<1015808x8xf32, #tpu.memory_space<hbm>> -> memref<1015808x8xf32, #tpu.memory_space<hbm>>
    tpu.enqueue_indirect_dma source(%dma_start3A_51 : memref<1015808x8xf32, #tpu.memory_space<hbm>>) target(%dma_start3A_46 : memref<128x8xf32, #tpu.memory_space<vmem>>) offsets(%dma_start3A_48 : memref<128xi32, #tpu.memory_space<vmem>>) semaphore(%arg13 : memref<!tpu.dma_semaphore, #tpu.memory_space<semaphore_mem>>)
    %dma_start3A_52 = arith.constant 512 : i32
    %dma_start3A_53 = arith.constant 0 : i32
    %dma_start3A_54 = tpu.memref_slice %arg8[%dma_start3A_52, %dma_start3A_53] : memref<3200x8xf32, #tpu.memory_space<vmem>> -> memref<128x8xf32, #tpu.memory_space<vmem>>
    %dma_start3A_55 = arith.constant 512 : i32
    %dma_start3A_56 = tpu.memref_slice %arg6[%dma_start3A_55] : memref<3200xi32, #tpu.memory_space<vmem>> -> memref<128xi32, #tpu.memory_space<vmem>>
    %dma_start3A_57 = arith.constant 0 : i32
    %dma_start3A_58 = arith.constant 0 : i32
    %dma_start3A_59 = tpu.memref_slice %arg2[%dma_start3A_57, %dma_start3A_58] : memref<1015808x8xf32, #tpu.memory_space<hbm>> -> memref<1015808x8xf32, #tpu.memory_space<hbm>>
    tpu.enqueue_indirect_dma source(%dma_start3A_59 : memref<1015808x8xf32, #tpu.memory_space<hbm>>) target(%dma_start3A_54 : memref<128x8xf32, #tpu.memory_space<vmem>>) offsets(%dma_start3A_56 : memref<128xi32, #tpu.memory_space<vmem>>) semaphore(%arg13 : memref<!tpu.dma_semaphore, #tpu.memory_space<semaphore_mem>>)
    %dma_start3A_60 = arith.constant 640 : i32
    %dma_start3A_61 = arith.constant 0 : i32
    %dma_start3A_62 = tpu.memref_slice %arg8[%dma_start3A_60, %dma_start3A_61] : memref<3200x8xf32, #tpu.memory_space<vmem>> -> memref<128x8xf32, #tpu.memory_space<vmem>>
    %dma_start3A_63 = arith.constant 640 : i32
    %dma_start3A_64 = tpu.memref_slice %arg6[%dma_start3A_63] : memref<3200xi32, #tpu.memory_space<vmem>> -> memref<128xi32, #tpu.memory_space<vmem>>
    %dma_start3A_65 = arith.constant 0 : i32
    %dma_start3A_66 = arith.constant 0 : i32
    %dma_start3A_67 = tpu.memref_slice %arg2[%dma_start3A_65, %dma_start3A_66] : memref<1015808x8xf32, #tpu.memory_space<hbm>> -> memref<1015808x8xf32, #tpu.memory_space<hbm>>
    tpu.enqueue_indirect_dma source(%dma_start3A_67 : memref<1015808x8xf32, #tpu.memory_space<hbm>>) target(%dma_start3A_62 : memref<128x8xf32, #tpu.memory_space<vmem>>) offsets(%dma_start3A_64 : memref<128xi32, #tpu.memory_space<vmem>>) semaphore(%arg13 : memref<!tpu.dma_semaphore, #tpu.memory_space<semaphore_mem>>)
    %dma_start3A_68 = arith.constant 768 : i32
    %dma_start3A_69 = arith.constant 0 : i32
    %dma_start3A_70 = tpu.memref_slice %arg8[%dma_start3A_68, %dma_start3A_69] : memref<3200x8xf32, #tpu.memory_space<vmem>> -> memref<128x8xf32, #tpu.memory_space<vmem>>
    %dma_start3A_71 = arith.constant 768 : i32
    %dma_start3A_72 = tpu.memref_slice %arg6[%dma_start3A_71] : memref<3200xi32, #tpu.memory_space<vmem>> -> memref<128xi32, #tpu.memory_space<vmem>>
    %dma_start3A_73 = arith.constant 0 : i32
    %dma_start3A_74 = arith.constant 0 : i32
    %dma_start3A_75 = tpu.memref_slice %arg2[%dma_start3A_73, %dma_start3A_74] : memref<1015808x8xf32, #tpu.memory_space<hbm>> -> memref<1015808x8xf32, #tpu.memory_space<hbm>>
    tpu.enqueue_indirect_dma source(%dma_start3A_75 : memref<1015808x8xf32, #tpu.memory_space<hbm>>) target(%dma_start3A_70 : memref<128x8xf32, #tpu.memory_space<vmem>>) offsets(%dma_start3A_72 : memref<128xi32, #tpu.memory_space<vmem>>) semaphore(%arg13 : memref<!tpu.dma_semaphore, #tpu.memory_space<semaphore_mem>>)
    %dma_start3A_76 = arith.constant 896 : i32
    %dma_start3A_77 = arith.constant 0 : i32
    %dma_start3A_78 = tpu.memref_slice %arg8[%dma_start3A_76, %dma_start3A_77] : memref<3200x8xf32, #tpu.memory_space<vmem>> -> memref<128x8xf32, #tpu.memory_space<vmem>>
    %dma_start3A_79 = arith.constant 896 : i32
    %dma_start3A_80 = tpu.memref_slice %arg6[%dma_start3A_79] : memref<3200xi32, #tpu.memory_space<vmem>> -> memref<128xi32, #tpu.memory_space<vmem>>
    %dma_start3A_81 = arith.constant 0 : i32
    %dma_start3A_82 = arith.constant 0 : i32
    %dma_start3A_83 = tpu.memref_slice %arg2[%dma_start3A_81, %dma_start3A_82] : memref<1015808x8xf32, #tpu.memory_space<hbm>> -> memref<1015808x8xf32, #tpu.memory_space<hbm>>
    tpu.enqueue_indirect_dma source(%dma_start3A_83 : memref<1015808x8xf32, #tpu.memory_space<hbm>>) target(%dma_start3A_78 : memref<128x8xf32, #tpu.memory_space<vmem>>) offsets(%dma_start3A_80 : memref<128xi32, #tpu.memory_space<vmem>>) semaphore(%arg13 : memref<!tpu.dma_semaphore, #tpu.memory_space<semaphore_mem>>)
    %dma_start3A_84 = arith.constant 1024 : i32
    %dma_start3A_85 = arith.constant 0 : i32
    %dma_start3A_86 = tpu.memref_slice %arg8[%dma_start3A_84, %dma_start3A_85] : memref<3200x8xf32, #tpu.memory_space<vmem>> -> memref<128x8xf32, #tpu.memory_space<vmem>>
    %dma_start3A_87 = arith.constant 1024 : i32
    %dma_start3A_88 = tpu.memref_slice %arg6[%dma_start3A_87] : memref<3200xi32, #tpu.memory_space<vmem>> -> memref<128xi32, #tpu.memory_space<vmem>>
    %dma_start3A_89 = arith.constant 0 : i32
    %dma_start3A_90 = arith.constant 0 : i32
    %dma_start3A_91 = tpu.memref_slice %arg2[%dma_start3A_89, %dma_start3A_90] : memref<1015808x8xf32, #tpu.memory_space<hbm>> -> memref<1015808x8xf32, #tpu.memory_space<hbm>>
    tpu.enqueue_indirect_dma source(%dma_start3A_91 : memref<1015808x8xf32, #tpu.memory_space<hbm>>) target(%dma_start3A_86 : memref<128x8xf32, #tpu.memory_space<vmem>>) offsets(%dma_start3A_88 : memref<128xi32, #tpu.memory_space<vmem>>) semaphore(%arg13 : memref<!tpu.dma_semaphore, #tpu.memory_space<semaphore_mem>>)
    %dma_start3A_92 = arith.constant 1152 : i32
    %dma_start3A_93 = arith.constant 0 : i32
    %dma_start3A_94 = tpu.memref_slice %arg8[%dma_start3A_92, %dma_start3A_93] : memref<3200x8xf32, #tpu.memory_space<vmem>> -> memref<128x8xf32, #tpu.memory_space<vmem>>
    %dma_start3A_95 = arith.constant 1152 : i32
    %dma_start3A_96 = tpu.memref_slice %arg6[%dma_start3A_95] : memref<3200xi32, #tpu.memory_space<vmem>> -> memref<128xi32, #tpu.memory_space<vmem>>
    %dma_start3A_97 = arith.constant 0 : i32
    %dma_start3A_98 = arith.constant 0 : i32
    %dma_start3A_99 = tpu.memref_slice %arg2[%dma_start3A_97, %dma_start3A_98] : memref<1015808x8xf32, #tpu.memory_space<hbm>> -> memref<1015808x8xf32, #tpu.memory_space<hbm>>
    tpu.enqueue_indirect_dma source(%dma_start3A_99 : memref<1015808x8xf32, #tpu.memory_space<hbm>>) target(%dma_start3A_94 : memref<128x8xf32, #tpu.memory_space<vmem>>) offsets(%dma_start3A_96 : memref<128xi32, #tpu.memory_space<vmem>>) semaphore(%arg13 : memref<!tpu.dma_semaphore, #tpu.memory_space<semaphore_mem>>)
    %dma_start3A_100 = arith.constant 1280 : i32
    %dma_start3A_101 = arith.constant 0 : i32
    %dma_start3A_102 = tpu.memref_slice %arg8[%dma_start3A_100, %dma_start3A_101] : memref<3200x8xf32, #tpu.memory_space<vmem>> -> memref<128x8xf32, #tpu.memory_space<vmem>>
    %dma_start3A_103 = arith.constant 1280 : i32
    %dma_start3A_104 = tpu.memref_slice %arg6[%dma_start3A_103] : memref<3200xi32, #tpu.memory_space<vmem>> -> memref<128xi32, #tpu.memory_space<vmem>>
    %dma_start3A_105 = arith.constant 0 : i32
    %dma_start3A_106 = arith.constant 0 : i32
    %dma_start3A_107 = tpu.memref_slice %arg2[%dma_start3A_105, %dma_start3A_106] : memref<1015808x8xf32, #tpu.memory_space<hbm>> -> memref<1015808x8xf32, #tpu.memory_space<hbm>>
    tpu.enqueue_indirect_dma source(%dma_start3A_107 : memref<1015808x8xf32, #tpu.memory_space<hbm>>) target(%dma_start3A_102 : memref<128x8xf32, #tpu.memory_space<vmem>>) offsets(%dma_start3A_104 : memref<128xi32, #tpu.memory_space<vmem>>) semaphore(%arg13 : memref<!tpu.dma_semaphore, #tpu.memory_space<semaphore_mem>>)
    %dma_start3A_108 = arith.constant 1408 : i32
    %dma_start3A_109 = arith.constant 0 : i32
    %dma_start3A_110 = tpu.memref_slice %arg8[%dma_start3A_108, %dma_start3A_109] : memref<3200x8xf32, #tpu.memory_space<vmem>> -> memref<128x8xf32, #tpu.memory_space<vmem>>
    %dma_start3A_111 = arith.constant 1408 : i32
    %dma_start3A_112 = tpu.memref_slice %arg6[%dma_start3A_111] : memref<3200xi32, #tpu.memory_space<vmem>> -> memref<128xi32, #tpu.memory_space<vmem>>
    %dma_start3A_113 = arith.constant 0 : i32
    %dma_start3A_114 = arith.constant 0 : i32
    %dma_start3A_115 = tpu.memref_slice %arg2[%dma_start3A_113, %dma_start3A_114] : memref<1015808x8xf32, #tpu.memory_space<hbm>> -> memref<1015808x8xf32, #tpu.memory_space<hbm>>
    tpu.enqueue_indirect_dma source(%dma_start3A_115 : memref<1015808x8xf32, #tpu.memory_space<hbm>>) target(%dma_start3A_110 : memref<128x8xf32, #tpu.memory_space<vmem>>) offsets(%dma_start3A_112 : memref<128xi32, #tpu.memory_space<vmem>>) semaphore(%arg13 : memref<!tpu.dma_semaphore, #tpu.memory_space<semaphore_mem>>)
    %dma_start3A_116 = arith.constant 1536 : i32
    %dma_start3A_117 = arith.constant 0 : i32
    %dma_start3A_118 = tpu.memref_slice %arg8[%dma_start3A_116, %dma_start3A_117] : memref<3200x8xf32, #tpu.memory_space<vmem>> -> memref<128x8xf32, #tpu.memory_space<vmem>>
    %dma_start3A_119 = arith.constant 1536 : i32
    %dma_start3A_120 = tpu.memref_slice %arg6[%dma_start3A_119] : memref<3200xi32, #tpu.memory_space<vmem>> -> memref<128xi32, #tpu.memory_space<vmem>>
    %dma_start3A_121 = arith.constant 0 : i32
    %dma_start3A_122 = arith.constant 0 : i32
    %dma_start3A_123 = tpu.memref_slice %arg2[%dma_start3A_121, %dma_start3A_122] : memref<1015808x8xf32, #tpu.memory_space<hbm>> -> memref<1015808x8xf32, #tpu.memory_space<hbm>>
    tpu.enqueue_indirect_dma source(%dma_start3A_123 : memref<1015808x8xf32, #tpu.memory_space<hbm>>) target(%dma_start3A_118 : memref<128x8xf32, #tpu.memory_space<vmem>>) offsets(%dma_start3A_120 : memref<128xi32, #tpu.memory_space<vmem>>) semaphore(%arg13 : memref<!tpu.dma_semaphore, #tpu.memory_space<semaphore_mem>>)
    %dma_start3A_124 = arith.constant 1664 : i32
    %dma_start3A_125 = arith.constant 0 : i32
    %dma_start3A_126 = tpu.memref_slice %arg8[%dma_start3A_124, %dma_start3A_125] : memref<3200x8xf32, #tpu.memory_space<vmem>> -> memref<128x8xf32, #tpu.memory_space<vmem>>
    %dma_start3A_127 = arith.constant 1664 : i32
    %dma_start3A_128 = tpu.memref_slice %arg6[%dma_start3A_127] : memref<3200xi32, #tpu.memory_space<vmem>> -> memref<128xi32, #tpu.memory_space<vmem>>
    %dma_start3A_129 = arith.constant 0 : i32
    %dma_start3A_130 = arith.constant 0 : i32
    %dma_start3A_131 = tpu.memref_slice %arg2[%dma_start3A_129, %dma_start3A_130] : memref<1015808x8xf32, #tpu.memory_space<hbm>> -> memref<1015808x8xf32, #tpu.memory_space<hbm>>
    tpu.enqueue_indirect_dma source(%dma_start3A_131 : memref<1015808x8xf32, #tpu.memory_space<hbm>>) target(%dma_start3A_126 : memref<128x8xf32, #tpu.memory_space<vmem>>) offsets(%dma_start3A_128 : memref<128xi32, #tpu.memory_space<vmem>>) semaphore(%arg13 : memref<!tpu.dma_semaphore, #tpu.memory_space<semaphore_mem>>)
    %dma_start3A_132 = arith.constant 1792 : i32
    %dma_start3A_133 = arith.constant 0 : i32
    %dma_start3A_134 = tpu.memref_slice %arg8[%dma_start3A_132, %dma_start3A_133] : memref<3200x8xf32, #tpu.memory_space<vmem>> -> memref<128x8xf32, #tpu.memory_space<vmem>>
    %dma_start3A_135 = arith.constant 1792 : i32
    %dma_start3A_136 = tpu.memref_slice %arg6[%dma_start3A_135] : memref<3200xi32, #tpu.memory_space<vmem>> -> memref<128xi32, #tpu.memory_space<vmem>>
    %dma_start3A_137 = arith.constant 0 : i32
    %dma_start3A_138 = arith.constant 0 : i32
    %dma_start3A_139 = tpu.memref_slice %arg2[%dma_start3A_137, %dma_start3A_138] : memref<1015808x8xf32, #tpu.memory_space<hbm>> -> memref<1015808x8xf32, #tpu.memory_space<hbm>>
    tpu.enqueue_indirect_dma source(%dma_start3A_139 : memref<1015808x8xf32, #tpu.memory_space<hbm>>) target(%dma_start3A_134 : memref<128x8xf32, #tpu.memory_space<vmem>>) offsets(%dma_start3A_136 : memref<128xi32, #tpu.memory_space<vmem>>) semaphore(%arg13 : memref<!tpu.dma_semaphore, #tpu.memory_space<semaphore_mem>>)
    %dma_start3A_140 = arith.constant 1920 : i32
    %dma_start3A_141 = arith.constant 0 : i32
    %dma_start3A_142 = tpu.memref_slice %arg8[%dma_start3A_140, %dma_start3A_141] : memref<3200x8xf32, #tpu.memory_space<vmem>> -> memref<128x8xf32, #tpu.memory_space<vmem>>
    %dma_start3A_143 = arith.constant 1920 : i32
    %dma_start3A_144 = tpu.memref_slice %arg6[%dma_start3A_143] : memref<3200xi32, #tpu.memory_space<vmem>> -> memref<128xi32, #tpu.memory_space<vmem>>
    %dma_start3A_145 = arith.constant 0 : i32
    %dma_start3A_146 = arith.constant 0 : i32
    %dma_start3A_147 = tpu.memref_slice %arg2[%dma_start3A_145, %dma_start3A_146] : memref<1015808x8xf32, #tpu.memory_space<hbm>> -> memref<1015808x8xf32, #tpu.memory_space<hbm>>
    tpu.enqueue_indirect_dma source(%dma_start3A_147 : memref<1015808x8xf32, #tpu.memory_space<hbm>>) target(%dma_start3A_142 : memref<128x8xf32, #tpu.memory_space<vmem>>) offsets(%dma_start3A_144 : memref<128xi32, #tpu.memory_space<vmem>>) semaphore(%arg13 : memref<!tpu.dma_semaphore, #tpu.memory_space<semaphore_mem>>)
    %dma_start3A_148 = arith.constant 2048 : i32
    %dma_start3A_149 = arith.constant 0 : i32
    %dma_start3A_150 = tpu.memref_slice %arg8[%dma_start3A_148, %dma_start3A_149] : memref<3200x8xf32, #tpu.memory_space<vmem>> -> memref<128x8xf32, #tpu.memory_space<vmem>>
    %dma_start3A_151 = arith.constant 2048 : i32
    %dma_start3A_152 = tpu.memref_slice %arg6[%dma_start3A_151] : memref<3200xi32, #tpu.memory_space<vmem>> -> memref<128xi32, #tpu.memory_space<vmem>>
    %dma_start3A_153 = arith.constant 0 : i32
    %dma_start3A_154 = arith.constant 0 : i32
    %dma_start3A_155 = tpu.memref_slice %arg2[%dma_start3A_153, %dma_start3A_154] : memref<1015808x8xf32, #tpu.memory_space<hbm>> -> memref<1015808x8xf32, #tpu.memory_space<hbm>>
    tpu.enqueue_indirect_dma source(%dma_start3A_155 : memref<1015808x8xf32, #tpu.memory_space<hbm>>) target(%dma_start3A_150 : memref<128x8xf32, #tpu.memory_space<vmem>>) offsets(%dma_start3A_152 : memref<128xi32, #tpu.memory_space<vmem>>) semaphore(%arg13 : memref<!tpu.dma_semaphore, #tpu.memory_space<semaphore_mem>>)
    %dma_start3A_156 = arith.constant 2176 : i32
    %dma_start3A_157 = arith.constant 0 : i32
    %dma_start3A_158 = tpu.memref_slice %arg8[%dma_start3A_156, %dma_start3A_157] : memref<3200x8xf32, #tpu.memory_space<vmem>> -> memref<128x8xf32, #tpu.memory_space<vmem>>
    %dma_start3A_159 = arith.constant 2176 : i32
    %dma_start3A_160 = tpu.memref_slice %arg6[%dma_start3A_159] : memref<3200xi32, #tpu.memory_space<vmem>> -> memref<128xi32, #tpu.memory_space<vmem>>
    %dma_start3A_161 = arith.constant 0 : i32
    %dma_start3A_162 = arith.constant 0 : i32
    %dma_start3A_163 = tpu.memref_slice %arg2[%dma_start3A_161, %dma_start3A_162] : memref<1015808x8xf32, #tpu.memory_space<hbm>> -> memref<1015808x8xf32, #tpu.memory_space<hbm>>
    tpu.enqueue_indirect_dma source(%dma_start3A_163 : memref<1015808x8xf32, #tpu.memory_space<hbm>>) target(%dma_start3A_158 : memref<128x8xf32, #tpu.memory_space<vmem>>) offsets(%dma_start3A_160 : memref<128xi32, #tpu.memory_space<vmem>>) semaphore(%arg13 : memref<!tpu.dma_semaphore, #tpu.memory_space<semaphore_mem>>)
    %dma_start3A_164 = arith.constant 2304 : i32
    %dma_start3A_165 = arith.constant 0 : i32
    %dma_start3A_166 = tpu.memref_slice %arg8[%dma_start3A_164, %dma_start3A_165] : memref<3200x8xf32, #tpu.memory_space<vmem>> -> memref<128x8xf32, #tpu.memory_space<vmem>>
    %dma_start3A_167 = arith.constant 2304 : i32
    %dma_start3A_168 = tpu.memref_slice %arg6[%dma_start3A_167] : memref<3200xi32, #tpu.memory_space<vmem>> -> memref<128xi32, #tpu.memory_space<vmem>>
    %dma_start3A_169 = arith.constant 0 : i32
    %dma_start3A_170 = arith.constant 0 : i32
    %dma_start3A_171 = tpu.memref_slice %arg2[%dma_start3A_169, %dma_start3A_170] : memref<1015808x8xf32, #tpu.memory_space<hbm>> -> memref<1015808x8xf32, #tpu.memory_space<hbm>>
    tpu.enqueue_indirect_dma source(%dma_start3A_171 : memref<1015808x8xf32, #tpu.memory_space<hbm>>) target(%dma_start3A_166 : memref<128x8xf32, #tpu.memory_space<vmem>>) offsets(%dma_start3A_168 : memref<128xi32, #tpu.memory_space<vmem>>) semaphore(%arg13 : memref<!tpu.dma_semaphore, #tpu.memory_space<semaphore_mem>>)
    %dma_start3A_172 = arith.constant 2432 : i32
    %dma_start3A_173 = arith.constant 0 : i32
    %dma_start3A_174 = tpu.memref_slice %arg8[%dma_start3A_172, %dma_start3A_173] : memref<3200x8xf32, #tpu.memory_space<vmem>> -> memref<128x8xf32, #tpu.memory_space<vmem>>
    %dma_start3A_175 = arith.constant 2432 : i32
    %dma_start3A_176 = tpu.memref_slice %arg6[%dma_start3A_175] : memref<3200xi32, #tpu.memory_space<vmem>> -> memref<128xi32, #tpu.memory_space<vmem>>
    %dma_start3A_177 = arith.constant 0 : i32
    %dma_start3A_178 = arith.constant 0 : i32
    %dma_start3A_179 = tpu.memref_slice %arg2[%dma_start3A_177, %dma_start3A_178] : memref<1015808x8xf32, #tpu.memory_space<hbm>> -> memref<1015808x8xf32, #tpu.memory_space<hbm>>
    tpu.enqueue_indirect_dma source(%dma_start3A_179 : memref<1015808x8xf32, #tpu.memory_space<hbm>>) target(%dma_start3A_174 : memref<128x8xf32, #tpu.memory_space<vmem>>) offsets(%dma_start3A_176 : memref<128xi32, #tpu.memory_space<vmem>>) semaphore(%arg13 : memref<!tpu.dma_semaphore, #tpu.memory_space<semaphore_mem>>)
    %dma_start3A_180 = arith.constant 2560 : i32
    %dma_start3A_181 = arith.constant 0 : i32
    %dma_start3A_182 = tpu.memref_slice %arg8[%dma_start3A_180, %dma_start3A_181] : memref<3200x8xf32, #tpu.memory_space<vmem>> -> memref<128x8xf32, #tpu.memory_space<vmem>>
    %dma_start3A_183 = arith.constant 2560 : i32
    %dma_start3A_184 = tpu.memref_slice %arg6[%dma_start3A_183] : memref<3200xi32, #tpu.memory_space<vmem>> -> memref<128xi32, #tpu.memory_space<vmem>>
    %dma_start3A_185 = arith.constant 0 : i32
    %dma_start3A_186 = arith.constant 0 : i32
    %dma_start3A_187 = tpu.memref_slice %arg2[%dma_start3A_185, %dma_start3A_186] : memref<1015808x8xf32, #tpu.memory_space<hbm>> -> memref<1015808x8xf32, #tpu.memory_space<hbm>>
    tpu.enqueue_indirect_dma source(%dma_start3A_187 : memref<1015808x8xf32, #tpu.memory_space<hbm>>) target(%dma_start3A_182 : memref<128x8xf32, #tpu.memory_space<vmem>>) offsets(%dma_start3A_184 : memref<128xi32, #tpu.memory_space<vmem>>) semaphore(%arg13 : memref<!tpu.dma_semaphore, #tpu.memory_space<semaphore_mem>>)
    %dma_start3A_188 = arith.constant 2688 : i32
    %dma_start3A_189 = arith.constant 0 : i32
    %dma_start3A_190 = tpu.memref_slice %arg8[%dma_start3A_188, %dma_start3A_189] : memref<3200x8xf32, #tpu.memory_space<vmem>> -> memref<128x8xf32, #tpu.memory_space<vmem>>
    %dma_start3A_191 = arith.constant 2688 : i32
    %dma_start3A_192 = tpu.memref_slice %arg6[%dma_start3A_191] : memref<3200xi32, #tpu.memory_space<vmem>> -> memref<128xi32, #tpu.memory_space<vmem>>
    %dma_start3A_193 = arith.constant 0 : i32
    %dma_start3A_194 = arith.constant 0 : i32
    %dma_start3A_195 = tpu.memref_slice %arg2[%dma_start3A_193, %dma_start3A_194] : memref<1015808x8xf32, #tpu.memory_space<hbm>> -> memref<1015808x8xf32, #tpu.memory_space<hbm>>
    tpu.enqueue_indirect_dma source(%dma_start3A_195 : memref<1015808x8xf32, #tpu.memory_space<hbm>>) target(%dma_start3A_190 : memref<128x8xf32, #tpu.memory_space<vmem>>) offsets(%dma_start3A_192 : memref<128xi32, #tpu.memory_space<vmem>>) semaphore(%arg13 : memref<!tpu.dma_semaphore, #tpu.memory_space<semaphore_mem>>)
    %dma_start3A_196 = arith.constant 2816 : i32
    %dma_start3A_197 = arith.constant 0 : i32
    %dma_start3A_198 = tpu.memref_slice %arg8[%dma_start3A_196, %dma_start3A_197] : memref<3200x8xf32, #tpu.memory_space<vmem>> -> memref<128x8xf32, #tpu.memory_space<vmem>>
    %dma_start3A_199 = arith.constant 2816 : i32
    %dma_start3A_200 = tpu.memref_slice %arg6[%dma_start3A_199] : memref<3200xi32, #tpu.memory_space<vmem>> -> memref<128xi32, #tpu.memory_space<vmem>>
    %dma_start3A_201 = arith.constant 0 : i32
    %dma_start3A_202 = arith.constant 0 : i32
    %dma_start3A_203 = tpu.memref_slice %arg2[%dma_start3A_201, %dma_start3A_202] : memref<1015808x8xf32, #tpu.memory_space<hbm>> -> memref<1015808x8xf32, #tpu.memory_space<hbm>>
    tpu.enqueue_indirect_dma source(%dma_start3A_203 : memref<1015808x8xf32, #tpu.memory_space<hbm>>) target(%dma_start3A_198 : memref<128x8xf32, #tpu.memory_space<vmem>>) offsets(%dma_start3A_200 : memref<128xi32, #tpu.memory_space<vmem>>) semaphore(%arg13 : memref<!tpu.dma_semaphore, #tpu.memory_space<semaphore_mem>>)
    %dma_start3A_204 = arith.constant 2944 : i32
    %dma_start3A_205 = arith.constant 0 : i32
    %dma_start3A_206 = tpu.memref_slice %arg8[%dma_start3A_204, %dma_start3A_205] : memref<3200x8xf32, #tpu.memory_space<vmem>> -> memref<128x8xf32, #tpu.memory_space<vmem>>
    %dma_start3A_207 = arith.constant 2944 : i32
    %dma_start3A_208 = tpu.memref_slice %arg6[%dma_start3A_207] : memref<3200xi32, #tpu.memory_space<vmem>> -> memref<128xi32, #tpu.memory_space<vmem>>
    %dma_start3A_209 = arith.constant 0 : i32
    %dma_start3A_210 = arith.constant 0 : i32
    %dma_start3A_211 = tpu.memref_slice %arg2[%dma_start3A_209, %dma_start3A_210] : memref<1015808x8xf32, #tpu.memory_space<hbm>> -> memref<1015808x8xf32, #tpu.memory_space<hbm>>
    tpu.enqueue_indirect_dma source(%dma_start3A_211 : memref<1015808x8xf32, #tpu.memory_space<hbm>>) target(%dma_start3A_206 : memref<128x8xf32, #tpu.memory_space<vmem>>) offsets(%dma_start3A_208 : memref<128xi32, #tpu.memory_space<vmem>>) semaphore(%arg13 : memref<!tpu.dma_semaphore, #tpu.memory_space<semaphore_mem>>)
    %dma_start3A_212 = arith.constant 3072 : i32
    %dma_start3A_213 = arith.constant 0 : i32
    %dma_start3A_214 = tpu.memref_slice %arg8[%dma_start3A_212, %dma_start3A_213] : memref<3200x8xf32, #tpu.memory_space<vmem>> -> memref<128x8xf32, #tpu.memory_space<vmem>>
    %dma_start3A_215 = arith.constant 3072 : i32
    %dma_start3A_216 = tpu.memref_slice %arg6[%dma_start3A_215] : memref<3200xi32, #tpu.memory_space<vmem>> -> memref<128xi32, #tpu.memory_space<vmem>>
    %dma_start3A_217 = arith.constant 0 : i32
    %dma_start3A_218 = arith.constant 0 : i32
    %dma_start3A_219 = tpu.memref_slice %arg2[%dma_start3A_217, %dma_start3A_218] : memref<1015808x8xf32, #tpu.memory_space<hbm>> -> memref<1015808x8xf32, #tpu.memory_space<hbm>>
    tpu.enqueue_indirect_dma source(%dma_start3A_219 : memref<1015808x8xf32, #tpu.memory_space<hbm>>) target(%dma_start3A_214 : memref<128x8xf32, #tpu.memory_space<vmem>>) offsets(%dma_start3A_216 : memref<128xi32, #tpu.memory_space<vmem>>) semaphore(%arg13 : memref<!tpu.dma_semaphore, #tpu.memory_space<semaphore_mem>>)
    %add3A_220 = arith.constant 16 : i32
    %add3A_221 = arith.addi %mul3A_2, %add3A_220 : i32
    %mul3A_222 = arith.constant 200 : i32
    %mul3A_223 = arith.muli %add3A_221, %mul3A_222 : i32
    %dma_start3A_224 = tpu.memref_slice %arg3[%mul3A_223] : memref<3276800xi32, #tpu.memory_space<hbm>> -> memref<3200xi32, #tpu.memory_space<hbm>>
    %dma_start3A_225 = tpu.memref_slice %arg3[%mul3A_223] : memref<3276800xi32, #tpu.memory_space<hbm>> -> memref<3200xi32, #tpu.memory_space<hbm>>
    tpu.enqueue_dma source(%dma_start3A_225 : memref<3200xi32, #tpu.memory_space<hbm>>) target(%arg7 : memref<3200xi32, #tpu.memory_space<vmem>>) target_semaphore(%arg16 : memref<!tpu.dma_semaphore, #tpu.memory_space<semaphore_mem>>)
    %add3A_226 = arith.constant 16 : i32
    %add3A_227 = arith.addi %mul3A_2, %add3A_226 : i32
    %mul3A_228 = arith.constant 200 : i32
    %mul3A_229 = arith.muli %add3A_227, %mul3A_228 : i32
    %dma_wait3A_230 = tpu.memref_slice %arg3[%mul3A_229] : memref<3276800xi32, #tpu.memory_space<hbm>> -> memref<3200xi32, #tpu.memory_space<hbm>>
    %dma_wait3A_231 = tpu.memref_slice %arg3[%mul3A_229] : memref<3276800xi32, #tpu.memory_space<hbm>> -> memref<3200xi32, #tpu.memory_space<hbm>>
    tpu.wait_dma2 semaphore(%arg16 : memref<!tpu.dma_semaphore, #tpu.memory_space<semaphore_mem>>) src(%dma_wait3A_231 : memref<3200xi32, #tpu.memory_space<hbm>>) dst(%arg7 : memref<3200xi32, #tpu.memory_space<vmem>>)
    %scan3A_232 = arith.constant 0 : i32
    %scan3A_233 = arith.constant 0 : i32
    %scan3A_234 = arith.constant 200 : i32
    %scan3A_235 = arith.addi %scan3A_233, %scan3A_234 : i32
    %scan3A_236 = arith.constant 1 : i32
    scf.for %scan3A_244 = %scan3A_233 to %scan3A_235 step %scan3A_236  : i32 {
      %mul3A_245 = arith.constant 16 : i32
      %mul3A_246 = arith.muli %scan3A_244, %mul3A_245 : i32
      %get3A = arith.index_cast %mul3A_246 : i32 to index
      %get3A_247 = tpu.vector_load %arg7[%get3A] {strides = array<i32>} : memref<3200xi32, #tpu.memory_space<vmem>>, vector<16xi32>,
      %and3A = arith.constant -32768 : i32
      %and3A_248 = vector.broadcast %and3A : i32 to vector<16xi32>
      %and3A_249 = arith.andi %get3A_247, %and3A_248 : vector<16xi32>
      %and3A_250 = arith.constant 2047 : i32
      %and3A_251 = vector.broadcast %and3A_250 : i32 to vector<16xi32>
      %and3A_252 = arith.andi %get3A_247, %and3A_251 : vector<16xi32>
      %shift_left3A = arith.constant 4 : i32
      %shift_left3A_253 = vector.broadcast %shift_left3A : i32 to vector<16xi32>
      %shift_left3A_254 = arith.shli %and3A_252, %shift_left3A_253 : vector<16xi32>
      %or3A = arith.ori %and3A_249, %shift_left3A_254 : vector<16xi32>
      %shift_right_arithmetic3A = arith.constant 11 : i32
      %shift_right_arithmetic3A_255 = vector.broadcast %shift_right_arithmetic3A : i32 to vector<16xi32>
      %shift_right_arithmetic3A_256 = arith.shrsi %get3A_247, %shift_right_arithmetic3A_255 : vector<16xi32>
      %and3A_257 = arith.constant 15 : i32
      %and3A_258 = vector.broadcast %and3A_257 : i32 to vector<16xi32>
      %and3A_259 = arith.andi %shift_right_arithmetic3A_256, %and3A_258 : vector<16xi32>
      %or3A_260 = arith.ori %or3A, %and3A_259 : vector<16xi32>
      %swap3A_261 = arith.index_cast %mul3A_246 : i32 to index
      %swap3A_262 = tpu.vector_load %arg7[%swap3A_261] {strides = array<i32>} : memref<3200xi32, #tpu.memory_space<vmem>>, vector<16xi32>,
      tpu.vector_store %arg7[%swap3A_261], %or3A_260 {strides = array<i32>} : memref<3200xi32, #tpu.memory_space<vmem>>, vector<16xi32>,
    }
    %scan3A_237 = arith.constant 200 : i32
    %scan3A_238 = arith.constant 0 : i32
    %scan3A_239 = arith.constant 0 : i32
    %scan3A_240 = arith.constant 16 : i32
    %scan3A_241 = arith.addi %scan3A_239, %scan3A_240 : i32
    %scan3A_242 = arith.constant 1 : i32
    scf.for %scan3A_244 = %scan3A_239 to %scan3A_241 step %scan3A_242  : i32 {
      %mul3A_245 = arith.constant 2 : i32
      %mul3A_246 = arith.muli %mul3A_245, %scan3A_244 : i32
      %dma_wait3A_247 = arith.constant 0 : i32
      %dma_wait3A_248 = arith.constant 0 : i32
      %dma_wait3A_249 = tpu.memref_slice %arg2[%dma_wait3A_247, %dma_wait3A_248] : memref<1015808x8xf32, #tpu.memory_space<hbm>> -> memref<3200x8xf32, #tpu.memory_space<hbm>>
      %dma_wait3A_250 = arith.constant 0 : i32
      %dma_wait3A_251 = arith.constant 0 : i32
      %dma_wait3A_252 = tpu.memref_slice %arg2[%dma_wait3A_250, %dma_wait3A_251] : memref<1015808x8xf32, #tpu.memory_space<hbm>> -> memref<3200x8xf32, #tpu.memory_space<hbm>>
      tpu.wait_dma2 semaphore(%arg13 : memref<!tpu.dma_semaphore, #tpu.memory_space<semaphore_mem>>) src(%dma_wait3A_252 : memref<3200x8xf32, #tpu.memory_space<hbm>>) dst(%arg8 : memref<3200x8xf32, #tpu.memory_space<vmem>>)
      %add3A_253 = arith.constant 1 : i32
      %add3A_254 = arith.addi %mul3A_246, %add3A_253 : i32
      %lt3A = arith.constant 32 : i32
      %lt3A_255 = arith.cmpi slt, %add3A_254, %lt3A : i32
      %convert_element_type3A = arith.extui %lt3A_255 : i1 to i32
      %cond3A = arith.constant 0 : i32
      %cond3A_256 = arith.cmpi ne, %convert_element_type3A, %cond3A : i32
      scf.if %cond3A_256 {
        %dma_start3A_1032 = arith.constant 0 : i32
        %dma_start3A_1033 = arith.constant 0 : i32
        %dma_start3A_1034 = tpu.memref_slice %arg9[%dma_start3A_1032, %dma_start3A_1033] : memref<3200x8xf32, #tpu.memory_space<vmem>> -> memref<128x8xf32, #tpu.memory_space<vmem>>
        %dma_start3A_1035 = arith.constant 0 : i32
        %dma_start3A_1036 = tpu.memref_slice %arg7[%dma_start3A_1035] : memref<3200xi32, #tpu.memory_space<vmem>> -> memref<128xi32, #tpu.memory_space<vmem>>
        %dma_start3A_1037 = arith.constant 0 : i32
        %dma_start3A_1038 = arith.constant 0 : i32
        %dma_start3A_1039 = tpu.memref_slice %arg2[%dma_start3A_1037, %dma_start3A_1038] : memref<1015808x8xf32, #tpu.memory_space<hbm>> -> memref<1015808x8xf32, #tpu.memory_space<hbm>>
        tpu.enqueue_indirect_dma source(%dma_start3A_1039 : memref<1015808x8xf32, #tpu.memory_space<hbm>>) target(%dma_start3A_1034 : memref<128x8xf32, #tpu.memory_space<vmem>>) offsets(%dma_start3A_1036 : memref<128xi32, #tpu.memory_space<vmem>>) semaphore(%arg14 : memref<!tpu.dma_semaphore, #tpu.memory_space<semaphore_mem>>)
        %dma_start3A_1040 = arith.constant 128 : i32
        %dma_start3A_1041 = arith.constant 0 : i32
        %dma_start3A_1042 = tpu.memref_slice %arg9[%dma_start3A_1040, %dma_start3A_1041] : memref<3200x8xf32, #tpu.memory_space<vmem>> -> memref<128x8xf32, #tpu.memory_space<vmem>>
        %dma_start3A_1043 = arith.constant 128 : i32
        %dma_start3A_1044 = tpu.memref_slice %arg7[%dma_start3A_1043] : memref<3200xi32, #tpu.memory_space<vmem>> -> memref<128xi32, #tpu.memory_space<vmem>>
        %dma_start3A_1045 = arith.constant 0 : i32
        %dma_start3A_1046 = arith.constant 0 : i32
        %dma_start3A_1047 = tpu.memref_slice %arg2[%dma_start3A_1045, %dma_start3A_1046] : memref<1015808x8xf32, #tpu.memory_space<hbm>> -> memref<1015808x8xf32, #tpu.memory_space<hbm>>
        tpu.enqueue_indirect_dma source(%dma_start3A_1047 : memref<1015808x8xf32, #tpu.memory_space<hbm>>) target(%dma_start3A_1042 : memref<128x8xf32, #tpu.memory_space<vmem>>) offsets(%dma_start3A_1044 : memref<128xi32, #tpu.memory_space<vmem>>) semaphore(%arg14 : memref<!tpu.dma_semaphore, #tpu.memory_space<semaphore_mem>>)
        %dma_start3A_1048 = arith.constant 256 : i32
        %dma_start3A_1049 = arith.constant 0 : i32
        %dma_start3A_1050 = tpu.memref_slice %arg9[%dma_start3A_1048, %dma_start3A_1049] : memref<3200x8xf32, #tpu.memory_space<vmem>> -> memref<128x8xf32, #tpu.memory_space<vmem>>
        %dma_start3A_1051 = arith.constant 256 : i32
        %dma_start3A_1052 = tpu.memref_slice %arg7[%dma_start3A_1051] : memref<3200xi32, #tpu.memory_space<vmem>> -> memref<128xi32, #tpu.memory_space<vmem>>
        %dma_start3A_1053 = arith.constant 0 : i32
        %dma_start3A_1054 = arith.constant 0 : i32
        %dma_start3A_1055 = tpu.memref_slice %arg2[%dma_start3A_1053, %dma_start3A_1054] : memref<1015808x8xf32, #tpu.memory_space<hbm>> -> memref<1015808x8xf32, #tpu.memory_space<hbm>>
        tpu.enqueue_indirect_dma source(%dma_start3A_1055 : memref<1015808x8xf32, #tpu.memory_space<hbm>>) target(%dma_start3A_1050 : memref<128x8xf32, #tpu.memory_space<vmem>>) offsets(%dma_start3A_1052 : memref<128xi32, #tpu.memory_space<vmem>>) semaphore(%arg14 : memref<!tpu.dma_semaphore, #tpu.memory_space<semaphore_mem>>)
        %dma_start3A_1056 = arith.constant 384 : i32
        %dma_start3A_1057 = arith.constant 0 : i32
        %dma_start3A_1058 = tpu.memref_slice %arg9[%dma_start3A_1056, %dma_start3A_1057] : memref<3200x8xf32, #tpu.memory_space<vmem>> -> memref<128x8xf32, #tpu.memory_space<vmem>>
        %dma_start3A_1059 = arith.constant 384 : i32
        %dma_start3A_1060 = tpu.memref_slice %arg7[%dma_start3A_1059] : memref<3200xi32, #tpu.memory_space<vmem>> -> memref<128xi32, #tpu.memory_space<vmem>>
        %dma_start3A_1061 = arith.constant 0 : i32
        %dma_start3A_1062 = arith.constant 0 : i32
        %dma_start3A_1063 = tpu.memref_slice %arg2[%dma_start3A_1061, %dma_start3A_1062] : memref<1015808x8xf32, #tpu.memory_space<hbm>> -> memref<1015808x8xf32, #tpu.memory_space<hbm>>
        tpu.enqueue_indirect_dma source(%dma_start3A_1063 : memref<1015808x8xf32, #tpu.memory_space<hbm>>) target(%dma_start3A_1058 : memref<128x8xf32, #tpu.memory_space<vmem>>) offsets(%dma_start3A_1060 : memref<128xi32, #tpu.memory_space<vmem>>) semaphore(%arg14 : memref<!tpu.dma_semaphore, #tpu.memory_space<semaphore_mem>>)
        %dma_start3A_1064 = arith.constant 512 : i32
        %dma_start3A_1065 = arith.constant 0 : i32
        %dma_start3A_1066 = tpu.memref_slice %arg9[%dma_start3A_1064, %dma_start3A_1065] : memref<3200x8xf32, #tpu.memory_space<vmem>> -> memref<128x8xf32, #tpu.memory_space<vmem>>
        %dma_start3A_1067 = arith.constant 512 : i32
        %dma_start3A_1068 = tpu.memref_slice %arg7[%dma_start3A_1067] : memref<3200xi32, #tpu.memory_space<vmem>> -> memref<128xi32, #tpu.memory_space<vmem>>
        %dma_start3A_1069 = arith.constant 0 : i32
        %dma_start3A_1070 = arith.constant 0 : i32
        %dma_start3A_1071 = tpu.memref_slice %arg2[%dma_start3A_1069, %dma_start3A_1070] : memref<1015808x8xf32, #tpu.memory_space<hbm>> -> memref<1015808x8xf32, #tpu.memory_space<hbm>>
        tpu.enqueue_indirect_dma source(%dma_start3A_1071 : memref<1015808x8xf32, #tpu.memory_space<hbm>>) target(%dma_start3A_1066 : memref<128x8xf32, #tpu.memory_space<vmem>>) offsets(%dma_start3A_1068 : memref<128xi32, #tpu.memory_space<vmem>>) semaphore(%arg14 : memref<!tpu.dma_semaphore, #tpu.memory_space<semaphore_mem>>)
        %dma_start3A_1072 = arith.constant 640 : i32
        %dma_start3A_1073 = arith.constant 0 : i32
        %dma_start3A_1074 = tpu.memref_slice %arg9[%dma_start3A_1072, %dma_start3A_1073] : memref<3200x8xf32, #tpu.memory_space<vmem>> -> memref<128x8xf32, #tpu.memory_space<vmem>>
        %dma_start3A_1075 = arith.constant 640 : i32
        %dma_start3A_1076 = tpu.memref_slice %arg7[%dma_start3A_1075] : memref<3200xi32, #tpu.memory_space<vmem>> -> memref<128xi32, #tpu.memory_space<vmem>>
        %dma_start3A_1077 = arith.constant 0 : i32
        %dma_start3A_1078 = arith.constant 0 : i32
        %dma_start3A_1079 = tpu.memref_slice %arg2[%dma_start3A_1077, %dma_start3A_1078] : memref<1015808x8xf32, #tpu.memory_space<hbm>> -> memref<1015808x8xf32, #tpu.memory_space<hbm>>
        tpu.enqueue_indirect_dma source(%dma_start3A_1079 : memref<1015808x8xf32, #tpu.memory_space<hbm>>) target(%dma_start3A_1074 : memref<128x8xf32, #tpu.memory_space<vmem>>) offsets(%dma_start3A_1076 : memref<128xi32, #tpu.memory_space<vmem>>) semaphore(%arg14 : memref<!tpu.dma_semaphore, #tpu.memory_space<semaphore_mem>>)
        %dma_start3A_1080 = arith.constant 768 : i32
        %dma_start3A_1081 = arith.constant 0 : i32
        %dma_start3A_1082 = tpu.memref_slice %arg9[%dma_start3A_1080, %dma_start3A_1081] : memref<3200x8xf32, #tpu.memory_space<vmem>> -> memref<128x8xf32, #tpu.memory_space<vmem>>
        %dma_start3A_1083 = arith.constant 768 : i32
        %dma_start3A_1084 = tpu.memref_slice %arg7[%dma_start3A_1083] : memref<3200xi32, #tpu.memory_space<vmem>> -> memref<128xi32, #tpu.memory_space<vmem>>
        %dma_start3A_1085 = arith.constant 0 : i32
        %dma_start3A_1086 = arith.constant 0 : i32
        %dma_start3A_1087 = tpu.memref_slice %arg2[%dma_start3A_1085, %dma_start3A_1086] : memref<1015808x8xf32, #tpu.memory_space<hbm>> -> memref<1015808x8xf32, #tpu.memory_space<hbm>>
        tpu.enqueue_indirect_dma source(%dma_start3A_1087 : memref<1015808x8xf32, #tpu.memory_space<hbm>>) target(%dma_start3A_1082 : memref<128x8xf32, #tpu.memory_space<vmem>>) offsets(%dma_start3A_1084 : memref<128xi32, #tpu.memory_space<vmem>>) semaphore(%arg14 : memref<!tpu.dma_semaphore, #tpu.memory_space<semaphore_mem>>)
        %dma_start3A_1088 = arith.constant 896 : i32
        %dma_start3A_1089 = arith.constant 0 : i32
        %dma_start3A_1090 = tpu.memref_slice %arg9[%dma_start3A_1088, %dma_start3A_1089] : memref<3200x8xf32, #tpu.memory_space<vmem>> -> memref<128x8xf32, #tpu.memory_space<vmem>>
        %dma_start3A_1091 = arith.constant 896 : i32
        %dma_start3A_1092 = tpu.memref_slice %arg7[%dma_start3A_1091] : memref<3200xi32, #tpu.memory_space<vmem>> -> memref<128xi32, #tpu.memory_space<vmem>>
        %dma_start3A_1093 = arith.constant 0 : i32
        %dma_start3A_1094 = arith.constant 0 : i32
        %dma_start3A_1095 = tpu.memref_slice %arg2[%dma_start3A_1093, %dma_start3A_1094] : memref<1015808x8xf32, #tpu.memory_space<hbm>> -> memref<1015808x8xf32, #tpu.memory_space<hbm>>
        tpu.enqueue_indirect_dma source(%dma_start3A_1095 : memref<1015808x8xf32, #tpu.memory_space<hbm>>) target(%dma_start3A_1090 : memref<128x8xf32, #tpu.memory_space<vmem>>) offsets(%dma_start3A_1092 : memref<128xi32, #tpu.memory_space<vmem>>) semaphore(%arg14 : memref<!tpu.dma_semaphore, #tpu.memory_space<semaphore_mem>>)
        %dma_start3A_1096 = arith.constant 1024 : i32
        %dma_start3A_1097 = arith.constant 0 : i32
        %dma_start3A_1098 = tpu.memref_slice %arg9[%dma_start3A_1096, %dma_start3A_1097] : memref<3200x8xf32, #tpu.memory_space<vmem>> -> memref<128x8xf32, #tpu.memory_space<vmem>>
        %dma_start3A_1099 = arith.constant 1024 : i32
        %dma_start3A_1100 = tpu.memref_slice %arg7[%dma_start3A_1099] : memref<3200xi32, #tpu.memory_space<vmem>> -> memref<128xi32, #tpu.memory_space<vmem>>
        %dma_start3A_1101 = arith.constant 0 : i32
        %dma_start3A_1102 = arith.constant 0 : i32
        %dma_start3A_1103 = tpu.memref_slice %arg2[%dma_start3A_1101, %dma_start3A_1102] : memref<1015808x8xf32, #tpu.memory_space<hbm>> -> memref<1015808x8xf32, #tpu.memory_space<hbm>>
        tpu.enqueue_indirect_dma source(%dma_start3A_1103 : memref<1015808x8xf32, #tpu.memory_space<hbm>>) target(%dma_start3A_1098 : memref<128x8xf32, #tpu.memory_space<vmem>>) offsets(%dma_start3A_1100 : memref<128xi32, #tpu.memory_space<vmem>>) semaphore(%arg14 : memref<!tpu.dma_semaphore, #tpu.memory_space<semaphore_mem>>)
        %dma_start3A_1104 = arith.constant 1152 : i32
        %dma_start3A_1105 = arith.constant 0 : i32
        %dma_start3A_1106 = tpu.memref_slice %arg9[%dma_start3A_1104, %dma_start3A_1105] : memref<3200x8xf32, #tpu.memory_space<vmem>> -> memref<128x8xf32, #tpu.memory_space<vmem>>
        %dma_start3A_1107 = arith.constant 1152 : i32
        %dma_start3A_1108 = tpu.memref_slice %arg7[%dma_start3A_1107] : memref<3200xi32, #tpu.memory_space<vmem>> -> memref<128xi32, #tpu.memory_space<vmem>>
        %dma_start3A_1109 = arith.constant 0 : i32
        %dma_start3A_1110 = arith.constant 0 : i32
        %dma_start3A_1111 = tpu.memref_slice %arg2[%dma_start3A_1109, %dma_start3A_1110] : memref<1015808x8xf32, #tpu.memory_space<hbm>> -> memref<1015808x8xf32, #tpu.memory_space<hbm>>
        tpu.enqueue_indirect_dma source(%dma_start3A_1111 : memref<1015808x8xf32, #tpu.memory_space<hbm>>) target(%dma_start3A_1106 : memref<128x8xf32, #tpu.memory_space<vmem>>) offsets(%dma_start3A_1108 : memref<128xi32, #tpu.memory_space<vmem>>) semaphore(%arg14 : memref<!tpu.dma_semaphore, #tpu.memory_space<semaphore_mem>>)
        %dma_start3A_1112 = arith.constant 1280 : i32
        %dma_start3A_1113 = arith.constant 0 : i32
        %dma_start3A_1114 = tpu.memref_slice %arg9[%dma_start3A_1112, %dma_start3A_1113] : memref<3200x8xf32, #tpu.memory_space<vmem>> -> memref<128x8xf32, #tpu.memory_space<vmem>>
        %dma_start3A_1115 = arith.constant 1280 : i32
        %dma_start3A_1116 = tpu.memref_slice %arg7[%dma_start3A_1115] : memref<3200xi32, #tpu.memory_space<vmem>> -> memref<128xi32, #tpu.memory_space<vmem>>
        %dma_start3A_1117 = arith.constant 0 : i32
        %dma_start3A_1118 = arith.constant 0 : i32
        %dma_start3A_1119 = tpu.memref_slice %arg2[%dma_start3A_1117, %dma_start3A_1118] : memref<1015808x8xf32, #tpu.memory_space<hbm>> -> memref<1015808x8xf32, #tpu.memory_space<hbm>>
        tpu.enqueue_indirect_dma source(%dma_start3A_1119 : memref<1015808x8xf32, #tpu.memory_space<hbm>>) target(%dma_start3A_1114 : memref<128x8xf32, #tpu.memory_space<vmem>>) offsets(%dma_start3A_1116 : memref<128xi32, #tpu.memory_space<vmem>>) semaphore(%arg14 : memref<!tpu.dma_semaphore, #tpu.memory_space<semaphore_mem>>)
        %dma_start3A_1120 = arith.constant 1408 : i32
        %dma_start3A_1121 = arith.constant 0 : i32
        %dma_start3A_1122 = tpu.memref_slice %arg9[%dma_start3A_1120, %dma_start3A_1121] : memref<3200x8xf32, #tpu.memory_space<vmem>> -> memref<128x8xf32, #tpu.memory_space<vmem>>
        %dma_start3A_1123 = arith.constant 1408 : i32
        %dma_start3A_1124 = tpu.memref_slice %arg7[%dma_start3A_1123] : memref<3200xi32, #tpu.memory_space<vmem>> -> memref<128xi32, #tpu.memory_space<vmem>>
        %dma_start3A_1125 = arith.constant 0 : i32
        %dma_start3A_1126 = arith.constant 0 : i32
        %dma_start3A_1127 = tpu.memref_slice %arg2[%dma_start3A_1125, %dma_start3A_1126] : memref<1015808x8xf32, #tpu.memory_space<hbm>> -> memref<1015808x8xf32, #tpu.memory_space<hbm>>
        tpu.enqueue_indirect_dma source(%dma_start3A_1127 : memref<1015808x8xf32, #tpu.memory_space<hbm>>) target(%dma_start3A_1122 : memref<128x8xf32, #tpu.memory_space<vmem>>) offsets(%dma_start3A_1124 : memref<128xi32, #tpu.memory_space<vmem>>) semaphore(%arg14 : memref<!tpu.dma_semaphore, #tpu.memory_space<semaphore_mem>>)
        %dma_start3A_1128 = arith.constant 1536 : i32
        %dma_start3A_1129 = arith.constant 0 : i32
        %dma_start3A_1130 = tpu.memref_slice %arg9[%dma_start3A_1128, %dma_start3A_1129] : memref<3200x8xf32, #tpu.memory_space<vmem>> -> memref<128x8xf32, #tpu.memory_space<vmem>>
        %dma_start3A_1131 = arith.constant 1536 : i32
        %dma_start3A_1132 = tpu.memref_slice %arg7[%dma_start3A_1131] : memref<3200xi32, #tpu.memory_space<vmem>> -> memref<128xi32, #tpu.memory_space<vmem>>
        %dma_start3A_1133 = arith.constant 0 : i32
        %dma_start3A_1134 = arith.constant 0 : i32
        %dma_start3A_1135 = tpu.memref_slice %arg2[%dma_start3A_1133, %dma_start3A_1134] : memref<1015808x8xf32, #tpu.memory_space<hbm>> -> memref<1015808x8xf32, #tpu.memory_space<hbm>>
        tpu.enqueue_indirect_dma source(%dma_start3A_1135 : memref<1015808x8xf32, #tpu.memory_space<hbm>>) target(%dma_start3A_1130 : memref<128x8xf32, #tpu.memory_space<vmem>>) offsets(%dma_start3A_1132 : memref<128xi32, #tpu.memory_space<vmem>>) semaphore(%arg14 : memref<!tpu.dma_semaphore, #tpu.memory_space<semaphore_mem>>)
        %dma_start3A_1136 = arith.constant 1664 : i32
        %dma_start3A_1137 = arith.constant 0 : i32
        %dma_start3A_1138 = tpu.memref_slice %arg9[%dma_start3A_1136, %dma_start3A_1137] : memref<3200x8xf32, #tpu.memory_space<vmem>> -> memref<128x8xf32, #tpu.memory_space<vmem>>
        %dma_start3A_1139 = arith.constant 1664 : i32
        %dma_start3A_1140 = tpu.memref_slice %arg7[%dma_start3A_1139] : memref<3200xi32, #tpu.memory_space<vmem>> -> memref<128xi32, #tpu.memory_space<vmem>>
        %dma_start3A_1141 = arith.constant 0 : i32
        %dma_start3A_1142 = arith.constant 0 : i32
        %dma_start3A_1143 = tpu.memref_slice %arg2[%dma_start3A_1141, %dma_start3A_1142] : memref<1015808x8xf32, #tpu.memory_space<hbm>> -> memref<1015808x8xf32, #tpu.memory_space<hbm>>
        tpu.enqueue_indirect_dma source(%dma_start3A_1143 : memref<1015808x8xf32, #tpu.memory_space<hbm>>) target(%dma_start3A_1138 : memref<128x8xf32, #tpu.memory_space<vmem>>) offsets(%dma_start3A_1140 : memref<128xi32, #tpu.memory_space<vmem>>) semaphore(%arg14 : memref<!tpu.dma_semaphore, #tpu.memory_space<semaphore_mem>>)
        %dma_start3A_1144 = arith.constant 1792 : i32
        %dma_start3A_1145 = arith.constant 0 : i32
        %dma_start3A_1146 = tpu.memref_slice %arg9[%dma_start3A_1144, %dma_start3A_1145] : memref<3200x8xf32, #tpu.memory_space<vmem>> -> memref<128x8xf32, #tpu.memory_space<vmem>>
        %dma_start3A_1147 = arith.constant 1792 : i32
        %dma_start3A_1148 = tpu.memref_slice %arg7[%dma_start3A_1147] : memref<3200xi32, #tpu.memory_space<vmem>> -> memref<128xi32, #tpu.memory_space<vmem>>
        %dma_start3A_1149 = arith.constant 0 : i32
        %dma_start3A_1150 = arith.constant 0 : i32
        %dma_start3A_1151 = tpu.memref_slice %arg2[%dma_start3A_1149, %dma_start3A_1150] : memref<1015808x8xf32, #tpu.memory_space<hbm>> -> memref<1015808x8xf32, #tpu.memory_space<hbm>>
        tpu.enqueue_indirect_dma source(%dma_start3A_1151 : memref<1015808x8xf32, #tpu.memory_space<hbm>>) target(%dma_start3A_1146 : memref<128x8xf32, #tpu.memory_space<vmem>>) offsets(%dma_start3A_1148 : memref<128xi32, #tpu.memory_space<vmem>>) semaphore(%arg14 : memref<!tpu.dma_semaphore, #tpu.memory_space<semaphore_mem>>)
        %dma_start3A_1152 = arith.constant 1920 : i32
        %dma_start3A_1153 = arith.constant 0 : i32
        %dma_start3A_1154 = tpu.memref_slice %arg9[%dma_start3A_1152, %dma_start3A_1153] : memref<3200x8xf32, #tpu.memory_space<vmem>> -> memref<128x8xf32, #tpu.memory_space<vmem>>
        %dma_start3A_1155 = arith.constant 1920 : i32
        %dma_start3A_1156 = tpu.memref_slice %arg7[%dma_start3A_1155] : memref<3200xi32, #tpu.memory_space<vmem>> -> memref<128xi32, #tpu.memory_space<vmem>>
        %dma_start3A_1157 = arith.constant 0 : i32
        %dma_start3A_1158 = arith.constant 0 : i32
        %dma_start3A_1159 = tpu.memref_slice %arg2[%dma_start3A_1157, %dma_start3A_1158] : memref<1015808x8xf32, #tpu.memory_space<hbm>> -> memref<1015808x8xf32, #tpu.memory_space<hbm>>
        tpu.enqueue_indirect_dma source(%dma_start3A_1159 : memref<1015808x8xf32, #tpu.memory_space<hbm>>) target(%dma_start3A_1154 : memref<128x8xf32, #tpu.memory_space<vmem>>) offsets(%dma_start3A_1156 : memref<128xi32, #tpu.memory_space<vmem>>) semaphore(%arg14 : memref<!tpu.dma_semaphore, #tpu.memory_space<semaphore_mem>>)
        %dma_start3A_1160 = arith.constant 2048 : i32
        %dma_start3A_1161 = arith.constant 0 : i32
        %dma_start3A_1162 = tpu.memref_slice %arg9[%dma_start3A_1160, %dma_start3A_1161] : memref<3200x8xf32, #tpu.memory_space<vmem>> -> memref<128x8xf32, #tpu.memory_space<vmem>>
        %dma_start3A_1163 = arith.constant 2048 : i32
        %dma_start3A_1164 = tpu.memref_slice %arg7[%dma_start3A_1163] : memref<3200xi32, #tpu.memory_space<vmem>> -> memref<128xi32, #tpu.memory_space<vmem>>
        %dma_start3A_1165 = arith.constant 0 : i32
        %dma_start3A_1166 = arith.constant 0 : i32
        %dma_start3A_1167 = tpu.memref_slice %arg2[%dma_start3A_1165, %dma_start3A_1166] : memref<1015808x8xf32, #tpu.memory_space<hbm>> -> memref<1015808x8xf32, #tpu.memory_space<hbm>>
        tpu.enqueue_indirect_dma source(%dma_start3A_1167 : memref<1015808x8xf32, #tpu.memory_space<hbm>>) target(%dma_start3A_1162 : memref<128x8xf32, #tpu.memory_space<vmem>>) offsets(%dma_start3A_1164 : memref<128xi32, #tpu.memory_space<vmem>>) semaphore(%arg14 : memref<!tpu.dma_semaphore, #tpu.memory_space<semaphore_mem>>)
        %dma_start3A_1168 = arith.constant 2176 : i32
        %dma_start3A_1169 = arith.constant 0 : i32
        %dma_start3A_1170 = tpu.memref_slice %arg9[%dma_start3A_1168, %dma_start3A_1169] : memref<3200x8xf32, #tpu.memory_space<vmem>> -> memref<128x8xf32, #tpu.memory_space<vmem>>
        %dma_start3A_1171 = arith.constant 2176 : i32
        %dma_start3A_1172 = tpu.memref_slice %arg7[%dma_start3A_1171] : memref<3200xi32, #tpu.memory_space<vmem>> -> memref<128xi32, #tpu.memory_space<vmem>>
        %dma_start3A_1173 = arith.constant 0 : i32
        %dma_start3A_1174 = arith.constant 0 : i32
        %dma_start3A_1175 = tpu.memref_slice %arg2[%dma_start3A_1173, %dma_start3A_1174] : memref<1015808x8xf32, #tpu.memory_space<hbm>> -> memref<1015808x8xf32, #tpu.memory_space<hbm>>
        tpu.enqueue_indirect_dma source(%dma_start3A_1175 : memref<1015808x8xf32, #tpu.memory_space<hbm>>) target(%dma_start3A_1170 : memref<128x8xf32, #tpu.memory_space<vmem>>) offsets(%dma_start3A_1172 : memref<128xi32, #tpu.memory_space<vmem>>) semaphore(%arg14 : memref<!tpu.dma_semaphore, #tpu.memory_space<semaphore_mem>>)
        %dma_start3A_1176 = arith.constant 2304 : i32
        %dma_start3A_1177 = arith.constant 0 : i32
        %dma_start3A_1178 = tpu.memref_slice %arg9[%dma_start3A_1176, %dma_start3A_1177] : memref<3200x8xf32, #tpu.memory_space<vmem>> -> memref<128x8xf32, #tpu.memory_space<vmem>>
        %dma_start3A_1179 = arith.constant 2304 : i32
        %dma_start3A_1180 = tpu.memref_slice %arg7[%dma_start3A_1179] : memref<3200xi32, #tpu.memory_space<vmem>> -> memref<128xi32, #tpu.memory_space<vmem>>
        %dma_start3A_1181 = arith.constant 0 : i32
        %dma_start3A_1182 = arith.constant 0 : i32
        %dma_start3A_1183 = tpu.memref_slice %arg2[%dma_start3A_1181, %dma_start3A_1182] : memref<1015808x8xf32, #tpu.memory_space<hbm>> -> memref<1015808x8xf32, #tpu.memory_space<hbm>>
        tpu.enqueue_indirect_dma source(%dma_start3A_1183 : memref<1015808x8xf32, #tpu.memory_space<hbm>>) target(%dma_start3A_1178 : memref<128x8xf32, #tpu.memory_space<vmem>>) offsets(%dma_start3A_1180 : memref<128xi32, #tpu.memory_space<vmem>>) semaphore(%arg14 : memref<!tpu.dma_semaphore, #tpu.memory_space<semaphore_mem>>)
        %dma_start3A_1184 = arith.constant 2432 : i32
        %dma_start3A_1185 = arith.constant 0 : i32
        %dma_start3A_1186 = tpu.memref_slice %arg9[%dma_start3A_1184, %dma_start3A_1185] : memref<3200x8xf32, #tpu.memory_space<vmem>> -> memref<128x8xf32, #tpu.memory_space<vmem>>
        %dma_start3A_1187 = arith.constant 2432 : i32
        %dma_start3A_1188 = tpu.memref_slice %arg7[%dma_start3A_1187] : memref<3200xi32, #tpu.memory_space<vmem>> -> memref<128xi32, #tpu.memory_space<vmem>>
        %dma_start3A_1189 = arith.constant 0 : i32
        %dma_start3A_1190 = arith.constant 0 : i32
        %dma_start3A_1191 = tpu.memref_slice %arg2[%dma_start3A_1189, %dma_start3A_1190] : memref<1015808x8xf32, #tpu.memory_space<hbm>> -> memref<1015808x8xf32, #tpu.memory_space<hbm>>
        tpu.enqueue_indirect_dma source(%dma_start3A_1191 : memref<1015808x8xf32, #tpu.memory_space<hbm>>) target(%dma_start3A_1186 : memref<128x8xf32, #tpu.memory_space<vmem>>) offsets(%dma_start3A_1188 : memref<128xi32, #tpu.memory_space<vmem>>) semaphore(%arg14 : memref<!tpu.dma_semaphore, #tpu.memory_space<semaphore_mem>>)
        %dma_start3A_1192 = arith.constant 2560 : i32
        %dma_start3A_1193 = arith.constant 0 : i32
        %dma_start3A_1194 = tpu.memref_slice %arg9[%dma_start3A_1192, %dma_start3A_1193] : memref<3200x8xf32, #tpu.memory_space<vmem>> -> memref<128x8xf32, #tpu.memory_space<vmem>>
        %dma_start3A_1195 = arith.constant 2560 : i32
        %dma_start3A_1196 = tpu.memref_slice %arg7[%dma_start3A_1195] : memref<3200xi32, #tpu.memory_space<vmem>> -> memref<128xi32, #tpu.memory_space<vmem>>
        %dma_start3A_1197 = arith.constant 0 : i32
        %dma_start3A_1198 = arith.constant 0 : i32
        %dma_start3A_1199 = tpu.memref_slice %arg2[%dma_start3A_1197, %dma_start3A_1198] : memref<1015808x8xf32, #tpu.memory_space<hbm>> -> memref<1015808x8xf32, #tpu.memory_space<hbm>>
        tpu.enqueue_indirect_dma source(%dma_start3A_1199 : memref<1015808x8xf32, #tpu.memory_space<hbm>>) target(%dma_start3A_1194 : memref<128x8xf32, #tpu.memory_space<vmem>>) offsets(%dma_start3A_1196 : memref<128xi32, #tpu.memory_space<vmem>>) semaphore(%arg14 : memref<!tpu.dma_semaphore, #tpu.memory_space<semaphore_mem>>)
        %dma_start3A_1200 = arith.constant 2688 : i32
        %dma_start3A_1201 = arith.constant 0 : i32
        %dma_start3A_1202 = tpu.memref_slice %arg9[%dma_start3A_1200, %dma_start3A_1201] : memref<3200x8xf32, #tpu.memory_space<vmem>> -> memref<128x8xf32, #tpu.memory_space<vmem>>
        %dma_start3A_1203 = arith.constant 2688 : i32
        %dma_start3A_1204 = tpu.memref_slice %arg7[%dma_start3A_1203] : memref<3200xi32, #tpu.memory_space<vmem>> -> memref<128xi32, #tpu.memory_space<vmem>>
        %dma_start3A_1205 = arith.constant 0 : i32
        %dma_start3A_1206 = arith.constant 0 : i32
        %dma_start3A_1207 = tpu.memref_slice %arg2[%dma_start3A_1205, %dma_start3A_1206] : memref<1015808x8xf32, #tpu.memory_space<hbm>> -> memref<1015808x8xf32, #tpu.memory_space<hbm>>
        tpu.enqueue_indirect_dma source(%dma_start3A_1207 : memref<1015808x8xf32, #tpu.memory_space<hbm>>) target(%dma_start3A_1202 : memref<128x8xf32, #tpu.memory_space<vmem>>) offsets(%dma_start3A_1204 : memref<128xi32, #tpu.memory_space<vmem>>) semaphore(%arg14 : memref<!tpu.dma_semaphore, #tpu.memory_space<semaphore_mem>>)
        %dma_start3A_1208 = arith.constant 2816 : i32
        %dma_start3A_1209 = arith.constant 0 : i32
        %dma_start3A_1210 = tpu.memref_slice %arg9[%dma_start3A_1208, %dma_start3A_1209] : memref<3200x8xf32, #tpu.memory_space<vmem>> -> memref<128x8xf32, #tpu.memory_space<vmem>>
        %dma_start3A_1211 = arith.constant 2816 : i32
        %dma_start3A_1212 = tpu.memref_slice %arg7[%dma_start3A_1211] : memref<3200xi32, #tpu.memory_space<vmem>> -> memref<128xi32, #tpu.memory_space<vmem>>
        %dma_start3A_1213 = arith.constant 0 : i32
        %dma_start3A_1214 = arith.constant 0 : i32
        %dma_start3A_1215 = tpu.memref_slice %arg2[%dma_start3A_1213, %dma_start3A_1214] : memref<1015808x8xf32, #tpu.memory_space<hbm>> -> memref<1015808x8xf32, #tpu.memory_space<hbm>>
        tpu.enqueue_indirect_dma source(%dma_start3A_1215 : memref<1015808x8xf32, #tpu.memory_space<hbm>>) target(%dma_start3A_1210 : memref<128x8xf32, #tpu.memory_space<vmem>>) offsets(%dma_start3A_1212 : memref<128xi32, #tpu.memory_space<vmem>>) semaphore(%arg14 : memref<!tpu.dma_semaphore, #tpu.memory_space<semaphore_mem>>)
        %dma_start3A_1216 = arith.constant 2944 : i32
        %dma_start3A_1217 = arith.constant 0 : i32
        %dma_start3A_1218 = tpu.memref_slice %arg9[%dma_start3A_1216, %dma_start3A_1217] : memref<3200x8xf32, #tpu.memory_space<vmem>> -> memref<128x8xf32, #tpu.memory_space<vmem>>
        %dma_start3A_1219 = arith.constant 2944 : i32
        %dma_start3A_1220 = tpu.memref_slice %arg7[%dma_start3A_1219] : memref<3200xi32, #tpu.memory_space<vmem>> -> memref<128xi32, #tpu.memory_space<vmem>>
        %dma_start3A_1221 = arith.constant 0 : i32
        %dma_start3A_1222 = arith.constant 0 : i32
        %dma_start3A_1223 = tpu.memref_slice %arg2[%dma_start3A_1221, %dma_start3A_1222] : memref<1015808x8xf32, #tpu.memory_space<hbm>> -> memref<1015808x8xf32, #tpu.memory_space<hbm>>
        tpu.enqueue_indirect_dma source(%dma_start3A_1223 : memref<1015808x8xf32, #tpu.memory_space<hbm>>) target(%dma_start3A_1218 : memref<128x8xf32, #tpu.memory_space<vmem>>) offsets(%dma_start3A_1220 : memref<128xi32, #tpu.memory_space<vmem>>) semaphore(%arg14 : memref<!tpu.dma_semaphore, #tpu.memory_space<semaphore_mem>>)
        %dma_start3A_1224 = arith.constant 3072 : i32
        %dma_start3A_1225 = arith.constant 0 : i32
        %dma_start3A_1226 = tpu.memref_slice %arg9[%dma_start3A_1224, %dma_start3A_1225] : memref<3200x8xf32, #tpu.memory_space<vmem>> -> memref<128x8xf32, #tpu.memory_space<vmem>>
        %dma_start3A_1227 = arith.constant 3072 : i32
        %dma_start3A_1228 = tpu.memref_slice %arg7[%dma_start3A_1227] : memref<3200xi32, #tpu.memory_space<vmem>> -> memref<128xi32, #tpu.memory_space<vmem>>
        %dma_start3A_1229 = arith.constant 0 : i32
        %dma_start3A_1230 = arith.constant 0 : i32
        %dma_start3A_1231 = tpu.memref_slice %arg2[%dma_start3A_1229, %dma_start3A_1230] : memref<1015808x8xf32, #tpu.memory_space<hbm>> -> memref<1015808x8xf32, #tpu.memory_space<hbm>>
        tpu.enqueue_indirect_dma source(%dma_start3A_1231 : memref<1015808x8xf32, #tpu.memory_space<hbm>>) target(%dma_start3A_1226 : memref<128x8xf32, #tpu.memory_space<vmem>>) offsets(%dma_start3A_1228 : memref<128xi32, #tpu.memory_space<vmem>>) semaphore(%arg14 : memref<!tpu.dma_semaphore, #tpu.memory_space<semaphore_mem>>)
      } else {
      }
      %add3A_257 = arith.constant 2 : i32
      %add3A_258 = arith.addi %mul3A_246, %add3A_257 : i32
      %lt3A_259 = arith.constant 32 : i32
      %lt3A_260 = arith.cmpi slt, %add3A_258, %lt3A_259 : i32
      %convert_element_type3A_261 = arith.extui %lt3A_260 : i1 to i32
      %cond3A_262 = arith.constant 0 : i32
      %cond3A_263 = arith.cmpi ne, %convert_element_type3A_261, %cond3A_262 : i32
      scf.if %cond3A_263 {
        %add3A_1032 = arith.constant 2 : i32
        %add3A_1033 = arith.addi %mul3A_246, %add3A_1032 : i32
        %mul3A_1034 = arith.constant 16 : i32
        %mul3A_1035 = arith.muli %add3A_1033, %mul3A_1034 : i32
        %add3A_1036 = arith.addi %mul3A_2, %mul3A_1035 : i32
        %mul3A_1037 = arith.constant 200 : i32
        %mul3A_1038 = arith.muli %add3A_1036, %mul3A_1037 : i32
        %dma_start3A_1039 = tpu.memref_slice %arg3[%mul3A_1038] : memref<3276800xi32, #tpu.memory_space<hbm>> -> memref<3200xi32, #tpu.memory_space<hbm>>
        %dma_start3A_1040 = tpu.memref_slice %arg3[%mul3A_1038] : memref<3276800xi32, #tpu.memory_space<hbm>> -> memref<3200xi32, #tpu.memory_space<hbm>>
        tpu.enqueue_dma source(%dma_start3A_1040 : memref<3200xi32, #tpu.memory_space<hbm>>) target(%arg6 : memref<3200xi32, #tpu.memory_space<vmem>>) target_semaphore(%arg15 : memref<!tpu.dma_semaphore, #tpu.memory_space<semaphore_mem>>)
      } else {
      }
      %get3A = arith.constant 0 : index
      %get3A_264 = tpu.vector_load %arg11[%get3A] {strides = array<i32>} : memref<16xf32, #tpu.memory_space<vmem>>, vector<16xf32>,
      %broadcast_in_dim3A_265 = arith.constant 0.000000e+00 : f32
      %broadcast_in_dim3A_266 = vector.broadcast %broadcast_in_dim3A_265 : f32 to vector<16xf32>
      %iota3A = tpu.iota {dimensions = array<i32: 0>} : vector<16xi32>
      %shift_right_arithmetic3A = arith.constant 3 : i32
      %shift_right_arithmetic3A_267 = vector.broadcast %shift_right_arithmetic3A : i32 to vector<16xi32>
      %shift_right_arithmetic3A_268 = arith.shrsi %iota3A, %shift_right_arithmetic3A_267 : vector<16xi32>
      %and3A = arith.constant 1 : i32
      %and3A_269 = vector.broadcast %and3A : i32 to vector<16xi32>
      %and3A_270 = arith.andi %shift_right_arithmetic3A_268, %and3A_269 : vector<16xi32>
      %iota3A_271 = tpu.iota {dimensions = array<i32: 0>} : vector<16xi32>
      %and3A_272 = arith.constant 7 : i32
      %and3A_273 = vector.broadcast %and3A_272 : i32 to vector<16xi32>
      %and3A_274 = arith.andi %iota3A_271, %and3A_273 : vector<16xi32>
      %scan3A_275 = arith.constant 0 : i32
      %scan3A_276 = arith.constant 25 : i32
      %scan3A_277 = arith.addi %scan3A_275, %scan3A_276 : i32
      %scan3A_278 = arith.constant 1 : i32
      %scan3A_279:4 = scf.for %scan3A_1032 = %scan3A_275 to %scan3A_277 step %scan3A_278 iter_args(%scan3A_1033 = %broadcast_in_dim3A_266, %scan3A_1034 = %broadcast_in_dim3A_266, %scan3A_1035 = %broadcast_in_dim3A_266, %scan3A_1036 = %broadcast_in_dim3A_266) -> (vector<16xf32>, vector<16xf32>, vector<16xf32>, vector<16xf32>)  : i32 {
        %mul3A_1037 = arith.constant 8 : i32
        %mul3A_1038 = arith.muli %mul3A_1037, %scan3A_1032 : i32
        %add3A_1039 = arith.constant 0 : i32
        %add3A_1040 = arith.addi %add3A_1039, %mul3A_1038 : i32
        %add3A_1041 = arith.constant 0 : i32
        %add3A_1042 = arith.addi %add3A_1040, %add3A_1041 : i32
        %add3A_1043 = vector.broadcast %add3A_1042 : i32 to vector<16xi32>
        %add3A_1044 = arith.addi %and3A_270, %add3A_1043 : vector<16xi32>
        %gather3A = tpu.vector_load_idx %arg8[%add3A_1044, %and3A_274] : memref<3200x8xf32, #tpu.memory_space<vmem>>[vector<16xi32>, vector<16xi32>], vector<16xf32>,
        %add3A_1045 = arith.addf %scan3A_1033, %gather3A : vector<16xf32>
        %add3A_1046 = arith.constant 2 : i32
        %add3A_1047 = arith.addi %add3A_1040, %add3A_1046 : i32
        %add3A_1048 = vector.broadcast %add3A_1047 : i32 to vector<16xi32>
        %add3A_1049 = arith.addi %and3A_270, %add3A_1048 : vector<16xi32>
        %gather3A_1050 = tpu.vector_load_idx %arg8[%add3A_1049, %and3A_274] : memref<3200x8xf32, #tpu.memory_space<vmem>>[vector<16xi32>, vector<16xi32>], vector<16xf32>,
        %add3A_1051 = arith.addf %scan3A_1034, %gather3A_1050 : vector<16xf32>
        %add3A_1052 = arith.constant 4 : i32
        %add3A_1053 = arith.addi %add3A_1040, %add3A_1052 : i32
        %add3A_1054 = vector.broadcast %add3A_1053 : i32 to vector<16xi32>
        %add3A_1055 = arith.addi %and3A_270, %add3A_1054 : vector<16xi32>
        %gather3A_1056 = tpu.vector_load_idx %arg8[%add3A_1055, %and3A_274] : memref<3200x8xf32, #tpu.memory_space<vmem>>[vector<16xi32>, vector<16xi32>], vector<16xf32>,
        %add3A_1057 = arith.addf %scan3A_1035, %gather3A_1056 : vector<16xf32>
        %add3A_1058 = arith.constant 6 : i32
        %add3A_1059 = arith.addi %add3A_1040, %add3A_1058 : i32
        %add3A_1060 = vector.broadcast %add3A_1059 : i32 to vector<16xi32>
        %add3A_1061 = arith.addi %and3A_270, %add3A_1060 : vector<16xi32>
        %gather3A_1062 = tpu.vector_load_idx %arg8[%add3A_1061, %and3A_274] : memref<3200x8xf32, #tpu.memory_space<vmem>>[vector<16xi32>, vector<16xi32>], vector<16xf32>,
        %add3A_1063 = arith.addf %scan3A_1036, %gather3A_1062 : vector<16xf32>
        scf.yield %add3A_1045, %add3A_1051, %add3A_1057, %add3A_1063 : vector<16xf32>, vector<16xf32>, vector<16xf32>, vector<16xf32>
      }
      %scan3A_280 = arith.constant 25 : i32
      %add3A_281 = arith.addf %scan3A_279#0, %scan3A_279#1 : vector<16xf32>
      %add3A_282 = arith.addf %scan3A_279#2, %scan3A_279#3 : vector<16xf32>
      %add3A_283 = arith.addf %add3A_281, %add3A_282 : vector<16xf32>
      %swap3A_284 = arith.constant 0 : index
      %swap3A_285 = tpu.vector_load %arg12[%swap3A_284] {strides = array<i32>} : memref<24xf32, #tpu.memory_space<vmem>>, vector<16xf32>,
      tpu.vector_store %arg12[%swap3A_284], %add3A_283 {strides = array<i32>} : memref<24xf32, #tpu.memory_space<vmem>>, vector<16xf32>,
      %get3A_286 = arith.constant 8 : index
      %get3A_287 = tpu.vector_load %arg12[%get3A_286] {strides = array<i32>} : memref<24xf32, #tpu.memory_space<vmem>>, vector<16xf32>,
      %add3A_288 = arith.addf %add3A_283, %get3A_287 : vector<16xf32>
      %add3A_289 = arith.addf %add3A_288, %get3A_264 : vector<16xf32>
      %mul3A_290 = arith.constant 16 : i32
      %mul3A_291 = arith.muli %mul3A_246, %mul3A_290 : i32
      %add3A_292 = arith.constant 0 : i32
      %add3A_293 = arith.addi %mul3A_291, %add3A_292 : i32
      %swap3A_294 = arith.index_cast %add3A_293 : i32 to index
      %swap3A_295 = arith.constant 0 : index
      %swap3A_296 = tpu.vector_load %arg10[%swap3A_294, %swap3A_295] {strides = array<i32>} : memref<512x16xf32, #tpu.memory_space<vmem>>, vector<16xf32>,
      tpu.vector_store %arg10[%swap3A_294, %swap3A_295], %add3A_289 {strides = array<i32>} : memref<512x16xf32, #tpu.memory_space<vmem>>, vector<16xf32>,
      %scan3A_297 = arith.constant 0 : i32
      %scan3A_298 = arith.constant 25 : i32
      %scan3A_299 = arith.addi %scan3A_297, %scan3A_298 : i32
      %scan3A_300 = arith.constant 1 : i32
      %scan3A_301:4 = scf.for %scan3A_1032 = %scan3A_297 to %scan3A_299 step %scan3A_300 iter_args(%scan3A_1033 = %broadcast_in_dim3A_266, %scan3A_1034 = %broadcast_in_dim3A_266, %scan3A_1035 = %broadcast_in_dim3A_266, %scan3A_1036 = %broadcast_in_dim3A_266) -> (vector<16xf32>, vector<16xf32>, vector<16xf32>, vector<16xf32>)  : i32 {
        %mul3A_1037 = arith.constant 8 : i32
        %mul3A_1038 = arith.muli %mul3A_1037, %scan3A_1032 : i32
        %add3A_1039 = arith.constant 200 : i32
        %add3A_1040 = arith.addi %add3A_1039, %mul3A_1038 : i32
        %add3A_1041 = arith.constant 0 : i32
        %add3A_1042 = arith.addi %add3A_1040, %add3A_1041 : i32
        %add3A_1043 = vector.broadcast %add3A_1042 : i32 to vector<16xi32>
        %add3A_1044 = arith.addi %and3A_270, %add3A_1043 : vector<16xi32>
        %gather3A = tpu.vector_load_idx %arg8[%add3A_1044, %and3A_274] : memref<3200x8xf32, #tpu.memory_space<vmem>>[vector<16xi32>, vector<16xi32>], vector<16xf32>,
        %add3A_1045 = arith.addf %scan3A_1033, %gather3A : vector<16xf32>
        %add3A_1046 = arith.constant 2 : i32
        %add3A_1047 = arith.addi %add3A_1040, %add3A_1046 : i32
        %add3A_1048 = vector.broadcast %add3A_1047 : i32 to vector<16xi32>
        %add3A_1049 = arith.addi %and3A_270, %add3A_1048 : vector<16xi32>
        %gather3A_1050 = tpu.vector_load_idx %arg8[%add3A_1049, %and3A_274] : memref<3200x8xf32, #tpu.memory_space<vmem>>[vector<16xi32>, vector<16xi32>], vector<16xf32>,
        %add3A_1051 = arith.addf %scan3A_1034, %gather3A_1050 : vector<16xf32>
        %add3A_1052 = arith.constant 4 : i32
        %add3A_1053 = arith.addi %add3A_1040, %add3A_1052 : i32
        %add3A_1054 = vector.broadcast %add3A_1053 : i32 to vector<16xi32>
        %add3A_1055 = arith.addi %and3A_270, %add3A_1054 : vector<16xi32>
        %gather3A_1056 = tpu.vector_load_idx %arg8[%add3A_1055, %and3A_274] : memref<3200x8xf32, #tpu.memory_space<vmem>>[vector<16xi32>, vector<16xi32>], vector<16xf32>,
        %add3A_1057 = arith.addf %scan3A_1035, %gather3A_1056 : vector<16xf32>
        %add3A_1058 = arith.constant 6 : i32
        %add3A_1059 = arith.addi %add3A_1040, %add3A_1058 : i32
        %add3A_1060 = vector.broadcast %add3A_1059 : i32 to vector<16xi32>
        %add3A_1061 = arith.addi %and3A_270, %add3A_1060 : vector<16xi32>
        %gather3A_1062 = tpu.vector_load_idx %arg8[%add3A_1061, %and3A_274] : memref<3200x8xf32, #tpu.memory_space<vmem>>[vector<16xi32>, vector<16xi32>], vector<16xf32>,
        %add3A_1063 = arith.addf %scan3A_1036, %gather3A_1062 : vector<16xf32>
        scf.yield %add3A_1045, %add3A_1051, %add3A_1057, %add3A_1063 : vector<16xf32>, vector<16xf32>, vector<16xf32>, vector<16xf32>
      }
      %scan3A_302 = arith.constant 25 : i32
      %add3A_303 = arith.addf %scan3A_301#0, %scan3A_301#1 : vector<16xf32>
      %add3A_304 = arith.addf %scan3A_301#2, %scan3A_301#3 : vector<16xf32>
      %add3A_305 = arith.addf %add3A_303, %add3A_304 : vector<16xf32>
      %swap3A_306 = arith.constant 0 : index
      %swap3A_307 = tpu.vector_load %arg12[%swap3A_306] {strides = array<i32>} : memref<24xf32, #tpu.memory_space<vmem>>, vector<16xf32>,
      tpu.vector_store %arg12[%swap3A_306], %add3A_305 {strides = array<i32>} : memref<24xf32, #tpu.memory_space<vmem>>, vector<16xf32>,
      %get3A_308 = arith.constant 8 : index
      %get3A_309 = tpu.vector_load %arg12[%get3A_308] {strides = array<i32>} : memref<24xf32, #tpu.memory_space<vmem>>, vector<16xf32>,
      %add3A_310 = arith.addf %add3A_305, %get3A_309 : vector<16xf32>
      %add3A_311 = arith.addf %add3A_310, %get3A_264 : vector<16xf32>
      %mul3A_312 = arith.constant 16 : i32
      %mul3A_313 = arith.muli %mul3A_246, %mul3A_312 : i32
      %add3A_314 = arith.constant 1 : i32
      %add3A_315 = arith.addi %mul3A_313, %add3A_314 : i32
      %swap3A_316 = arith.index_cast %add3A_315 : i32 to index
      %swap3A_317 = arith.constant 0 : index
      %swap3A_318 = tpu.vector_load %arg10[%swap3A_316, %swap3A_317] {strides = array<i32>} : memref<512x16xf32, #tpu.memory_space<vmem>>, vector<16xf32>,
      tpu.vector_store %arg10[%swap3A_316, %swap3A_317], %add3A_311 {strides = array<i32>} : memref<512x16xf32, #tpu.memory_space<vmem>>, vector<16xf32>,
      %scan3A_319 = arith.constant 0 : i32
      %scan3A_320 = arith.constant 25 : i32
      %scan3A_321 = arith.addi %scan3A_319, %scan3A_320 : i32
      %scan3A_322 = arith.constant 1 : i32
      %scan3A_323:4 = scf.for %scan3A_1032 = %scan3A_319 to %scan3A_321 step %scan3A_322 iter_args(%scan3A_1033 = %broadcast_in_dim3A_266, %scan3A_1034 = %broadcast_in_dim3A_266, %scan3A_1035 = %broadcast_in_dim3A_266, %scan3A_1036 = %broadcast_in_dim3A_266) -> (vector<16xf32>, vector<16xf32>, vector<16xf32>, vector<16xf32>)  : i32 {
        %mul3A_1037 = arith.constant 8 : i32
        %mul3A_1038 = arith.muli %mul3A_1037, %scan3A_1032 : i32
        %add3A_1039 = arith.constant 400 : i32
        %add3A_1040 = arith.addi %add3A_1039, %mul3A_1038 : i32
        %add3A_1041 = arith.constant 0 : i32
        %add3A_1042 = arith.addi %add3A_1040, %add3A_1041 : i32
        %add3A_1043 = vector.broadcast %add3A_1042 : i32 to vector<16xi32>
        %add3A_1044 = arith.addi %and3A_270, %add3A_1043 : vector<16xi32>
        %gather3A = tpu.vector_load_idx %arg8[%add3A_1044, %and3A_274] : memref<3200x8xf32, #tpu.memory_space<vmem>>[vector<16xi32>, vector<16xi32>], vector<16xf32>,
        %add3A_1045 = arith.addf %scan3A_1033, %gather3A : vector<16xf32>
        %add3A_1046 = arith.constant 2 : i32
        %add3A_1047 = arith.addi %add3A_1040, %add3A_1046 : i32
        %add3A_1048 = vector.broadcast %add3A_1047 : i32 to vector<16xi32>
        %add3A_1049 = arith.addi %and3A_270, %add3A_1048 : vector<16xi32>
        %gather3A_1050 = tpu.vector_load_idx %arg8[%add3A_1049, %and3A_274] : memref<3200x8xf32, #tpu.memory_space<vmem>>[vector<16xi32>, vector<16xi32>], vector<16xf32>,
        %add3A_1051 = arith.addf %scan3A_1034, %gather3A_1050 : vector<16xf32>
        %add3A_1052 = arith.constant 4 : i32
        %add3A_1053 = arith.addi %add3A_1040, %add3A_1052 : i32
        %add3A_1054 = vector.broadcast %add3A_1053 : i32 to vector<16xi32>
        %add3A_1055 = arith.addi %and3A_270, %add3A_1054 : vector<16xi32>
        %gather3A_1056 = tpu.vector_load_idx %arg8[%add3A_1055, %and3A_274] : memref<3200x8xf32, #tpu.memory_space<vmem>>[vector<16xi32>, vector<16xi32>], vector<16xf32>,
        %add3A_1057 = arith.addf %scan3A_1035, %gather3A_1056 : vector<16xf32>
        %add3A_1058 = arith.constant 6 : i32
        %add3A_1059 = arith.addi %add3A_1040, %add3A_1058 : i32
        %add3A_1060 = vector.broadcast %add3A_1059 : i32 to vector<16xi32>
        %add3A_1061 = arith.addi %and3A_270, %add3A_1060 : vector<16xi32>
        %gather3A_1062 = tpu.vector_load_idx %arg8[%add3A_1061, %and3A_274] : memref<3200x8xf32, #tpu.memory_space<vmem>>[vector<16xi32>, vector<16xi32>], vector<16xf32>,
        %add3A_1063 = arith.addf %scan3A_1036, %gather3A_1062 : vector<16xf32>
        scf.yield %add3A_1045, %add3A_1051, %add3A_1057, %add3A_1063 : vector<16xf32>, vector<16xf32>, vector<16xf32>, vector<16xf32>
      }
      %scan3A_324 = arith.constant 25 : i32
      %add3A_325 = arith.addf %scan3A_323#0, %scan3A_323#1 : vector<16xf32>
      %add3A_326 = arith.addf %scan3A_323#2, %scan3A_323#3 : vector<16xf32>
      %add3A_327 = arith.addf %add3A_325, %add3A_326 : vector<16xf32>
      %swap3A_328 = arith.constant 0 : index
      %swap3A_329 = tpu.vector_load %arg12[%swap3A_328] {strides = array<i32>} : memref<24xf32, #tpu.memory_space<vmem>>, vector<16xf32>,
      tpu.vector_store %arg12[%swap3A_328], %add3A_327 {strides = array<i32>} : memref<24xf32, #tpu.memory_space<vmem>>, vector<16xf32>,
      %get3A_330 = arith.constant 8 : index
      %get3A_331 = tpu.vector_load %arg12[%get3A_330] {strides = array<i32>} : memref<24xf32, #tpu.memory_space<vmem>>, vector<16xf32>,
      %add3A_332 = arith.addf %add3A_327, %get3A_331 : vector<16xf32>
      %add3A_333 = arith.addf %add3A_332, %get3A_264 : vector<16xf32>
      %mul3A_334 = arith.constant 16 : i32
      %mul3A_335 = arith.muli %mul3A_246, %mul3A_334 : i32
      %add3A_336 = arith.constant 2 : i32
      %add3A_337 = arith.addi %mul3A_335, %add3A_336 : i32
      %swap3A_338 = arith.index_cast %add3A_337 : i32 to index
      %swap3A_339 = arith.constant 0 : index
      %swap3A_340 = tpu.vector_load %arg10[%swap3A_338, %swap3A_339] {strides = array<i32>} : memref<512x16xf32, #tpu.memory_space<vmem>>, vector<16xf32>,
      tpu.vector_store %arg10[%swap3A_338, %swap3A_339], %add3A_333 {strides = array<i32>} : memref<512x16xf32, #tpu.memory_space<vmem>>, vector<16xf32>,
      %scan3A_341 = arith.constant 0 : i32
      %scan3A_342 = arith.constant 25 : i32
      %scan3A_343 = arith.addi %scan3A_341, %scan3A_342 : i32
      %scan3A_344 = arith.constant 1 : i32
      %scan3A_345:4 = scf.for %scan3A_1032 = %scan3A_341 to %scan3A_343 step %scan3A_344 iter_args(%scan3A_1033 = %broadcast_in_dim3A_266, %scan3A_1034 = %broadcast_in_dim3A_266, %scan3A_1035 = %broadcast_in_dim3A_266, %scan3A_1036 = %broadcast_in_dim3A_266) -> (vector<16xf32>, vector<16xf32>, vector<16xf32>, vector<16xf32>)  : i32 {
        %mul3A_1037 = arith.constant 8 : i32
        %mul3A_1038 = arith.muli %mul3A_1037, %scan3A_1032 : i32
        %add3A_1039 = arith.constant 600 : i32
        %add3A_1040 = arith.addi %add3A_1039, %mul3A_1038 : i32
        %add3A_1041 = arith.constant 0 : i32
        %add3A_1042 = arith.addi %add3A_1040, %add3A_1041 : i32
        %add3A_1043 = vector.broadcast %add3A_1042 : i32 to vector<16xi32>
        %add3A_1044 = arith.addi %and3A_270, %add3A_1043 : vector<16xi32>
        %gather3A = tpu.vector_load_idx %arg8[%add3A_1044, %and3A_274] : memref<3200x8xf32, #tpu.memory_space<vmem>>[vector<16xi32>, vector<16xi32>], vector<16xf32>,
        %add3A_1045 = arith.addf %scan3A_1033, %gather3A : vector<16xf32>
        %add3A_1046 = arith.constant 2 : i32
        %add3A_1047 = arith.addi %add3A_1040, %add3A_1046 : i32
        %add3A_1048 = vector.broadcast %add3A_1047 : i32 to vector<16xi32>
        %add3A_1049 = arith.addi %and3A_270, %add3A_1048 : vector<16xi32>
        %gather3A_1050 = tpu.vector_load_idx %arg8[%add3A_1049, %and3A_274] : memref<3200x8xf32, #tpu.memory_space<vmem>>[vector<16xi32>, vector<16xi32>], vector<16xf32>,
        %add3A_1051 = arith.addf %scan3A_1034, %gather3A_1050 : vector<16xf32>
        %add3A_1052 = arith.constant 4 : i32
        %add3A_1053 = arith.addi %add3A_1040, %add3A_1052 : i32
        %add3A_1054 = vector.broadcast %add3A_1053 : i32 to vector<16xi32>
        %add3A_1055 = arith.addi %and3A_270, %add3A_1054 : vector<16xi32>
        %gather3A_1056 = tpu.vector_load_idx %arg8[%add3A_1055, %and3A_274] : memref<3200x8xf32, #tpu.memory_space<vmem>>[vector<16xi32>, vector<16xi32>], vector<16xf32>,
        %add3A_1057 = arith.addf %scan3A_1035, %gather3A_1056 : vector<16xf32>
        %add3A_1058 = arith.constant 6 : i32
        %add3A_1059 = arith.addi %add3A_1040, %add3A_1058 : i32
        %add3A_1060 = vector.broadcast %add3A_1059 : i32 to vector<16xi32>
        %add3A_1061 = arith.addi %and3A_270, %add3A_1060 : vector<16xi32>
        %gather3A_1062 = tpu.vector_load_idx %arg8[%add3A_1061, %and3A_274] : memref<3200x8xf32, #tpu.memory_space<vmem>>[vector<16xi32>, vector<16xi32>], vector<16xf32>,
        %add3A_1063 = arith.addf %scan3A_1036, %gather3A_1062 : vector<16xf32>
        scf.yield %add3A_1045, %add3A_1051, %add3A_1057, %add3A_1063 : vector<16xf32>, vector<16xf32>, vector<16xf32>, vector<16xf32>
      }
      %scan3A_346 = arith.constant 25 : i32
      %add3A_347 = arith.addf %scan3A_345#0, %scan3A_345#1 : vector<16xf32>
      %add3A_348 = arith.addf %scan3A_345#2, %scan3A_345#3 : vector<16xf32>
      %add3A_349 = arith.addf %add3A_347, %add3A_348 : vector<16xf32>
      %swap3A_350 = arith.constant 0 : index
      %swap3A_351 = tpu.vector_load %arg12[%swap3A_350] {strides = array<i32>} : memref<24xf32, #tpu.memory_space<vmem>>, vector<16xf32>,
      tpu.vector_store %arg12[%swap3A_350], %add3A_349 {strides = array<i32>} : memref<24xf32, #tpu.memory_space<vmem>>, vector<16xf32>,
      %get3A_352 = arith.constant 8 : index
      %get3A_353 = tpu.vector_load %arg12[%get3A_352] {strides = array<i32>} : memref<24xf32, #tpu.memory_space<vmem>>, vector<16xf32>,
      %add3A_354 = arith.addf %add3A_349, %get3A_353 : vector<16xf32>
      %add3A_355 = arith.addf %add3A_354, %get3A_264 : vector<16xf32>
      %mul3A_356 = arith.constant 16 : i32
      %mul3A_357 = arith.muli %mul3A_246, %mul3A_356 : i32
      %add3A_358 = arith.constant 3 : i32
      %add3A_359 = arith.addi %mul3A_357, %add3A_358 : i32
      %swap3A_360 = arith.index_cast %add3A_359 : i32 to index
      %swap3A_361 = arith.constant 0 : index
      %swap3A_362 = tpu.vector_load %arg10[%swap3A_360, %swap3A_361] {strides = array<i32>} : memref<512x16xf32, #tpu.memory_space<vmem>>, vector<16xf32>,
      tpu.vector_store %arg10[%swap3A_360, %swap3A_361], %add3A_355 {strides = array<i32>} : memref<512x16xf32, #tpu.memory_space<vmem>>, vector<16xf32>,
      %scan3A_363 = arith.constant 0 : i32
      %scan3A_364 = arith.constant 25 : i32
      %scan3A_365 = arith.addi %scan3A_363, %scan3A_364 : i32
      %scan3A_366 = arith.constant 1 : i32
      %scan3A_367:4 = scf.for %scan3A_1032 = %scan3A_363 to %scan3A_365 step %scan3A_366 iter_args(%scan3A_1033 = %broadcast_in_dim3A_266, %scan3A_1034 = %broadcast_in_dim3A_266, %scan3A_1035 = %broadcast_in_dim3A_266, %scan3A_1036 = %broadcast_in_dim3A_266) -> (vector<16xf32>, vector<16xf32>, vector<16xf32>, vector<16xf32>)  : i32 {
        %mul3A_1037 = arith.constant 8 : i32
        %mul3A_1038 = arith.muli %mul3A_1037, %scan3A_1032 : i32
        %add3A_1039 = arith.constant 800 : i32
        %add3A_1040 = arith.addi %add3A_1039, %mul3A_1038 : i32
        %add3A_1041 = arith.constant 0 : i32
        %add3A_1042 = arith.addi %add3A_1040, %add3A_1041 : i32
        %add3A_1043 = vector.broadcast %add3A_1042 : i32 to vector<16xi32>
        %add3A_1044 = arith.addi %and3A_270, %add3A_1043 : vector<16xi32>
        %gather3A = tpu.vector_load_idx %arg8[%add3A_1044, %and3A_274] : memref<3200x8xf32, #tpu.memory_space<vmem>>[vector<16xi32>, vector<16xi32>], vector<16xf32>,
        %add3A_1045 = arith.addf %scan3A_1033, %gather3A : vector<16xf32>
        %add3A_1046 = arith.constant 2 : i32
        %add3A_1047 = arith.addi %add3A_1040, %add3A_1046 : i32
        %add3A_1048 = vector.broadcast %add3A_1047 : i32 to vector<16xi32>
        %add3A_1049 = arith.addi %and3A_270, %add3A_1048 : vector<16xi32>
        %gather3A_1050 = tpu.vector_load_idx %arg8[%add3A_1049, %and3A_274] : memref<3200x8xf32, #tpu.memory_space<vmem>>[vector<16xi32>, vector<16xi32>], vector<16xf32>,
        %add3A_1051 = arith.addf %scan3A_1034, %gather3A_1050 : vector<16xf32>
        %add3A_1052 = arith.constant 4 : i32
        %add3A_1053 = arith.addi %add3A_1040, %add3A_1052 : i32
        %add3A_1054 = vector.broadcast %add3A_1053 : i32 to vector<16xi32>
        %add3A_1055 = arith.addi %and3A_270, %add3A_1054 : vector<16xi32>
        %gather3A_1056 = tpu.vector_load_idx %arg8[%add3A_1055, %and3A_274] : memref<3200x8xf32, #tpu.memory_space<vmem>>[vector<16xi32>, vector<16xi32>], vector<16xf32>,
        %add3A_1057 = arith.addf %scan3A_1035, %gather3A_1056 : vector<16xf32>
        %add3A_1058 = arith.constant 6 : i32
        %add3A_1059 = arith.addi %add3A_1040, %add3A_1058 : i32
        %add3A_1060 = vector.broadcast %add3A_1059 : i32 to vector<16xi32>
        %add3A_1061 = arith.addi %and3A_270, %add3A_1060 : vector<16xi32>
        %gather3A_1062 = tpu.vector_load_idx %arg8[%add3A_1061, %and3A_274] : memref<3200x8xf32, #tpu.memory_space<vmem>>[vector<16xi32>, vector<16xi32>], vector<16xf32>,
        %add3A_1063 = arith.addf %scan3A_1036, %gather3A_1062 : vector<16xf32>
        scf.yield %add3A_1045, %add3A_1051, %add3A_1057, %add3A_1063 : vector<16xf32>, vector<16xf32>, vector<16xf32>, vector<16xf32>
      }
      %scan3A_368 = arith.constant 25 : i32
      %add3A_369 = arith.addf %scan3A_367#0, %scan3A_367#1 : vector<16xf32>
      %add3A_370 = arith.addf %scan3A_367#2, %scan3A_367#3 : vector<16xf32>
      %add3A_371 = arith.addf %add3A_369, %add3A_370 : vector<16xf32>
      %swap3A_372 = arith.constant 0 : index
      %swap3A_373 = tpu.vector_load %arg12[%swap3A_372] {strides = array<i32>} : memref<24xf32, #tpu.memory_space<vmem>>, vector<16xf32>,
      tpu.vector_store %arg12[%swap3A_372], %add3A_371 {strides = array<i32>} : memref<24xf32, #tpu.memory_space<vmem>>, vector<16xf32>,
      %get3A_374 = arith.constant 8 : index
      %get3A_375 = tpu.vector_load %arg12[%get3A_374] {strides = array<i32>} : memref<24xf32, #tpu.memory_space<vmem>>, vector<16xf32>,
      %add3A_376 = arith.addf %add3A_371, %get3A_375 : vector<16xf32>
      %add3A_377 = arith.addf %add3A_376, %get3A_264 : vector<16xf32>
      %mul3A_378 = arith.constant 16 : i32
      %mul3A_379 = arith.muli %mul3A_246, %mul3A_378 : i32
      %add3A_380 = arith.constant 4 : i32
      %add3A_381 = arith.addi %mul3A_379, %add3A_380 : i32
      %swap3A_382 = arith.index_cast %add3A_381 : i32 to index
      %swap3A_383 = arith.constant 0 : index
      %swap3A_384 = tpu.vector_load %arg10[%swap3A_382, %swap3A_383] {strides = array<i32>} : memref<512x16xf32, #tpu.memory_space<vmem>>, vector<16xf32>,
      tpu.vector_store %arg10[%swap3A_382, %swap3A_383], %add3A_377 {strides = array<i32>} : memref<512x16xf32, #tpu.memory_space<vmem>>, vector<16xf32>,
      %scan3A_385 = arith.constant 0 : i32
      %scan3A_386 = arith.constant 25 : i32
      %scan3A_387 = arith.addi %scan3A_385, %scan3A_386 : i32
      %scan3A_388 = arith.constant 1 : i32
      %scan3A_389:4 = scf.for %scan3A_1032 = %scan3A_385 to %scan3A_387 step %scan3A_388 iter_args(%scan3A_1033 = %broadcast_in_dim3A_266, %scan3A_1034 = %broadcast_in_dim3A_266, %scan3A_1035 = %broadcast_in_dim3A_266, %scan3A_1036 = %broadcast_in_dim3A_266) -> (vector<16xf32>, vector<16xf32>, vector<16xf32>, vector<16xf32>)  : i32 {
        %mul3A_1037 = arith.constant 8 : i32
        %mul3A_1038 = arith.muli %mul3A_1037, %scan3A_1032 : i32
        %add3A_1039 = arith.constant 1000 : i32
        %add3A_1040 = arith.addi %add3A_1039, %mul3A_1038 : i32
        %add3A_1041 = arith.constant 0 : i32
        %add3A_1042 = arith.addi %add3A_1040, %add3A_1041 : i32
        %add3A_1043 = vector.broadcast %add3A_1042 : i32 to vector<16xi32>
        %add3A_1044 = arith.addi %and3A_270, %add3A_1043 : vector<16xi32>
        %gather3A = tpu.vector_load_idx %arg8[%add3A_1044, %and3A_274] : memref<3200x8xf32, #tpu.memory_space<vmem>>[vector<16xi32>, vector<16xi32>], vector<16xf32>,
        %add3A_1045 = arith.addf %scan3A_1033, %gather3A : vector<16xf32>
        %add3A_1046 = arith.constant 2 : i32
        %add3A_1047 = arith.addi %add3A_1040, %add3A_1046 : i32
        %add3A_1048 = vector.broadcast %add3A_1047 : i32 to vector<16xi32>
        %add3A_1049 = arith.addi %and3A_270, %add3A_1048 : vector<16xi32>
        %gather3A_1050 = tpu.vector_load_idx %arg8[%add3A_1049, %and3A_274] : memref<3200x8xf32, #tpu.memory_space<vmem>>[vector<16xi32>, vector<16xi32>], vector<16xf32>,
        %add3A_1051 = arith.addf %scan3A_1034, %gather3A_1050 : vector<16xf32>
        %add3A_1052 = arith.constant 4 : i32
        %add3A_1053 = arith.addi %add3A_1040, %add3A_1052 : i32
        %add3A_1054 = vector.broadcast %add3A_1053 : i32 to vector<16xi32>
        %add3A_1055 = arith.addi %and3A_270, %add3A_1054 : vector<16xi32>
        %gather3A_1056 = tpu.vector_load_idx %arg8[%add3A_1055, %and3A_274] : memref<3200x8xf32, #tpu.memory_space<vmem>>[vector<16xi32>, vector<16xi32>], vector<16xf32>,
        %add3A_1057 = arith.addf %scan3A_1035, %gather3A_1056 : vector<16xf32>
        %add3A_1058 = arith.constant 6 : i32
        %add3A_1059 = arith.addi %add3A_1040, %add3A_1058 : i32
        %add3A_1060 = vector.broadcast %add3A_1059 : i32 to vector<16xi32>
        %add3A_1061 = arith.addi %and3A_270, %add3A_1060 : vector<16xi32>
        %gather3A_1062 = tpu.vector_load_idx %arg8[%add3A_1061, %and3A_274] : memref<3200x8xf32, #tpu.memory_space<vmem>>[vector<16xi32>, vector<16xi32>], vector<16xf32>,
        %add3A_1063 = arith.addf %scan3A_1036, %gather3A_1062 : vector<16xf32>
        scf.yield %add3A_1045, %add3A_1051, %add3A_1057, %add3A_1063 : vector<16xf32>, vector<16xf32>, vector<16xf32>, vector<16xf32>
      }
      %scan3A_390 = arith.constant 25 : i32
      %add3A_391 = arith.addf %scan3A_389#0, %scan3A_389#1 : vector<16xf32>
      %add3A_392 = arith.addf %scan3A_389#2, %scan3A_389#3 : vector<16xf32>
      %add3A_393 = arith.addf %add3A_391, %add3A_392 : vector<16xf32>
      %swap3A_394 = arith.constant 0 : index
      %swap3A_395 = tpu.vector_load %arg12[%swap3A_394] {strides = array<i32>} : memref<24xf32, #tpu.memory_space<vmem>>, vector<16xf32>,
      tpu.vector_store %arg12[%swap3A_394], %add3A_393 {strides = array<i32>} : memref<24xf32, #tpu.memory_space<vmem>>, vector<16xf32>,
      %get3A_396 = arith.constant 8 : index
      %get3A_397 = tpu.vector_load %arg12[%get3A_396] {strides = array<i32>} : memref<24xf32, #tpu.memory_space<vmem>>, vector<16xf32>,
      %add3A_398 = arith.addf %add3A_393, %get3A_397 : vector<16xf32>
      %add3A_399 = arith.addf %add3A_398, %get3A_264 : vector<16xf32>
      %mul3A_400 = arith.constant 16 : i32
      %mul3A_401 = arith.muli %mul3A_246, %mul3A_400 : i32
      %add3A_402 = arith.constant 5 : i32
      %add3A_403 = arith.addi %mul3A_401, %add3A_402 : i32
      %swap3A_404 = arith.index_cast %add3A_403 : i32 to index
      %swap3A_405 = arith.constant 0 : index
      %swap3A_406 = tpu.vector_load %arg10[%swap3A_404, %swap3A_405] {strides = array<i32>} : memref<512x16xf32, #tpu.memory_space<vmem>>, vector<16xf32>,
      tpu.vector_store %arg10[%swap3A_404, %swap3A_405], %add3A_399 {strides = array<i32>} : memref<512x16xf32, #tpu.memory_space<vmem>>, vector<16xf32>,
      %scan3A_407 = arith.constant 0 : i32
      %scan3A_408 = arith.constant 25 : i32
      %scan3A_409 = arith.addi %scan3A_407, %scan3A_408 : i32
      %scan3A_410 = arith.constant 1 : i32
      %scan3A_411:4 = scf.for %scan3A_1032 = %scan3A_407 to %scan3A_409 step %scan3A_410 iter_args(%scan3A_1033 = %broadcast_in_dim3A_266, %scan3A_1034 = %broadcast_in_dim3A_266, %scan3A_1035 = %broadcast_in_dim3A_266, %scan3A_1036 = %broadcast_in_dim3A_266) -> (vector<16xf32>, vector<16xf32>, vector<16xf32>, vector<16xf32>)  : i32 {
        %mul3A_1037 = arith.constant 8 : i32
        %mul3A_1038 = arith.muli %mul3A_1037, %scan3A_1032 : i32
        %add3A_1039 = arith.constant 1200 : i32
        %add3A_1040 = arith.addi %add3A_1039, %mul3A_1038 : i32
        %add3A_1041 = arith.constant 0 : i32
        %add3A_1042 = arith.addi %add3A_1040, %add3A_1041 : i32
        %add3A_1043 = vector.broadcast %add3A_1042 : i32 to vector<16xi32>
        %add3A_1044 = arith.addi %and3A_270, %add3A_1043 : vector<16xi32>
        %gather3A = tpu.vector_load_idx %arg8[%add3A_1044, %and3A_274] : memref<3200x8xf32, #tpu.memory_space<vmem>>[vector<16xi32>, vector<16xi32>], vector<16xf32>,
        %add3A_1045 = arith.addf %scan3A_1033, %gather3A : vector<16xf32>
        %add3A_1046 = arith.constant 2 : i32
        %add3A_1047 = arith.addi %add3A_1040, %add3A_1046 : i32
        %add3A_1048 = vector.broadcast %add3A_1047 : i32 to vector<16xi32>
        %add3A_1049 = arith.addi %and3A_270, %add3A_1048 : vector<16xi32>
        %gather3A_1050 = tpu.vector_load_idx %arg8[%add3A_1049, %and3A_274] : memref<3200x8xf32, #tpu.memory_space<vmem>>[vector<16xi32>, vector<16xi32>], vector<16xf32>,
        %add3A_1051 = arith.addf %scan3A_1034, %gather3A_1050 : vector<16xf32>
        %add3A_1052 = arith.constant 4 : i32
        %add3A_1053 = arith.addi %add3A_1040, %add3A_1052 : i32
        %add3A_1054 = vector.broadcast %add3A_1053 : i32 to vector<16xi32>
        %add3A_1055 = arith.addi %and3A_270, %add3A_1054 : vector<16xi32>
        %gather3A_1056 = tpu.vector_load_idx %arg8[%add3A_1055, %and3A_274] : memref<3200x8xf32, #tpu.memory_space<vmem>>[vector<16xi32>, vector<16xi32>], vector<16xf32>,
        %add3A_1057 = arith.addf %scan3A_1035, %gather3A_1056 : vector<16xf32>
        %add3A_1058 = arith.constant 6 : i32
        %add3A_1059 = arith.addi %add3A_1040, %add3A_1058 : i32
        %add3A_1060 = vector.broadcast %add3A_1059 : i32 to vector<16xi32>
        %add3A_1061 = arith.addi %and3A_270, %add3A_1060 : vector<16xi32>
        %gather3A_1062 = tpu.vector_load_idx %arg8[%add3A_1061, %and3A_274] : memref<3200x8xf32, #tpu.memory_space<vmem>>[vector<16xi32>, vector<16xi32>], vector<16xf32>,
        %add3A_1063 = arith.addf %scan3A_1036, %gather3A_1062 : vector<16xf32>
        scf.yield %add3A_1045, %add3A_1051, %add3A_1057, %add3A_1063 : vector<16xf32>, vector<16xf32>, vector<16xf32>, vector<16xf32>
      }
      %scan3A_412 = arith.constant 25 : i32
      %add3A_413 = arith.addf %scan3A_411#0, %scan3A_411#1 : vector<16xf32>
      %add3A_414 = arith.addf %scan3A_411#2, %scan3A_411#3 : vector<16xf32>
      %add3A_415 = arith.addf %add3A_413, %add3A_414 : vector<16xf32>
      %swap3A_416 = arith.constant 0 : index
      %swap3A_417 = tpu.vector_load %arg12[%swap3A_416] {strides = array<i32>} : memref<24xf32, #tpu.memory_space<vmem>>, vector<16xf32>,
      tpu.vector_store %arg12[%swap3A_416], %add3A_415 {strides = array<i32>} : memref<24xf32, #tpu.memory_space<vmem>>, vector<16xf32>,
      %get3A_418 = arith.constant 8 : index
      %get3A_419 = tpu.vector_load %arg12[%get3A_418] {strides = array<i32>} : memref<24xf32, #tpu.memory_space<vmem>>, vector<16xf32>,
      %add3A_420 = arith.addf %add3A_415, %get3A_419 : vector<16xf32>
      %add3A_421 = arith.addf %add3A_420, %get3A_264 : vector<16xf32>
      %mul3A_422 = arith.constant 16 : i32
      %mul3A_423 = arith.muli %mul3A_246, %mul3A_422 : i32
      %add3A_424 = arith.constant 6 : i32
      %add3A_425 = arith.addi %mul3A_423, %add3A_424 : i32
      %swap3A_426 = arith.index_cast %add3A_425 : i32 to index
      %swap3A_427 = arith.constant 0 : index
      %swap3A_428 = tpu.vector_load %arg10[%swap3A_426, %swap3A_427] {strides = array<i32>} : memref<512x16xf32, #tpu.memory_space<vmem>>, vector<16xf32>,
      tpu.vector_store %arg10[%swap3A_426, %swap3A_427], %add3A_421 {strides = array<i32>} : memref<512x16xf32, #tpu.memory_space<vmem>>, vector<16xf32>,
      %scan3A_429 = arith.constant 0 : i32
      %scan3A_430 = arith.constant 25 : i32
      %scan3A_431 = arith.addi %scan3A_429, %scan3A_430 : i32
      %scan3A_432 = arith.constant 1 : i32
      %scan3A_433:4 = scf.for %scan3A_1032 = %scan3A_429 to %scan3A_431 step %scan3A_432 iter_args(%scan3A_1033 = %broadcast_in_dim3A_266, %scan3A_1034 = %broadcast_in_dim3A_266, %scan3A_1035 = %broadcast_in_dim3A_266, %scan3A_1036 = %broadcast_in_dim3A_266) -> (vector<16xf32>, vector<16xf32>, vector<16xf32>, vector<16xf32>)  : i32 {
        %mul3A_1037 = arith.constant 8 : i32
        %mul3A_1038 = arith.muli %mul3A_1037, %scan3A_1032 : i32
        %add3A_1039 = arith.constant 1400 : i32
        %add3A_1040 = arith.addi %add3A_1039, %mul3A_1038 : i32
        %add3A_1041 = arith.constant 0 : i32
        %add3A_1042 = arith.addi %add3A_1040, %add3A_1041 : i32
        %add3A_1043 = vector.broadcast %add3A_1042 : i32 to vector<16xi32>
        %add3A_1044 = arith.addi %and3A_270, %add3A_1043 : vector<16xi32>
        %gather3A = tpu.vector_load_idx %arg8[%add3A_1044, %and3A_274] : memref<3200x8xf32, #tpu.memory_space<vmem>>[vector<16xi32>, vector<16xi32>], vector<16xf32>,
        %add3A_1045 = arith.addf %scan3A_1033, %gather3A : vector<16xf32>
        %add3A_1046 = arith.constant 2 : i32
        %add3A_1047 = arith.addi %add3A_1040, %add3A_1046 : i32
        %add3A_1048 = vector.broadcast %add3A_1047 : i32 to vector<16xi32>
        %add3A_1049 = arith.addi %and3A_270, %add3A_1048 : vector<16xi32>
        %gather3A_1050 = tpu.vector_load_idx %arg8[%add3A_1049, %and3A_274] : memref<3200x8xf32, #tpu.memory_space<vmem>>[vector<16xi32>, vector<16xi32>], vector<16xf32>,
        %add3A_1051 = arith.addf %scan3A_1034, %gather3A_1050 : vector<16xf32>
        %add3A_1052 = arith.constant 4 : i32
        %add3A_1053 = arith.addi %add3A_1040, %add3A_1052 : i32
        %add3A_1054 = vector.broadcast %add3A_1053 : i32 to vector<16xi32>
        %add3A_1055 = arith.addi %and3A_270, %add3A_1054 : vector<16xi32>
        %gather3A_1056 = tpu.vector_load_idx %arg8[%add3A_1055, %and3A_274] : memref<3200x8xf32, #tpu.memory_space<vmem>>[vector<16xi32>, vector<16xi32>], vector<16xf32>,
        %add3A_1057 = arith.addf %scan3A_1035, %gather3A_1056 : vector<16xf32>
        %add3A_1058 = arith.constant 6 : i32
        %add3A_1059 = arith.addi %add3A_1040, %add3A_1058 : i32
        %add3A_1060 = vector.broadcast %add3A_1059 : i32 to vector<16xi32>
        %add3A_1061 = arith.addi %and3A_270, %add3A_1060 : vector<16xi32>
        %gather3A_1062 = tpu.vector_load_idx %arg8[%add3A_1061, %and3A_274] : memref<3200x8xf32, #tpu.memory_space<vmem>>[vector<16xi32>, vector<16xi32>], vector<16xf32>,
        %add3A_1063 = arith.addf %scan3A_1036, %gather3A_1062 : vector<16xf32>
        scf.yield %add3A_1045, %add3A_1051, %add3A_1057, %add3A_1063 : vector<16xf32>, vector<16xf32>, vector<16xf32>, vector<16xf32>
      }
      %scan3A_434 = arith.constant 25 : i32
      %add3A_435 = arith.addf %scan3A_433#0, %scan3A_433#1 : vector<16xf32>
      %add3A_436 = arith.addf %scan3A_433#2, %scan3A_433#3 : vector<16xf32>
      %add3A_437 = arith.addf %add3A_435, %add3A_436 : vector<16xf32>
      %swap3A_438 = arith.constant 0 : index
      %swap3A_439 = tpu.vector_load %arg12[%swap3A_438] {strides = array<i32>} : memref<24xf32, #tpu.memory_space<vmem>>, vector<16xf32>,
      tpu.vector_store %arg12[%swap3A_438], %add3A_437 {strides = array<i32>} : memref<24xf32, #tpu.memory_space<vmem>>, vector<16xf32>,
      %get3A_440 = arith.constant 8 : index
      %get3A_441 = tpu.vector_load %arg12[%get3A_440] {strides = array<i32>} : memref<24xf32, #tpu.memory_space<vmem>>, vector<16xf32>,
      %add3A_442 = arith.addf %add3A_437, %get3A_441 : vector<16xf32>
      %add3A_443 = arith.addf %add3A_442, %get3A_264 : vector<16xf32>
      %mul3A_444 = arith.constant 16 : i32
      %mul3A_445 = arith.muli %mul3A_246, %mul3A_444 : i32
      %add3A_446 = arith.constant 7 : i32
      %add3A_447 = arith.addi %mul3A_445, %add3A_446 : i32
      %swap3A_448 = arith.index_cast %add3A_447 : i32 to index
      %swap3A_449 = arith.constant 0 : index
      %swap3A_450 = tpu.vector_load %arg10[%swap3A_448, %swap3A_449] {strides = array<i32>} : memref<512x16xf32, #tpu.memory_space<vmem>>, vector<16xf32>,
      tpu.vector_store %arg10[%swap3A_448, %swap3A_449], %add3A_443 {strides = array<i32>} : memref<512x16xf32, #tpu.memory_space<vmem>>, vector<16xf32>,
      %scan3A_451 = arith.constant 0 : i32
      %scan3A_452 = arith.constant 25 : i32
      %scan3A_453 = arith.addi %scan3A_451, %scan3A_452 : i32
      %scan3A_454 = arith.constant 1 : i32
      %scan3A_455:4 = scf.for %scan3A_1032 = %scan3A_451 to %scan3A_453 step %scan3A_454 iter_args(%scan3A_1033 = %broadcast_in_dim3A_266, %scan3A_1034 = %broadcast_in_dim3A_266, %scan3A_1035 = %broadcast_in_dim3A_266, %scan3A_1036 = %broadcast_in_dim3A_266) -> (vector<16xf32>, vector<16xf32>, vector<16xf32>, vector<16xf32>)  : i32 {
        %mul3A_1037 = arith.constant 8 : i32
        %mul3A_1038 = arith.muli %mul3A_1037, %scan3A_1032 : i32
        %add3A_1039 = arith.constant 1600 : i32
        %add3A_1040 = arith.addi %add3A_1039, %mul3A_1038 : i32
        %add3A_1041 = arith.constant 0 : i32
        %add3A_1042 = arith.addi %add3A_1040, %add3A_1041 : i32
        %add3A_1043 = vector.broadcast %add3A_1042 : i32 to vector<16xi32>
        %add3A_1044 = arith.addi %and3A_270, %add3A_1043 : vector<16xi32>
        %gather3A = tpu.vector_load_idx %arg8[%add3A_1044, %and3A_274] : memref<3200x8xf32, #tpu.memory_space<vmem>>[vector<16xi32>, vector<16xi32>], vector<16xf32>,
        %add3A_1045 = arith.addf %scan3A_1033, %gather3A : vector<16xf32>
        %add3A_1046 = arith.constant 2 : i32
        %add3A_1047 = arith.addi %add3A_1040, %add3A_1046 : i32
        %add3A_1048 = vector.broadcast %add3A_1047 : i32 to vector<16xi32>
        %add3A_1049 = arith.addi %and3A_270, %add3A_1048 : vector<16xi32>
        %gather3A_1050 = tpu.vector_load_idx %arg8[%add3A_1049, %and3A_274] : memref<3200x8xf32, #tpu.memory_space<vmem>>[vector<16xi32>, vector<16xi32>], vector<16xf32>,
        %add3A_1051 = arith.addf %scan3A_1034, %gather3A_1050 : vector<16xf32>
        %add3A_1052 = arith.constant 4 : i32
        %add3A_1053 = arith.addi %add3A_1040, %add3A_1052 : i32
        %add3A_1054 = vector.broadcast %add3A_1053 : i32 to vector<16xi32>
        %add3A_1055 = arith.addi %and3A_270, %add3A_1054 : vector<16xi32>
        %gather3A_1056 = tpu.vector_load_idx %arg8[%add3A_1055, %and3A_274] : memref<3200x8xf32, #tpu.memory_space<vmem>>[vector<16xi32>, vector<16xi32>], vector<16xf32>,
        %add3A_1057 = arith.addf %scan3A_1035, %gather3A_1056 : vector<16xf32>
        %add3A_1058 = arith.constant 6 : i32
        %add3A_1059 = arith.addi %add3A_1040, %add3A_1058 : i32
        %add3A_1060 = vector.broadcast %add3A_1059 : i32 to vector<16xi32>
        %add3A_1061 = arith.addi %and3A_270, %add3A_1060 : vector<16xi32>
        %gather3A_1062 = tpu.vector_load_idx %arg8[%add3A_1061, %and3A_274] : memref<3200x8xf32, #tpu.memory_space<vmem>>[vector<16xi32>, vector<16xi32>], vector<16xf32>,
        %add3A_1063 = arith.addf %scan3A_1036, %gather3A_1062 : vector<16xf32>
        scf.yield %add3A_1045, %add3A_1051, %add3A_1057, %add3A_1063 : vector<16xf32>, vector<16xf32>, vector<16xf32>, vector<16xf32>
      }
      %scan3A_456 = arith.constant 25 : i32
      %add3A_457 = arith.addf %scan3A_455#0, %scan3A_455#1 : vector<16xf32>
      %add3A_458 = arith.addf %scan3A_455#2, %scan3A_455#3 : vector<16xf32>
      %add3A_459 = arith.addf %add3A_457, %add3A_458 : vector<16xf32>
      %swap3A_460 = arith.constant 0 : index
      %swap3A_461 = tpu.vector_load %arg12[%swap3A_460] {strides = array<i32>} : memref<24xf32, #tpu.memory_space<vmem>>, vector<16xf32>,
      tpu.vector_store %arg12[%swap3A_460], %add3A_459 {strides = array<i32>} : memref<24xf32, #tpu.memory_space<vmem>>, vector<16xf32>,
      %get3A_462 = arith.constant 8 : index
      %get3A_463 = tpu.vector_load %arg12[%get3A_462] {strides = array<i32>} : memref<24xf32, #tpu.memory_space<vmem>>, vector<16xf32>,
      %add3A_464 = arith.addf %add3A_459, %get3A_463 : vector<16xf32>
      %add3A_465 = arith.addf %add3A_464, %get3A_264 : vector<16xf32>
      %mul3A_466 = arith.constant 16 : i32
      %mul3A_467 = arith.muli %mul3A_246, %mul3A_466 : i32
      %add3A_468 = arith.constant 8 : i32
      %add3A_469 = arith.addi %mul3A_467, %add3A_468 : i32
      %swap3A_470 = arith.index_cast %add3A_469 : i32 to index
      %swap3A_471 = arith.constant 0 : index
      %swap3A_472 = tpu.vector_load %arg10[%swap3A_470, %swap3A_471] {strides = array<i32>} : memref<512x16xf32, #tpu.memory_space<vmem>>, vector<16xf32>,
      tpu.vector_store %arg10[%swap3A_470, %swap3A_471], %add3A_465 {strides = array<i32>} : memref<512x16xf32, #tpu.memory_space<vmem>>, vector<16xf32>,
      %scan3A_473 = arith.constant 0 : i32
      %scan3A_474 = arith.constant 25 : i32
      %scan3A_475 = arith.addi %scan3A_473, %scan3A_474 : i32
      %scan3A_476 = arith.constant 1 : i32
      %scan3A_477:4 = scf.for %scan3A_1032 = %scan3A_473 to %scan3A_475 step %scan3A_476 iter_args(%scan3A_1033 = %broadcast_in_dim3A_266, %scan3A_1034 = %broadcast_in_dim3A_266, %scan3A_1035 = %broadcast_in_dim3A_266, %scan3A_1036 = %broadcast_in_dim3A_266) -> (vector<16xf32>, vector<16xf32>, vector<16xf32>, vector<16xf32>)  : i32 {
        %mul3A_1037 = arith.constant 8 : i32
        %mul3A_1038 = arith.muli %mul3A_1037, %scan3A_1032 : i32
        %add3A_1039 = arith.constant 1800 : i32
        %add3A_1040 = arith.addi %add3A_1039, %mul3A_1038 : i32
        %add3A_1041 = arith.constant 0 : i32
        %add3A_1042 = arith.addi %add3A_1040, %add3A_1041 : i32
        %add3A_1043 = vector.broadcast %add3A_1042 : i32 to vector<16xi32>
        %add3A_1044 = arith.addi %and3A_270, %add3A_1043 : vector<16xi32>
        %gather3A = tpu.vector_load_idx %arg8[%add3A_1044, %and3A_274] : memref<3200x8xf32, #tpu.memory_space<vmem>>[vector<16xi32>, vector<16xi32>], vector<16xf32>,
        %add3A_1045 = arith.addf %scan3A_1033, %gather3A : vector<16xf32>
        %add3A_1046 = arith.constant 2 : i32
        %add3A_1047 = arith.addi %add3A_1040, %add3A_1046 : i32
        %add3A_1048 = vector.broadcast %add3A_1047 : i32 to vector<16xi32>
        %add3A_1049 = arith.addi %and3A_270, %add3A_1048 : vector<16xi32>
        %gather3A_1050 = tpu.vector_load_idx %arg8[%add3A_1049, %and3A_274] : memref<3200x8xf32, #tpu.memory_space<vmem>>[vector<16xi32>, vector<16xi32>], vector<16xf32>,
        %add3A_1051 = arith.addf %scan3A_1034, %gather3A_1050 : vector<16xf32>
        %add3A_1052 = arith.constant 4 : i32
        %add3A_1053 = arith.addi %add3A_1040, %add3A_1052 : i32
        %add3A_1054 = vector.broadcast %add3A_1053 : i32 to vector<16xi32>
        %add3A_1055 = arith.addi %and3A_270, %add3A_1054 : vector<16xi32>
        %gather3A_1056 = tpu.vector_load_idx %arg8[%add3A_1055, %and3A_274] : memref<3200x8xf32, #tpu.memory_space<vmem>>[vector<16xi32>, vector<16xi32>], vector<16xf32>,
        %add3A_1057 = arith.addf %scan3A_1035, %gather3A_1056 : vector<16xf32>
        %add3A_1058 = arith.constant 6 : i32
        %add3A_1059 = arith.addi %add3A_1040, %add3A_1058 : i32
        %add3A_1060 = vector.broadcast %add3A_1059 : i32 to vector<16xi32>
        %add3A_1061 = arith.addi %and3A_270, %add3A_1060 : vector<16xi32>
        %gather3A_1062 = tpu.vector_load_idx %arg8[%add3A_1061, %and3A_274] : memref<3200x8xf32, #tpu.memory_space<vmem>>[vector<16xi32>, vector<16xi32>], vector<16xf32>,
        %add3A_1063 = arith.addf %scan3A_1036, %gather3A_1062 : vector<16xf32>
        scf.yield %add3A_1045, %add3A_1051, %add3A_1057, %add3A_1063 : vector<16xf32>, vector<16xf32>, vector<16xf32>, vector<16xf32>
      }
      %scan3A_478 = arith.constant 25 : i32
      %add3A_479 = arith.addf %scan3A_477#0, %scan3A_477#1 : vector<16xf32>
      %add3A_480 = arith.addf %scan3A_477#2, %scan3A_477#3 : vector<16xf32>
      %add3A_481 = arith.addf %add3A_479, %add3A_480 : vector<16xf32>
      %swap3A_482 = arith.constant 0 : index
      %swap3A_483 = tpu.vector_load %arg12[%swap3A_482] {strides = array<i32>} : memref<24xf32, #tpu.memory_space<vmem>>, vector<16xf32>,
      tpu.vector_store %arg12[%swap3A_482], %add3A_481 {strides = array<i32>} : memref<24xf32, #tpu.memory_space<vmem>>, vector<16xf32>,
      %get3A_484 = arith.constant 8 : index
      %get3A_485 = tpu.vector_load %arg12[%get3A_484] {strides = array<i32>} : memref<24xf32, #tpu.memory_space<vmem>>, vector<16xf32>,
      %add3A_486 = arith.addf %add3A_481, %get3A_485 : vector<16xf32>
      %add3A_487 = arith.addf %add3A_486, %get3A_264 : vector<16xf32>
      %mul3A_488 = arith.constant 16 : i32
      %mul3A_489 = arith.muli %mul3A_246, %mul3A_488 : i32
      %add3A_490 = arith.constant 9 : i32
      %add3A_491 = arith.addi %mul3A_489, %add3A_490 : i32
      %swap3A_492 = arith.index_cast %add3A_491 : i32 to index
      %swap3A_493 = arith.constant 0 : index
      %swap3A_494 = tpu.vector_load %arg10[%swap3A_492, %swap3A_493] {strides = array<i32>} : memref<512x16xf32, #tpu.memory_space<vmem>>, vector<16xf32>,
      tpu.vector_store %arg10[%swap3A_492, %swap3A_493], %add3A_487 {strides = array<i32>} : memref<512x16xf32, #tpu.memory_space<vmem>>, vector<16xf32>,
      %scan3A_495 = arith.constant 0 : i32
      %scan3A_496 = arith.constant 25 : i32
      %scan3A_497 = arith.addi %scan3A_495, %scan3A_496 : i32
      %scan3A_498 = arith.constant 1 : i32
      %scan3A_499:4 = scf.for %scan3A_1032 = %scan3A_495 to %scan3A_497 step %scan3A_498 iter_args(%scan3A_1033 = %broadcast_in_dim3A_266, %scan3A_1034 = %broadcast_in_dim3A_266, %scan3A_1035 = %broadcast_in_dim3A_266, %scan3A_1036 = %broadcast_in_dim3A_266) -> (vector<16xf32>, vector<16xf32>, vector<16xf32>, vector<16xf32>)  : i32 {
        %mul3A_1037 = arith.constant 8 : i32
        %mul3A_1038 = arith.muli %mul3A_1037, %scan3A_1032 : i32
        %add3A_1039 = arith.constant 2000 : i32
        %add3A_1040 = arith.addi %add3A_1039, %mul3A_1038 : i32
        %add3A_1041 = arith.constant 0 : i32
        %add3A_1042 = arith.addi %add3A_1040, %add3A_1041 : i32
        %add3A_1043 = vector.broadcast %add3A_1042 : i32 to vector<16xi32>
        %add3A_1044 = arith.addi %and3A_270, %add3A_1043 : vector<16xi32>
        %gather3A = tpu.vector_load_idx %arg8[%add3A_1044, %and3A_274] : memref<3200x8xf32, #tpu.memory_space<vmem>>[vector<16xi32>, vector<16xi32>], vector<16xf32>,
        %add3A_1045 = arith.addf %scan3A_1033, %gather3A : vector<16xf32>
        %add3A_1046 = arith.constant 2 : i32
        %add3A_1047 = arith.addi %add3A_1040, %add3A_1046 : i32
        %add3A_1048 = vector.broadcast %add3A_1047 : i32 to vector<16xi32>
        %add3A_1049 = arith.addi %and3A_270, %add3A_1048 : vector<16xi32>
        %gather3A_1050 = tpu.vector_load_idx %arg8[%add3A_1049, %and3A_274] : memref<3200x8xf32, #tpu.memory_space<vmem>>[vector<16xi32>, vector<16xi32>], vector<16xf32>,
        %add3A_1051 = arith.addf %scan3A_1034, %gather3A_1050 : vector<16xf32>
        %add3A_1052 = arith.constant 4 : i32
        %add3A_1053 = arith.addi %add3A_1040, %add3A_1052 : i32
        %add3A_1054 = vector.broadcast %add3A_1053 : i32 to vector<16xi32>
        %add3A_1055 = arith.addi %and3A_270, %add3A_1054 : vector<16xi32>
        %gather3A_1056 = tpu.vector_load_idx %arg8[%add3A_1055, %and3A_274] : memref<3200x8xf32, #tpu.memory_space<vmem>>[vector<16xi32>, vector<16xi32>], vector<16xf32>,
        %add3A_1057 = arith.addf %scan3A_1035, %gather3A_1056 : vector<16xf32>
        %add3A_1058 = arith.constant 6 : i32
        %add3A_1059 = arith.addi %add3A_1040, %add3A_1058 : i32
        %add3A_1060 = vector.broadcast %add3A_1059 : i32 to vector<16xi32>
        %add3A_1061 = arith.addi %and3A_270, %add3A_1060 : vector<16xi32>
        %gather3A_1062 = tpu.vector_load_idx %arg8[%add3A_1061, %and3A_274] : memref<3200x8xf32, #tpu.memory_space<vmem>>[vector<16xi32>, vector<16xi32>], vector<16xf32>,
        %add3A_1063 = arith.addf %scan3A_1036, %gather3A_1062 : vector<16xf32>
        scf.yield %add3A_1045, %add3A_1051, %add3A_1057, %add3A_1063 : vector<16xf32>, vector<16xf32>, vector<16xf32>, vector<16xf32>
      }
      %scan3A_500 = arith.constant 25 : i32
      %add3A_501 = arith.addf %scan3A_499#0, %scan3A_499#1 : vector<16xf32>
      %add3A_502 = arith.addf %scan3A_499#2, %scan3A_499#3 : vector<16xf32>
      %add3A_503 = arith.addf %add3A_501, %add3A_502 : vector<16xf32>
      %swap3A_504 = arith.constant 0 : index
      %swap3A_505 = tpu.vector_load %arg12[%swap3A_504] {strides = array<i32>} : memref<24xf32, #tpu.memory_space<vmem>>, vector<16xf32>,
      tpu.vector_store %arg12[%swap3A_504], %add3A_503 {strides = array<i32>} : memref<24xf32, #tpu.memory_space<vmem>>, vector<16xf32>,
      %get3A_506 = arith.constant 8 : index
      %get3A_507 = tpu.vector_load %arg12[%get3A_506] {strides = array<i32>} : memref<24xf32, #tpu.memory_space<vmem>>, vector<16xf32>,
      %add3A_508 = arith.addf %add3A_503, %get3A_507 : vector<16xf32>
      %add3A_509 = arith.addf %add3A_508, %get3A_264 : vector<16xf32>
      %mul3A_510 = arith.constant 16 : i32
      %mul3A_511 = arith.muli %mul3A_246, %mul3A_510 : i32
      %add3A_512 = arith.constant 10 : i32
      %add3A_513 = arith.addi %mul3A_511, %add3A_512 : i32
      %swap3A_514 = arith.index_cast %add3A_513 : i32 to index
      %swap3A_515 = arith.constant 0 : index
      %swap3A_516 = tpu.vector_load %arg10[%swap3A_514, %swap3A_515] {strides = array<i32>} : memref<512x16xf32, #tpu.memory_space<vmem>>, vector<16xf32>,
      tpu.vector_store %arg10[%swap3A_514, %swap3A_515], %add3A_509 {strides = array<i32>} : memref<512x16xf32, #tpu.memory_space<vmem>>, vector<16xf32>,
      %scan3A_517 = arith.constant 0 : i32
      %scan3A_518 = arith.constant 25 : i32
      %scan3A_519 = arith.addi %scan3A_517, %scan3A_518 : i32
      %scan3A_520 = arith.constant 1 : i32
      %scan3A_521:4 = scf.for %scan3A_1032 = %scan3A_517 to %scan3A_519 step %scan3A_520 iter_args(%scan3A_1033 = %broadcast_in_dim3A_266, %scan3A_1034 = %broadcast_in_dim3A_266, %scan3A_1035 = %broadcast_in_dim3A_266, %scan3A_1036 = %broadcast_in_dim3A_266) -> (vector<16xf32>, vector<16xf32>, vector<16xf32>, vector<16xf32>)  : i32 {
        %mul3A_1037 = arith.constant 8 : i32
        %mul3A_1038 = arith.muli %mul3A_1037, %scan3A_1032 : i32
        %add3A_1039 = arith.constant 2200 : i32
        %add3A_1040 = arith.addi %add3A_1039, %mul3A_1038 : i32
        %add3A_1041 = arith.constant 0 : i32
        %add3A_1042 = arith.addi %add3A_1040, %add3A_1041 : i32
        %add3A_1043 = vector.broadcast %add3A_1042 : i32 to vector<16xi32>
        %add3A_1044 = arith.addi %and3A_270, %add3A_1043 : vector<16xi32>
        %gather3A = tpu.vector_load_idx %arg8[%add3A_1044, %and3A_274] : memref<3200x8xf32, #tpu.memory_space<vmem>>[vector<16xi32>, vector<16xi32>], vector<16xf32>,
        %add3A_1045 = arith.addf %scan3A_1033, %gather3A : vector<16xf32>
        %add3A_1046 = arith.constant 2 : i32
        %add3A_1047 = arith.addi %add3A_1040, %add3A_1046 : i32
        %add3A_1048 = vector.broadcast %add3A_1047 : i32 to vector<16xi32>
        %add3A_1049 = arith.addi %and3A_270, %add3A_1048 : vector<16xi32>
        %gather3A_1050 = tpu.vector_load_idx %arg8[%add3A_1049, %and3A_274] : memref<3200x8xf32, #tpu.memory_space<vmem>>[vector<16xi32>, vector<16xi32>], vector<16xf32>,
        %add3A_1051 = arith.addf %scan3A_1034, %gather3A_1050 : vector<16xf32>
        %add3A_1052 = arith.constant 4 : i32
        %add3A_1053 = arith.addi %add3A_1040, %add3A_1052 : i32
        %add3A_1054 = vector.broadcast %add3A_1053 : i32 to vector<16xi32>
        %add3A_1055 = arith.addi %and3A_270, %add3A_1054 : vector<16xi32>
        %gather3A_1056 = tpu.vector_load_idx %arg8[%add3A_1055, %and3A_274] : memref<3200x8xf32, #tpu.memory_space<vmem>>[vector<16xi32>, vector<16xi32>], vector<16xf32>,
        %add3A_1057 = arith.addf %scan3A_1035, %gather3A_1056 : vector<16xf32>
        %add3A_1058 = arith.constant 6 : i32
        %add3A_1059 = arith.addi %add3A_1040, %add3A_1058 : i32
        %add3A_1060 = vector.broadcast %add3A_1059 : i32 to vector<16xi32>
        %add3A_1061 = arith.addi %and3A_270, %add3A_1060 : vector<16xi32>
        %gather3A_1062 = tpu.vector_load_idx %arg8[%add3A_1061, %and3A_274] : memref<3200x8xf32, #tpu.memory_space<vmem>>[vector<16xi32>, vector<16xi32>], vector<16xf32>,
        %add3A_1063 = arith.addf %scan3A_1036, %gather3A_1062 : vector<16xf32>
        scf.yield %add3A_1045, %add3A_1051, %add3A_1057, %add3A_1063 : vector<16xf32>, vector<16xf32>, vector<16xf32>, vector<16xf32>
      }
      %scan3A_522 = arith.constant 25 : i32
      %add3A_523 = arith.addf %scan3A_521#0, %scan3A_521#1 : vector<16xf32>
      %add3A_524 = arith.addf %scan3A_521#2, %scan3A_521#3 : vector<16xf32>
      %add3A_525 = arith.addf %add3A_523, %add3A_524 : vector<16xf32>
      %swap3A_526 = arith.constant 0 : index
      %swap3A_527 = tpu.vector_load %arg12[%swap3A_526] {strides = array<i32>} : memref<24xf32, #tpu.memory_space<vmem>>, vector<16xf32>,
      tpu.vector_store %arg12[%swap3A_526], %add3A_525 {strides = array<i32>} : memref<24xf32, #tpu.memory_space<vmem>>, vector<16xf32>,
      %get3A_528 = arith.constant 8 : index
      %get3A_529 = tpu.vector_load %arg12[%get3A_528] {strides = array<i32>} : memref<24xf32, #tpu.memory_space<vmem>>, vector<16xf32>,
      %add3A_530 = arith.addf %add3A_525, %get3A_529 : vector<16xf32>
      %add3A_531 = arith.addf %add3A_530, %get3A_264 : vector<16xf32>
      %mul3A_532 = arith.constant 16 : i32
      %mul3A_533 = arith.muli %mul3A_246, %mul3A_532 : i32
      %add3A_534 = arith.constant 11 : i32
      %add3A_535 = arith.addi %mul3A_533, %add3A_534 : i32
      %swap3A_536 = arith.index_cast %add3A_535 : i32 to index
      %swap3A_537 = arith.constant 0 : index
      %swap3A_538 = tpu.vector_load %arg10[%swap3A_536, %swap3A_537] {strides = array<i32>} : memref<512x16xf32, #tpu.memory_space<vmem>>, vector<16xf32>,
      tpu.vector_store %arg10[%swap3A_536, %swap3A_537], %add3A_531 {strides = array<i32>} : memref<512x16xf32, #tpu.memory_space<vmem>>, vector<16xf32>,
      %scan3A_539 = arith.constant 0 : i32
      %scan3A_540 = arith.constant 25 : i32
      %scan3A_541 = arith.addi %scan3A_539, %scan3A_540 : i32
      %scan3A_542 = arith.constant 1 : i32
      %scan3A_543:4 = scf.for %scan3A_1032 = %scan3A_539 to %scan3A_541 step %scan3A_542 iter_args(%scan3A_1033 = %broadcast_in_dim3A_266, %scan3A_1034 = %broadcast_in_dim3A_266, %scan3A_1035 = %broadcast_in_dim3A_266, %scan3A_1036 = %broadcast_in_dim3A_266) -> (vector<16xf32>, vector<16xf32>, vector<16xf32>, vector<16xf32>)  : i32 {
        %mul3A_1037 = arith.constant 8 : i32
        %mul3A_1038 = arith.muli %mul3A_1037, %scan3A_1032 : i32
        %add3A_1039 = arith.constant 2400 : i32
        %add3A_1040 = arith.addi %add3A_1039, %mul3A_1038 : i32
        %add3A_1041 = arith.constant 0 : i32
        %add3A_1042 = arith.addi %add3A_1040, %add3A_1041 : i32
        %add3A_1043 = vector.broadcast %add3A_1042 : i32 to vector<16xi32>
        %add3A_1044 = arith.addi %and3A_270, %add3A_1043 : vector<16xi32>
        %gather3A = tpu.vector_load_idx %arg8[%add3A_1044, %and3A_274] : memref<3200x8xf32, #tpu.memory_space<vmem>>[vector<16xi32>, vector<16xi32>], vector<16xf32>,
        %add3A_1045 = arith.addf %scan3A_1033, %gather3A : vector<16xf32>
        %add3A_1046 = arith.constant 2 : i32
        %add3A_1047 = arith.addi %add3A_1040, %add3A_1046 : i32
        %add3A_1048 = vector.broadcast %add3A_1047 : i32 to vector<16xi32>
        %add3A_1049 = arith.addi %and3A_270, %add3A_1048 : vector<16xi32>
        %gather3A_1050 = tpu.vector_load_idx %arg8[%add3A_1049, %and3A_274] : memref<3200x8xf32, #tpu.memory_space<vmem>>[vector<16xi32>, vector<16xi32>], vector<16xf32>,
        %add3A_1051 = arith.addf %scan3A_1034, %gather3A_1050 : vector<16xf32>
        %add3A_1052 = arith.constant 4 : i32
        %add3A_1053 = arith.addi %add3A_1040, %add3A_1052 : i32
        %add3A_1054 = vector.broadcast %add3A_1053 : i32 to vector<16xi32>
        %add3A_1055 = arith.addi %and3A_270, %add3A_1054 : vector<16xi32>
        %gather3A_1056 = tpu.vector_load_idx %arg8[%add3A_1055, %and3A_274] : memref<3200x8xf32, #tpu.memory_space<vmem>>[vector<16xi32>, vector<16xi32>], vector<16xf32>,
        %add3A_1057 = arith.addf %scan3A_1035, %gather3A_1056 : vector<16xf32>
        %add3A_1058 = arith.constant 6 : i32
        %add3A_1059 = arith.addi %add3A_1040, %add3A_1058 : i32
        %add3A_1060 = vector.broadcast %add3A_1059 : i32 to vector<16xi32>
        %add3A_1061 = arith.addi %and3A_270, %add3A_1060 : vector<16xi32>
        %gather3A_1062 = tpu.vector_load_idx %arg8[%add3A_1061, %and3A_274] : memref<3200x8xf32, #tpu.memory_space<vmem>>[vector<16xi32>, vector<16xi32>], vector<16xf32>,
        %add3A_1063 = arith.addf %scan3A_1036, %gather3A_1062 : vector<16xf32>
        scf.yield %add3A_1045, %add3A_1051, %add3A_1057, %add3A_1063 : vector<16xf32>, vector<16xf32>, vector<16xf32>, vector<16xf32>
      }
      %scan3A_544 = arith.constant 25 : i32
      %add3A_545 = arith.addf %scan3A_543#0, %scan3A_543#1 : vector<16xf32>
      %add3A_546 = arith.addf %scan3A_543#2, %scan3A_543#3 : vector<16xf32>
      %add3A_547 = arith.addf %add3A_545, %add3A_546 : vector<16xf32>
      %swap3A_548 = arith.constant 0 : index
      %swap3A_549 = tpu.vector_load %arg12[%swap3A_548] {strides = array<i32>} : memref<24xf32, #tpu.memory_space<vmem>>, vector<16xf32>,
      tpu.vector_store %arg12[%swap3A_548], %add3A_547 {strides = array<i32>} : memref<24xf32, #tpu.memory_space<vmem>>, vector<16xf32>,
      %get3A_550 = arith.constant 8 : index
      %get3A_551 = tpu.vector_load %arg12[%get3A_550] {strides = array<i32>} : memref<24xf32, #tpu.memory_space<vmem>>, vector<16xf32>,
      %add3A_552 = arith.addf %add3A_547, %get3A_551 : vector<16xf32>
      %add3A_553 = arith.addf %add3A_552, %get3A_264 : vector<16xf32>
      %mul3A_554 = arith.constant 16 : i32
      %mul3A_555 = arith.muli %mul3A_246, %mul3A_554 : i32
      %add3A_556 = arith.constant 12 : i32
      %add3A_557 = arith.addi %mul3A_555, %add3A_556 : i32
      %swap3A_558 = arith.index_cast %add3A_557 : i32 to index
      %swap3A_559 = arith.constant 0 : index
      %swap3A_560 = tpu.vector_load %arg10[%swap3A_558, %swap3A_559] {strides = array<i32>} : memref<512x16xf32, #tpu.memory_space<vmem>>, vector<16xf32>,
      tpu.vector_store %arg10[%swap3A_558, %swap3A_559], %add3A_553 {strides = array<i32>} : memref<512x16xf32, #tpu.memory_space<vmem>>, vector<16xf32>,
      %scan3A_561 = arith.constant 0 : i32
      %scan3A_562 = arith.constant 25 : i32
      %scan3A_563 = arith.addi %scan3A_561, %scan3A_562 : i32
      %scan3A_564 = arith.constant 1 : i32
      %scan3A_565:4 = scf.for %scan3A_1032 = %scan3A_561 to %scan3A_563 step %scan3A_564 iter_args(%scan3A_1033 = %broadcast_in_dim3A_266, %scan3A_1034 = %broadcast_in_dim3A_266, %scan3A_1035 = %broadcast_in_dim3A_266, %scan3A_1036 = %broadcast_in_dim3A_266) -> (vector<16xf32>, vector<16xf32>, vector<16xf32>, vector<16xf32>)  : i32 {
        %mul3A_1037 = arith.constant 8 : i32
        %mul3A_1038 = arith.muli %mul3A_1037, %scan3A_1032 : i32
        %add3A_1039 = arith.constant 2600 : i32
        %add3A_1040 = arith.addi %add3A_1039, %mul3A_1038 : i32
        %add3A_1041 = arith.constant 0 : i32
        %add3A_1042 = arith.addi %add3A_1040, %add3A_1041 : i32
        %add3A_1043 = vector.broadcast %add3A_1042 : i32 to vector<16xi32>
        %add3A_1044 = arith.addi %and3A_270, %add3A_1043 : vector<16xi32>
        %gather3A = tpu.vector_load_idx %arg8[%add3A_1044, %and3A_274] : memref<3200x8xf32, #tpu.memory_space<vmem>>[vector<16xi32>, vector<16xi32>], vector<16xf32>,
        %add3A_1045 = arith.addf %scan3A_1033, %gather3A : vector<16xf32>
        %add3A_1046 = arith.constant 2 : i32
        %add3A_1047 = arith.addi %add3A_1040, %add3A_1046 : i32
        %add3A_1048 = vector.broadcast %add3A_1047 : i32 to vector<16xi32>
        %add3A_1049 = arith.addi %and3A_270, %add3A_1048 : vector<16xi32>
        %gather3A_1050 = tpu.vector_load_idx %arg8[%add3A_1049, %and3A_274] : memref<3200x8xf32, #tpu.memory_space<vmem>>[vector<16xi32>, vector<16xi32>], vector<16xf32>,
        %add3A_1051 = arith.addf %scan3A_1034, %gather3A_1050 : vector<16xf32>
        %add3A_1052 = arith.constant 4 : i32
        %add3A_1053 = arith.addi %add3A_1040, %add3A_1052 : i32
        %add3A_1054 = vector.broadcast %add3A_1053 : i32 to vector<16xi32>
        %add3A_1055 = arith.addi %and3A_270, %add3A_1054 : vector<16xi32>
        %gather3A_1056 = tpu.vector_load_idx %arg8[%add3A_1055, %and3A_274] : memref<3200x8xf32, #tpu.memory_space<vmem>>[vector<16xi32>, vector<16xi32>], vector<16xf32>,
        %add3A_1057 = arith.addf %scan3A_1035, %gather3A_1056 : vector<16xf32>
        %add3A_1058 = arith.constant 6 : i32
        %add3A_1059 = arith.addi %add3A_1040, %add3A_1058 : i32
        %add3A_1060 = vector.broadcast %add3A_1059 : i32 to vector<16xi32>
        %add3A_1061 = arith.addi %and3A_270, %add3A_1060 : vector<16xi32>
        %gather3A_1062 = tpu.vector_load_idx %arg8[%add3A_1061, %and3A_274] : memref<3200x8xf32, #tpu.memory_space<vmem>>[vector<16xi32>, vector<16xi32>], vector<16xf32>,
        %add3A_1063 = arith.addf %scan3A_1036, %gather3A_1062 : vector<16xf32>
        scf.yield %add3A_1045, %add3A_1051, %add3A_1057, %add3A_1063 : vector<16xf32>, vector<16xf32>, vector<16xf32>, vector<16xf32>
      }
      %scan3A_566 = arith.constant 25 : i32
      %add3A_567 = arith.addf %scan3A_565#0, %scan3A_565#1 : vector<16xf32>
      %add3A_568 = arith.addf %scan3A_565#2, %scan3A_565#3 : vector<16xf32>
      %add3A_569 = arith.addf %add3A_567, %add3A_568 : vector<16xf32>
      %swap3A_570 = arith.constant 0 : index
      %swap3A_571 = tpu.vector_load %arg12[%swap3A_570] {strides = array<i32>} : memref<24xf32, #tpu.memory_space<vmem>>, vector<16xf32>,
      tpu.vector_store %arg12[%swap3A_570], %add3A_569 {strides = array<i32>} : memref<24xf32, #tpu.memory_space<vmem>>, vector<16xf32>,
      %get3A_572 = arith.constant 8 : index
      %get3A_573 = tpu.vector_load %arg12[%get3A_572] {strides = array<i32>} : memref<24xf32, #tpu.memory_space<vmem>>, vector<16xf32>,
      %add3A_574 = arith.addf %add3A_569, %get3A_573 : vector<16xf32>
      %add3A_575 = arith.addf %add3A_574, %get3A_264 : vector<16xf32>
      %mul3A_576 = arith.constant 16 : i32
      %mul3A_577 = arith.muli %mul3A_246, %mul3A_576 : i32
      %add3A_578 = arith.constant 13 : i32
      %add3A_579 = arith.addi %mul3A_577, %add3A_578 : i32
      %swap3A_580 = arith.index_cast %add3A_579 : i32 to index
      %swap3A_581 = arith.constant 0 : index
      %swap3A_582 = tpu.vector_load %arg10[%swap3A_580, %swap3A_581] {strides = array<i32>} : memref<512x16xf32, #tpu.memory_space<vmem>>, vector<16xf32>,
      tpu.vector_store %arg10[%swap3A_580, %swap3A_581], %add3A_575 {strides = array<i32>} : memref<512x16xf32, #tpu.memory_space<vmem>>, vector<16xf32>,
      %scan3A_583 = arith.constant 0 : i32
      %scan3A_584 = arith.constant 25 : i32
      %scan3A_585 = arith.addi %scan3A_583, %scan3A_584 : i32
      %scan3A_586 = arith.constant 1 : i32
      %scan3A_587:4 = scf.for %scan3A_1032 = %scan3A_583 to %scan3A_585 step %scan3A_586 iter_args(%scan3A_1033 = %broadcast_in_dim3A_266, %scan3A_1034 = %broadcast_in_dim3A_266, %scan3A_1035 = %broadcast_in_dim3A_266, %scan3A_1036 = %broadcast_in_dim3A_266) -> (vector<16xf32>, vector<16xf32>, vector<16xf32>, vector<16xf32>)  : i32 {
        %mul3A_1037 = arith.constant 8 : i32
        %mul3A_1038 = arith.muli %mul3A_1037, %scan3A_1032 : i32
        %add3A_1039 = arith.constant 2800 : i32
        %add3A_1040 = arith.addi %add3A_1039, %mul3A_1038 : i32
        %add3A_1041 = arith.constant 0 : i32
        %add3A_1042 = arith.addi %add3A_1040, %add3A_1041 : i32
        %add3A_1043 = vector.broadcast %add3A_1042 : i32 to vector<16xi32>
        %add3A_1044 = arith.addi %and3A_270, %add3A_1043 : vector<16xi32>
        %gather3A = tpu.vector_load_idx %arg8[%add3A_1044, %and3A_274] : memref<3200x8xf32, #tpu.memory_space<vmem>>[vector<16xi32>, vector<16xi32>], vector<16xf32>,
        %add3A_1045 = arith.addf %scan3A_1033, %gather3A : vector<16xf32>
        %add3A_1046 = arith.constant 2 : i32
        %add3A_1047 = arith.addi %add3A_1040, %add3A_1046 : i32
        %add3A_1048 = vector.broadcast %add3A_1047 : i32 to vector<16xi32>
        %add3A_1049 = arith.addi %and3A_270, %add3A_1048 : vector<16xi32>
        %gather3A_1050 = tpu.vector_load_idx %arg8[%add3A_1049, %and3A_274] : memref<3200x8xf32, #tpu.memory_space<vmem>>[vector<16xi32>, vector<16xi32>], vector<16xf32>,
        %add3A_1051 = arith.addf %scan3A_1034, %gather3A_1050 : vector<16xf32>
        %add3A_1052 = arith.constant 4 : i32
        %add3A_1053 = arith.addi %add3A_1040, %add3A_1052 : i32
        %add3A_1054 = vector.broadcast %add3A_1053 : i32 to vector<16xi32>
        %add3A_1055 = arith.addi %and3A_270, %add3A_1054 : vector<16xi32>
        %gather3A_1056 = tpu.vector_load_idx %arg8[%add3A_1055, %and3A_274] : memref<3200x8xf32, #tpu.memory_space<vmem>>[vector<16xi32>, vector<16xi32>], vector<16xf32>,
        %add3A_1057 = arith.addf %scan3A_1035, %gather3A_1056 : vector<16xf32>
        %add3A_1058 = arith.constant 6 : i32
        %add3A_1059 = arith.addi %add3A_1040, %add3A_1058 : i32
        %add3A_1060 = vector.broadcast %add3A_1059 : i32 to vector<16xi32>
        %add3A_1061 = arith.addi %and3A_270, %add3A_1060 : vector<16xi32>
        %gather3A_1062 = tpu.vector_load_idx %arg8[%add3A_1061, %and3A_274] : memref<3200x8xf32, #tpu.memory_space<vmem>>[vector<16xi32>, vector<16xi32>], vector<16xf32>,
        %add3A_1063 = arith.addf %scan3A_1036, %gather3A_1062 : vector<16xf32>
        scf.yield %add3A_1045, %add3A_1051, %add3A_1057, %add3A_1063 : vector<16xf32>, vector<16xf32>, vector<16xf32>, vector<16xf32>
      }
      %scan3A_588 = arith.constant 25 : i32
      %add3A_589 = arith.addf %scan3A_587#0, %scan3A_587#1 : vector<16xf32>
      %add3A_590 = arith.addf %scan3A_587#2, %scan3A_587#3 : vector<16xf32>
      %add3A_591 = arith.addf %add3A_589, %add3A_590 : vector<16xf32>
      %swap3A_592 = arith.constant 0 : index
      %swap3A_593 = tpu.vector_load %arg12[%swap3A_592] {strides = array<i32>} : memref<24xf32, #tpu.memory_space<vmem>>, vector<16xf32>,
      tpu.vector_store %arg12[%swap3A_592], %add3A_591 {strides = array<i32>} : memref<24xf32, #tpu.memory_space<vmem>>, vector<16xf32>,
      %get3A_594 = arith.constant 8 : index
      %get3A_595 = tpu.vector_load %arg12[%get3A_594] {strides = array<i32>} : memref<24xf32, #tpu.memory_space<vmem>>, vector<16xf32>,
      %add3A_596 = arith.addf %add3A_591, %get3A_595 : vector<16xf32>
      %add3A_597 = arith.addf %add3A_596, %get3A_264 : vector<16xf32>
      %mul3A_598 = arith.constant 16 : i32
      %mul3A_599 = arith.muli %mul3A_246, %mul3A_598 : i32
      %add3A_600 = arith.constant 14 : i32
      %add3A_601 = arith.addi %mul3A_599, %add3A_600 : i32
      %swap3A_602 = arith.index_cast %add3A_601 : i32 to index
      %swap3A_603 = arith.constant 0 : index
      %swap3A_604 = tpu.vector_load %arg10[%swap3A_602, %swap3A_603] {strides = array<i32>} : memref<512x16xf32, #tpu.memory_space<vmem>>, vector<16xf32>,
      tpu.vector_store %arg10[%swap3A_602, %swap3A_603], %add3A_597 {strides = array<i32>} : memref<512x16xf32, #tpu.memory_space<vmem>>, vector<16xf32>,
      %scan3A_605 = arith.constant 0 : i32
      %scan3A_606 = arith.constant 25 : i32
      %scan3A_607 = arith.addi %scan3A_605, %scan3A_606 : i32
      %scan3A_608 = arith.constant 1 : i32
      %scan3A_609:4 = scf.for %scan3A_1032 = %scan3A_605 to %scan3A_607 step %scan3A_608 iter_args(%scan3A_1033 = %broadcast_in_dim3A_266, %scan3A_1034 = %broadcast_in_dim3A_266, %scan3A_1035 = %broadcast_in_dim3A_266, %scan3A_1036 = %broadcast_in_dim3A_266) -> (vector<16xf32>, vector<16xf32>, vector<16xf32>, vector<16xf32>)  : i32 {
        %mul3A_1037 = arith.constant 8 : i32
        %mul3A_1038 = arith.muli %mul3A_1037, %scan3A_1032 : i32
        %add3A_1039 = arith.constant 3000 : i32
        %add3A_1040 = arith.addi %add3A_1039, %mul3A_1038 : i32
        %add3A_1041 = arith.constant 0 : i32
        %add3A_1042 = arith.addi %add3A_1040, %add3A_1041 : i32
        %add3A_1043 = vector.broadcast %add3A_1042 : i32 to vector<16xi32>
        %add3A_1044 = arith.addi %and3A_270, %add3A_1043 : vector<16xi32>
        %gather3A = tpu.vector_load_idx %arg8[%add3A_1044, %and3A_274] : memref<3200x8xf32, #tpu.memory_space<vmem>>[vector<16xi32>, vector<16xi32>], vector<16xf32>,
        %add3A_1045 = arith.addf %scan3A_1033, %gather3A : vector<16xf32>
        %add3A_1046 = arith.constant 2 : i32
        %add3A_1047 = arith.addi %add3A_1040, %add3A_1046 : i32
        %add3A_1048 = vector.broadcast %add3A_1047 : i32 to vector<16xi32>
        %add3A_1049 = arith.addi %and3A_270, %add3A_1048 : vector<16xi32>
        %gather3A_1050 = tpu.vector_load_idx %arg8[%add3A_1049, %and3A_274] : memref<3200x8xf32, #tpu.memory_space<vmem>>[vector<16xi32>, vector<16xi32>], vector<16xf32>,
        %add3A_1051 = arith.addf %scan3A_1034, %gather3A_1050 : vector<16xf32>
        %add3A_1052 = arith.constant 4 : i32
        %add3A_1053 = arith.addi %add3A_1040, %add3A_1052 : i32
        %add3A_1054 = vector.broadcast %add3A_1053 : i32 to vector<16xi32>
        %add3A_1055 = arith.addi %and3A_270, %add3A_1054 : vector<16xi32>
        %gather3A_1056 = tpu.vector_load_idx %arg8[%add3A_1055, %and3A_274] : memref<3200x8xf32, #tpu.memory_space<vmem>>[vector<16xi32>, vector<16xi32>], vector<16xf32>,
        %add3A_1057 = arith.addf %scan3A_1035, %gather3A_1056 : vector<16xf32>
        %add3A_1058 = arith.constant 6 : i32
        %add3A_1059 = arith.addi %add3A_1040, %add3A_1058 : i32
        %add3A_1060 = vector.broadcast %add3A_1059 : i32 to vector<16xi32>
        %add3A_1061 = arith.addi %and3A_270, %add3A_1060 : vector<16xi32>
        %gather3A_1062 = tpu.vector_load_idx %arg8[%add3A_1061, %and3A_274] : memref<3200x8xf32, #tpu.memory_space<vmem>>[vector<16xi32>, vector<16xi32>], vector<16xf32>,
        %add3A_1063 = arith.addf %scan3A_1036, %gather3A_1062 : vector<16xf32>
        scf.yield %add3A_1045, %add3A_1051, %add3A_1057, %add3A_1063 : vector<16xf32>, vector<16xf32>, vector<16xf32>, vector<16xf32>
      }
      %scan3A_610 = arith.constant 25 : i32
      %add3A_611 = arith.addf %scan3A_609#0, %scan3A_609#1 : vector<16xf32>
      %add3A_612 = arith.addf %scan3A_609#2, %scan3A_609#3 : vector<16xf32>
      %add3A_613 = arith.addf %add3A_611, %add3A_612 : vector<16xf32>
      %swap3A_614 = arith.constant 0 : index
      %swap3A_615 = tpu.vector_load %arg12[%swap3A_614] {strides = array<i32>} : memref<24xf32, #tpu.memory_space<vmem>>, vector<16xf32>,
      tpu.vector_store %arg12[%swap3A_614], %add3A_613 {strides = array<i32>} : memref<24xf32, #tpu.memory_space<vmem>>, vector<16xf32>,
      %get3A_616 = arith.constant 8 : index
      %get3A_617 = tpu.vector_load %arg12[%get3A_616] {strides = array<i32>} : memref<24xf32, #tpu.memory_space<vmem>>, vector<16xf32>,
      %add3A_618 = arith.addf %add3A_613, %get3A_617 : vector<16xf32>
      %add3A_619 = arith.addf %add3A_618, %get3A_264 : vector<16xf32>
      %mul3A_620 = arith.constant 16 : i32
      %mul3A_621 = arith.muli %mul3A_246, %mul3A_620 : i32
      %add3A_622 = arith.constant 15 : i32
      %add3A_623 = arith.addi %mul3A_621, %add3A_622 : i32
      %swap3A_624 = arith.index_cast %add3A_623 : i32 to index
      %swap3A_625 = arith.constant 0 : index
      %swap3A_626 = tpu.vector_load %arg10[%swap3A_624, %swap3A_625] {strides = array<i32>} : memref<512x16xf32, #tpu.memory_space<vmem>>, vector<16xf32>,
      tpu.vector_store %arg10[%swap3A_624, %swap3A_625], %add3A_619 {strides = array<i32>} : memref<512x16xf32, #tpu.memory_space<vmem>>, vector<16xf32>,
      %add3A_627 = arith.constant 2 : i32
      %add3A_628 = arith.addi %mul3A_246, %add3A_627 : i32
      %lt3A_629 = arith.constant 32 : i32
      %lt3A_630 = arith.cmpi slt, %add3A_628, %lt3A_629 : i32
      %convert_element_type3A_631 = arith.extui %lt3A_630 : i1 to i32
      %cond3A_632 = arith.constant 0 : i32
      %cond3A_633 = arith.cmpi ne, %convert_element_type3A_631, %cond3A_632 : i32
      scf.if %cond3A_633 {
        %add3A_1032 = arith.constant 2 : i32
        %add3A_1033 = arith.addi %mul3A_246, %add3A_1032 : i32
        %mul3A_1034 = arith.constant 16 : i32
        %mul3A_1035 = arith.muli %add3A_1033, %mul3A_1034 : i32
        %add3A_1036 = arith.addi %mul3A_2, %mul3A_1035 : i32
        %mul3A_1037 = arith.constant 200 : i32
        %mul3A_1038 = arith.muli %add3A_1036, %mul3A_1037 : i32
        %dma_wait3A_1039 = tpu.memref_slice %arg3[%mul3A_1038] : memref<3276800xi32, #tpu.memory_space<hbm>> -> memref<3200xi32, #tpu.memory_space<hbm>>
        %dma_wait3A_1040 = tpu.memref_slice %arg3[%mul3A_1038] : memref<3276800xi32, #tpu.memory_space<hbm>> -> memref<3200xi32, #tpu.memory_space<hbm>>
        tpu.wait_dma2 semaphore(%arg15 : memref<!tpu.dma_semaphore, #tpu.memory_space<semaphore_mem>>) src(%dma_wait3A_1040 : memref<3200xi32, #tpu.memory_space<hbm>>) dst(%arg6 : memref<3200xi32, #tpu.memory_space<vmem>>)
        %scan3A_1041 = arith.constant 0 : i32
        %scan3A_1042 = arith.constant 0 : i32
        %scan3A_1043 = arith.constant 200 : i32
        %scan3A_1044 = arith.addi %scan3A_1042, %scan3A_1043 : i32
        %scan3A_1045 = arith.constant 1 : i32
        scf.for %scan3A_1047 = %scan3A_1042 to %scan3A_1044 step %scan3A_1045  : i32 {
          %mul3A_1048 = arith.constant 16 : i32
          %mul3A_1049 = arith.muli %scan3A_1047, %mul3A_1048 : i32
          %get3A_1050 = arith.index_cast %mul3A_1049 : i32 to index
          %get3A_1051 = tpu.vector_load %arg6[%get3A_1050] {strides = array<i32>} : memref<3200xi32, #tpu.memory_space<vmem>>, vector<16xi32>,
          %and3A_1052 = arith.constant -32768 : i32
          %and3A_1053 = vector.broadcast %and3A_1052 : i32 to vector<16xi32>
          %and3A_1054 = arith.andi %get3A_1051, %and3A_1053 : vector<16xi32>
          %and3A_1055 = arith.constant 2047 : i32
          %and3A_1056 = vector.broadcast %and3A_1055 : i32 to vector<16xi32>
          %and3A_1057 = arith.andi %get3A_1051, %and3A_1056 : vector<16xi32>
          %shift_left3A = arith.constant 4 : i32
          %shift_left3A_1058 = vector.broadcast %shift_left3A : i32 to vector<16xi32>
          %shift_left3A_1059 = arith.shli %and3A_1057, %shift_left3A_1058 : vector<16xi32>
          %or3A = arith.ori %and3A_1054, %shift_left3A_1059 : vector<16xi32>
          %shift_right_arithmetic3A_1060 = arith.constant 11 : i32
          %shift_right_arithmetic3A_1061 = vector.broadcast %shift_right_arithmetic3A_1060 : i32 to vector<16xi32>
          %shift_right_arithmetic3A_1062 = arith.shrsi %get3A_1051, %shift_right_arithmetic3A_1061 : vector<16xi32>
          %and3A_1063 = arith.constant 15 : i32
          %and3A_1064 = vector.broadcast %and3A_1063 : i32 to vector<16xi32>
          %and3A_1065 = arith.andi %shift_right_arithmetic3A_1062, %and3A_1064 : vector<16xi32>
          %or3A_1066 = arith.ori %or3A, %and3A_1065 : vector<16xi32>
          %swap3A_1067 = arith.index_cast %mul3A_1049 : i32 to index
          %swap3A_1068 = tpu.vector_load %arg6[%swap3A_1067] {strides = array<i32>} : memref<3200xi32, #tpu.memory_space<vmem>>, vector<16xi32>,
          tpu.vector_store %arg6[%swap3A_1067], %or3A_1066 {strides = array<i32>} : memref<3200xi32, #tpu.memory_space<vmem>>, vector<16xi32>,
        }
        %scan3A_1046 = arith.constant 200 : i32
      } else {
      }
      %mul3A_634 = arith.constant 2 : i32
      %mul3A_635 = arith.muli %mul3A_634, %scan3A_244 : i32
      %add3A_636 = arith.constant 1 : i32
      %add3A_637 = arith.addi %mul3A_635, %add3A_636 : i32
      %dma_wait3A_638 = arith.constant 0 : i32
      %dma_wait3A_639 = arith.constant 0 : i32
      %dma_wait3A_640 = tpu.memref_slice %arg2[%dma_wait3A_638, %dma_wait3A_639] : memref<1015808x8xf32, #tpu.memory_space<hbm>> -> memref<3200x8xf32, #tpu.memory_space<hbm>>
      %dma_wait3A_641 = arith.constant 0 : i32
      %dma_wait3A_642 = arith.constant 0 : i32
      %dma_wait3A_643 = tpu.memref_slice %arg2[%dma_wait3A_641, %dma_wait3A_642] : memref<1015808x8xf32, #tpu.memory_space<hbm>> -> memref<3200x8xf32, #tpu.memory_space<hbm>>
      tpu.wait_dma2 semaphore(%arg14 : memref<!tpu.dma_semaphore, #tpu.memory_space<semaphore_mem>>) src(%dma_wait3A_643 : memref<3200x8xf32, #tpu.memory_space<hbm>>) dst(%arg9 : memref<3200x8xf32, #tpu.memory_space<vmem>>)
      %add3A_644 = arith.constant 1 : i32
      %add3A_645 = arith.addi %add3A_637, %add3A_644 : i32
      %lt3A_646 = arith.constant 32 : i32
      %lt3A_647 = arith.cmpi slt, %add3A_645, %lt3A_646 : i32
      %convert_element_type3A_648 = arith.extui %lt3A_647 : i1 to i32
      %cond3A_649 = arith.constant 0 : i32
      %cond3A_650 = arith.cmpi ne, %convert_element_type3A_648, %cond3A_649 : i32
      scf.if %cond3A_650 {
        %dma_start3A_1032 = arith.constant 0 : i32
        %dma_start3A_1033 = arith.constant 0 : i32
        %dma_start3A_1034 = tpu.memref_slice %arg8[%dma_start3A_1032, %dma_start3A_1033] : memref<3200x8xf32, #tpu.memory_space<vmem>> -> memref<128x8xf32, #tpu.memory_space<vmem>>
        %dma_start3A_1035 = arith.constant 0 : i32
        %dma_start3A_1036 = tpu.memref_slice %arg6[%dma_start3A_1035] : memref<3200xi32, #tpu.memory_space<vmem>> -> memref<128xi32, #tpu.memory_space<vmem>>
        %dma_start3A_1037 = arith.constant 0 : i32
        %dma_start3A_1038 = arith.constant 0 : i32
        %dma_start3A_1039 = tpu.memref_slice %arg2[%dma_start3A_1037, %dma_start3A_1038] : memref<1015808x8xf32, #tpu.memory_space<hbm>> -> memref<1015808x8xf32, #tpu.memory_space<hbm>>
        tpu.enqueue_indirect_dma source(%dma_start3A_1039 : memref<1015808x8xf32, #tpu.memory_space<hbm>>) target(%dma_start3A_1034 : memref<128x8xf32, #tpu.memory_space<vmem>>) offsets(%dma_start3A_1036 : memref<128xi32, #tpu.memory_space<vmem>>) semaphore(%arg13 : memref<!tpu.dma_semaphore, #tpu.memory_space<semaphore_mem>>)
        %dma_start3A_1040 = arith.constant 128 : i32
        %dma_start3A_1041 = arith.constant 0 : i32
        %dma_start3A_1042 = tpu.memref_slice %arg8[%dma_start3A_1040, %dma_start3A_1041] : memref<3200x8xf32, #tpu.memory_space<vmem>> -> memref<128x8xf32, #tpu.memory_space<vmem>>
        %dma_start3A_1043 = arith.constant 128 : i32
        %dma_start3A_1044 = tpu.memref_slice %arg6[%dma_start3A_1043] : memref<3200xi32, #tpu.memory_space<vmem>> -> memref<128xi32, #tpu.memory_space<vmem>>
        %dma_start3A_1045 = arith.constant 0 : i32
        %dma_start3A_1046 = arith.constant 0 : i32
        %dma_start3A_1047 = tpu.memref_slice %arg2[%dma_start3A_1045, %dma_start3A_1046] : memref<1015808x8xf32, #tpu.memory_space<hbm>> -> memref<1015808x8xf32, #tpu.memory_space<hbm>>
        tpu.enqueue_indirect_dma source(%dma_start3A_1047 : memref<1015808x8xf32, #tpu.memory_space<hbm>>) target(%dma_start3A_1042 : memref<128x8xf32, #tpu.memory_space<vmem>>) offsets(%dma_start3A_1044 : memref<128xi32, #tpu.memory_space<vmem>>) semaphore(%arg13 : memref<!tpu.dma_semaphore, #tpu.memory_space<semaphore_mem>>)
        %dma_start3A_1048 = arith.constant 256 : i32
        %dma_start3A_1049 = arith.constant 0 : i32
        %dma_start3A_1050 = tpu.memref_slice %arg8[%dma_start3A_1048, %dma_start3A_1049] : memref<3200x8xf32, #tpu.memory_space<vmem>> -> memref<128x8xf32, #tpu.memory_space<vmem>>
        %dma_start3A_1051 = arith.constant 256 : i32
        %dma_start3A_1052 = tpu.memref_slice %arg6[%dma_start3A_1051] : memref<3200xi32, #tpu.memory_space<vmem>> -> memref<128xi32, #tpu.memory_space<vmem>>
        %dma_start3A_1053 = arith.constant 0 : i32
        %dma_start3A_1054 = arith.constant 0 : i32
        %dma_start3A_1055 = tpu.memref_slice %arg2[%dma_start3A_1053, %dma_start3A_1054] : memref<1015808x8xf32, #tpu.memory_space<hbm>> -> memref<1015808x8xf32, #tpu.memory_space<hbm>>
        tpu.enqueue_indirect_dma source(%dma_start3A_1055 : memref<1015808x8xf32, #tpu.memory_space<hbm>>) target(%dma_start3A_1050 : memref<128x8xf32, #tpu.memory_space<vmem>>) offsets(%dma_start3A_1052 : memref<128xi32, #tpu.memory_space<vmem>>) semaphore(%arg13 : memref<!tpu.dma_semaphore, #tpu.memory_space<semaphore_mem>>)
        %dma_start3A_1056 = arith.constant 384 : i32
        %dma_start3A_1057 = arith.constant 0 : i32
        %dma_start3A_1058 = tpu.memref_slice %arg8[%dma_start3A_1056, %dma_start3A_1057] : memref<3200x8xf32, #tpu.memory_space<vmem>> -> memref<128x8xf32, #tpu.memory_space<vmem>>
        %dma_start3A_1059 = arith.constant 384 : i32
        %dma_start3A_1060 = tpu.memref_slice %arg6[%dma_start3A_1059] : memref<3200xi32, #tpu.memory_space<vmem>> -> memref<128xi32, #tpu.memory_space<vmem>>
        %dma_start3A_1061 = arith.constant 0 : i32
        %dma_start3A_1062 = arith.constant 0 : i32
        %dma_start3A_1063 = tpu.memref_slice %arg2[%dma_start3A_1061, %dma_start3A_1062] : memref<1015808x8xf32, #tpu.memory_space<hbm>> -> memref<1015808x8xf32, #tpu.memory_space<hbm>>
        tpu.enqueue_indirect_dma source(%dma_start3A_1063 : memref<1015808x8xf32, #tpu.memory_space<hbm>>) target(%dma_start3A_1058 : memref<128x8xf32, #tpu.memory_space<vmem>>) offsets(%dma_start3A_1060 : memref<128xi32, #tpu.memory_space<vmem>>) semaphore(%arg13 : memref<!tpu.dma_semaphore, #tpu.memory_space<semaphore_mem>>)
        %dma_start3A_1064 = arith.constant 512 : i32
        %dma_start3A_1065 = arith.constant 0 : i32
        %dma_start3A_1066 = tpu.memref_slice %arg8[%dma_start3A_1064, %dma_start3A_1065] : memref<3200x8xf32, #tpu.memory_space<vmem>> -> memref<128x8xf32, #tpu.memory_space<vmem>>
        %dma_start3A_1067 = arith.constant 512 : i32
        %dma_start3A_1068 = tpu.memref_slice %arg6[%dma_start3A_1067] : memref<3200xi32, #tpu.memory_space<vmem>> -> memref<128xi32, #tpu.memory_space<vmem>>
        %dma_start3A_1069 = arith.constant 0 : i32
        %dma_start3A_1070 = arith.constant 0 : i32
        %dma_start3A_1071 = tpu.memref_slice %arg2[%dma_start3A_1069, %dma_start3A_1070] : memref<1015808x8xf32, #tpu.memory_space<hbm>> -> memref<1015808x8xf32, #tpu.memory_space<hbm>>
        tpu.enqueue_indirect_dma source(%dma_start3A_1071 : memref<1015808x8xf32, #tpu.memory_space<hbm>>) target(%dma_start3A_1066 : memref<128x8xf32, #tpu.memory_space<vmem>>) offsets(%dma_start3A_1068 : memref<128xi32, #tpu.memory_space<vmem>>) semaphore(%arg13 : memref<!tpu.dma_semaphore, #tpu.memory_space<semaphore_mem>>)
        %dma_start3A_1072 = arith.constant 640 : i32
        %dma_start3A_1073 = arith.constant 0 : i32
        %dma_start3A_1074 = tpu.memref_slice %arg8[%dma_start3A_1072, %dma_start3A_1073] : memref<3200x8xf32, #tpu.memory_space<vmem>> -> memref<128x8xf32, #tpu.memory_space<vmem>>
        %dma_start3A_1075 = arith.constant 640 : i32
        %dma_start3A_1076 = tpu.memref_slice %arg6[%dma_start3A_1075] : memref<3200xi32, #tpu.memory_space<vmem>> -> memref<128xi32, #tpu.memory_space<vmem>>
        %dma_start3A_1077 = arith.constant 0 : i32
        %dma_start3A_1078 = arith.constant 0 : i32
        %dma_start3A_1079 = tpu.memref_slice %arg2[%dma_start3A_1077, %dma_start3A_1078] : memref<1015808x8xf32, #tpu.memory_space<hbm>> -> memref<1015808x8xf32, #tpu.memory_space<hbm>>
        tpu.enqueue_indirect_dma source(%dma_start3A_1079 : memref<1015808x8xf32, #tpu.memory_space<hbm>>) target(%dma_start3A_1074 : memref<128x8xf32, #tpu.memory_space<vmem>>) offsets(%dma_start3A_1076 : memref<128xi32, #tpu.memory_space<vmem>>) semaphore(%arg13 : memref<!tpu.dma_semaphore, #tpu.memory_space<semaphore_mem>>)
        %dma_start3A_1080 = arith.constant 768 : i32
        %dma_start3A_1081 = arith.constant 0 : i32
        %dma_start3A_1082 = tpu.memref_slice %arg8[%dma_start3A_1080, %dma_start3A_1081] : memref<3200x8xf32, #tpu.memory_space<vmem>> -> memref<128x8xf32, #tpu.memory_space<vmem>>
        %dma_start3A_1083 = arith.constant 768 : i32
        %dma_start3A_1084 = tpu.memref_slice %arg6[%dma_start3A_1083] : memref<3200xi32, #tpu.memory_space<vmem>> -> memref<128xi32, #tpu.memory_space<vmem>>
        %dma_start3A_1085 = arith.constant 0 : i32
        %dma_start3A_1086 = arith.constant 0 : i32
        %dma_start3A_1087 = tpu.memref_slice %arg2[%dma_start3A_1085, %dma_start3A_1086] : memref<1015808x8xf32, #tpu.memory_space<hbm>> -> memref<1015808x8xf32, #tpu.memory_space<hbm>>
        tpu.enqueue_indirect_dma source(%dma_start3A_1087 : memref<1015808x8xf32, #tpu.memory_space<hbm>>) target(%dma_start3A_1082 : memref<128x8xf32, #tpu.memory_space<vmem>>) offsets(%dma_start3A_1084 : memref<128xi32, #tpu.memory_space<vmem>>) semaphore(%arg13 : memref<!tpu.dma_semaphore, #tpu.memory_space<semaphore_mem>>)
        %dma_start3A_1088 = arith.constant 896 : i32
        %dma_start3A_1089 = arith.constant 0 : i32
        %dma_start3A_1090 = tpu.memref_slice %arg8[%dma_start3A_1088, %dma_start3A_1089] : memref<3200x8xf32, #tpu.memory_space<vmem>> -> memref<128x8xf32, #tpu.memory_space<vmem>>
        %dma_start3A_1091 = arith.constant 896 : i32
        %dma_start3A_1092 = tpu.memref_slice %arg6[%dma_start3A_1091] : memref<3200xi32, #tpu.memory_space<vmem>> -> memref<128xi32, #tpu.memory_space<vmem>>
        %dma_start3A_1093 = arith.constant 0 : i32
        %dma_start3A_1094 = arith.constant 0 : i32
        %dma_start3A_1095 = tpu.memref_slice %arg2[%dma_start3A_1093, %dma_start3A_1094] : memref<1015808x8xf32, #tpu.memory_space<hbm>> -> memref<1015808x8xf32, #tpu.memory_space<hbm>>
        tpu.enqueue_indirect_dma source(%dma_start3A_1095 : memref<1015808x8xf32, #tpu.memory_space<hbm>>) target(%dma_start3A_1090 : memref<128x8xf32, #tpu.memory_space<vmem>>) offsets(%dma_start3A_1092 : memref<128xi32, #tpu.memory_space<vmem>>) semaphore(%arg13 : memref<!tpu.dma_semaphore, #tpu.memory_space<semaphore_mem>>)
        %dma_start3A_1096 = arith.constant 1024 : i32
        %dma_start3A_1097 = arith.constant 0 : i32
        %dma_start3A_1098 = tpu.memref_slice %arg8[%dma_start3A_1096, %dma_start3A_1097] : memref<3200x8xf32, #tpu.memory_space<vmem>> -> memref<128x8xf32, #tpu.memory_space<vmem>>
        %dma_start3A_1099 = arith.constant 1024 : i32
        %dma_start3A_1100 = tpu.memref_slice %arg6[%dma_start3A_1099] : memref<3200xi32, #tpu.memory_space<vmem>> -> memref<128xi32, #tpu.memory_space<vmem>>
        %dma_start3A_1101 = arith.constant 0 : i32
        %dma_start3A_1102 = arith.constant 0 : i32
        %dma_start3A_1103 = tpu.memref_slice %arg2[%dma_start3A_1101, %dma_start3A_1102] : memref<1015808x8xf32, #tpu.memory_space<hbm>> -> memref<1015808x8xf32, #tpu.memory_space<hbm>>
        tpu.enqueue_indirect_dma source(%dma_start3A_1103 : memref<1015808x8xf32, #tpu.memory_space<hbm>>) target(%dma_start3A_1098 : memref<128x8xf32, #tpu.memory_space<vmem>>) offsets(%dma_start3A_1100 : memref<128xi32, #tpu.memory_space<vmem>>) semaphore(%arg13 : memref<!tpu.dma_semaphore, #tpu.memory_space<semaphore_mem>>)
        %dma_start3A_1104 = arith.constant 1152 : i32
        %dma_start3A_1105 = arith.constant 0 : i32
        %dma_start3A_1106 = tpu.memref_slice %arg8[%dma_start3A_1104, %dma_start3A_1105] : memref<3200x8xf32, #tpu.memory_space<vmem>> -> memref<128x8xf32, #tpu.memory_space<vmem>>
        %dma_start3A_1107 = arith.constant 1152 : i32
        %dma_start3A_1108 = tpu.memref_slice %arg6[%dma_start3A_1107] : memref<3200xi32, #tpu.memory_space<vmem>> -> memref<128xi32, #tpu.memory_space<vmem>>
        %dma_start3A_1109 = arith.constant 0 : i32
        %dma_start3A_1110 = arith.constant 0 : i32
        %dma_start3A_1111 = tpu.memref_slice %arg2[%dma_start3A_1109, %dma_start3A_1110] : memref<1015808x8xf32, #tpu.memory_space<hbm>> -> memref<1015808x8xf32, #tpu.memory_space<hbm>>
        tpu.enqueue_indirect_dma source(%dma_start3A_1111 : memref<1015808x8xf32, #tpu.memory_space<hbm>>) target(%dma_start3A_1106 : memref<128x8xf32, #tpu.memory_space<vmem>>) offsets(%dma_start3A_1108 : memref<128xi32, #tpu.memory_space<vmem>>) semaphore(%arg13 : memref<!tpu.dma_semaphore, #tpu.memory_space<semaphore_mem>>)
        %dma_start3A_1112 = arith.constant 1280 : i32
        %dma_start3A_1113 = arith.constant 0 : i32
        %dma_start3A_1114 = tpu.memref_slice %arg8[%dma_start3A_1112, %dma_start3A_1113] : memref<3200x8xf32, #tpu.memory_space<vmem>> -> memref<128x8xf32, #tpu.memory_space<vmem>>
        %dma_start3A_1115 = arith.constant 1280 : i32
        %dma_start3A_1116 = tpu.memref_slice %arg6[%dma_start3A_1115] : memref<3200xi32, #tpu.memory_space<vmem>> -> memref<128xi32, #tpu.memory_space<vmem>>
        %dma_start3A_1117 = arith.constant 0 : i32
        %dma_start3A_1118 = arith.constant 0 : i32
        %dma_start3A_1119 = tpu.memref_slice %arg2[%dma_start3A_1117, %dma_start3A_1118] : memref<1015808x8xf32, #tpu.memory_space<hbm>> -> memref<1015808x8xf32, #tpu.memory_space<hbm>>
        tpu.enqueue_indirect_dma source(%dma_start3A_1119 : memref<1015808x8xf32, #tpu.memory_space<hbm>>) target(%dma_start3A_1114 : memref<128x8xf32, #tpu.memory_space<vmem>>) offsets(%dma_start3A_1116 : memref<128xi32, #tpu.memory_space<vmem>>) semaphore(%arg13 : memref<!tpu.dma_semaphore, #tpu.memory_space<semaphore_mem>>)
        %dma_start3A_1120 = arith.constant 1408 : i32
        %dma_start3A_1121 = arith.constant 0 : i32
        %dma_start3A_1122 = tpu.memref_slice %arg8[%dma_start3A_1120, %dma_start3A_1121] : memref<3200x8xf32, #tpu.memory_space<vmem>> -> memref<128x8xf32, #tpu.memory_space<vmem>>
        %dma_start3A_1123 = arith.constant 1408 : i32
        %dma_start3A_1124 = tpu.memref_slice %arg6[%dma_start3A_1123] : memref<3200xi32, #tpu.memory_space<vmem>> -> memref<128xi32, #tpu.memory_space<vmem>>
        %dma_start3A_1125 = arith.constant 0 : i32
        %dma_start3A_1126 = arith.constant 0 : i32
        %dma_start3A_1127 = tpu.memref_slice %arg2[%dma_start3A_1125, %dma_start3A_1126] : memref<1015808x8xf32, #tpu.memory_space<hbm>> -> memref<1015808x8xf32, #tpu.memory_space<hbm>>
        tpu.enqueue_indirect_dma source(%dma_start3A_1127 : memref<1015808x8xf32, #tpu.memory_space<hbm>>) target(%dma_start3A_1122 : memref<128x8xf32, #tpu.memory_space<vmem>>) offsets(%dma_start3A_1124 : memref<128xi32, #tpu.memory_space<vmem>>) semaphore(%arg13 : memref<!tpu.dma_semaphore, #tpu.memory_space<semaphore_mem>>)
        %dma_start3A_1128 = arith.constant 1536 : i32
        %dma_start3A_1129 = arith.constant 0 : i32
        %dma_start3A_1130 = tpu.memref_slice %arg8[%dma_start3A_1128, %dma_start3A_1129] : memref<3200x8xf32, #tpu.memory_space<vmem>> -> memref<128x8xf32, #tpu.memory_space<vmem>>
        %dma_start3A_1131 = arith.constant 1536 : i32
        %dma_start3A_1132 = tpu.memref_slice %arg6[%dma_start3A_1131] : memref<3200xi32, #tpu.memory_space<vmem>> -> memref<128xi32, #tpu.memory_space<vmem>>
        %dma_start3A_1133 = arith.constant 0 : i32
        %dma_start3A_1134 = arith.constant 0 : i32
        %dma_start3A_1135 = tpu.memref_slice %arg2[%dma_start3A_1133, %dma_start3A_1134] : memref<1015808x8xf32, #tpu.memory_space<hbm>> -> memref<1015808x8xf32, #tpu.memory_space<hbm>>
        tpu.enqueue_indirect_dma source(%dma_start3A_1135 : memref<1015808x8xf32, #tpu.memory_space<hbm>>) target(%dma_start3A_1130 : memref<128x8xf32, #tpu.memory_space<vmem>>) offsets(%dma_start3A_1132 : memref<128xi32, #tpu.memory_space<vmem>>) semaphore(%arg13 : memref<!tpu.dma_semaphore, #tpu.memory_space<semaphore_mem>>)
        %dma_start3A_1136 = arith.constant 1664 : i32
        %dma_start3A_1137 = arith.constant 0 : i32
        %dma_start3A_1138 = tpu.memref_slice %arg8[%dma_start3A_1136, %dma_start3A_1137] : memref<3200x8xf32, #tpu.memory_space<vmem>> -> memref<128x8xf32, #tpu.memory_space<vmem>>
        %dma_start3A_1139 = arith.constant 1664 : i32
        %dma_start3A_1140 = tpu.memref_slice %arg6[%dma_start3A_1139] : memref<3200xi32, #tpu.memory_space<vmem>> -> memref<128xi32, #tpu.memory_space<vmem>>
        %dma_start3A_1141 = arith.constant 0 : i32
        %dma_start3A_1142 = arith.constant 0 : i32
        %dma_start3A_1143 = tpu.memref_slice %arg2[%dma_start3A_1141, %dma_start3A_1142] : memref<1015808x8xf32, #tpu.memory_space<hbm>> -> memref<1015808x8xf32, #tpu.memory_space<hbm>>
        tpu.enqueue_indirect_dma source(%dma_start3A_1143 : memref<1015808x8xf32, #tpu.memory_space<hbm>>) target(%dma_start3A_1138 : memref<128x8xf32, #tpu.memory_space<vmem>>) offsets(%dma_start3A_1140 : memref<128xi32, #tpu.memory_space<vmem>>) semaphore(%arg13 : memref<!tpu.dma_semaphore, #tpu.memory_space<semaphore_mem>>)
        %dma_start3A_1144 = arith.constant 1792 : i32
        %dma_start3A_1145 = arith.constant 0 : i32
        %dma_start3A_1146 = tpu.memref_slice %arg8[%dma_start3A_1144, %dma_start3A_1145] : memref<3200x8xf32, #tpu.memory_space<vmem>> -> memref<128x8xf32, #tpu.memory_space<vmem>>
        %dma_start3A_1147 = arith.constant 1792 : i32
        %dma_start3A_1148 = tpu.memref_slice %arg6[%dma_start3A_1147] : memref<3200xi32, #tpu.memory_space<vmem>> -> memref<128xi32, #tpu.memory_space<vmem>>
        %dma_start3A_1149 = arith.constant 0 : i32
        %dma_start3A_1150 = arith.constant 0 : i32
        %dma_start3A_1151 = tpu.memref_slice %arg2[%dma_start3A_1149, %dma_start3A_1150] : memref<1015808x8xf32, #tpu.memory_space<hbm>> -> memref<1015808x8xf32, #tpu.memory_space<hbm>>
        tpu.enqueue_indirect_dma source(%dma_start3A_1151 : memref<1015808x8xf32, #tpu.memory_space<hbm>>) target(%dma_start3A_1146 : memref<128x8xf32, #tpu.memory_space<vmem>>) offsets(%dma_start3A_1148 : memref<128xi32, #tpu.memory_space<vmem>>) semaphore(%arg13 : memref<!tpu.dma_semaphore, #tpu.memory_space<semaphore_mem>>)
        %dma_start3A_1152 = arith.constant 1920 : i32
        %dma_start3A_1153 = arith.constant 0 : i32
        %dma_start3A_1154 = tpu.memref_slice %arg8[%dma_start3A_1152, %dma_start3A_1153] : memref<3200x8xf32, #tpu.memory_space<vmem>> -> memref<128x8xf32, #tpu.memory_space<vmem>>
        %dma_start3A_1155 = arith.constant 1920 : i32
        %dma_start3A_1156 = tpu.memref_slice %arg6[%dma_start3A_1155] : memref<3200xi32, #tpu.memory_space<vmem>> -> memref<128xi32, #tpu.memory_space<vmem>>
        %dma_start3A_1157 = arith.constant 0 : i32
        %dma_start3A_1158 = arith.constant 0 : i32
        %dma_start3A_1159 = tpu.memref_slice %arg2[%dma_start3A_1157, %dma_start3A_1158] : memref<1015808x8xf32, #tpu.memory_space<hbm>> -> memref<1015808x8xf32, #tpu.memory_space<hbm>>
        tpu.enqueue_indirect_dma source(%dma_start3A_1159 : memref<1015808x8xf32, #tpu.memory_space<hbm>>) target(%dma_start3A_1154 : memref<128x8xf32, #tpu.memory_space<vmem>>) offsets(%dma_start3A_1156 : memref<128xi32, #tpu.memory_space<vmem>>) semaphore(%arg13 : memref<!tpu.dma_semaphore, #tpu.memory_space<semaphore_mem>>)
        %dma_start3A_1160 = arith.constant 2048 : i32
        %dma_start3A_1161 = arith.constant 0 : i32
        %dma_start3A_1162 = tpu.memref_slice %arg8[%dma_start3A_1160, %dma_start3A_1161] : memref<3200x8xf32, #tpu.memory_space<vmem>> -> memref<128x8xf32, #tpu.memory_space<vmem>>
        %dma_start3A_1163 = arith.constant 2048 : i32
        %dma_start3A_1164 = tpu.memref_slice %arg6[%dma_start3A_1163] : memref<3200xi32, #tpu.memory_space<vmem>> -> memref<128xi32, #tpu.memory_space<vmem>>
        %dma_start3A_1165 = arith.constant 0 : i32
        %dma_start3A_1166 = arith.constant 0 : i32
        %dma_start3A_1167 = tpu.memref_slice %arg2[%dma_start3A_1165, %dma_start3A_1166] : memref<1015808x8xf32, #tpu.memory_space<hbm>> -> memref<1015808x8xf32, #tpu.memory_space<hbm>>
        tpu.enqueue_indirect_dma source(%dma_start3A_1167 : memref<1015808x8xf32, #tpu.memory_space<hbm>>) target(%dma_start3A_1162 : memref<128x8xf32, #tpu.memory_space<vmem>>) offsets(%dma_start3A_1164 : memref<128xi32, #tpu.memory_space<vmem>>) semaphore(%arg13 : memref<!tpu.dma_semaphore, #tpu.memory_space<semaphore_mem>>)
        %dma_start3A_1168 = arith.constant 2176 : i32
        %dma_start3A_1169 = arith.constant 0 : i32
        %dma_start3A_1170 = tpu.memref_slice %arg8[%dma_start3A_1168, %dma_start3A_1169] : memref<3200x8xf32, #tpu.memory_space<vmem>> -> memref<128x8xf32, #tpu.memory_space<vmem>>
        %dma_start3A_1171 = arith.constant 2176 : i32
        %dma_start3A_1172 = tpu.memref_slice %arg6[%dma_start3A_1171] : memref<3200xi32, #tpu.memory_space<vmem>> -> memref<128xi32, #tpu.memory_space<vmem>>
        %dma_start3A_1173 = arith.constant 0 : i32
        %dma_start3A_1174 = arith.constant 0 : i32
        %dma_start3A_1175 = tpu.memref_slice %arg2[%dma_start3A_1173, %dma_start3A_1174] : memref<1015808x8xf32, #tpu.memory_space<hbm>> -> memref<1015808x8xf32, #tpu.memory_space<hbm>>
        tpu.enqueue_indirect_dma source(%dma_start3A_1175 : memref<1015808x8xf32, #tpu.memory_space<hbm>>) target(%dma_start3A_1170 : memref<128x8xf32, #tpu.memory_space<vmem>>) offsets(%dma_start3A_1172 : memref<128xi32, #tpu.memory_space<vmem>>) semaphore(%arg13 : memref<!tpu.dma_semaphore, #tpu.memory_space<semaphore_mem>>)
        %dma_start3A_1176 = arith.constant 2304 : i32
        %dma_start3A_1177 = arith.constant 0 : i32
        %dma_start3A_1178 = tpu.memref_slice %arg8[%dma_start3A_1176, %dma_start3A_1177] : memref<3200x8xf32, #tpu.memory_space<vmem>> -> memref<128x8xf32, #tpu.memory_space<vmem>>
        %dma_start3A_1179 = arith.constant 2304 : i32
        %dma_start3A_1180 = tpu.memref_slice %arg6[%dma_start3A_1179] : memref<3200xi32, #tpu.memory_space<vmem>> -> memref<128xi32, #tpu.memory_space<vmem>>
        %dma_start3A_1181 = arith.constant 0 : i32
        %dma_start3A_1182 = arith.constant 0 : i32
        %dma_start3A_1183 = tpu.memref_slice %arg2[%dma_start3A_1181, %dma_start3A_1182] : memref<1015808x8xf32, #tpu.memory_space<hbm>> -> memref<1015808x8xf32, #tpu.memory_space<hbm>>
        tpu.enqueue_indirect_dma source(%dma_start3A_1183 : memref<1015808x8xf32, #tpu.memory_space<hbm>>) target(%dma_start3A_1178 : memref<128x8xf32, #tpu.memory_space<vmem>>) offsets(%dma_start3A_1180 : memref<128xi32, #tpu.memory_space<vmem>>) semaphore(%arg13 : memref<!tpu.dma_semaphore, #tpu.memory_space<semaphore_mem>>)
        %dma_start3A_1184 = arith.constant 2432 : i32
        %dma_start3A_1185 = arith.constant 0 : i32
        %dma_start3A_1186 = tpu.memref_slice %arg8[%dma_start3A_1184, %dma_start3A_1185] : memref<3200x8xf32, #tpu.memory_space<vmem>> -> memref<128x8xf32, #tpu.memory_space<vmem>>
        %dma_start3A_1187 = arith.constant 2432 : i32
        %dma_start3A_1188 = tpu.memref_slice %arg6[%dma_start3A_1187] : memref<3200xi32, #tpu.memory_space<vmem>> -> memref<128xi32, #tpu.memory_space<vmem>>
        %dma_start3A_1189 = arith.constant 0 : i32
        %dma_start3A_1190 = arith.constant 0 : i32
        %dma_start3A_1191 = tpu.memref_slice %arg2[%dma_start3A_1189, %dma_start3A_1190] : memref<1015808x8xf32, #tpu.memory_space<hbm>> -> memref<1015808x8xf32, #tpu.memory_space<hbm>>
        tpu.enqueue_indirect_dma source(%dma_start3A_1191 : memref<1015808x8xf32, #tpu.memory_space<hbm>>) target(%dma_start3A_1186 : memref<128x8xf32, #tpu.memory_space<vmem>>) offsets(%dma_start3A_1188 : memref<128xi32, #tpu.memory_space<vmem>>) semaphore(%arg13 : memref<!tpu.dma_semaphore, #tpu.memory_space<semaphore_mem>>)
        %dma_start3A_1192 = arith.constant 2560 : i32
        %dma_start3A_1193 = arith.constant 0 : i32
        %dma_start3A_1194 = tpu.memref_slice %arg8[%dma_start3A_1192, %dma_start3A_1193] : memref<3200x8xf32, #tpu.memory_space<vmem>> -> memref<128x8xf32, #tpu.memory_space<vmem>>
        %dma_start3A_1195 = arith.constant 2560 : i32
        %dma_start3A_1196 = tpu.memref_slice %arg6[%dma_start3A_1195] : memref<3200xi32, #tpu.memory_space<vmem>> -> memref<128xi32, #tpu.memory_space<vmem>>
        %dma_start3A_1197 = arith.constant 0 : i32
        %dma_start3A_1198 = arith.constant 0 : i32
        %dma_start3A_1199 = tpu.memref_slice %arg2[%dma_start3A_1197, %dma_start3A_1198] : memref<1015808x8xf32, #tpu.memory_space<hbm>> -> memref<1015808x8xf32, #tpu.memory_space<hbm>>
        tpu.enqueue_indirect_dma source(%dma_start3A_1199 : memref<1015808x8xf32, #tpu.memory_space<hbm>>) target(%dma_start3A_1194 : memref<128x8xf32, #tpu.memory_space<vmem>>) offsets(%dma_start3A_1196 : memref<128xi32, #tpu.memory_space<vmem>>) semaphore(%arg13 : memref<!tpu.dma_semaphore, #tpu.memory_space<semaphore_mem>>)
        %dma_start3A_1200 = arith.constant 2688 : i32
        %dma_start3A_1201 = arith.constant 0 : i32
        %dma_start3A_1202 = tpu.memref_slice %arg8[%dma_start3A_1200, %dma_start3A_1201] : memref<3200x8xf32, #tpu.memory_space<vmem>> -> memref<128x8xf32, #tpu.memory_space<vmem>>
        %dma_start3A_1203 = arith.constant 2688 : i32
        %dma_start3A_1204 = tpu.memref_slice %arg6[%dma_start3A_1203] : memref<3200xi32, #tpu.memory_space<vmem>> -> memref<128xi32, #tpu.memory_space<vmem>>
        %dma_start3A_1205 = arith.constant 0 : i32
        %dma_start3A_1206 = arith.constant 0 : i32
        %dma_start3A_1207 = tpu.memref_slice %arg2[%dma_start3A_1205, %dma_start3A_1206] : memref<1015808x8xf32, #tpu.memory_space<hbm>> -> memref<1015808x8xf32, #tpu.memory_space<hbm>>
        tpu.enqueue_indirect_dma source(%dma_start3A_1207 : memref<1015808x8xf32, #tpu.memory_space<hbm>>) target(%dma_start3A_1202 : memref<128x8xf32, #tpu.memory_space<vmem>>) offsets(%dma_start3A_1204 : memref<128xi32, #tpu.memory_space<vmem>>) semaphore(%arg13 : memref<!tpu.dma_semaphore, #tpu.memory_space<semaphore_mem>>)
        %dma_start3A_1208 = arith.constant 2816 : i32
        %dma_start3A_1209 = arith.constant 0 : i32
        %dma_start3A_1210 = tpu.memref_slice %arg8[%dma_start3A_1208, %dma_start3A_1209] : memref<3200x8xf32, #tpu.memory_space<vmem>> -> memref<128x8xf32, #tpu.memory_space<vmem>>
        %dma_start3A_1211 = arith.constant 2816 : i32
        %dma_start3A_1212 = tpu.memref_slice %arg6[%dma_start3A_1211] : memref<3200xi32, #tpu.memory_space<vmem>> -> memref<128xi32, #tpu.memory_space<vmem>>
        %dma_start3A_1213 = arith.constant 0 : i32
        %dma_start3A_1214 = arith.constant 0 : i32
        %dma_start3A_1215 = tpu.memref_slice %arg2[%dma_start3A_1213, %dma_start3A_1214] : memref<1015808x8xf32, #tpu.memory_space<hbm>> -> memref<1015808x8xf32, #tpu.memory_space<hbm>>
        tpu.enqueue_indirect_dma source(%dma_start3A_1215 : memref<1015808x8xf32, #tpu.memory_space<hbm>>) target(%dma_start3A_1210 : memref<128x8xf32, #tpu.memory_space<vmem>>) offsets(%dma_start3A_1212 : memref<128xi32, #tpu.memory_space<vmem>>) semaphore(%arg13 : memref<!tpu.dma_semaphore, #tpu.memory_space<semaphore_mem>>)
        %dma_start3A_1216 = arith.constant 2944 : i32
        %dma_start3A_1217 = arith.constant 0 : i32
        %dma_start3A_1218 = tpu.memref_slice %arg8[%dma_start3A_1216, %dma_start3A_1217] : memref<3200x8xf32, #tpu.memory_space<vmem>> -> memref<128x8xf32, #tpu.memory_space<vmem>>
        %dma_start3A_1219 = arith.constant 2944 : i32
        %dma_start3A_1220 = tpu.memref_slice %arg6[%dma_start3A_1219] : memref<3200xi32, #tpu.memory_space<vmem>> -> memref<128xi32, #tpu.memory_space<vmem>>
        %dma_start3A_1221 = arith.constant 0 : i32
        %dma_start3A_1222 = arith.constant 0 : i32
        %dma_start3A_1223 = tpu.memref_slice %arg2[%dma_start3A_1221, %dma_start3A_1222] : memref<1015808x8xf32, #tpu.memory_space<hbm>> -> memref<1015808x8xf32, #tpu.memory_space<hbm>>
        tpu.enqueue_indirect_dma source(%dma_start3A_1223 : memref<1015808x8xf32, #tpu.memory_space<hbm>>) target(%dma_start3A_1218 : memref<128x8xf32, #tpu.memory_space<vmem>>) offsets(%dma_start3A_1220 : memref<128xi32, #tpu.memory_space<vmem>>) semaphore(%arg13 : memref<!tpu.dma_semaphore, #tpu.memory_space<semaphore_mem>>)
        %dma_start3A_1224 = arith.constant 3072 : i32
        %dma_start3A_1225 = arith.constant 0 : i32
        %dma_start3A_1226 = tpu.memref_slice %arg8[%dma_start3A_1224, %dma_start3A_1225] : memref<3200x8xf32, #tpu.memory_space<vmem>> -> memref<128x8xf32, #tpu.memory_space<vmem>>
        %dma_start3A_1227 = arith.constant 3072 : i32
        %dma_start3A_1228 = tpu.memref_slice %arg6[%dma_start3A_1227] : memref<3200xi32, #tpu.memory_space<vmem>> -> memref<128xi32, #tpu.memory_space<vmem>>
        %dma_start3A_1229 = arith.constant 0 : i32
        %dma_start3A_1230 = arith.constant 0 : i32
        %dma_start3A_1231 = tpu.memref_slice %arg2[%dma_start3A_1229, %dma_start3A_1230] : memref<1015808x8xf32, #tpu.memory_space<hbm>> -> memref<1015808x8xf32, #tpu.memory_space<hbm>>
        tpu.enqueue_indirect_dma source(%dma_start3A_1231 : memref<1015808x8xf32, #tpu.memory_space<hbm>>) target(%dma_start3A_1226 : memref<128x8xf32, #tpu.memory_space<vmem>>) offsets(%dma_start3A_1228 : memref<128xi32, #tpu.memory_space<vmem>>) semaphore(%arg13 : memref<!tpu.dma_semaphore, #tpu.memory_space<semaphore_mem>>)
      } else {
      }
      %add3A_651 = arith.constant 2 : i32
      %add3A_652 = arith.addi %add3A_637, %add3A_651 : i32
      %lt3A_653 = arith.constant 32 : i32
      %lt3A_654 = arith.cmpi slt, %add3A_652, %lt3A_653 : i32
      %convert_element_type3A_655 = arith.extui %lt3A_654 : i1 to i32
      %cond3A_656 = arith.constant 0 : i32
      %cond3A_657 = arith.cmpi ne, %convert_element_type3A_655, %cond3A_656 : i32
      scf.if %cond3A_657 {
        %add3A_1032 = arith.constant 2 : i32
        %add3A_1033 = arith.addi %add3A_637, %add3A_1032 : i32
        %mul3A_1034 = arith.constant 16 : i32
        %mul3A_1035 = arith.muli %add3A_1033, %mul3A_1034 : i32
        %add3A_1036 = arith.addi %mul3A_2, %mul3A_1035 : i32
        %mul3A_1037 = arith.constant 200 : i32
        %mul3A_1038 = arith.muli %add3A_1036, %mul3A_1037 : i32
        %dma_start3A_1039 = tpu.memref_slice %arg3[%mul3A_1038] : memref<3276800xi32, #tpu.memory_space<hbm>> -> memref<3200xi32, #tpu.memory_space<hbm>>
        %dma_start3A_1040 = tpu.memref_slice %arg3[%mul3A_1038] : memref<3276800xi32, #tpu.memory_space<hbm>> -> memref<3200xi32, #tpu.memory_space<hbm>>
        tpu.enqueue_dma source(%dma_start3A_1040 : memref<3200xi32, #tpu.memory_space<hbm>>) target(%arg7 : memref<3200xi32, #tpu.memory_space<vmem>>) target_semaphore(%arg16 : memref<!tpu.dma_semaphore, #tpu.memory_space<semaphore_mem>>)
      } else {
      }
      %get3A_658 = arith.constant 0 : index
      %get3A_659 = tpu.vector_load %arg11[%get3A_658] {strides = array<i32>} : memref<16xf32, #tpu.memory_space<vmem>>, vector<16xf32>,
      %broadcast_in_dim3A_660 = arith.constant 0.000000e+00 : f32
      %broadcast_in_dim3A_661 = vector.broadcast %broadcast_in_dim3A_660 : f32 to vector<16xf32>
      %iota3A_662 = tpu.iota {dimensions = array<i32: 0>} : vector<16xi32>
      %shift_right_arithmetic3A_663 = arith.constant 3 : i32
      %shift_right_arithmetic3A_664 = vector.broadcast %shift_right_arithmetic3A_663 : i32 to vector<16xi32>
      %shift_right_arithmetic3A_665 = arith.shrsi %iota3A_662, %shift_right_arithmetic3A_664 : vector<16xi32>
      %and3A_666 = arith.constant 1 : i32
      %and3A_667 = vector.broadcast %and3A_666 : i32 to vector<16xi32>
      %and3A_668 = arith.andi %shift_right_arithmetic3A_665, %and3A_667 : vector<16xi32>
      %iota3A_669 = tpu.iota {dimensions = array<i32: 0>} : vector<16xi32>
      %and3A_670 = arith.constant 7 : i32
      %and3A_671 = vector.broadcast %and3A_670 : i32 to vector<16xi32>
      %and3A_672 = arith.andi %iota3A_669, %and3A_671 : vector<16xi32>
      %scan3A_673 = arith.constant 0 : i32
      %scan3A_674 = arith.constant 25 : i32
      %scan3A_675 = arith.addi %scan3A_673, %scan3A_674 : i32
      %scan3A_676 = arith.constant 1 : i32
      %scan3A_677:4 = scf.for %scan3A_1032 = %scan3A_673 to %scan3A_675 step %scan3A_676 iter_args(%scan3A_1033 = %broadcast_in_dim3A_661, %scan3A_1034 = %broadcast_in_dim3A_661, %scan3A_1035 = %broadcast_in_dim3A_661, %scan3A_1036 = %broadcast_in_dim3A_661) -> (vector<16xf32>, vector<16xf32>, vector<16xf32>, vector<16xf32>)  : i32 {
        %mul3A_1037 = arith.constant 8 : i32
        %mul3A_1038 = arith.muli %mul3A_1037, %scan3A_1032 : i32
        %add3A_1039 = arith.constant 0 : i32
        %add3A_1040 = arith.addi %add3A_1039, %mul3A_1038 : i32
        %add3A_1041 = arith.constant 0 : i32
        %add3A_1042 = arith.addi %add3A_1040, %add3A_1041 : i32
        %add3A_1043 = vector.broadcast %add3A_1042 : i32 to vector<16xi32>
        %add3A_1044 = arith.addi %and3A_668, %add3A_1043 : vector<16xi32>
        %gather3A = tpu.vector_load_idx %arg9[%add3A_1044, %and3A_672] : memref<3200x8xf32, #tpu.memory_space<vmem>>[vector<16xi32>, vector<16xi32>], vector<16xf32>,
        %add3A_1045 = arith.addf %scan3A_1033, %gather3A : vector<16xf32>
        %add3A_1046 = arith.constant 2 : i32
        %add3A_1047 = arith.addi %add3A_1040, %add3A_1046 : i32
        %add3A_1048 = vector.broadcast %add3A_1047 : i32 to vector<16xi32>
        %add3A_1049 = arith.addi %and3A_668, %add3A_1048 : vector<16xi32>
        %gather3A_1050 = tpu.vector_load_idx %arg9[%add3A_1049, %and3A_672] : memref<3200x8xf32, #tpu.memory_space<vmem>>[vector<16xi32>, vector<16xi32>], vector<16xf32>,
        %add3A_1051 = arith.addf %scan3A_1034, %gather3A_1050 : vector<16xf32>
        %add3A_1052 = arith.constant 4 : i32
        %add3A_1053 = arith.addi %add3A_1040, %add3A_1052 : i32
        %add3A_1054 = vector.broadcast %add3A_1053 : i32 to vector<16xi32>
        %add3A_1055 = arith.addi %and3A_668, %add3A_1054 : vector<16xi32>
        %gather3A_1056 = tpu.vector_load_idx %arg9[%add3A_1055, %and3A_672] : memref<3200x8xf32, #tpu.memory_space<vmem>>[vector<16xi32>, vector<16xi32>], vector<16xf32>,
        %add3A_1057 = arith.addf %scan3A_1035, %gather3A_1056 : vector<16xf32>
        %add3A_1058 = arith.constant 6 : i32
        %add3A_1059 = arith.addi %add3A_1040, %add3A_1058 : i32
        %add3A_1060 = vector.broadcast %add3A_1059 : i32 to vector<16xi32>
        %add3A_1061 = arith.addi %and3A_668, %add3A_1060 : vector<16xi32>
        %gather3A_1062 = tpu.vector_load_idx %arg9[%add3A_1061, %and3A_672] : memref<3200x8xf32, #tpu.memory_space<vmem>>[vector<16xi32>, vector<16xi32>], vector<16xf32>,
        %add3A_1063 = arith.addf %scan3A_1036, %gather3A_1062 : vector<16xf32>
        scf.yield %add3A_1045, %add3A_1051, %add3A_1057, %add3A_1063 : vector<16xf32>, vector<16xf32>, vector<16xf32>, vector<16xf32>
      }
      %scan3A_678 = arith.constant 25 : i32
      %add3A_679 = arith.addf %scan3A_677#0, %scan3A_677#1 : vector<16xf32>
      %add3A_680 = arith.addf %scan3A_677#2, %scan3A_677#3 : vector<16xf32>
      %add3A_681 = arith.addf %add3A_679, %add3A_680 : vector<16xf32>
      %swap3A_682 = arith.constant 0 : index
      %swap3A_683 = tpu.vector_load %arg12[%swap3A_682] {strides = array<i32>} : memref<24xf32, #tpu.memory_space<vmem>>, vector<16xf32>,
      tpu.vector_store %arg12[%swap3A_682], %add3A_681 {strides = array<i32>} : memref<24xf32, #tpu.memory_space<vmem>>, vector<16xf32>,
      %get3A_684 = arith.constant 8 : index
      %get3A_685 = tpu.vector_load %arg12[%get3A_684] {strides = array<i32>} : memref<24xf32, #tpu.memory_space<vmem>>, vector<16xf32>,
      %add3A_686 = arith.addf %add3A_681, %get3A_685 : vector<16xf32>
      %add3A_687 = arith.addf %add3A_686, %get3A_659 : vector<16xf32>
      %mul3A_688 = arith.constant 16 : i32
      %mul3A_689 = arith.muli %add3A_637, %mul3A_688 : i32
      %add3A_690 = arith.constant 0 : i32
      %add3A_691 = arith.addi %mul3A_689, %add3A_690 : i32
      %swap3A_692 = arith.index_cast %add3A_691 : i32 to index
      %swap3A_693 = arith.constant 0 : index
      %swap3A_694 = tpu.vector_load %arg10[%swap3A_692, %swap3A_693] {strides = array<i32>} : memref<512x16xf32, #tpu.memory_space<vmem>>, vector<16xf32>,
      tpu.vector_store %arg10[%swap3A_692, %swap3A_693], %add3A_687 {strides = array<i32>} : memref<512x16xf32, #tpu.memory_space<vmem>>, vector<16xf32>,
      %scan3A_695 = arith.constant 0 : i32
      %scan3A_696 = arith.constant 25 : i32
      %scan3A_697 = arith.addi %scan3A_695, %scan3A_696 : i32
      %scan3A_698 = arith.constant 1 : i32
      %scan3A_699:4 = scf.for %scan3A_1032 = %scan3A_695 to %scan3A_697 step %scan3A_698 iter_args(%scan3A_1033 = %broadcast_in_dim3A_661, %scan3A_1034 = %broadcast_in_dim3A_661, %scan3A_1035 = %broadcast_in_dim3A_661, %scan3A_1036 = %broadcast_in_dim3A_661) -> (vector<16xf32>, vector<16xf32>, vector<16xf32>, vector<16xf32>)  : i32 {
        %mul3A_1037 = arith.constant 8 : i32
        %mul3A_1038 = arith.muli %mul3A_1037, %scan3A_1032 : i32
        %add3A_1039 = arith.constant 200 : i32
        %add3A_1040 = arith.addi %add3A_1039, %mul3A_1038 : i32
        %add3A_1041 = arith.constant 0 : i32
        %add3A_1042 = arith.addi %add3A_1040, %add3A_1041 : i32
        %add3A_1043 = vector.broadcast %add3A_1042 : i32 to vector<16xi32>
        %add3A_1044 = arith.addi %and3A_668, %add3A_1043 : vector<16xi32>
        %gather3A = tpu.vector_load_idx %arg9[%add3A_1044, %and3A_672] : memref<3200x8xf32, #tpu.memory_space<vmem>>[vector<16xi32>, vector<16xi32>], vector<16xf32>,
        %add3A_1045 = arith.addf %scan3A_1033, %gather3A : vector<16xf32>
        %add3A_1046 = arith.constant 2 : i32
        %add3A_1047 = arith.addi %add3A_1040, %add3A_1046 : i32
        %add3A_1048 = vector.broadcast %add3A_1047 : i32 to vector<16xi32>
        %add3A_1049 = arith.addi %and3A_668, %add3A_1048 : vector<16xi32>
        %gather3A_1050 = tpu.vector_load_idx %arg9[%add3A_1049, %and3A_672] : memref<3200x8xf32, #tpu.memory_space<vmem>>[vector<16xi32>, vector<16xi32>], vector<16xf32>,
        %add3A_1051 = arith.addf %scan3A_1034, %gather3A_1050 : vector<16xf32>
        %add3A_1052 = arith.constant 4 : i32
        %add3A_1053 = arith.addi %add3A_1040, %add3A_1052 : i32
        %add3A_1054 = vector.broadcast %add3A_1053 : i32 to vector<16xi32>
        %add3A_1055 = arith.addi %and3A_668, %add3A_1054 : vector<16xi32>
        %gather3A_1056 = tpu.vector_load_idx %arg9[%add3A_1055, %and3A_672] : memref<3200x8xf32, #tpu.memory_space<vmem>>[vector<16xi32>, vector<16xi32>], vector<16xf32>,
        %add3A_1057 = arith.addf %scan3A_1035, %gather3A_1056 : vector<16xf32>
        %add3A_1058 = arith.constant 6 : i32
        %add3A_1059 = arith.addi %add3A_1040, %add3A_1058 : i32
        %add3A_1060 = vector.broadcast %add3A_1059 : i32 to vector<16xi32>
        %add3A_1061 = arith.addi %and3A_668, %add3A_1060 : vector<16xi32>
        %gather3A_1062 = tpu.vector_load_idx %arg9[%add3A_1061, %and3A_672] : memref<3200x8xf32, #tpu.memory_space<vmem>>[vector<16xi32>, vector<16xi32>], vector<16xf32>,
        %add3A_1063 = arith.addf %scan3A_1036, %gather3A_1062 : vector<16xf32>
        scf.yield %add3A_1045, %add3A_1051, %add3A_1057, %add3A_1063 : vector<16xf32>, vector<16xf32>, vector<16xf32>, vector<16xf32>
      }
      %scan3A_700 = arith.constant 25 : i32
      %add3A_701 = arith.addf %scan3A_699#0, %scan3A_699#1 : vector<16xf32>
      %add3A_702 = arith.addf %scan3A_699#2, %scan3A_699#3 : vector<16xf32>
      %add3A_703 = arith.addf %add3A_701, %add3A_702 : vector<16xf32>
      %swap3A_704 = arith.constant 0 : index
      %swap3A_705 = tpu.vector_load %arg12[%swap3A_704] {strides = array<i32>} : memref<24xf32, #tpu.memory_space<vmem>>, vector<16xf32>,
      tpu.vector_store %arg12[%swap3A_704], %add3A_703 {strides = array<i32>} : memref<24xf32, #tpu.memory_space<vmem>>, vector<16xf32>,
      %get3A_706 = arith.constant 8 : index
      %get3A_707 = tpu.vector_load %arg12[%get3A_706] {strides = array<i32>} : memref<24xf32, #tpu.memory_space<vmem>>, vector<16xf32>,
      %add3A_708 = arith.addf %add3A_703, %get3A_707 : vector<16xf32>
      %add3A_709 = arith.addf %add3A_708, %get3A_659 : vector<16xf32>
      %mul3A_710 = arith.constant 16 : i32
      %mul3A_711 = arith.muli %add3A_637, %mul3A_710 : i32
      %add3A_712 = arith.constant 1 : i32
      %add3A_713 = arith.addi %mul3A_711, %add3A_712 : i32
      %swap3A_714 = arith.index_cast %add3A_713 : i32 to index
      %swap3A_715 = arith.constant 0 : index
      %swap3A_716 = tpu.vector_load %arg10[%swap3A_714, %swap3A_715] {strides = array<i32>} : memref<512x16xf32, #tpu.memory_space<vmem>>, vector<16xf32>,
      tpu.vector_store %arg10[%swap3A_714, %swap3A_715], %add3A_709 {strides = array<i32>} : memref<512x16xf32, #tpu.memory_space<vmem>>, vector<16xf32>,
      %scan3A_717 = arith.constant 0 : i32
      %scan3A_718 = arith.constant 25 : i32
      %scan3A_719 = arith.addi %scan3A_717, %scan3A_718 : i32
      %scan3A_720 = arith.constant 1 : i32
      %scan3A_721:4 = scf.for %scan3A_1032 = %scan3A_717 to %scan3A_719 step %scan3A_720 iter_args(%scan3A_1033 = %broadcast_in_dim3A_661, %scan3A_1034 = %broadcast_in_dim3A_661, %scan3A_1035 = %broadcast_in_dim3A_661, %scan3A_1036 = %broadcast_in_dim3A_661) -> (vector<16xf32>, vector<16xf32>, vector<16xf32>, vector<16xf32>)  : i32 {
        %mul3A_1037 = arith.constant 8 : i32
        %mul3A_1038 = arith.muli %mul3A_1037, %scan3A_1032 : i32
        %add3A_1039 = arith.constant 400 : i32
        %add3A_1040 = arith.addi %add3A_1039, %mul3A_1038 : i32
        %add3A_1041 = arith.constant 0 : i32
        %add3A_1042 = arith.addi %add3A_1040, %add3A_1041 : i32
        %add3A_1043 = vector.broadcast %add3A_1042 : i32 to vector<16xi32>
        %add3A_1044 = arith.addi %and3A_668, %add3A_1043 : vector<16xi32>
        %gather3A = tpu.vector_load_idx %arg9[%add3A_1044, %and3A_672] : memref<3200x8xf32, #tpu.memory_space<vmem>>[vector<16xi32>, vector<16xi32>], vector<16xf32>,
        %add3A_1045 = arith.addf %scan3A_1033, %gather3A : vector<16xf32>
        %add3A_1046 = arith.constant 2 : i32
        %add3A_1047 = arith.addi %add3A_1040, %add3A_1046 : i32
        %add3A_1048 = vector.broadcast %add3A_1047 : i32 to vector<16xi32>
        %add3A_1049 = arith.addi %and3A_668, %add3A_1048 : vector<16xi32>
        %gather3A_1050 = tpu.vector_load_idx %arg9[%add3A_1049, %and3A_672] : memref<3200x8xf32, #tpu.memory_space<vmem>>[vector<16xi32>, vector<16xi32>], vector<16xf32>,
        %add3A_1051 = arith.addf %scan3A_1034, %gather3A_1050 : vector<16xf32>
        %add3A_1052 = arith.constant 4 : i32
        %add3A_1053 = arith.addi %add3A_1040, %add3A_1052 : i32
        %add3A_1054 = vector.broadcast %add3A_1053 : i32 to vector<16xi32>
        %add3A_1055 = arith.addi %and3A_668, %add3A_1054 : vector<16xi32>
        %gather3A_1056 = tpu.vector_load_idx %arg9[%add3A_1055, %and3A_672] : memref<3200x8xf32, #tpu.memory_space<vmem>>[vector<16xi32>, vector<16xi32>], vector<16xf32>,
        %add3A_1057 = arith.addf %scan3A_1035, %gather3A_1056 : vector<16xf32>
        %add3A_1058 = arith.constant 6 : i32
        %add3A_1059 = arith.addi %add3A_1040, %add3A_1058 : i32
        %add3A_1060 = vector.broadcast %add3A_1059 : i32 to vector<16xi32>
        %add3A_1061 = arith.addi %and3A_668, %add3A_1060 : vector<16xi32>
        %gather3A_1062 = tpu.vector_load_idx %arg9[%add3A_1061, %and3A_672] : memref<3200x8xf32, #tpu.memory_space<vmem>>[vector<16xi32>, vector<16xi32>], vector<16xf32>,
        %add3A_1063 = arith.addf %scan3A_1036, %gather3A_1062 : vector<16xf32>
        scf.yield %add3A_1045, %add3A_1051, %add3A_1057, %add3A_1063 : vector<16xf32>, vector<16xf32>, vector<16xf32>, vector<16xf32>
      }
      %scan3A_722 = arith.constant 25 : i32
      %add3A_723 = arith.addf %scan3A_721#0, %scan3A_721#1 : vector<16xf32>
      %add3A_724 = arith.addf %scan3A_721#2, %scan3A_721#3 : vector<16xf32>
      %add3A_725 = arith.addf %add3A_723, %add3A_724 : vector<16xf32>
      %swap3A_726 = arith.constant 0 : index
      %swap3A_727 = tpu.vector_load %arg12[%swap3A_726] {strides = array<i32>} : memref<24xf32, #tpu.memory_space<vmem>>, vector<16xf32>,
      tpu.vector_store %arg12[%swap3A_726], %add3A_725 {strides = array<i32>} : memref<24xf32, #tpu.memory_space<vmem>>, vector<16xf32>,
      %get3A_728 = arith.constant 8 : index
      %get3A_729 = tpu.vector_load %arg12[%get3A_728] {strides = array<i32>} : memref<24xf32, #tpu.memory_space<vmem>>, vector<16xf32>,
      %add3A_730 = arith.addf %add3A_725, %get3A_729 : vector<16xf32>
      %add3A_731 = arith.addf %add3A_730, %get3A_659 : vector<16xf32>
      %mul3A_732 = arith.constant 16 : i32
      %mul3A_733 = arith.muli %add3A_637, %mul3A_732 : i32
      %add3A_734 = arith.constant 2 : i32
      %add3A_735 = arith.addi %mul3A_733, %add3A_734 : i32
      %swap3A_736 = arith.index_cast %add3A_735 : i32 to index
      %swap3A_737 = arith.constant 0 : index
      %swap3A_738 = tpu.vector_load %arg10[%swap3A_736, %swap3A_737] {strides = array<i32>} : memref<512x16xf32, #tpu.memory_space<vmem>>, vector<16xf32>,
      tpu.vector_store %arg10[%swap3A_736, %swap3A_737], %add3A_731 {strides = array<i32>} : memref<512x16xf32, #tpu.memory_space<vmem>>, vector<16xf32>,
      %scan3A_739 = arith.constant 0 : i32
      %scan3A_740 = arith.constant 25 : i32
      %scan3A_741 = arith.addi %scan3A_739, %scan3A_740 : i32
      %scan3A_742 = arith.constant 1 : i32
      %scan3A_743:4 = scf.for %scan3A_1032 = %scan3A_739 to %scan3A_741 step %scan3A_742 iter_args(%scan3A_1033 = %broadcast_in_dim3A_661, %scan3A_1034 = %broadcast_in_dim3A_661, %scan3A_1035 = %broadcast_in_dim3A_661, %scan3A_1036 = %broadcast_in_dim3A_661) -> (vector<16xf32>, vector<16xf32>, vector<16xf32>, vector<16xf32>)  : i32 {
        %mul3A_1037 = arith.constant 8 : i32
        %mul3A_1038 = arith.muli %mul3A_1037, %scan3A_1032 : i32
        %add3A_1039 = arith.constant 600 : i32
        %add3A_1040 = arith.addi %add3A_1039, %mul3A_1038 : i32
        %add3A_1041 = arith.constant 0 : i32
        %add3A_1042 = arith.addi %add3A_1040, %add3A_1041 : i32
        %add3A_1043 = vector.broadcast %add3A_1042 : i32 to vector<16xi32>
        %add3A_1044 = arith.addi %and3A_668, %add3A_1043 : vector<16xi32>
        %gather3A = tpu.vector_load_idx %arg9[%add3A_1044, %and3A_672] : memref<3200x8xf32, #tpu.memory_space<vmem>>[vector<16xi32>, vector<16xi32>], vector<16xf32>,
        %add3A_1045 = arith.addf %scan3A_1033, %gather3A : vector<16xf32>
        %add3A_1046 = arith.constant 2 : i32
        %add3A_1047 = arith.addi %add3A_1040, %add3A_1046 : i32
        %add3A_1048 = vector.broadcast %add3A_1047 : i32 to vector<16xi32>
        %add3A_1049 = arith.addi %and3A_668, %add3A_1048 : vector<16xi32>
        %gather3A_1050 = tpu.vector_load_idx %arg9[%add3A_1049, %and3A_672] : memref<3200x8xf32, #tpu.memory_space<vmem>>[vector<16xi32>, vector<16xi32>], vector<16xf32>,
        %add3A_1051 = arith.addf %scan3A_1034, %gather3A_1050 : vector<16xf32>
        %add3A_1052 = arith.constant 4 : i32
        %add3A_1053 = arith.addi %add3A_1040, %add3A_1052 : i32
        %add3A_1054 = vector.broadcast %add3A_1053 : i32 to vector<16xi32>
        %add3A_1055 = arith.addi %and3A_668, %add3A_1054 : vector<16xi32>
        %gather3A_1056 = tpu.vector_load_idx %arg9[%add3A_1055, %and3A_672] : memref<3200x8xf32, #tpu.memory_space<vmem>>[vector<16xi32>, vector<16xi32>], vector<16xf32>,
        %add3A_1057 = arith.addf %scan3A_1035, %gather3A_1056 : vector<16xf32>
        %add3A_1058 = arith.constant 6 : i32
        %add3A_1059 = arith.addi %add3A_1040, %add3A_1058 : i32
        %add3A_1060 = vector.broadcast %add3A_1059 : i32 to vector<16xi32>
        %add3A_1061 = arith.addi %and3A_668, %add3A_1060 : vector<16xi32>
        %gather3A_1062 = tpu.vector_load_idx %arg9[%add3A_1061, %and3A_672] : memref<3200x8xf32, #tpu.memory_space<vmem>>[vector<16xi32>, vector<16xi32>], vector<16xf32>,
        %add3A_1063 = arith.addf %scan3A_1036, %gather3A_1062 : vector<16xf32>
        scf.yield %add3A_1045, %add3A_1051, %add3A_1057, %add3A_1063 : vector<16xf32>, vector<16xf32>, vector<16xf32>, vector<16xf32>
      }
      %scan3A_744 = arith.constant 25 : i32
      %add3A_745 = arith.addf %scan3A_743#0, %scan3A_743#1 : vector<16xf32>
      %add3A_746 = arith.addf %scan3A_743#2, %scan3A_743#3 : vector<16xf32>
      %add3A_747 = arith.addf %add3A_745, %add3A_746 : vector<16xf32>
      %swap3A_748 = arith.constant 0 : index
      %swap3A_749 = tpu.vector_load %arg12[%swap3A_748] {strides = array<i32>} : memref<24xf32, #tpu.memory_space<vmem>>, vector<16xf32>,
      tpu.vector_store %arg12[%swap3A_748], %add3A_747 {strides = array<i32>} : memref<24xf32, #tpu.memory_space<vmem>>, vector<16xf32>,
      %get3A_750 = arith.constant 8 : index
      %get3A_751 = tpu.vector_load %arg12[%get3A_750] {strides = array<i32>} : memref<24xf32, #tpu.memory_space<vmem>>, vector<16xf32>,
      %add3A_752 = arith.addf %add3A_747, %get3A_751 : vector<16xf32>
      %add3A_753 = arith.addf %add3A_752, %get3A_659 : vector<16xf32>
      %mul3A_754 = arith.constant 16 : i32
      %mul3A_755 = arith.muli %add3A_637, %mul3A_754 : i32
      %add3A_756 = arith.constant 3 : i32
      %add3A_757 = arith.addi %mul3A_755, %add3A_756 : i32
      %swap3A_758 = arith.index_cast %add3A_757 : i32 to index
      %swap3A_759 = arith.constant 0 : index
      %swap3A_760 = tpu.vector_load %arg10[%swap3A_758, %swap3A_759] {strides = array<i32>} : memref<512x16xf32, #tpu.memory_space<vmem>>, vector<16xf32>,
      tpu.vector_store %arg10[%swap3A_758, %swap3A_759], %add3A_753 {strides = array<i32>} : memref<512x16xf32, #tpu.memory_space<vmem>>, vector<16xf32>,
      %scan3A_761 = arith.constant 0 : i32
      %scan3A_762 = arith.constant 25 : i32
      %scan3A_763 = arith.addi %scan3A_761, %scan3A_762 : i32
      %scan3A_764 = arith.constant 1 : i32
      %scan3A_765:4 = scf.for %scan3A_1032 = %scan3A_761 to %scan3A_763 step %scan3A_764 iter_args(%scan3A_1033 = %broadcast_in_dim3A_661, %scan3A_1034 = %broadcast_in_dim3A_661, %scan3A_1035 = %broadcast_in_dim3A_661, %scan3A_1036 = %broadcast_in_dim3A_661) -> (vector<16xf32>, vector<16xf32>, vector<16xf32>, vector<16xf32>)  : i32 {
        %mul3A_1037 = arith.constant 8 : i32
        %mul3A_1038 = arith.muli %mul3A_1037, %scan3A_1032 : i32
        %add3A_1039 = arith.constant 800 : i32
        %add3A_1040 = arith.addi %add3A_1039, %mul3A_1038 : i32
        %add3A_1041 = arith.constant 0 : i32
        %add3A_1042 = arith.addi %add3A_1040, %add3A_1041 : i32
        %add3A_1043 = vector.broadcast %add3A_1042 : i32 to vector<16xi32>
        %add3A_1044 = arith.addi %and3A_668, %add3A_1043 : vector<16xi32>
        %gather3A = tpu.vector_load_idx %arg9[%add3A_1044, %and3A_672] : memref<3200x8xf32, #tpu.memory_space<vmem>>[vector<16xi32>, vector<16xi32>], vector<16xf32>,
        %add3A_1045 = arith.addf %scan3A_1033, %gather3A : vector<16xf32>
        %add3A_1046 = arith.constant 2 : i32
        %add3A_1047 = arith.addi %add3A_1040, %add3A_1046 : i32
        %add3A_1048 = vector.broadcast %add3A_1047 : i32 to vector<16xi32>
        %add3A_1049 = arith.addi %and3A_668, %add3A_1048 : vector<16xi32>
        %gather3A_1050 = tpu.vector_load_idx %arg9[%add3A_1049, %and3A_672] : memref<3200x8xf32, #tpu.memory_space<vmem>>[vector<16xi32>, vector<16xi32>], vector<16xf32>,
        %add3A_1051 = arith.addf %scan3A_1034, %gather3A_1050 : vector<16xf32>
        %add3A_1052 = arith.constant 4 : i32
        %add3A_1053 = arith.addi %add3A_1040, %add3A_1052 : i32
        %add3A_1054 = vector.broadcast %add3A_1053 : i32 to vector<16xi32>
        %add3A_1055 = arith.addi %and3A_668, %add3A_1054 : vector<16xi32>
        %gather3A_1056 = tpu.vector_load_idx %arg9[%add3A_1055, %and3A_672] : memref<3200x8xf32, #tpu.memory_space<vmem>>[vector<16xi32>, vector<16xi32>], vector<16xf32>,
        %add3A_1057 = arith.addf %scan3A_1035, %gather3A_1056 : vector<16xf32>
        %add3A_1058 = arith.constant 6 : i32
        %add3A_1059 = arith.addi %add3A_1040, %add3A_1058 : i32
        %add3A_1060 = vector.broadcast %add3A_1059 : i32 to vector<16xi32>
        %add3A_1061 = arith.addi %and3A_668, %add3A_1060 : vector<16xi32>
        %gather3A_1062 = tpu.vector_load_idx %arg9[%add3A_1061, %and3A_672] : memref<3200x8xf32, #tpu.memory_space<vmem>>[vector<16xi32>, vector<16xi32>], vector<16xf32>,
        %add3A_1063 = arith.addf %scan3A_1036, %gather3A_1062 : vector<16xf32>
        scf.yield %add3A_1045, %add3A_1051, %add3A_1057, %add3A_1063 : vector<16xf32>, vector<16xf32>, vector<16xf32>, vector<16xf32>
      }
      %scan3A_766 = arith.constant 25 : i32
      %add3A_767 = arith.addf %scan3A_765#0, %scan3A_765#1 : vector<16xf32>
      %add3A_768 = arith.addf %scan3A_765#2, %scan3A_765#3 : vector<16xf32>
      %add3A_769 = arith.addf %add3A_767, %add3A_768 : vector<16xf32>
      %swap3A_770 = arith.constant 0 : index
      %swap3A_771 = tpu.vector_load %arg12[%swap3A_770] {strides = array<i32>} : memref<24xf32, #tpu.memory_space<vmem>>, vector<16xf32>,
      tpu.vector_store %arg12[%swap3A_770], %add3A_769 {strides = array<i32>} : memref<24xf32, #tpu.memory_space<vmem>>, vector<16xf32>,
      %get3A_772 = arith.constant 8 : index
      %get3A_773 = tpu.vector_load %arg12[%get3A_772] {strides = array<i32>} : memref<24xf32, #tpu.memory_space<vmem>>, vector<16xf32>,
      %add3A_774 = arith.addf %add3A_769, %get3A_773 : vector<16xf32>
      %add3A_775 = arith.addf %add3A_774, %get3A_659 : vector<16xf32>
      %mul3A_776 = arith.constant 16 : i32
      %mul3A_777 = arith.muli %add3A_637, %mul3A_776 : i32
      %add3A_778 = arith.constant 4 : i32
      %add3A_779 = arith.addi %mul3A_777, %add3A_778 : i32
      %swap3A_780 = arith.index_cast %add3A_779 : i32 to index
      %swap3A_781 = arith.constant 0 : index
      %swap3A_782 = tpu.vector_load %arg10[%swap3A_780, %swap3A_781] {strides = array<i32>} : memref<512x16xf32, #tpu.memory_space<vmem>>, vector<16xf32>,
      tpu.vector_store %arg10[%swap3A_780, %swap3A_781], %add3A_775 {strides = array<i32>} : memref<512x16xf32, #tpu.memory_space<vmem>>, vector<16xf32>,
      %scan3A_783 = arith.constant 0 : i32
      %scan3A_784 = arith.constant 25 : i32
      %scan3A_785 = arith.addi %scan3A_783, %scan3A_784 : i32
      %scan3A_786 = arith.constant 1 : i32
      %scan3A_787:4 = scf.for %scan3A_1032 = %scan3A_783 to %scan3A_785 step %scan3A_786 iter_args(%scan3A_1033 = %broadcast_in_dim3A_661, %scan3A_1034 = %broadcast_in_dim3A_661, %scan3A_1035 = %broadcast_in_dim3A_661, %scan3A_1036 = %broadcast_in_dim3A_661) -> (vector<16xf32>, vector<16xf32>, vector<16xf32>, vector<16xf32>)  : i32 {
        %mul3A_1037 = arith.constant 8 : i32
        %mul3A_1038 = arith.muli %mul3A_1037, %scan3A_1032 : i32
        %add3A_1039 = arith.constant 1000 : i32
        %add3A_1040 = arith.addi %add3A_1039, %mul3A_1038 : i32
        %add3A_1041 = arith.constant 0 : i32
        %add3A_1042 = arith.addi %add3A_1040, %add3A_1041 : i32
        %add3A_1043 = vector.broadcast %add3A_1042 : i32 to vector<16xi32>
        %add3A_1044 = arith.addi %and3A_668, %add3A_1043 : vector<16xi32>
        %gather3A = tpu.vector_load_idx %arg9[%add3A_1044, %and3A_672] : memref<3200x8xf32, #tpu.memory_space<vmem>>[vector<16xi32>, vector<16xi32>], vector<16xf32>,
        %add3A_1045 = arith.addf %scan3A_1033, %gather3A : vector<16xf32>
        %add3A_1046 = arith.constant 2 : i32
        %add3A_1047 = arith.addi %add3A_1040, %add3A_1046 : i32
        %add3A_1048 = vector.broadcast %add3A_1047 : i32 to vector<16xi32>
        %add3A_1049 = arith.addi %and3A_668, %add3A_1048 : vector<16xi32>
        %gather3A_1050 = tpu.vector_load_idx %arg9[%add3A_1049, %and3A_672] : memref<3200x8xf32, #tpu.memory_space<vmem>>[vector<16xi32>, vector<16xi32>], vector<16xf32>,
        %add3A_1051 = arith.addf %scan3A_1034, %gather3A_1050 : vector<16xf32>
        %add3A_1052 = arith.constant 4 : i32
        %add3A_1053 = arith.addi %add3A_1040, %add3A_1052 : i32
        %add3A_1054 = vector.broadcast %add3A_1053 : i32 to vector<16xi32>
        %add3A_1055 = arith.addi %and3A_668, %add3A_1054 : vector<16xi32>
        %gather3A_1056 = tpu.vector_load_idx %arg9[%add3A_1055, %and3A_672] : memref<3200x8xf32, #tpu.memory_space<vmem>>[vector<16xi32>, vector<16xi32>], vector<16xf32>,
        %add3A_1057 = arith.addf %scan3A_1035, %gather3A_1056 : vector<16xf32>
        %add3A_1058 = arith.constant 6 : i32
        %add3A_1059 = arith.addi %add3A_1040, %add3A_1058 : i32
        %add3A_1060 = vector.broadcast %add3A_1059 : i32 to vector<16xi32>
        %add3A_1061 = arith.addi %and3A_668, %add3A_1060 : vector<16xi32>
        %gather3A_1062 = tpu.vector_load_idx %arg9[%add3A_1061, %and3A_672] : memref<3200x8xf32, #tpu.memory_space<vmem>>[vector<16xi32>, vector<16xi32>], vector<16xf32>,
        %add3A_1063 = arith.addf %scan3A_1036, %gather3A_1062 : vector<16xf32>
        scf.yield %add3A_1045, %add3A_1051, %add3A_1057, %add3A_1063 : vector<16xf32>, vector<16xf32>, vector<16xf32>, vector<16xf32>
      }
      %scan3A_788 = arith.constant 25 : i32
      %add3A_789 = arith.addf %scan3A_787#0, %scan3A_787#1 : vector<16xf32>
      %add3A_790 = arith.addf %scan3A_787#2, %scan3A_787#3 : vector<16xf32>
      %add3A_791 = arith.addf %add3A_789, %add3A_790 : vector<16xf32>
      %swap3A_792 = arith.constant 0 : index
      %swap3A_793 = tpu.vector_load %arg12[%swap3A_792] {strides = array<i32>} : memref<24xf32, #tpu.memory_space<vmem>>, vector<16xf32>,
      tpu.vector_store %arg12[%swap3A_792], %add3A_791 {strides = array<i32>} : memref<24xf32, #tpu.memory_space<vmem>>, vector<16xf32>,
      %get3A_794 = arith.constant 8 : index
      %get3A_795 = tpu.vector_load %arg12[%get3A_794] {strides = array<i32>} : memref<24xf32, #tpu.memory_space<vmem>>, vector<16xf32>,
      %add3A_796 = arith.addf %add3A_791, %get3A_795 : vector<16xf32>
      %add3A_797 = arith.addf %add3A_796, %get3A_659 : vector<16xf32>
      %mul3A_798 = arith.constant 16 : i32
      %mul3A_799 = arith.muli %add3A_637, %mul3A_798 : i32
      %add3A_800 = arith.constant 5 : i32
      %add3A_801 = arith.addi %mul3A_799, %add3A_800 : i32
      %swap3A_802 = arith.index_cast %add3A_801 : i32 to index
      %swap3A_803 = arith.constant 0 : index
      %swap3A_804 = tpu.vector_load %arg10[%swap3A_802, %swap3A_803] {strides = array<i32>} : memref<512x16xf32, #tpu.memory_space<vmem>>, vector<16xf32>,
      tpu.vector_store %arg10[%swap3A_802, %swap3A_803], %add3A_797 {strides = array<i32>} : memref<512x16xf32, #tpu.memory_space<vmem>>, vector<16xf32>,
      %scan3A_805 = arith.constant 0 : i32
      %scan3A_806 = arith.constant 25 : i32
      %scan3A_807 = arith.addi %scan3A_805, %scan3A_806 : i32
      %scan3A_808 = arith.constant 1 : i32
      %scan3A_809:4 = scf.for %scan3A_1032 = %scan3A_805 to %scan3A_807 step %scan3A_808 iter_args(%scan3A_1033 = %broadcast_in_dim3A_661, %scan3A_1034 = %broadcast_in_dim3A_661, %scan3A_1035 = %broadcast_in_dim3A_661, %scan3A_1036 = %broadcast_in_dim3A_661) -> (vector<16xf32>, vector<16xf32>, vector<16xf32>, vector<16xf32>)  : i32 {
        %mul3A_1037 = arith.constant 8 : i32
        %mul3A_1038 = arith.muli %mul3A_1037, %scan3A_1032 : i32
        %add3A_1039 = arith.constant 1200 : i32
        %add3A_1040 = arith.addi %add3A_1039, %mul3A_1038 : i32
        %add3A_1041 = arith.constant 0 : i32
        %add3A_1042 = arith.addi %add3A_1040, %add3A_1041 : i32
        %add3A_1043 = vector.broadcast %add3A_1042 : i32 to vector<16xi32>
        %add3A_1044 = arith.addi %and3A_668, %add3A_1043 : vector<16xi32>
        %gather3A = tpu.vector_load_idx %arg9[%add3A_1044, %and3A_672] : memref<3200x8xf32, #tpu.memory_space<vmem>>[vector<16xi32>, vector<16xi32>], vector<16xf32>,
        %add3A_1045 = arith.addf %scan3A_1033, %gather3A : vector<16xf32>
        %add3A_1046 = arith.constant 2 : i32
        %add3A_1047 = arith.addi %add3A_1040, %add3A_1046 : i32
        %add3A_1048 = vector.broadcast %add3A_1047 : i32 to vector<16xi32>
        %add3A_1049 = arith.addi %and3A_668, %add3A_1048 : vector<16xi32>
        %gather3A_1050 = tpu.vector_load_idx %arg9[%add3A_1049, %and3A_672] : memref<3200x8xf32, #tpu.memory_space<vmem>>[vector<16xi32>, vector<16xi32>], vector<16xf32>,
        %add3A_1051 = arith.addf %scan3A_1034, %gather3A_1050 : vector<16xf32>
        %add3A_1052 = arith.constant 4 : i32
        %add3A_1053 = arith.addi %add3A_1040, %add3A_1052 : i32
        %add3A_1054 = vector.broadcast %add3A_1053 : i32 to vector<16xi32>
        %add3A_1055 = arith.addi %and3A_668, %add3A_1054 : vector<16xi32>
        %gather3A_1056 = tpu.vector_load_idx %arg9[%add3A_1055, %and3A_672] : memref<3200x8xf32, #tpu.memory_space<vmem>>[vector<16xi32>, vector<16xi32>], vector<16xf32>,
        %add3A_1057 = arith.addf %scan3A_1035, %gather3A_1056 : vector<16xf32>
        %add3A_1058 = arith.constant 6 : i32
        %add3A_1059 = arith.addi %add3A_1040, %add3A_1058 : i32
        %add3A_1060 = vector.broadcast %add3A_1059 : i32 to vector<16xi32>
        %add3A_1061 = arith.addi %and3A_668, %add3A_1060 : vector<16xi32>
        %gather3A_1062 = tpu.vector_load_idx %arg9[%add3A_1061, %and3A_672] : memref<3200x8xf32, #tpu.memory_space<vmem>>[vector<16xi32>, vector<16xi32>], vector<16xf32>,
        %add3A_1063 = arith.addf %scan3A_1036, %gather3A_1062 : vector<16xf32>
        scf.yield %add3A_1045, %add3A_1051, %add3A_1057, %add3A_1063 : vector<16xf32>, vector<16xf32>, vector<16xf32>, vector<16xf32>
      }
      %scan3A_810 = arith.constant 25 : i32
      %add3A_811 = arith.addf %scan3A_809#0, %scan3A_809#1 : vector<16xf32>
      %add3A_812 = arith.addf %scan3A_809#2, %scan3A_809#3 : vector<16xf32>
      %add3A_813 = arith.addf %add3A_811, %add3A_812 : vector<16xf32>
      %swap3A_814 = arith.constant 0 : index
      %swap3A_815 = tpu.vector_load %arg12[%swap3A_814] {strides = array<i32>} : memref<24xf32, #tpu.memory_space<vmem>>, vector<16xf32>,
      tpu.vector_store %arg12[%swap3A_814], %add3A_813 {strides = array<i32>} : memref<24xf32, #tpu.memory_space<vmem>>, vector<16xf32>,
      %get3A_816 = arith.constant 8 : index
      %get3A_817 = tpu.vector_load %arg12[%get3A_816] {strides = array<i32>} : memref<24xf32, #tpu.memory_space<vmem>>, vector<16xf32>,
      %add3A_818 = arith.addf %add3A_813, %get3A_817 : vector<16xf32>
      %add3A_819 = arith.addf %add3A_818, %get3A_659 : vector<16xf32>
      %mul3A_820 = arith.constant 16 : i32
      %mul3A_821 = arith.muli %add3A_637, %mul3A_820 : i32
      %add3A_822 = arith.constant 6 : i32
      %add3A_823 = arith.addi %mul3A_821, %add3A_822 : i32
      %swap3A_824 = arith.index_cast %add3A_823 : i32 to index
      %swap3A_825 = arith.constant 0 : index
      %swap3A_826 = tpu.vector_load %arg10[%swap3A_824, %swap3A_825] {strides = array<i32>} : memref<512x16xf32, #tpu.memory_space<vmem>>, vector<16xf32>,
      tpu.vector_store %arg10[%swap3A_824, %swap3A_825], %add3A_819 {strides = array<i32>} : memref<512x16xf32, #tpu.memory_space<vmem>>, vector<16xf32>,
      %scan3A_827 = arith.constant 0 : i32
      %scan3A_828 = arith.constant 25 : i32
      %scan3A_829 = arith.addi %scan3A_827, %scan3A_828 : i32
      %scan3A_830 = arith.constant 1 : i32
      %scan3A_831:4 = scf.for %scan3A_1032 = %scan3A_827 to %scan3A_829 step %scan3A_830 iter_args(%scan3A_1033 = %broadcast_in_dim3A_661, %scan3A_1034 = %broadcast_in_dim3A_661, %scan3A_1035 = %broadcast_in_dim3A_661, %scan3A_1036 = %broadcast_in_dim3A_661) -> (vector<16xf32>, vector<16xf32>, vector<16xf32>, vector<16xf32>)  : i32 {
        %mul3A_1037 = arith.constant 8 : i32
        %mul3A_1038 = arith.muli %mul3A_1037, %scan3A_1032 : i32
        %add3A_1039 = arith.constant 1400 : i32
        %add3A_1040 = arith.addi %add3A_1039, %mul3A_1038 : i32
        %add3A_1041 = arith.constant 0 : i32
        %add3A_1042 = arith.addi %add3A_1040, %add3A_1041 : i32
        %add3A_1043 = vector.broadcast %add3A_1042 : i32 to vector<16xi32>
        %add3A_1044 = arith.addi %and3A_668, %add3A_1043 : vector<16xi32>
        %gather3A = tpu.vector_load_idx %arg9[%add3A_1044, %and3A_672] : memref<3200x8xf32, #tpu.memory_space<vmem>>[vector<16xi32>, vector<16xi32>], vector<16xf32>,
        %add3A_1045 = arith.addf %scan3A_1033, %gather3A : vector<16xf32>
        %add3A_1046 = arith.constant 2 : i32
        %add3A_1047 = arith.addi %add3A_1040, %add3A_1046 : i32
        %add3A_1048 = vector.broadcast %add3A_1047 : i32 to vector<16xi32>
        %add3A_1049 = arith.addi %and3A_668, %add3A_1048 : vector<16xi32>
        %gather3A_1050 = tpu.vector_load_idx %arg9[%add3A_1049, %and3A_672] : memref<3200x8xf32, #tpu.memory_space<vmem>>[vector<16xi32>, vector<16xi32>], vector<16xf32>,
        %add3A_1051 = arith.addf %scan3A_1034, %gather3A_1050 : vector<16xf32>
        %add3A_1052 = arith.constant 4 : i32
        %add3A_1053 = arith.addi %add3A_1040, %add3A_1052 : i32
        %add3A_1054 = vector.broadcast %add3A_1053 : i32 to vector<16xi32>
        %add3A_1055 = arith.addi %and3A_668, %add3A_1054 : vector<16xi32>
        %gather3A_1056 = tpu.vector_load_idx %arg9[%add3A_1055, %and3A_672] : memref<3200x8xf32, #tpu.memory_space<vmem>>[vector<16xi32>, vector<16xi32>], vector<16xf32>,
        %add3A_1057 = arith.addf %scan3A_1035, %gather3A_1056 : vector<16xf32>
        %add3A_1058 = arith.constant 6 : i32
        %add3A_1059 = arith.addi %add3A_1040, %add3A_1058 : i32
        %add3A_1060 = vector.broadcast %add3A_1059 : i32 to vector<16xi32>
        %add3A_1061 = arith.addi %and3A_668, %add3A_1060 : vector<16xi32>
        %gather3A_1062 = tpu.vector_load_idx %arg9[%add3A_1061, %and3A_672] : memref<3200x8xf32, #tpu.memory_space<vmem>>[vector<16xi32>, vector<16xi32>], vector<16xf32>,
        %add3A_1063 = arith.addf %scan3A_1036, %gather3A_1062 : vector<16xf32>
        scf.yield %add3A_1045, %add3A_1051, %add3A_1057, %add3A_1063 : vector<16xf32>, vector<16xf32>, vector<16xf32>, vector<16xf32>
      }
      %scan3A_832 = arith.constant 25 : i32
      %add3A_833 = arith.addf %scan3A_831#0, %scan3A_831#1 : vector<16xf32>
      %add3A_834 = arith.addf %scan3A_831#2, %scan3A_831#3 : vector<16xf32>
      %add3A_835 = arith.addf %add3A_833, %add3A_834 : vector<16xf32>
      %swap3A_836 = arith.constant 0 : index
      %swap3A_837 = tpu.vector_load %arg12[%swap3A_836] {strides = array<i32>} : memref<24xf32, #tpu.memory_space<vmem>>, vector<16xf32>,
      tpu.vector_store %arg12[%swap3A_836], %add3A_835 {strides = array<i32>} : memref<24xf32, #tpu.memory_space<vmem>>, vector<16xf32>,
      %get3A_838 = arith.constant 8 : index
      %get3A_839 = tpu.vector_load %arg12[%get3A_838] {strides = array<i32>} : memref<24xf32, #tpu.memory_space<vmem>>, vector<16xf32>,
      %add3A_840 = arith.addf %add3A_835, %get3A_839 : vector<16xf32>
      %add3A_841 = arith.addf %add3A_840, %get3A_659 : vector<16xf32>
      %mul3A_842 = arith.constant 16 : i32
      %mul3A_843 = arith.muli %add3A_637, %mul3A_842 : i32
      %add3A_844 = arith.constant 7 : i32
      %add3A_845 = arith.addi %mul3A_843, %add3A_844 : i32
      %swap3A_846 = arith.index_cast %add3A_845 : i32 to index
      %swap3A_847 = arith.constant 0 : index
      %swap3A_848 = tpu.vector_load %arg10[%swap3A_846, %swap3A_847] {strides = array<i32>} : memref<512x16xf32, #tpu.memory_space<vmem>>, vector<16xf32>,
      tpu.vector_store %arg10[%swap3A_846, %swap3A_847], %add3A_841 {strides = array<i32>} : memref<512x16xf32, #tpu.memory_space<vmem>>, vector<16xf32>,
      %scan3A_849 = arith.constant 0 : i32
      %scan3A_850 = arith.constant 25 : i32
      %scan3A_851 = arith.addi %scan3A_849, %scan3A_850 : i32
      %scan3A_852 = arith.constant 1 : i32
      %scan3A_853:4 = scf.for %scan3A_1032 = %scan3A_849 to %scan3A_851 step %scan3A_852 iter_args(%scan3A_1033 = %broadcast_in_dim3A_661, %scan3A_1034 = %broadcast_in_dim3A_661, %scan3A_1035 = %broadcast_in_dim3A_661, %scan3A_1036 = %broadcast_in_dim3A_661) -> (vector<16xf32>, vector<16xf32>, vector<16xf32>, vector<16xf32>)  : i32 {
        %mul3A_1037 = arith.constant 8 : i32
        %mul3A_1038 = arith.muli %mul3A_1037, %scan3A_1032 : i32
        %add3A_1039 = arith.constant 1600 : i32
        %add3A_1040 = arith.addi %add3A_1039, %mul3A_1038 : i32
        %add3A_1041 = arith.constant 0 : i32
        %add3A_1042 = arith.addi %add3A_1040, %add3A_1041 : i32
        %add3A_1043 = vector.broadcast %add3A_1042 : i32 to vector<16xi32>
        %add3A_1044 = arith.addi %and3A_668, %add3A_1043 : vector<16xi32>
        %gather3A = tpu.vector_load_idx %arg9[%add3A_1044, %and3A_672] : memref<3200x8xf32, #tpu.memory_space<vmem>>[vector<16xi32>, vector<16xi32>], vector<16xf32>,
        %add3A_1045 = arith.addf %scan3A_1033, %gather3A : vector<16xf32>
        %add3A_1046 = arith.constant 2 : i32
        %add3A_1047 = arith.addi %add3A_1040, %add3A_1046 : i32
        %add3A_1048 = vector.broadcast %add3A_1047 : i32 to vector<16xi32>
        %add3A_1049 = arith.addi %and3A_668, %add3A_1048 : vector<16xi32>
        %gather3A_1050 = tpu.vector_load_idx %arg9[%add3A_1049, %and3A_672] : memref<3200x8xf32, #tpu.memory_space<vmem>>[vector<16xi32>, vector<16xi32>], vector<16xf32>,
        %add3A_1051 = arith.addf %scan3A_1034, %gather3A_1050 : vector<16xf32>
        %add3A_1052 = arith.constant 4 : i32
        %add3A_1053 = arith.addi %add3A_1040, %add3A_1052 : i32
        %add3A_1054 = vector.broadcast %add3A_1053 : i32 to vector<16xi32>
        %add3A_1055 = arith.addi %and3A_668, %add3A_1054 : vector<16xi32>
        %gather3A_1056 = tpu.vector_load_idx %arg9[%add3A_1055, %and3A_672] : memref<3200x8xf32, #tpu.memory_space<vmem>>[vector<16xi32>, vector<16xi32>], vector<16xf32>,
        %add3A_1057 = arith.addf %scan3A_1035, %gather3A_1056 : vector<16xf32>
        %add3A_1058 = arith.constant 6 : i32
        %add3A_1059 = arith.addi %add3A_1040, %add3A_1058 : i32
        %add3A_1060 = vector.broadcast %add3A_1059 : i32 to vector<16xi32>
        %add3A_1061 = arith.addi %and3A_668, %add3A_1060 : vector<16xi32>
        %gather3A_1062 = tpu.vector_load_idx %arg9[%add3A_1061, %and3A_672] : memref<3200x8xf32, #tpu.memory_space<vmem>>[vector<16xi32>, vector<16xi32>], vector<16xf32>,
        %add3A_1063 = arith.addf %scan3A_1036, %gather3A_1062 : vector<16xf32>
        scf.yield %add3A_1045, %add3A_1051, %add3A_1057, %add3A_1063 : vector<16xf32>, vector<16xf32>, vector<16xf32>, vector<16xf32>
      }
      %scan3A_854 = arith.constant 25 : i32
      %add3A_855 = arith.addf %scan3A_853#0, %scan3A_853#1 : vector<16xf32>
      %add3A_856 = arith.addf %scan3A_853#2, %scan3A_853#3 : vector<16xf32>
      %add3A_857 = arith.addf %add3A_855, %add3A_856 : vector<16xf32>
      %swap3A_858 = arith.constant 0 : index
      %swap3A_859 = tpu.vector_load %arg12[%swap3A_858] {strides = array<i32>} : memref<24xf32, #tpu.memory_space<vmem>>, vector<16xf32>,
      tpu.vector_store %arg12[%swap3A_858], %add3A_857 {strides = array<i32>} : memref<24xf32, #tpu.memory_space<vmem>>, vector<16xf32>,
      %get3A_860 = arith.constant 8 : index
      %get3A_861 = tpu.vector_load %arg12[%get3A_860] {strides = array<i32>} : memref<24xf32, #tpu.memory_space<vmem>>, vector<16xf32>,
      %add3A_862 = arith.addf %add3A_857, %get3A_861 : vector<16xf32>
      %add3A_863 = arith.addf %add3A_862, %get3A_659 : vector<16xf32>
      %mul3A_864 = arith.constant 16 : i32
      %mul3A_865 = arith.muli %add3A_637, %mul3A_864 : i32
      %add3A_866 = arith.constant 8 : i32
      %add3A_867 = arith.addi %mul3A_865, %add3A_866 : i32
      %swap3A_868 = arith.index_cast %add3A_867 : i32 to index
      %swap3A_869 = arith.constant 0 : index
      %swap3A_870 = tpu.vector_load %arg10[%swap3A_868, %swap3A_869] {strides = array<i32>} : memref<512x16xf32, #tpu.memory_space<vmem>>, vector<16xf32>,
      tpu.vector_store %arg10[%swap3A_868, %swap3A_869], %add3A_863 {strides = array<i32>} : memref<512x16xf32, #tpu.memory_space<vmem>>, vector<16xf32>,
      %scan3A_871 = arith.constant 0 : i32
      %scan3A_872 = arith.constant 25 : i32
      %scan3A_873 = arith.addi %scan3A_871, %scan3A_872 : i32
      %scan3A_874 = arith.constant 1 : i32
      %scan3A_875:4 = scf.for %scan3A_1032 = %scan3A_871 to %scan3A_873 step %scan3A_874 iter_args(%scan3A_1033 = %broadcast_in_dim3A_661, %scan3A_1034 = %broadcast_in_dim3A_661, %scan3A_1035 = %broadcast_in_dim3A_661, %scan3A_1036 = %broadcast_in_dim3A_661) -> (vector<16xf32>, vector<16xf32>, vector<16xf32>, vector<16xf32>)  : i32 {
        %mul3A_1037 = arith.constant 8 : i32
        %mul3A_1038 = arith.muli %mul3A_1037, %scan3A_1032 : i32
        %add3A_1039 = arith.constant 1800 : i32
        %add3A_1040 = arith.addi %add3A_1039, %mul3A_1038 : i32
        %add3A_1041 = arith.constant 0 : i32
        %add3A_1042 = arith.addi %add3A_1040, %add3A_1041 : i32
        %add3A_1043 = vector.broadcast %add3A_1042 : i32 to vector<16xi32>
        %add3A_1044 = arith.addi %and3A_668, %add3A_1043 : vector<16xi32>
        %gather3A = tpu.vector_load_idx %arg9[%add3A_1044, %and3A_672] : memref<3200x8xf32, #tpu.memory_space<vmem>>[vector<16xi32>, vector<16xi32>], vector<16xf32>,
        %add3A_1045 = arith.addf %scan3A_1033, %gather3A : vector<16xf32>
        %add3A_1046 = arith.constant 2 : i32
        %add3A_1047 = arith.addi %add3A_1040, %add3A_1046 : i32
        %add3A_1048 = vector.broadcast %add3A_1047 : i32 to vector<16xi32>
        %add3A_1049 = arith.addi %and3A_668, %add3A_1048 : vector<16xi32>
        %gather3A_1050 = tpu.vector_load_idx %arg9[%add3A_1049, %and3A_672] : memref<3200x8xf32, #tpu.memory_space<vmem>>[vector<16xi32>, vector<16xi32>], vector<16xf32>,
        %add3A_1051 = arith.addf %scan3A_1034, %gather3A_1050 : vector<16xf32>
        %add3A_1052 = arith.constant 4 : i32
        %add3A_1053 = arith.addi %add3A_1040, %add3A_1052 : i32
        %add3A_1054 = vector.broadcast %add3A_1053 : i32 to vector<16xi32>
        %add3A_1055 = arith.addi %and3A_668, %add3A_1054 : vector<16xi32>
        %gather3A_1056 = tpu.vector_load_idx %arg9[%add3A_1055, %and3A_672] : memref<3200x8xf32, #tpu.memory_space<vmem>>[vector<16xi32>, vector<16xi32>], vector<16xf32>,
        %add3A_1057 = arith.addf %scan3A_1035, %gather3A_1056 : vector<16xf32>
        %add3A_1058 = arith.constant 6 : i32
        %add3A_1059 = arith.addi %add3A_1040, %add3A_1058 : i32
        %add3A_1060 = vector.broadcast %add3A_1059 : i32 to vector<16xi32>
        %add3A_1061 = arith.addi %and3A_668, %add3A_1060 : vector<16xi32>
        %gather3A_1062 = tpu.vector_load_idx %arg9[%add3A_1061, %and3A_672] : memref<3200x8xf32, #tpu.memory_space<vmem>>[vector<16xi32>, vector<16xi32>], vector<16xf32>,
        %add3A_1063 = arith.addf %scan3A_1036, %gather3A_1062 : vector<16xf32>
        scf.yield %add3A_1045, %add3A_1051, %add3A_1057, %add3A_1063 : vector<16xf32>, vector<16xf32>, vector<16xf32>, vector<16xf32>
      }
      %scan3A_876 = arith.constant 25 : i32
      %add3A_877 = arith.addf %scan3A_875#0, %scan3A_875#1 : vector<16xf32>
      %add3A_878 = arith.addf %scan3A_875#2, %scan3A_875#3 : vector<16xf32>
      %add3A_879 = arith.addf %add3A_877, %add3A_878 : vector<16xf32>
      %swap3A_880 = arith.constant 0 : index
      %swap3A_881 = tpu.vector_load %arg12[%swap3A_880] {strides = array<i32>} : memref<24xf32, #tpu.memory_space<vmem>>, vector<16xf32>,
      tpu.vector_store %arg12[%swap3A_880], %add3A_879 {strides = array<i32>} : memref<24xf32, #tpu.memory_space<vmem>>, vector<16xf32>,
      %get3A_882 = arith.constant 8 : index
      %get3A_883 = tpu.vector_load %arg12[%get3A_882] {strides = array<i32>} : memref<24xf32, #tpu.memory_space<vmem>>, vector<16xf32>,
      %add3A_884 = arith.addf %add3A_879, %get3A_883 : vector<16xf32>
      %add3A_885 = arith.addf %add3A_884, %get3A_659 : vector<16xf32>
      %mul3A_886 = arith.constant 16 : i32
      %mul3A_887 = arith.muli %add3A_637, %mul3A_886 : i32
      %add3A_888 = arith.constant 9 : i32
      %add3A_889 = arith.addi %mul3A_887, %add3A_888 : i32
      %swap3A_890 = arith.index_cast %add3A_889 : i32 to index
      %swap3A_891 = arith.constant 0 : index
      %swap3A_892 = tpu.vector_load %arg10[%swap3A_890, %swap3A_891] {strides = array<i32>} : memref<512x16xf32, #tpu.memory_space<vmem>>, vector<16xf32>,
      tpu.vector_store %arg10[%swap3A_890, %swap3A_891], %add3A_885 {strides = array<i32>} : memref<512x16xf32, #tpu.memory_space<vmem>>, vector<16xf32>,
      %scan3A_893 = arith.constant 0 : i32
      %scan3A_894 = arith.constant 25 : i32
      %scan3A_895 = arith.addi %scan3A_893, %scan3A_894 : i32
      %scan3A_896 = arith.constant 1 : i32
      %scan3A_897:4 = scf.for %scan3A_1032 = %scan3A_893 to %scan3A_895 step %scan3A_896 iter_args(%scan3A_1033 = %broadcast_in_dim3A_661, %scan3A_1034 = %broadcast_in_dim3A_661, %scan3A_1035 = %broadcast_in_dim3A_661, %scan3A_1036 = %broadcast_in_dim3A_661) -> (vector<16xf32>, vector<16xf32>, vector<16xf32>, vector<16xf32>)  : i32 {
        %mul3A_1037 = arith.constant 8 : i32
        %mul3A_1038 = arith.muli %mul3A_1037, %scan3A_1032 : i32
        %add3A_1039 = arith.constant 2000 : i32
        %add3A_1040 = arith.addi %add3A_1039, %mul3A_1038 : i32
        %add3A_1041 = arith.constant 0 : i32
        %add3A_1042 = arith.addi %add3A_1040, %add3A_1041 : i32
        %add3A_1043 = vector.broadcast %add3A_1042 : i32 to vector<16xi32>
        %add3A_1044 = arith.addi %and3A_668, %add3A_1043 : vector<16xi32>
        %gather3A = tpu.vector_load_idx %arg9[%add3A_1044, %and3A_672] : memref<3200x8xf32, #tpu.memory_space<vmem>>[vector<16xi32>, vector<16xi32>], vector<16xf32>,
        %add3A_1045 = arith.addf %scan3A_1033, %gather3A : vector<16xf32>
        %add3A_1046 = arith.constant 2 : i32
        %add3A_1047 = arith.addi %add3A_1040, %add3A_1046 : i32
        %add3A_1048 = vector.broadcast %add3A_1047 : i32 to vector<16xi32>
        %add3A_1049 = arith.addi %and3A_668, %add3A_1048 : vector<16xi32>
        %gather3A_1050 = tpu.vector_load_idx %arg9[%add3A_1049, %and3A_672] : memref<3200x8xf32, #tpu.memory_space<vmem>>[vector<16xi32>, vector<16xi32>], vector<16xf32>,
        %add3A_1051 = arith.addf %scan3A_1034, %gather3A_1050 : vector<16xf32>
        %add3A_1052 = arith.constant 4 : i32
        %add3A_1053 = arith.addi %add3A_1040, %add3A_1052 : i32
        %add3A_1054 = vector.broadcast %add3A_1053 : i32 to vector<16xi32>
        %add3A_1055 = arith.addi %and3A_668, %add3A_1054 : vector<16xi32>
        %gather3A_1056 = tpu.vector_load_idx %arg9[%add3A_1055, %and3A_672] : memref<3200x8xf32, #tpu.memory_space<vmem>>[vector<16xi32>, vector<16xi32>], vector<16xf32>,
        %add3A_1057 = arith.addf %scan3A_1035, %gather3A_1056 : vector<16xf32>
        %add3A_1058 = arith.constant 6 : i32
        %add3A_1059 = arith.addi %add3A_1040, %add3A_1058 : i32
        %add3A_1060 = vector.broadcast %add3A_1059 : i32 to vector<16xi32>
        %add3A_1061 = arith.addi %and3A_668, %add3A_1060 : vector<16xi32>
        %gather3A_1062 = tpu.vector_load_idx %arg9[%add3A_1061, %and3A_672] : memref<3200x8xf32, #tpu.memory_space<vmem>>[vector<16xi32>, vector<16xi32>], vector<16xf32>,
        %add3A_1063 = arith.addf %scan3A_1036, %gather3A_1062 : vector<16xf32>
        scf.yield %add3A_1045, %add3A_1051, %add3A_1057, %add3A_1063 : vector<16xf32>, vector<16xf32>, vector<16xf32>, vector<16xf32>
      }
      %scan3A_898 = arith.constant 25 : i32
      %add3A_899 = arith.addf %scan3A_897#0, %scan3A_897#1 : vector<16xf32>
      %add3A_900 = arith.addf %scan3A_897#2, %scan3A_897#3 : vector<16xf32>
      %add3A_901 = arith.addf %add3A_899, %add3A_900 : vector<16xf32>
      %swap3A_902 = arith.constant 0 : index
      %swap3A_903 = tpu.vector_load %arg12[%swap3A_902] {strides = array<i32>} : memref<24xf32, #tpu.memory_space<vmem>>, vector<16xf32>,
      tpu.vector_store %arg12[%swap3A_902], %add3A_901 {strides = array<i32>} : memref<24xf32, #tpu.memory_space<vmem>>, vector<16xf32>,
      %get3A_904 = arith.constant 8 : index
      %get3A_905 = tpu.vector_load %arg12[%get3A_904] {strides = array<i32>} : memref<24xf32, #tpu.memory_space<vmem>>, vector<16xf32>,
      %add3A_906 = arith.addf %add3A_901, %get3A_905 : vector<16xf32>
      %add3A_907 = arith.addf %add3A_906, %get3A_659 : vector<16xf32>
      %mul3A_908 = arith.constant 16 : i32
      %mul3A_909 = arith.muli %add3A_637, %mul3A_908 : i32
      %add3A_910 = arith.constant 10 : i32
      %add3A_911 = arith.addi %mul3A_909, %add3A_910 : i32
      %swap3A_912 = arith.index_cast %add3A_911 : i32 to index
      %swap3A_913 = arith.constant 0 : index
      %swap3A_914 = tpu.vector_load %arg10[%swap3A_912, %swap3A_913] {strides = array<i32>} : memref<512x16xf32, #tpu.memory_space<vmem>>, vector<16xf32>,
      tpu.vector_store %arg10[%swap3A_912, %swap3A_913], %add3A_907 {strides = array<i32>} : memref<512x16xf32, #tpu.memory_space<vmem>>, vector<16xf32>,
      %scan3A_915 = arith.constant 0 : i32
      %scan3A_916 = arith.constant 25 : i32
      %scan3A_917 = arith.addi %scan3A_915, %scan3A_916 : i32
      %scan3A_918 = arith.constant 1 : i32
      %scan3A_919:4 = scf.for %scan3A_1032 = %scan3A_915 to %scan3A_917 step %scan3A_918 iter_args(%scan3A_1033 = %broadcast_in_dim3A_661, %scan3A_1034 = %broadcast_in_dim3A_661, %scan3A_1035 = %broadcast_in_dim3A_661, %scan3A_1036 = %broadcast_in_dim3A_661) -> (vector<16xf32>, vector<16xf32>, vector<16xf32>, vector<16xf32>)  : i32 {
        %mul3A_1037 = arith.constant 8 : i32
        %mul3A_1038 = arith.muli %mul3A_1037, %scan3A_1032 : i32
        %add3A_1039 = arith.constant 2200 : i32
        %add3A_1040 = arith.addi %add3A_1039, %mul3A_1038 : i32
        %add3A_1041 = arith.constant 0 : i32
        %add3A_1042 = arith.addi %add3A_1040, %add3A_1041 : i32
        %add3A_1043 = vector.broadcast %add3A_1042 : i32 to vector<16xi32>
        %add3A_1044 = arith.addi %and3A_668, %add3A_1043 : vector<16xi32>
        %gather3A = tpu.vector_load_idx %arg9[%add3A_1044, %and3A_672] : memref<3200x8xf32, #tpu.memory_space<vmem>>[vector<16xi32>, vector<16xi32>], vector<16xf32>,
        %add3A_1045 = arith.addf %scan3A_1033, %gather3A : vector<16xf32>
        %add3A_1046 = arith.constant 2 : i32
        %add3A_1047 = arith.addi %add3A_1040, %add3A_1046 : i32
        %add3A_1048 = vector.broadcast %add3A_1047 : i32 to vector<16xi32>
        %add3A_1049 = arith.addi %and3A_668, %add3A_1048 : vector<16xi32>
        %gather3A_1050 = tpu.vector_load_idx %arg9[%add3A_1049, %and3A_672] : memref<3200x8xf32, #tpu.memory_space<vmem>>[vector<16xi32>, vector<16xi32>], vector<16xf32>,
        %add3A_1051 = arith.addf %scan3A_1034, %gather3A_1050 : vector<16xf32>
        %add3A_1052 = arith.constant 4 : i32
        %add3A_1053 = arith.addi %add3A_1040, %add3A_1052 : i32
        %add3A_1054 = vector.broadcast %add3A_1053 : i32 to vector<16xi32>
        %add3A_1055 = arith.addi %and3A_668, %add3A_1054 : vector<16xi32>
        %gather3A_1056 = tpu.vector_load_idx %arg9[%add3A_1055, %and3A_672] : memref<3200x8xf32, #tpu.memory_space<vmem>>[vector<16xi32>, vector<16xi32>], vector<16xf32>,
        %add3A_1057 = arith.addf %scan3A_1035, %gather3A_1056 : vector<16xf32>
        %add3A_1058 = arith.constant 6 : i32
        %add3A_1059 = arith.addi %add3A_1040, %add3A_1058 : i32
        %add3A_1060 = vector.broadcast %add3A_1059 : i32 to vector<16xi32>
        %add3A_1061 = arith.addi %and3A_668, %add3A_1060 : vector<16xi32>
        %gather3A_1062 = tpu.vector_load_idx %arg9[%add3A_1061, %and3A_672] : memref<3200x8xf32, #tpu.memory_space<vmem>>[vector<16xi32>, vector<16xi32>], vector<16xf32>,
        %add3A_1063 = arith.addf %scan3A_1036, %gather3A_1062 : vector<16xf32>
        scf.yield %add3A_1045, %add3A_1051, %add3A_1057, %add3A_1063 : vector<16xf32>, vector<16xf32>, vector<16xf32>, vector<16xf32>
      }
      %scan3A_920 = arith.constant 25 : i32
      %add3A_921 = arith.addf %scan3A_919#0, %scan3A_919#1 : vector<16xf32>
      %add3A_922 = arith.addf %scan3A_919#2, %scan3A_919#3 : vector<16xf32>
      %add3A_923 = arith.addf %add3A_921, %add3A_922 : vector<16xf32>
      %swap3A_924 = arith.constant 0 : index
      %swap3A_925 = tpu.vector_load %arg12[%swap3A_924] {strides = array<i32>} : memref<24xf32, #tpu.memory_space<vmem>>, vector<16xf32>,
      tpu.vector_store %arg12[%swap3A_924], %add3A_923 {strides = array<i32>} : memref<24xf32, #tpu.memory_space<vmem>>, vector<16xf32>,
      %get3A_926 = arith.constant 8 : index
      %get3A_927 = tpu.vector_load %arg12[%get3A_926] {strides = array<i32>} : memref<24xf32, #tpu.memory_space<vmem>>, vector<16xf32>,
      %add3A_928 = arith.addf %add3A_923, %get3A_927 : vector<16xf32>
      %add3A_929 = arith.addf %add3A_928, %get3A_659 : vector<16xf32>
      %mul3A_930 = arith.constant 16 : i32
      %mul3A_931 = arith.muli %add3A_637, %mul3A_930 : i32
      %add3A_932 = arith.constant 11 : i32
      %add3A_933 = arith.addi %mul3A_931, %add3A_932 : i32
      %swap3A_934 = arith.index_cast %add3A_933 : i32 to index
      %swap3A_935 = arith.constant 0 : index
      %swap3A_936 = tpu.vector_load %arg10[%swap3A_934, %swap3A_935] {strides = array<i32>} : memref<512x16xf32, #tpu.memory_space<vmem>>, vector<16xf32>,
      tpu.vector_store %arg10[%swap3A_934, %swap3A_935], %add3A_929 {strides = array<i32>} : memref<512x16xf32, #tpu.memory_space<vmem>>, vector<16xf32>,
      %scan3A_937 = arith.constant 0 : i32
      %scan3A_938 = arith.constant 25 : i32
      %scan3A_939 = arith.addi %scan3A_937, %scan3A_938 : i32
      %scan3A_940 = arith.constant 1 : i32
      %scan3A_941:4 = scf.for %scan3A_1032 = %scan3A_937 to %scan3A_939 step %scan3A_940 iter_args(%scan3A_1033 = %broadcast_in_dim3A_661, %scan3A_1034 = %broadcast_in_dim3A_661, %scan3A_1035 = %broadcast_in_dim3A_661, %scan3A_1036 = %broadcast_in_dim3A_661) -> (vector<16xf32>, vector<16xf32>, vector<16xf32>, vector<16xf32>)  : i32 {
        %mul3A_1037 = arith.constant 8 : i32
        %mul3A_1038 = arith.muli %mul3A_1037, %scan3A_1032 : i32
        %add3A_1039 = arith.constant 2400 : i32
        %add3A_1040 = arith.addi %add3A_1039, %mul3A_1038 : i32
        %add3A_1041 = arith.constant 0 : i32
        %add3A_1042 = arith.addi %add3A_1040, %add3A_1041 : i32
        %add3A_1043 = vector.broadcast %add3A_1042 : i32 to vector<16xi32>
        %add3A_1044 = arith.addi %and3A_668, %add3A_1043 : vector<16xi32>
        %gather3A = tpu.vector_load_idx %arg9[%add3A_1044, %and3A_672] : memref<3200x8xf32, #tpu.memory_space<vmem>>[vector<16xi32>, vector<16xi32>], vector<16xf32>,
        %add3A_1045 = arith.addf %scan3A_1033, %gather3A : vector<16xf32>
        %add3A_1046 = arith.constant 2 : i32
        %add3A_1047 = arith.addi %add3A_1040, %add3A_1046 : i32
        %add3A_1048 = vector.broadcast %add3A_1047 : i32 to vector<16xi32>
        %add3A_1049 = arith.addi %and3A_668, %add3A_1048 : vector<16xi32>
        %gather3A_1050 = tpu.vector_load_idx %arg9[%add3A_1049, %and3A_672] : memref<3200x8xf32, #tpu.memory_space<vmem>>[vector<16xi32>, vector<16xi32>], vector<16xf32>,
        %add3A_1051 = arith.addf %scan3A_1034, %gather3A_1050 : vector<16xf32>
        %add3A_1052 = arith.constant 4 : i32
        %add3A_1053 = arith.addi %add3A_1040, %add3A_1052 : i32
        %add3A_1054 = vector.broadcast %add3A_1053 : i32 to vector<16xi32>
        %add3A_1055 = arith.addi %and3A_668, %add3A_1054 : vector<16xi32>
        %gather3A_1056 = tpu.vector_load_idx %arg9[%add3A_1055, %and3A_672] : memref<3200x8xf32, #tpu.memory_space<vmem>>[vector<16xi32>, vector<16xi32>], vector<16xf32>,
        %add3A_1057 = arith.addf %scan3A_1035, %gather3A_1056 : vector<16xf32>
        %add3A_1058 = arith.constant 6 : i32
        %add3A_1059 = arith.addi %add3A_1040, %add3A_1058 : i32
        %add3A_1060 = vector.broadcast %add3A_1059 : i32 to vector<16xi32>
        %add3A_1061 = arith.addi %and3A_668, %add3A_1060 : vector<16xi32>
        %gather3A_1062 = tpu.vector_load_idx %arg9[%add3A_1061, %and3A_672] : memref<3200x8xf32, #tpu.memory_space<vmem>>[vector<16xi32>, vector<16xi32>], vector<16xf32>,
        %add3A_1063 = arith.addf %scan3A_1036, %gather3A_1062 : vector<16xf32>
        scf.yield %add3A_1045, %add3A_1051, %add3A_1057, %add3A_1063 : vector<16xf32>, vector<16xf32>, vector<16xf32>, vector<16xf32>
      }
      %scan3A_942 = arith.constant 25 : i32
      %add3A_943 = arith.addf %scan3A_941#0, %scan3A_941#1 : vector<16xf32>
      %add3A_944 = arith.addf %scan3A_941#2, %scan3A_941#3 : vector<16xf32>
      %add3A_945 = arith.addf %add3A_943, %add3A_944 : vector<16xf32>
      %swap3A_946 = arith.constant 0 : index
      %swap3A_947 = tpu.vector_load %arg12[%swap3A_946] {strides = array<i32>} : memref<24xf32, #tpu.memory_space<vmem>>, vector<16xf32>,
      tpu.vector_store %arg12[%swap3A_946], %add3A_945 {strides = array<i32>} : memref<24xf32, #tpu.memory_space<vmem>>, vector<16xf32>,
      %get3A_948 = arith.constant 8 : index
      %get3A_949 = tpu.vector_load %arg12[%get3A_948] {strides = array<i32>} : memref<24xf32, #tpu.memory_space<vmem>>, vector<16xf32>,
      %add3A_950 = arith.addf %add3A_945, %get3A_949 : vector<16xf32>
      %add3A_951 = arith.addf %add3A_950, %get3A_659 : vector<16xf32>
      %mul3A_952 = arith.constant 16 : i32
      %mul3A_953 = arith.muli %add3A_637, %mul3A_952 : i32
      %add3A_954 = arith.constant 12 : i32
      %add3A_955 = arith.addi %mul3A_953, %add3A_954 : i32
      %swap3A_956 = arith.index_cast %add3A_955 : i32 to index
      %swap3A_957 = arith.constant 0 : index
      %swap3A_958 = tpu.vector_load %arg10[%swap3A_956, %swap3A_957] {strides = array<i32>} : memref<512x16xf32, #tpu.memory_space<vmem>>, vector<16xf32>,
      tpu.vector_store %arg10[%swap3A_956, %swap3A_957], %add3A_951 {strides = array<i32>} : memref<512x16xf32, #tpu.memory_space<vmem>>, vector<16xf32>,
      %scan3A_959 = arith.constant 0 : i32
      %scan3A_960 = arith.constant 25 : i32
      %scan3A_961 = arith.addi %scan3A_959, %scan3A_960 : i32
      %scan3A_962 = arith.constant 1 : i32
      %scan3A_963:4 = scf.for %scan3A_1032 = %scan3A_959 to %scan3A_961 step %scan3A_962 iter_args(%scan3A_1033 = %broadcast_in_dim3A_661, %scan3A_1034 = %broadcast_in_dim3A_661, %scan3A_1035 = %broadcast_in_dim3A_661, %scan3A_1036 = %broadcast_in_dim3A_661) -> (vector<16xf32>, vector<16xf32>, vector<16xf32>, vector<16xf32>)  : i32 {
        %mul3A_1037 = arith.constant 8 : i32
        %mul3A_1038 = arith.muli %mul3A_1037, %scan3A_1032 : i32
        %add3A_1039 = arith.constant 2600 : i32
        %add3A_1040 = arith.addi %add3A_1039, %mul3A_1038 : i32
        %add3A_1041 = arith.constant 0 : i32
        %add3A_1042 = arith.addi %add3A_1040, %add3A_1041 : i32
        %add3A_1043 = vector.broadcast %add3A_1042 : i32 to vector<16xi32>
        %add3A_1044 = arith.addi %and3A_668, %add3A_1043 : vector<16xi32>
        %gather3A = tpu.vector_load_idx %arg9[%add3A_1044, %and3A_672] : memref<3200x8xf32, #tpu.memory_space<vmem>>[vector<16xi32>, vector<16xi32>], vector<16xf32>,
        %add3A_1045 = arith.addf %scan3A_1033, %gather3A : vector<16xf32>
        %add3A_1046 = arith.constant 2 : i32
        %add3A_1047 = arith.addi %add3A_1040, %add3A_1046 : i32
        %add3A_1048 = vector.broadcast %add3A_1047 : i32 to vector<16xi32>
        %add3A_1049 = arith.addi %and3A_668, %add3A_1048 : vector<16xi32>
        %gather3A_1050 = tpu.vector_load_idx %arg9[%add3A_1049, %and3A_672] : memref<3200x8xf32, #tpu.memory_space<vmem>>[vector<16xi32>, vector<16xi32>], vector<16xf32>,
        %add3A_1051 = arith.addf %scan3A_1034, %gather3A_1050 : vector<16xf32>
        %add3A_1052 = arith.constant 4 : i32
        %add3A_1053 = arith.addi %add3A_1040, %add3A_1052 : i32
        %add3A_1054 = vector.broadcast %add3A_1053 : i32 to vector<16xi32>
        %add3A_1055 = arith.addi %and3A_668, %add3A_1054 : vector<16xi32>
        %gather3A_1056 = tpu.vector_load_idx %arg9[%add3A_1055, %and3A_672] : memref<3200x8xf32, #tpu.memory_space<vmem>>[vector<16xi32>, vector<16xi32>], vector<16xf32>,
        %add3A_1057 = arith.addf %scan3A_1035, %gather3A_1056 : vector<16xf32>
        %add3A_1058 = arith.constant 6 : i32
        %add3A_1059 = arith.addi %add3A_1040, %add3A_1058 : i32
        %add3A_1060 = vector.broadcast %add3A_1059 : i32 to vector<16xi32>
        %add3A_1061 = arith.addi %and3A_668, %add3A_1060 : vector<16xi32>
        %gather3A_1062 = tpu.vector_load_idx %arg9[%add3A_1061, %and3A_672] : memref<3200x8xf32, #tpu.memory_space<vmem>>[vector<16xi32>, vector<16xi32>], vector<16xf32>,
        %add3A_1063 = arith.addf %scan3A_1036, %gather3A_1062 : vector<16xf32>
        scf.yield %add3A_1045, %add3A_1051, %add3A_1057, %add3A_1063 : vector<16xf32>, vector<16xf32>, vector<16xf32>, vector<16xf32>
      }
      %scan3A_964 = arith.constant 25 : i32
      %add3A_965 = arith.addf %scan3A_963#0, %scan3A_963#1 : vector<16xf32>
      %add3A_966 = arith.addf %scan3A_963#2, %scan3A_963#3 : vector<16xf32>
      %add3A_967 = arith.addf %add3A_965, %add3A_966 : vector<16xf32>
      %swap3A_968 = arith.constant 0 : index
      %swap3A_969 = tpu.vector_load %arg12[%swap3A_968] {strides = array<i32>} : memref<24xf32, #tpu.memory_space<vmem>>, vector<16xf32>,
      tpu.vector_store %arg12[%swap3A_968], %add3A_967 {strides = array<i32>} : memref<24xf32, #tpu.memory_space<vmem>>, vector<16xf32>,
      %get3A_970 = arith.constant 8 : index
      %get3A_971 = tpu.vector_load %arg12[%get3A_970] {strides = array<i32>} : memref<24xf32, #tpu.memory_space<vmem>>, vector<16xf32>,
      %add3A_972 = arith.addf %add3A_967, %get3A_971 : vector<16xf32>
      %add3A_973 = arith.addf %add3A_972, %get3A_659 : vector<16xf32>
      %mul3A_974 = arith.constant 16 : i32
      %mul3A_975 = arith.muli %add3A_637, %mul3A_974 : i32
      %add3A_976 = arith.constant 13 : i32
      %add3A_977 = arith.addi %mul3A_975, %add3A_976 : i32
      %swap3A_978 = arith.index_cast %add3A_977 : i32 to index
      %swap3A_979 = arith.constant 0 : index
      %swap3A_980 = tpu.vector_load %arg10[%swap3A_978, %swap3A_979] {strides = array<i32>} : memref<512x16xf32, #tpu.memory_space<vmem>>, vector<16xf32>,
      tpu.vector_store %arg10[%swap3A_978, %swap3A_979], %add3A_973 {strides = array<i32>} : memref<512x16xf32, #tpu.memory_space<vmem>>, vector<16xf32>,
      %scan3A_981 = arith.constant 0 : i32
      %scan3A_982 = arith.constant 25 : i32
      %scan3A_983 = arith.addi %scan3A_981, %scan3A_982 : i32
      %scan3A_984 = arith.constant 1 : i32
      %scan3A_985:4 = scf.for %scan3A_1032 = %scan3A_981 to %scan3A_983 step %scan3A_984 iter_args(%scan3A_1033 = %broadcast_in_dim3A_661, %scan3A_1034 = %broadcast_in_dim3A_661, %scan3A_1035 = %broadcast_in_dim3A_661, %scan3A_1036 = %broadcast_in_dim3A_661) -> (vector<16xf32>, vector<16xf32>, vector<16xf32>, vector<16xf32>)  : i32 {
        %mul3A_1037 = arith.constant 8 : i32
        %mul3A_1038 = arith.muli %mul3A_1037, %scan3A_1032 : i32
        %add3A_1039 = arith.constant 2800 : i32
        %add3A_1040 = arith.addi %add3A_1039, %mul3A_1038 : i32
        %add3A_1041 = arith.constant 0 : i32
        %add3A_1042 = arith.addi %add3A_1040, %add3A_1041 : i32
        %add3A_1043 = vector.broadcast %add3A_1042 : i32 to vector<16xi32>
        %add3A_1044 = arith.addi %and3A_668, %add3A_1043 : vector<16xi32>
        %gather3A = tpu.vector_load_idx %arg9[%add3A_1044, %and3A_672] : memref<3200x8xf32, #tpu.memory_space<vmem>>[vector<16xi32>, vector<16xi32>], vector<16xf32>,
        %add3A_1045 = arith.addf %scan3A_1033, %gather3A : vector<16xf32>
        %add3A_1046 = arith.constant 2 : i32
        %add3A_1047 = arith.addi %add3A_1040, %add3A_1046 : i32
        %add3A_1048 = vector.broadcast %add3A_1047 : i32 to vector<16xi32>
        %add3A_1049 = arith.addi %and3A_668, %add3A_1048 : vector<16xi32>
        %gather3A_1050 = tpu.vector_load_idx %arg9[%add3A_1049, %and3A_672] : memref<3200x8xf32, #tpu.memory_space<vmem>>[vector<16xi32>, vector<16xi32>], vector<16xf32>,
        %add3A_1051 = arith.addf %scan3A_1034, %gather3A_1050 : vector<16xf32>
        %add3A_1052 = arith.constant 4 : i32
        %add3A_1053 = arith.addi %add3A_1040, %add3A_1052 : i32
        %add3A_1054 = vector.broadcast %add3A_1053 : i32 to vector<16xi32>
        %add3A_1055 = arith.addi %and3A_668, %add3A_1054 : vector<16xi32>
        %gather3A_1056 = tpu.vector_load_idx %arg9[%add3A_1055, %and3A_672] : memref<3200x8xf32, #tpu.memory_space<vmem>>[vector<16xi32>, vector<16xi32>], vector<16xf32>,
        %add3A_1057 = arith.addf %scan3A_1035, %gather3A_1056 : vector<16xf32>
        %add3A_1058 = arith.constant 6 : i32
        %add3A_1059 = arith.addi %add3A_1040, %add3A_1058 : i32
        %add3A_1060 = vector.broadcast %add3A_1059 : i32 to vector<16xi32>
        %add3A_1061 = arith.addi %and3A_668, %add3A_1060 : vector<16xi32>
        %gather3A_1062 = tpu.vector_load_idx %arg9[%add3A_1061, %and3A_672] : memref<3200x8xf32, #tpu.memory_space<vmem>>[vector<16xi32>, vector<16xi32>], vector<16xf32>,
        %add3A_1063 = arith.addf %scan3A_1036, %gather3A_1062 : vector<16xf32>
        scf.yield %add3A_1045, %add3A_1051, %add3A_1057, %add3A_1063 : vector<16xf32>, vector<16xf32>, vector<16xf32>, vector<16xf32>
      }
      %scan3A_986 = arith.constant 25 : i32
      %add3A_987 = arith.addf %scan3A_985#0, %scan3A_985#1 : vector<16xf32>
      %add3A_988 = arith.addf %scan3A_985#2, %scan3A_985#3 : vector<16xf32>
      %add3A_989 = arith.addf %add3A_987, %add3A_988 : vector<16xf32>
      %swap3A_990 = arith.constant 0 : index
      %swap3A_991 = tpu.vector_load %arg12[%swap3A_990] {strides = array<i32>} : memref<24xf32, #tpu.memory_space<vmem>>, vector<16xf32>,
      tpu.vector_store %arg12[%swap3A_990], %add3A_989 {strides = array<i32>} : memref<24xf32, #tpu.memory_space<vmem>>, vector<16xf32>,
      %get3A_992 = arith.constant 8 : index
      %get3A_993 = tpu.vector_load %arg12[%get3A_992] {strides = array<i32>} : memref<24xf32, #tpu.memory_space<vmem>>, vector<16xf32>,
      %add3A_994 = arith.addf %add3A_989, %get3A_993 : vector<16xf32>
      %add3A_995 = arith.addf %add3A_994, %get3A_659 : vector<16xf32>
      %mul3A_996 = arith.constant 16 : i32
      %mul3A_997 = arith.muli %add3A_637, %mul3A_996 : i32
      %add3A_998 = arith.constant 14 : i32
      %add3A_999 = arith.addi %mul3A_997, %add3A_998 : i32
      %swap3A_1000 = arith.index_cast %add3A_999 : i32 to index
      %swap3A_1001 = arith.constant 0 : index
      %swap3A_1002 = tpu.vector_load %arg10[%swap3A_1000, %swap3A_1001] {strides = array<i32>} : memref<512x16xf32, #tpu.memory_space<vmem>>, vector<16xf32>,
      tpu.vector_store %arg10[%swap3A_1000, %swap3A_1001], %add3A_995 {strides = array<i32>} : memref<512x16xf32, #tpu.memory_space<vmem>>, vector<16xf32>,
      %scan3A_1003 = arith.constant 0 : i32
      %scan3A_1004 = arith.constant 25 : i32
      %scan3A_1005 = arith.addi %scan3A_1003, %scan3A_1004 : i32
      %scan3A_1006 = arith.constant 1 : i32
      %scan3A_1007:4 = scf.for %scan3A_1032 = %scan3A_1003 to %scan3A_1005 step %scan3A_1006 iter_args(%scan3A_1033 = %broadcast_in_dim3A_661, %scan3A_1034 = %broadcast_in_dim3A_661, %scan3A_1035 = %broadcast_in_dim3A_661, %scan3A_1036 = %broadcast_in_dim3A_661) -> (vector<16xf32>, vector<16xf32>, vector<16xf32>, vector<16xf32>)  : i32 {
        %mul3A_1037 = arith.constant 8 : i32
        %mul3A_1038 = arith.muli %mul3A_1037, %scan3A_1032 : i32
        %add3A_1039 = arith.constant 3000 : i32
        %add3A_1040 = arith.addi %add3A_1039, %mul3A_1038 : i32
        %add3A_1041 = arith.constant 0 : i32
        %add3A_1042 = arith.addi %add3A_1040, %add3A_1041 : i32
        %add3A_1043 = vector.broadcast %add3A_1042 : i32 to vector<16xi32>
        %add3A_1044 = arith.addi %and3A_668, %add3A_1043 : vector<16xi32>
        %gather3A = tpu.vector_load_idx %arg9[%add3A_1044, %and3A_672] : memref<3200x8xf32, #tpu.memory_space<vmem>>[vector<16xi32>, vector<16xi32>], vector<16xf32>,
        %add3A_1045 = arith.addf %scan3A_1033, %gather3A : vector<16xf32>
        %add3A_1046 = arith.constant 2 : i32
        %add3A_1047 = arith.addi %add3A_1040, %add3A_1046 : i32
        %add3A_1048 = vector.broadcast %add3A_1047 : i32 to vector<16xi32>
        %add3A_1049 = arith.addi %and3A_668, %add3A_1048 : vector<16xi32>
        %gather3A_1050 = tpu.vector_load_idx %arg9[%add3A_1049, %and3A_672] : memref<3200x8xf32, #tpu.memory_space<vmem>>[vector<16xi32>, vector<16xi32>], vector<16xf32>,
        %add3A_1051 = arith.addf %scan3A_1034, %gather3A_1050 : vector<16xf32>
        %add3A_1052 = arith.constant 4 : i32
        %add3A_1053 = arith.addi %add3A_1040, %add3A_1052 : i32
        %add3A_1054 = vector.broadcast %add3A_1053 : i32 to vector<16xi32>
        %add3A_1055 = arith.addi %and3A_668, %add3A_1054 : vector<16xi32>
        %gather3A_1056 = tpu.vector_load_idx %arg9[%add3A_1055, %and3A_672] : memref<3200x8xf32, #tpu.memory_space<vmem>>[vector<16xi32>, vector<16xi32>], vector<16xf32>,
        %add3A_1057 = arith.addf %scan3A_1035, %gather3A_1056 : vector<16xf32>
        %add3A_1058 = arith.constant 6 : i32
        %add3A_1059 = arith.addi %add3A_1040, %add3A_1058 : i32
        %add3A_1060 = vector.broadcast %add3A_1059 : i32 to vector<16xi32>
        %add3A_1061 = arith.addi %and3A_668, %add3A_1060 : vector<16xi32>
        %gather3A_1062 = tpu.vector_load_idx %arg9[%add3A_1061, %and3A_672] : memref<3200x8xf32, #tpu.memory_space<vmem>>[vector<16xi32>, vector<16xi32>], vector<16xf32>,
        %add3A_1063 = arith.addf %scan3A_1036, %gather3A_1062 : vector<16xf32>
        scf.yield %add3A_1045, %add3A_1051, %add3A_1057, %add3A_1063 : vector<16xf32>, vector<16xf32>, vector<16xf32>, vector<16xf32>
      }
      %scan3A_1008 = arith.constant 25 : i32
      %add3A_1009 = arith.addf %scan3A_1007#0, %scan3A_1007#1 : vector<16xf32>
      %add3A_1010 = arith.addf %scan3A_1007#2, %scan3A_1007#3 : vector<16xf32>
      %add3A_1011 = arith.addf %add3A_1009, %add3A_1010 : vector<16xf32>
      %swap3A_1012 = arith.constant 0 : index
      %swap3A_1013 = tpu.vector_load %arg12[%swap3A_1012] {strides = array<i32>} : memref<24xf32, #tpu.memory_space<vmem>>, vector<16xf32>,
      tpu.vector_store %arg12[%swap3A_1012], %add3A_1011 {strides = array<i32>} : memref<24xf32, #tpu.memory_space<vmem>>, vector<16xf32>,
      %get3A_1014 = arith.constant 8 : index
      %get3A_1015 = tpu.vector_load %arg12[%get3A_1014] {strides = array<i32>} : memref<24xf32, #tpu.memory_space<vmem>>, vector<16xf32>,
      %add3A_1016 = arith.addf %add3A_1011, %get3A_1015 : vector<16xf32>
      %add3A_1017 = arith.addf %add3A_1016, %get3A_659 : vector<16xf32>
      %mul3A_1018 = arith.constant 16 : i32
      %mul3A_1019 = arith.muli %add3A_637, %mul3A_1018 : i32
      %add3A_1020 = arith.constant 15 : i32
      %add3A_1021 = arith.addi %mul3A_1019, %add3A_1020 : i32
      %swap3A_1022 = arith.index_cast %add3A_1021 : i32 to index
      %swap3A_1023 = arith.constant 0 : index
      %swap3A_1024 = tpu.vector_load %arg10[%swap3A_1022, %swap3A_1023] {strides = array<i32>} : memref<512x16xf32, #tpu.memory_space<vmem>>, vector<16xf32>,
      tpu.vector_store %arg10[%swap3A_1022, %swap3A_1023], %add3A_1017 {strides = array<i32>} : memref<512x16xf32, #tpu.memory_space<vmem>>, vector<16xf32>,
      %add3A_1025 = arith.constant 2 : i32
      %add3A_1026 = arith.addi %add3A_637, %add3A_1025 : i32
      %lt3A_1027 = arith.constant 32 : i32
      %lt3A_1028 = arith.cmpi slt, %add3A_1026, %lt3A_1027 : i32
      %convert_element_type3A_1029 = arith.extui %lt3A_1028 : i1 to i32
      %cond3A_1030 = arith.constant 0 : i32
      %cond3A_1031 = arith.cmpi ne, %convert_element_type3A_1029, %cond3A_1030 : i32
      scf.if %cond3A_1031 {
        %add3A_1032 = arith.constant 2 : i32
        %add3A_1033 = arith.addi %add3A_637, %add3A_1032 : i32
        %mul3A_1034 = arith.constant 16 : i32
        %mul3A_1035 = arith.muli %add3A_1033, %mul3A_1034 : i32
        %add3A_1036 = arith.addi %mul3A_2, %mul3A_1035 : i32
        %mul3A_1037 = arith.constant 200 : i32
        %mul3A_1038 = arith.muli %add3A_1036, %mul3A_1037 : i32
        %dma_wait3A_1039 = tpu.memref_slice %arg3[%mul3A_1038] : memref<3276800xi32, #tpu.memory_space<hbm>> -> memref<3200xi32, #tpu.memory_space<hbm>>
        %dma_wait3A_1040 = tpu.memref_slice %arg3[%mul3A_1038] : memref<3276800xi32, #tpu.memory_space<hbm>> -> memref<3200xi32, #tpu.memory_space<hbm>>
        tpu.wait_dma2 semaphore(%arg16 : memref<!tpu.dma_semaphore, #tpu.memory_space<semaphore_mem>>) src(%dma_wait3A_1040 : memref<3200xi32, #tpu.memory_space<hbm>>) dst(%arg7 : memref<3200xi32, #tpu.memory_space<vmem>>)
        %scan3A_1041 = arith.constant 0 : i32
        %scan3A_1042 = arith.constant 0 : i32
        %scan3A_1043 = arith.constant 200 : i32
        %scan3A_1044 = arith.addi %scan3A_1042, %scan3A_1043 : i32
        %scan3A_1045 = arith.constant 1 : i32
        scf.for %scan3A_1047 = %scan3A_1042 to %scan3A_1044 step %scan3A_1045  : i32 {
          %mul3A_1048 = arith.constant 16 : i32
          %mul3A_1049 = arith.muli %scan3A_1047, %mul3A_1048 : i32
          %get3A_1050 = arith.index_cast %mul3A_1049 : i32 to index
          %get3A_1051 = tpu.vector_load %arg7[%get3A_1050] {strides = array<i32>} : memref<3200xi32, #tpu.memory_space<vmem>>, vector<16xi32>,
          %and3A_1052 = arith.constant -32768 : i32
          %and3A_1053 = vector.broadcast %and3A_1052 : i32 to vector<16xi32>
          %and3A_1054 = arith.andi %get3A_1051, %and3A_1053 : vector<16xi32>
          %and3A_1055 = arith.constant 2047 : i32
          %and3A_1056 = vector.broadcast %and3A_1055 : i32 to vector<16xi32>
          %and3A_1057 = arith.andi %get3A_1051, %and3A_1056 : vector<16xi32>
          %shift_left3A = arith.constant 4 : i32
          %shift_left3A_1058 = vector.broadcast %shift_left3A : i32 to vector<16xi32>
          %shift_left3A_1059 = arith.shli %and3A_1057, %shift_left3A_1058 : vector<16xi32>
          %or3A = arith.ori %and3A_1054, %shift_left3A_1059 : vector<16xi32>
          %shift_right_arithmetic3A_1060 = arith.constant 11 : i32
          %shift_right_arithmetic3A_1061 = vector.broadcast %shift_right_arithmetic3A_1060 : i32 to vector<16xi32>
          %shift_right_arithmetic3A_1062 = arith.shrsi %get3A_1051, %shift_right_arithmetic3A_1061 : vector<16xi32>
          %and3A_1063 = arith.constant 15 : i32
          %and3A_1064 = vector.broadcast %and3A_1063 : i32 to vector<16xi32>
          %and3A_1065 = arith.andi %shift_right_arithmetic3A_1062, %and3A_1064 : vector<16xi32>
          %or3A_1066 = arith.ori %or3A, %and3A_1065 : vector<16xi32>
          %swap3A_1067 = arith.index_cast %mul3A_1049 : i32 to index
          %swap3A_1068 = tpu.vector_load %arg7[%swap3A_1067] {strides = array<i32>} : memref<3200xi32, #tpu.memory_space<vmem>>, vector<16xi32>,
          tpu.vector_store %arg7[%swap3A_1067], %or3A_1066 {strides = array<i32>} : memref<3200xi32, #tpu.memory_space<vmem>>, vector<16xi32>,
        }
        %scan3A_1046 = arith.constant 200 : i32
      } else {
      }
    }
    %scan3A_243 = arith.constant 16 : i32
    "tpu.region"() ({
      %run_scoped3A = tpu.sem_alloc : memref<!tpu.dma_semaphore, #tpu.memory_space<semaphore_mem>>
      %dma_start3A_244 = arith.constant 0 : i32
      %dma_start3A_245 = tpu.memref_slice %arg5[%mul3A_2, %dma_start3A_244] : memref<16384x16xf32, #tpu.memory_space<hbm>> -> memref<512x16xf32, #tpu.memory_space<hbm>>
      %dma_start3A_246 = arith.constant 0 : i32
      %dma_start3A_247 = tpu.memref_slice %arg5[%mul3A_2, %dma_start3A_246] : memref<16384x16xf32, #tpu.memory_space<hbm>> -> memref<512x16xf32, #tpu.memory_space<hbm>>
      tpu.enqueue_dma source(%arg10 : memref<512x16xf32, #tpu.memory_space<vmem>>) target(%dma_start3A_247 : memref<512x16xf32, #tpu.memory_space<hbm>>) target_semaphore(%run_scoped3A : memref<!tpu.dma_semaphore, #tpu.memory_space<semaphore_mem>>)
      %dma_wait3A_248 = arith.constant 0 : i32
      %dma_wait3A_249 = tpu.memref_slice %arg5[%mul3A_2, %dma_wait3A_248] : memref<16384x16xf32, #tpu.memory_space<hbm>> -> memref<512x16xf32, #tpu.memory_space<hbm>>
      %dma_wait3A_250 = arith.constant 0 : i32
      %dma_wait3A_251 = tpu.memref_slice %arg5[%mul3A_2, %dma_wait3A_250] : memref<16384x16xf32, #tpu.memory_space<hbm>> -> memref<512x16xf32, #tpu.memory_space<hbm>>
      tpu.wait_dma2 semaphore(%run_scoped3A : memref<!tpu.dma_semaphore, #tpu.memory_space<semaphore_mem>>) src(%arg10 : memref<512x16xf32, #tpu.memory_space<vmem>>) dst(%dma_wait3A_251 : memref<512x16xf32, #tpu.memory_space<hbm>>)
      tpu.yield
    }) : () -> ()
    return
  }
}

module attributes {stable_mosaic.version = 14 : i64} {
  func.func @_proj_body(%arg0: i32, %arg1: memref<64x32768xf32, #tpu.memory_space<vmem>>, %arg2: memref<1024x128xf32, #tpu.memory_space<vmem>>, %arg3: memref<2048x128xf32, #tpu.memory_space<vmem>>) attributes {dimension_semantics = [#tpu.dimension_semantics<arbitrary>], iteration_bounds = array<i64: 31>, scalar_prefetch = 0 : i64, scratch_operands = 0 : i64, tpu.core_type = #tpu.core_type<tc>, window_params = [{transform_indices = @transform_0, window_bounds = array<i64: 64, 32768>}, {pipeline_mode = #tpu.pipeline_mode<synchronous>, transform_indices = @transform_1, window_bounds = array<i64: 1024, 128>}, {transform_indices = @transform_2, window_bounds = array<i64: 2048, 128>}]} {
    %get3A = arith.constant 0 : index
    %get3A_0 = arith.constant 0 : index
    %get3A_1 = vector.load %arg1[%get3A, %get3A_0] : memref<64x32768xf32, #tpu.memory_space<vmem>>, vector<64x2048xf32>
    %get3A_2 = arith.constant 0 : index
    %get3A_3 = arith.constant 2048 : index
    %get3A_4 = vector.load %arg1[%get3A_2, %get3A_3] : memref<64x32768xf32, #tpu.memory_space<vmem>>, vector<64x2048xf32>
    %get3A_5 = arith.constant 0 : index
    %get3A_6 = arith.constant 4096 : index
    %get3A_7 = vector.load %arg1[%get3A_5, %get3A_6] : memref<64x32768xf32, #tpu.memory_space<vmem>>, vector<64x2048xf32>
    %get3A_8 = arith.constant 0 : index
    %get3A_9 = arith.constant 6144 : index
    %get3A_10 = vector.load %arg1[%get3A_8, %get3A_9] : memref<64x32768xf32, #tpu.memory_space<vmem>>, vector<64x2048xf32>
    %get3A_11 = arith.constant 0 : index
    %get3A_12 = arith.constant 8192 : index
    %get3A_13 = vector.load %arg1[%get3A_11, %get3A_12] : memref<64x32768xf32, #tpu.memory_space<vmem>>, vector<64x2048xf32>
    %get3A_14 = arith.constant 0 : index
    %get3A_15 = arith.constant 10240 : index
    %get3A_16 = vector.load %arg1[%get3A_14, %get3A_15] : memref<64x32768xf32, #tpu.memory_space<vmem>>, vector<64x2048xf32>
    %get3A_17 = arith.constant 0 : index
    %get3A_18 = arith.constant 12288 : index
    %get3A_19 = vector.load %arg1[%get3A_17, %get3A_18] : memref<64x32768xf32, #tpu.memory_space<vmem>>, vector<64x2048xf32>
    %get3A_20 = arith.constant 0 : index
    %get3A_21 = arith.constant 14336 : index
    %get3A_22 = vector.load %arg1[%get3A_20, %get3A_21] : memref<64x32768xf32, #tpu.memory_space<vmem>>, vector<64x2048xf32>
    %get3A_23 = arith.constant 0 : index
    %get3A_24 = arith.constant 16384 : index
    %get3A_25 = vector.load %arg1[%get3A_23, %get3A_24] : memref<64x32768xf32, #tpu.memory_space<vmem>>, vector<64x2048xf32>
    %get3A_26 = arith.constant 0 : index
    %get3A_27 = arith.constant 18432 : index
    %get3A_28 = vector.load %arg1[%get3A_26, %get3A_27] : memref<64x32768xf32, #tpu.memory_space<vmem>>, vector<64x2048xf32>
    %get3A_29 = arith.constant 0 : index
    %get3A_30 = arith.constant 20480 : index
    %get3A_31 = vector.load %arg1[%get3A_29, %get3A_30] : memref<64x32768xf32, #tpu.memory_space<vmem>>, vector<64x2048xf32>
    %get3A_32 = arith.constant 0 : index
    %get3A_33 = arith.constant 22528 : index
    %get3A_34 = vector.load %arg1[%get3A_32, %get3A_33] : memref<64x32768xf32, #tpu.memory_space<vmem>>, vector<64x2048xf32>
    %get3A_35 = arith.constant 0 : index
    %get3A_36 = arith.constant 24576 : index
    %get3A_37 = vector.load %arg1[%get3A_35, %get3A_36] : memref<64x32768xf32, #tpu.memory_space<vmem>>, vector<64x2048xf32>
    %get3A_38 = arith.constant 0 : index
    %get3A_39 = arith.constant 26624 : index
    %get3A_40 = vector.load %arg1[%get3A_38, %get3A_39] : memref<64x32768xf32, #tpu.memory_space<vmem>>, vector<64x2048xf32>
    %get3A_41 = arith.constant 0 : index
    %get3A_42 = arith.constant 28672 : index
    %get3A_43 = vector.load %arg1[%get3A_41, %get3A_42] : memref<64x32768xf32, #tpu.memory_space<vmem>>, vector<64x2048xf32>
    %get3A_44 = arith.constant 0 : index
    %get3A_45 = arith.constant 30720 : index
    %get3A_46 = vector.load %arg1[%get3A_44, %get3A_45] : memref<64x32768xf32, #tpu.memory_space<vmem>>, vector<64x2048xf32>
    %concatenate3A = tpu.concatenate %get3A_1, %get3A_4, %get3A_7, %get3A_10, %get3A_13, %get3A_16, %get3A_19, %get3A_22, %get3A_25, %get3A_28, %get3A_31, %get3A_34, %get3A_37, %get3A_40, %get3A_43, %get3A_46 in 0 : vector<64x2048xf32>, vector<64x2048xf32>, vector<64x2048xf32>, vector<64x2048xf32>, vector<64x2048xf32>, vector<64x2048xf32>, vector<64x2048xf32>, vector<64x2048xf32>, vector<64x2048xf32>, vector<64x2048xf32>, vector<64x2048xf32>, vector<64x2048xf32>, vector<64x2048xf32>, vector<64x2048xf32>, vector<64x2048xf32>, vector<64x2048xf32> -> vector<1024x2048xf32>
    %get3A_47 = arith.constant 0 : index
    %get3A_48 = arith.constant 0 : index
    %get3A_49 = vector.load %arg2[%get3A_47, %get3A_48] : memref<1024x128xf32, #tpu.memory_space<vmem>>, vector<1024x128xf32>
    %dot_general3A = arith.constant dense<0.000000e+00> : vector<2048x128xf32>
    %dot_general3A_50 = tpu.matmul %concatenate3A, %get3A_49, %dot_general3A {dimension_numbers = #tpu.dot_dimension_numbers<[0], [0], [1], [1], [0, 1, 1, 1], [], []>, transpose_lhs_hint = false} : vector<1024x2048xf32>, vector<1024x128xf32>, vector<2048x128xf32> -> vector<2048x128xf32>
    %swap3A = arith.constant 0 : index
    %swap3A_51 = arith.constant 0 : index
    %swap3A_52 = vector.load %arg3[%swap3A, %swap3A_51] : memref<2048x128xf32, #tpu.memory_space<vmem>>, vector<2048x128xf32>
    tpu.vector_store %arg3[%swap3A, %swap3A_51], %dot_general3A_50 {strides = array<i32>} : memref<2048x128xf32, #tpu.memory_space<vmem>>, vector<2048x128xf32>,
    return
  }
  func.func @transform_0(%arg0: i32) -> (i32, i32) {
    %c0_i32 = arith.constant 0 : i32
    %c0_i32_0 = arith.constant 0 : i32
    return %c0_i32, %arg0 : i32, i32
  }
  func.func @transform_1(%arg0: i32) -> (i32, i32) {
    %c0_i32 = arith.constant 0 : i32
    %c0_i32_0 = arith.constant 0 : i32
    %c0_i32_1 = arith.constant 0 : i32
    return %c0_i32, %c0_i32_0 : i32, i32
  }
  func.func @transform_2(%arg0: i32) -> (i32, i32) {
    %c0_i32 = arith.constant 0 : i32
    %c0_i32_0 = arith.constant 0 : i32
    return %arg0, %c0_i32 : i32, i32
  }
}

</mosaic_0001>

<sc_bundles>
// kernel: kernel.4.cloned.1.call-start
scs
__scs_entry_jumppad:
0x0: {  	(pc) =	sbr.rel $0x88, $3  }
0x1: {  	(tag) =	ssettag $0x0;
	lr =	simm.s32 $0x1  }
0x2: {  	[smem:$0x3F9D] =	sst lr;
	_ =	strace $0xD0000000  }
0x3: {  	_ = 	snop  }
0x4: {  	_ = 	snop  }
0x5: {  	_ = 	snop  }
0x6: {  	_ = 	snop  }
0x7: {  	_ = 	snop  }
__scs_overlays_trampoline_lowered:
0x8: {  	[smem:$0x3FAC] =	sst s0  }
0x9: {  	[smem:$0x3FAD] =	sst s1  }
0xa: {  	[smem:$0x3FAE] =	sst s2  }
0xb: {  	[smem:$0x3FAF] =	sst s3  }
0xc: {  	[smem:$0x3FB0] =	sst s4  }
0xd: {  	[smem:$0x3FB1] =	sst s5  }
0xe: {  	[smem:$0x3FB2] =	sst s6  }
0xf: {  	[smem:$0x3FB3] =	sst s7  }
0x10: {  	[smem:$0x3FB4] =	sst s8  }
0x11: {  	[smem:$0x3FB5] =	sst s9;
	s0 =	simm.s32 @!p0 $0x0  }
0x12: {  	s1 =	sld [smem:$0x3F9B];
	s0 =	simm.s32 @p0 $0x1  }
0x13: {  	[smem:$0x3FB6] =	sst s0;
	s0 =	simm.s32 @!p1 $0x0  }
0x14: {  	s2 =	sld [smem:$0x3F9A];
	s0 =	simm.s32 @p1 $0x1  }
0x15: {  	[smem:$0x3FB7] =	sst s0;
	s0 =	simm.s32 @!p2 $0x0  }
0x16: {  	s3 =	sld [smem:$0x3FDB];
	s0 =	simm.s32 @p2 $0x1  }
0x17: {  	s4 =	simm.s32 $0x1BF5;
	[smem:$0x3FB9] =	sst s0  }
0x18: {  	s0 =	sld [smem:$0x3F9C];
	_ =	swait.ge [sflag:s4], $0x0  }
0x19: {  	s7 =	sld [smem:$0x3F9D]  }
0x1a: {  	s8 =	sadd.s32 $0xFFFFE003, lr  }
0x1b: {  	s9 =	sadd.s32 $0xFFFFFEF7, lr;
	s5 =	simm.s32 $0xFFFFFFFF;
	p2 =	slt.u32 s8, $0xFFFFF086  }
0x1c: {  	p1 =	slt.u32 s9, $0xF7A;
	s5 =	simm.s32 @!p2 $0x0  }
0x1d: {  	s5 =	simm.s32 @p1 $0x1;
	p0 =	seq.s32 s7, s2  }
0x1e: {  	s7 =	smul.u32 @!p0 $0xF7A, s2;
	p2 =	seq.s32 @!p0 s5, $0x0  }
0x1f: {  	s9 =	smul.u32 $0xF7A, s1;
	s8 =	simm.s32 @!p0 $0x1BF5;
	p2 =	por !p2, p0  }
0x20: {  	[sflag:s8] =	ssyncset.s32 @!p0 $0xFFFFF086;
	s6 =	sadd.s32 @!p0 s3, s7;
	s7 =	simm.s32 @!p0 $0x108  }
0x21: {  	s3 =	sadd.s32 s3, s9;
	s6 =	sadd.s32 @!p0 $0x88, s6;
	s7 =	simm.s32 @p2 $0x1082  }
0x22: {  	[simem:s7], [sflag:s8] =	dma.local @!p0 [hbm:s6], $0xF7A  }
0x23: {  	s9 =	sor.u32 $0xD0000000, s2;
	s6 =	simm.s32 $0x108;
	_ =	swait.ge @!p0 [sflag:s8], $0x0  }
0x24: {  	s3 =	sadd.s32 $0x88, s3;
	s6 =	simm.s32 @!p1 $0x1082;
	[sflag:s4] =	ssyncset.s32 $0xFFFFF086  }
0x25: {  	[simem:s6], [sflag:s4] =	dma.local [hbm:s3], $0xF7A  }
0x26: {  	[smem:$0x3F9D] =	sst s1;
	(tag) =	ssettag s2;
	_ =	strace s9  }
0x27: {  	s1 =	sld [smem:$0x3FAD]  }
0x28: {  	s2 =	sld [smem:$0x3FAE]  }
0x29: {  	s4 =	sld [smem:$0x3FB0]  }
0x2a: {  	p0 =	seq.s32 s5, $0x0;
	s5 =	sld [smem:$0x3FB1]  }
0x2b: {  	s6 =	sld [smem:$0x3FB2]  }
0x2c: {  	s7 =	sld [smem:$0x3FB3]  }
0x2d: {  	s3 =	simm.s32 $0x108;
	s8 =	sld [smem:$0x3FB4]  }
0x2e: {  	s3 =	simm.s32 @!p0 $0x1082;
	s9 =	sld [smem:$0x3FB5]  }
0x2f: {  	lr =	sadd.s32 s0, s3;
	s0 =	sld [smem:$0x3FAC]  }
0x30: {  	s3 =	sld [smem:$0x3FAF]  }
0x31: {  	[smem:$0x3FB8] =	sst s10  }
0x32: {  	s10 =	sld [smem:$0x3FB6];
	_ =	sdelay $0x3  }
0x33: {  	p0 =	seq.s32 s10, $0x1;
	s10 =	sld [smem:$0x3FB8];
	_ =	sdelay $0x3  }
0x34: {  	[smem:$0x3FB8] =	sst s10  }
0x35: {  	s10 =	sld [smem:$0x3FB7];
	_ =	sdelay $0x3  }
0x36: {  	p1 =	seq.s32 s10, $0x1;
	s10 =	sld [smem:$0x3FB8];
	_ =	sdelay $0x3  }
0x37: {  	[smem:$0x3FB8] =	sst s10  }
0x38: {  	s10 =	sld [smem:$0x3FB9]  }
0x39: {  	_ = 	snop;
	(pc) =	sbr.ind lr, $3  }
0x3a: {  	_ = 	snop  }
0x3b: {  	_ = 	snop  }
0x3c: {  	p2 =	seq.s32 s10, $0x1;
	s10 =	sld [smem:$0x3FB8]  }
0x3d: {  	_ =	shalt  }
0x3e: {  	_ =	shalt  }
0x3f: {  	_ =	shalt  }
0x40: {  	_ =	shalt  }
0x41: {  	_ =	shalt  }
0x42: {  	_ =	shalt  }
0x43: {  	_ =	shalt  }
0x44: {  	_ =	shalt  }
0x45: {  	_ =	shalt  }
0x46: {  	_ =	shalt  }
0x47: {  	_ =	shalt  }
0x48: {  	_ =	shalt  }
0x49: {  	_ =	shalt  }
0x4a: {  	_ =	shalt  }
0x4b: {  	_ =	shalt  }
0x4c: {  	_ =	shalt  }
0x4d: {  	_ =	shalt  }
0x4e: {  	_ =	shalt  }
0x4f: {  	_ =	shalt  }
0x50: {  	_ =	shalt  }
0x51: {  	_ =	shalt  }
0x52: {  	_ =	shalt  }
0x53: {  	_ =	shalt  }
0x54: {  	_ =	shalt  }
0x55: {  	_ =	shalt  }
0x56: {  	_ =	shalt  }
0x57: {  	_ =	shalt  }
0x58: {  	_ =	shalt  }
0x59: {  	_ =	shalt  }
0x5a: {  	_ =	shalt  }
0x5b: {  	_ =	shalt  }
0x5c: {  	_ =	shalt  }
0x5d: {  	_ =	shalt  }
0x5e: {  	_ =	shalt  }
0x5f: {  	_ =	shalt  }
0x60: {  	_ =	shalt  }
0x61: {  	_ =	shalt  }
0x62: {  	_ =	shalt  }
0x63: {  	_ =	shalt  }
0x64: {  	_ =	shalt  }
0x65: {  	_ =	shalt  }
0x66: {  	_ =	shalt  }
0x67: {  	_ =	shalt  }
0x68: {  	_ =	shalt  }
0x69: {  	_ =	shalt  }
0x6a: {  	_ =	shalt  }
0x6b: {  	_ =	shalt  }
0x6c: {  	_ =	shalt  }
0x6d: {  	_ =	shalt  }
0x6e: {  	_ =	shalt  }
0x6f: {  	_ =	shalt  }
0x70: {  	_ =	shalt  }
0x71: {  	_ =	shalt  }
0x72: {  	_ =	shalt  }
0x73: {  	_ =	shalt  }
0x74: {  	_ =	shalt  }
0x75: {  	_ =	shalt  }
0x76: {  	_ =	shalt  }
0x77: {  	_ =	shalt  }
0x78: {  	_ =	shalt  }
0x79: {  	_ =	shalt  }
0x7a: {  	_ =	shalt  }
0x7b: {  	_ =	shalt  }
0x7c: {  	_ =	shalt  }
0x7d: {  	_ =	shalt  }
0x7e: {  	_ =	shalt  }
0x7f: {  	_ =	shalt  }
0x80: {  	_ =	shalt  }
0x81: {  	_ =	shalt  }
0x82: {  	_ =	shalt  }
0x83: {  	_ =	shalt  }
0x84: {  	_ =	shalt  }
0x85: {  	_ =	shalt  }
0x86: {  	_ =	shalt  }
0x87: {  	_ =	shalt  }
.Lfunc_end0:
.L_simem_size_0:
called_computation_lowered:
.L_overlay_start_0:
0x88: {  	s2 =	sld [smem:$0x3FD9]  }
0x89: {  	s3 =	sld [smem:$0x3FFE];
	_ =	sdelay $0x1  }
0x8a: {  	s1 =	srdreg.scid  }
0x8b: {  	s0 =	sand.u32 $0x1, s1  }
0x8c: {  	s17 =	sshll.u32 s0, $0xA;
	s2 =	sadd.s32 s3, s2  }
0x8d: {  	s2 =	sadd.s32 s2, s17  }
0x8e: {  	[smem:$0x3FC4] =	sst s2  }
0x8f: {  	_ = 	snop  }
0x90: {  	s2 =	sld [smem:$0x3FD0];
	(tm) =	ssettm $0x1  }
0x91: {  	s18 =	sld [smem:$0x3FFB];
	_ =	sdelay $0x3  }
0x92: {  	_ =	strace s18  }
0x93: {  	s3 =	sld [smem:$0x3FFC];
	_ =	sdelay $0x3  }
0x94: {  	_ =	strace s3  }
0x95: {  	s3 =	sld [smem:$0x3FFD];
	_ =	sdelay $0x3  }
0x96: {  	_ =	strace s3  }
0x97: {  	_ =	strace $0x8FFFFFFF  }
0x98: {  	s19 =	sld [smem:$0x3FDB];
	_ =	sdelay $0x1  }
0x99: {  	s4 =	simm.s32 $_scs_section_size  }
0x9a: {  	s5 =	simm.s32 $_size__tile_overlayer_lowered;
	s6 =	simm.s32 $_tile_overlayer_lowered  }
0x9b: {  	s22 =	simm.s32 $0x1BFF;
	s21 =	sshll.u32 s6, $0x1;
	s3 =	sadd.s32 s4, s19  }
0x9c: {  	s7 =	simm.s32 $0x0;
	s20 =	sshll.u32 s5, $0x1;
	s5 =	sadd.s32 s21, s3  }
0x9d: {  	[timem:s7], [sflag:s22] =	dma.local [hbm:s5], s20  }
0x9e: {  	_ =	swait.ge [sflag:s22], s20  }
0x9f: {  	s4 =	ssub.s32 $0x0, s20;
	[sflag:s22] =	ssyncset.done $0x0  }
0xa0: {  	[sflag:s22] =	ssyncadd.s32 s4;
	_ =	sdelay $0x1  }
0xa1: {  	s23 =	simm.s32 $0x1B8B  }
0xa2: {  	_ =	swait.ge [sflag:s23], $0x1  }
0xa3: {  	[sflag:s23] =	ssyncset.done $0x0  }
0xa4: {  	s25 =	simm.s32 $0x1B8E;
	s24 =	sld [smem:$0x3FFE];
	[sflag:s23] =	ssyncadd.s32 $0xFFFFFFFF  }
0xa5: {  	s26 =	simm.s32 $execute0_lowered;
	[smem:$0x3FD2] =	sst s25  }
0xa6: {  	s5 =	sshll.u32 s26, $0x1;
	_ =	strace $0x80000046;
	[dreg:$0x1] =	wrdreg $0xFFFFFFFF  }
0xa7: {  	s28 =	simm.s32 $_size_execute0_lowered;
	s3 =	sadd.s32 s3, s5;
	[dreg:$0x0] =	wrdreg $0x0  }
0xa8: {  	s5 =	sshll.u32 s28, $0x1;
	[dreg:$0x2] =	wrdreg s3  }
0xa9: {  	[dreg:$0x3] =	wrdreg s5  }
0xaa: {  	[dreg:$0x4] =	wrdreg $0xC0  }
0xab: {  	_ =	task [dreg:s7], $0x5FFFF  }
0xac: {  	[dreg:$0x1] =	wrdreg $0xFFFFFFFF  }
0xad: {  	[dreg:$0x0] =	wrdreg $0x60  }
0xae: {  	[dreg:$0x2] =	wrdreg s24  }
0xaf: {  	[dreg:$0x3] =	wrdreg s2  }
0xb0: {  	[dreg:$0x4] =	wrdreg $0x9  }
0xb1: {  	_ =	task.clear_ibuf [dreg:s7], $0x5FFFF;
	_ =	strace $0x90000046  }
0xb2: {  	s29 =	simm.s32 $0x9;
	_ =	strace $0x80000048  }
0xb3: {  	_ =	swait.ge [sflag:s29], $0x1  }
0xb4: {  	[sflag:s29] =	ssyncadd.s32 $0xFFFFFFFF  }
0xb5: {  	_ =	strace $0x90000048  }
0xb6: {  	_ =	sfence  }
0xb7: {  	s30 =	sld [smem:$0x0];
	_ =	sdelay $0x2  }
0xb8: {  	s31 =	sshll.u32 s1, $0xD;
	s1 =	sshrl.u32 s1, $0x2  }
0xb9: {  	s3 =	sand.u32 $0x4000, s31;
	s1 =	sadd.s32 s1, s30  }
0xba: {  	s0 =	sor.u32 s3, s0;
	s1 =	sshll.u32 s1, $0x11  }
0xbb: {  	s0 =	sor.u32 s1, s0  }
0xbc: {  	s0 =	sadd.s32 $0x8F2B, s0  }
0xbd: {  	[sflag:s0] =	ssyncadd.remote.s32 $0x1  }
0xbe: {  	_ =	sfence.sel $0xFFFF  }
0xbf: {  	[dreg:$0x0] =	wrdreg $0xFFFFFFFF;
	(pc) =	sbr.abs _section_cstart, $3  }
0xc0: {  	[dreg:$0x1] =	wrdreg $0xFFFFFFFF  }
0xc1: {  	_ =	task.clear_ibuf [dreg:s7], $0x2FFFF;
	_ =	strace $0x9FFFFFFF  }
0xc2: {  	(tm) =	ssettm $0x7FFFFFFF  }
0xc3: {  	_ =	shalt  }
tec
execute0_lowered:
.L_overlay_start_1:
0x0: {  	(tag) =	ssettag $0x1  }
0x1: {  	s0 =	rddreg [dreg:$0x0]  }
0x2: {  	s1 =	srdreg.scid;
	s2 =	stileid.u32;
	s3 =	simm.s32 $0x0  }
0x3: {  	s14 =	simm.s32 $0x3;
	s15 =	simm.s32 $0x80;
	s16 =	simm.s32 $0x1900  }
0x4: {  	s18 =	simm.s32 $0xC80;
	s19 =	simm.s32 $0x4;
	s20 =	simm.s32 $0x1  }
0x5: {  	s21 =	simm.s32 $0x7D00;
	s13 =	simm.s32 $0xC900;
	s17 =	simm.s32 $0x1680  }
0x6: {  	s9 =	simm.s32 $0xCD00;
	s22 =	simm.s32 $0x1700;
	s23 =	simm.s32 $0xD100  }
0x7: {  	s24 =	simm.s32 $0x1780;
	s28 =	simm.s32 $0xD900;
	s29 =	simm.s32 $0x1880  }
0x8: {  	s30 =	simm.s32 $0xDD00;
	s31 =	simm.s32 $0x2;
	s1 =	sand.u32 $0x1, s1  }
0x9: {  	s2 =	sshll.u32 s2, $0x1;
	[smem:$0x7FF] =	sst s3;
	s4 =	sadd.s32 $0x64400, s0  }
0xa: {  	s5 =	sadd.s32 $0x400, s0;
	s2 =	sor.u32 s1, s2;
	_ =	strace $0x80000047  }
0xb: {  	s1 =	ssub.s32 $0x2, s1;
	s6 =	smul.u32 $0x3200, s2;
	s7 =	sshll.u32 s2, $0xA  }
0xc: {  	s25 =	sshrl.u32 s1, $0x1;
	s2 =	sshll.u32 s2, $0x9;
	s0 =	sadd.s32 s7, s0  }
0xd: {  	s1 =	ssub.s32 s1, s25;
	s8 =	sor.u32 $0x20, s2;
	s2 =	sor.u32 $0x30, s2  }
.Ltmp0:
0xe: {  	s6 =	sadd.s32 s5, s6;
	[dreg:$0x5] =	wrdreg s2;
	(pc) =	sbr.rel .LBB2_1-.Ltmp0, $4  }
0xf: {  	s25 =	simm.s32 $0xD500;
	s0 =	sadd.s32 $0x15C400, s0;
	[dreg:$0x3] =	wrdreg s6  }
0x10: {  	v2 =	vlaneseq.u32;
	s26 =	smax.u32 s1, $0x1;
	s2 =	simm.s32 $0x5;
	[dreg:$0x6] =	wrdreg s0  }
0x11: {  	v1 =	vshrl.u32 v2, $0x3;
	s1 =	simm.s32 $0x0;
	s6 =	sadd.s32 $0x190, s6;
	[dreg:$0x7] =	wrdreg s26  }
0x12: {  	v0 =	vimm.f32 $0.0e+00;
	v2 =	vand.u32 $0x7, v2;
	v1 =	vmul.u32 $0x8, v1;
	s26 =	simm.s32 $0x1800;
	[dreg:$0x4] =	wrdreg s6;
	s6 =	simm.s32 $0x1600  }
.LBB2_78:
0x13: {  	s0 =	rddreg [dreg:$0x6];
	s1 =	simm.s32 $0xE100;
	s2 =	simm.s32 $0x5  }
0x14: {  	[hbm4b:s0+s3] =	stream.linear.scatter [tilespmem:s1], [sflag:$0x5], $0x2000, $0x38;
	[tilespmem:$0x10128] =	vst v63  }
0x15: {  	_ =	swait.ge [sflag:s2], $0x2000  }
0x16: {  	s11 =	rddreg [dreg:$0x8]  }
0x17: {  	s12 =	rddreg [dreg:$0x7];
	s1 =	sadd.s32 $0x1, s11  }
0x18: {  	p0 =	sne.s32 s1, s12  }
.Ltmp1:
0x19: {  	_ = 	snop;
	(pc) =	sbr.rel @!p0 .LBB2_79-.Ltmp1, $3  }
0x1a: {  	_ =	sdelay $0x1  }
0x1b: {  	[sflag:s2] =	ssyncset.done $0x0  }
0x1c: {  	[sflag:s2] =	ssyncadd.s32 $0xFFFFE000  }
.LBB2_1:
0x1d: {  	[dreg:$0x8] =	wrdreg s1  }
0x1e: {  	s0 =	rddreg [dreg:$0x1];
	s11 =	simm.s32 $0x10100  }
0x1f: {  	[tilespmem:s11], [sflag:$0x5] =	stream.linear.gather [hbm4b:s0+s3], $0x10, $0x38;
	[tilespmem:$0x10128] =	vst v63  }
0x20: {  	_ =	swait.ge [sflag:s2], $0x10  }
0x21: {  	[sflag:s2] =	ssyncset.done $0x0  }
0x22: {  	[sflag:s2] =	ssyncadd.s32 $0xFFFFFFF0  }
0x23: {  	s12 =	rddreg [dreg:$0x3];
	[tilespmem:$0x10118] =	vst v0  }
0x24: {  	[tilespmem:s3], [sflag:$0x3] =	stream.linear.gather [hbm4b:s12+s3], $0xC80, $0x38;
	[tilespmem:$0x10128] =	vst v63  }
0x25: {  	_ =	swait.ge [sflag:s14], $0xC80  }
0x26: {  	[sflag:s14] =	ssyncset.done $0x0  }
0x27: {  	s1 =	simm.s32 $0x40;
	s0 =	simm.s32 $0x0;
	[sflag:s14] =	ssyncadd.s32 $0xFFFFF380  }
.LBB2_2:
0x28: {  	p0 =	sne.s32 s1, $0x31C0;
	v3 =	vld [tilespmem:s0+$0x0];
	_ =	sdelay $0x4  }
.Ltmp2:
0x29: {  	v4 =	vshll.u32 v3, $0x4;
	(pc) =	sbr.rel @p0 .LBB2_2-.Ltmp2, $4  }
0x2a: {  	v5 =	vand.u32 $0xFFFF8000, v3;
	v3 =	vshrl.u32 v3, $0xB;
	v4 =	vand.u32 $0x7FF0, v4  }
0x2b: {  	v3 =	vand.u32 $0xF, v3;
	v4 =	vor.u32 v5, v4  }
0x2c: {  	v3 =	vor.u32 v3, v4  }
0x2d: {  	[tilespmem:s0+$0x0] =	vst v3;
	s0 =	sshra.s32 s1, $0x2;
	s1 =	sadd.s32 $0x40, s1  }
0x2e: {  	v3 =	vld [tilespmem:s0+$0x0];
	_ =	sdelay $0x4  }
0x2f: {  	v4 =	vshll.u32 v3, $0x4  }
0x30: {  	v5 =	vand.u32 $0xFFFF8000, v3;
	v3 =	vshrl.u32 v3, $0xB;
	v4 =	vand.u32 $0x7FF0, v4  }
0x31: {  	v3 =	vand.u32 $0xF, v3;
	v4 =	vor.u32 v5, v4  }
0x32: {  	v3 =	vor.u32 v3, v4  }
0x33: {  	[tilespmem:s0+$0x0] =	vst v3;
	s0 =	simm.s32 $0x0  }
0x34: {  	[tilespmem:s16], [sflag:$0x1] =	stream.indirect.gather [hbm4b:s4+s15], $0x8, s0, s15, $0xb8;
	[tilespmem:$0x10128] =	vst v63  }
0x35: {  	s1 =	simm.s32 $0x1D00  }
0x36: {  	[tilespmem:s1], [sflag:$0x1] =	stream.indirect.gather [hbm4b:s4+s15], $0x8, s15, s15, $0xb8;
	[tilespmem:$0x10128] =	vst v63  }
0x37: {  	s12 =	simm.s32 $0x100;
	s2 =	simm.s32 $0x2100  }
0x38: {  	[tilespmem:s2], [sflag:$0x1] =	stream.indirect.gather [hbm4b:s4+s15], $0x8, s12, s15, $0xb8;
	[tilespmem:$0x10128] =	vst v63  }
0x39: {  	s7 =	simm.s32 $0x180;
	s10 =	simm.s32 $0x2500  }
0x3a: {  	[tilespmem:s10], [sflag:$0x1] =	stream.indirect.gather [hbm4b:s4+s15], $0x8, s7, s15, $0xb8;
	[tilespmem:$0x10128] =	vst v63  }
0x3b: {  	s11 =	simm.s32 $0x200;
	s12 =	simm.s32 $0x2900  }
0x3c: {  	[tilespmem:s12], [sflag:$0x1] =	stream.indirect.gather [hbm4b:s4+s15], $0x8, s11, s15, $0xb8;
	[tilespmem:$0x10128] =	vst v63  }
0x3d: {  	s7 =	simm.s32 $0x280;
	s10 =	simm.s32 $0x2D00  }
0x3e: {  	[tilespmem:s10], [sflag:$0x1] =	stream.indirect.gather [hbm4b:s4+s15], $0x8, s7, s15, $0xb8;
	[tilespmem:$0x10128] =	vst v63  }
0x3f: {  	s11 =	simm.s32 $0x300;
	s12 =	simm.s32 $0x3100  }
0x40: {  	[tilespmem:s12], [sflag:$0x1] =	stream.indirect.gather [hbm4b:s4+s15], $0x8, s11, s15, $0xb8;
	[tilespmem:$0x10128] =	vst v63  }
0x41: {  	s7 =	simm.s32 $0x380;
	s10 =	simm.s32 $0x3500  }
0x42: {  	[tilespmem:s10], [sflag:$0x1] =	stream.indirect.gather [hbm4b:s4+s15], $0x8, s7, s15, $0xb8;
	[tilespmem:$0x10128] =	vst v63  }
0x43: {  	s11 =	simm.s32 $0x400;
	s12 =	simm.s32 $0x3900  }
0x44: {  	[tilespmem:s12], [sflag:$0x1] =	stream.indirect.gather [hbm4b:s4+s15], $0x8, s11, s15, $0xb8;
	[tilespmem:$0x10128] =	vst v63  }
0x45: {  	s7 =	simm.s32 $0x480;
	s10 =	simm.s32 $0x3D00  }
0x46: {  	[tilespmem:s10], [sflag:$0x1] =	stream.indirect.gather [hbm4b:s4+s15], $0x8, s7, s15, $0xb8;
	[tilespmem:$0x10128] =	vst v63  }
0x47: {  	s11 =	simm.s32 $0x500;
	s12 =	simm.s32 $0x4100  }
0x48: {  	[tilespmem:s12], [sflag:$0x1] =	stream.indirect.gather [hbm4b:s4+s15], $0x8, s11, s15, $0xb8;
	[tilespmem:$0x10128] =	vst v63  }
0x49: {  	s7 =	simm.s32 $0x580;
	s10 =	simm.s32 $0x4500  }
0x4a: {  	[tilespmem:s10], [sflag:$0x1] =	stream.indirect.gather [hbm4b:s4+s15], $0x8, s7, s15, $0xb8;
	[tilespmem:$0x10128] =	vst v63  }
0x4b: {  	s11 =	simm.s32 $0x600;
	s12 =	simm.s32 $0x4900  }
0x4c: {  	[tilespmem:s12], [sflag:$0x1] =	stream.indirect.gather [hbm4b:s4+s15], $0x8, s11, s15, $0xb8;
	[tilespmem:$0x10128] =	vst v63  }
0x4d: {  	s7 =	simm.s32 $0x680;
	s10 =	simm.s32 $0x4D00  }
0x4e: {  	[tilespmem:s10], [sflag:$0x1] =	stream.indirect.gather [hbm4b:s4+s15], $0x8, s7, s15, $0xb8;
	[tilespmem:$0x10128] =	vst v63  }
0x4f: {  	s11 =	simm.s32 $0x700;
	s12 =	simm.s32 $0x5100  }
0x50: {  	[tilespmem:s12], [sflag:$0x1] =	stream.indirect.gather [hbm4b:s4+s15], $0x8, s11, s15, $0xb8;
	[tilespmem:$0x10128] =	vst v63  }
0x51: {  	s7 =	simm.s32 $0x780;
	s10 =	simm.s32 $0x5500  }
0x52: {  	[tilespmem:s10], [sflag:$0x1] =	stream.indirect.gather [hbm4b:s4+s15], $0x8, s7, s15, $0xb8;
	[tilespmem:$0x10128] =	vst v63  }
0x53: {  	s11 =	simm.s32 $0x800;
	s12 =	simm.s32 $0x5900  }
0x54: {  	[tilespmem:s12], [sflag:$0x1] =	stream.indirect.gather [hbm4b:s4+s15], $0x8, s11, s15, $0xb8;
	[tilespmem:$0x10128] =	vst v63  }
0x55: {  	s7 =	simm.s32 $0x880;
	s10 =	simm.s32 $0x5D00  }
0x56: {  	[tilespmem:s10], [sflag:$0x1] =	stream.indirect.gather [hbm4b:s4+s15], $0x8, s7, s15, $0xb8;
	[tilespmem:$0x10128] =	vst v63  }
0x57: {  	s11 =	simm.s32 $0x900;
	s12 =	simm.s32 $0x6100  }
0x58: {  	[tilespmem:s12], [sflag:$0x1] =	stream.indirect.gather [hbm4b:s4+s15], $0x8, s11, s15, $0xb8;
	[tilespmem:$0x10128] =	vst v63  }
0x59: {  	s7 =	simm.s32 $0x980;
	s10 =	simm.s32 $0x6500  }
0x5a: {  	[tilespmem:s10], [sflag:$0x1] =	stream.indirect.gather [hbm4b:s4+s15], $0x8, s7, s15, $0xb8;
	[tilespmem:$0x10128] =	vst v63  }
0x5b: {  	s11 =	simm.s32 $0xA00;
	s12 =	simm.s32 $0x6900  }
0x5c: {  	[tilespmem:s12], [sflag:$0x1] =	stream.indirect.gather [hbm4b:s4+s15], $0x8, s11, s15, $0xb8;
	[tilespmem:$0x10128] =	vst v63  }
0x5d: {  	s7 =	simm.s32 $0xA80;
	s10 =	simm.s32 $0x6D00  }
0x5e: {  	[tilespmem:s10], [sflag:$0x1] =	stream.indirect.gather [hbm4b:s4+s15], $0x8, s7, s15, $0xb8;
	[tilespmem:$0x10128] =	vst v63  }
0x5f: {  	s11 =	simm.s32 $0xB00;
	s12 =	simm.s32 $0x7100  }
0x60: {  	[tilespmem:s12], [sflag:$0x1] =	stream.indirect.gather [hbm4b:s4+s15], $0x8, s11, s15, $0xb8;
	[tilespmem:$0x10128] =	vst v63  }
0x61: {  	s2 =	simm.s32 $0xB80;
	s7 =	simm.s32 $0x7500  }
0x62: {  	[tilespmem:s7], [sflag:$0x1] =	stream.indirect.gather [hbm4b:s4+s15], $0x8, s2, s15, $0xb8;
	[tilespmem:$0x10128] =	vst v63  }
0x63: {  	s10 =	simm.s32 $0xC00;
	s11 =	simm.s32 $0x7900  }
0x64: {  	[tilespmem:s11], [sflag:$0x1] =	stream.indirect.gather [hbm4b:s4+s15], $0x8, s10, s15, $0xb8;
	[tilespmem:$0x10128] =	vst v63  }
0x65: {  	s12 =	rddreg [dreg:$0x4]  }
0x66: {  	[tilespmem:s18], [sflag:$0x4] =	stream.linear.gather [hbm4b:s12+s0], $0xC80, $0x38;
	[tilespmem:$0x10128] =	vst v63  }
0x67: {  	_ =	swait.ge [sflag:s19], $0xC80  }
0x68: {  	[sflag:s19] =	ssyncset.done $0x0  }
0x69: {  	s1 =	simm.s32 $0x0;
	s2 =	simm.s32 $0x40;
	[sflag:s19] =	ssyncadd.s32 $0xFFFFF380  }
.LBB2_4:
0x6a: {  	p0 =	sne.s32 s2, $0x31C0;
	v3 =	vld [tilespmem:s1+$0xC80];
	_ =	sdelay $0x4  }
.Ltmp3:
0x6b: {  	v4 =	vshll.u32 v3, $0x4;
	(pc) =	sbr.rel @p0 .LBB2_4-.Ltmp3, $4  }
0x6c: {  	v5 =	vand.u32 $0xFFFF8000, v3;
	v3 =	vshrl.u32 v3, $0xB;
	v4 =	vand.u32 $0x7FF0, v4  }
0x6d: {  	v3 =	vand.u32 $0xF, v3;
	v4 =	vor.u32 v5, v4  }
0x6e: {  	v3 =	vor.u32 v3, v4  }
0x6f: {  	[tilespmem:s1+$0xC80] =	vst v3;
	s1 =	sshra.s32 s2, $0x2;
	s2 =	sadd.s32 $0x40, s2  }
0x70: {  	v3 =	vld [tilespmem:s1+$0xC80];
	_ =	sdelay $0x4  }
0x71: {  	v4 =	vshll.u32 v3, $0x4  }
0x72: {  	v5 =	vand.u32 $0xFFFF8000, v3;
	v3 =	vshrl.u32 v3, $0xB;
	v4 =	vand.u32 $0x7FF0, v4  }
0x73: {  	v3 =	vand.u32 $0xF, v3;
	v4 =	vor.u32 v5, v4  }
0x74: {  	v3 =	vor.u32 v3, v4  }
0x75: {  	[tilespmem:s1+$0xC80] =	vst v3  }
.LBB2_6:
0x76: {  	_ =	swait.ge [sflag:s20], $0x6400  }
0x77: {  	[sflag:s20] =	ssyncset.done $0x0  }
0x78: {  	[sflag:s20] =	ssyncadd.s32 $0xFFFF9C00  }
0x79: {  	[tilespmem:s21], [sflag:$0x2] =	stream.indirect.gather [hbm4b:s4+s15], $0x8, s18, s15, $0xb8;
	[tilespmem:$0x10128] =	vst v63  }
0x7a: {  	s1 =	simm.s32 $0xD00;
	s2 =	simm.s32 $0x8100  }
0x7b: {  	[tilespmem:s2], [sflag:$0x2] =	stream.indirect.gather [hbm4b:s4+s15], $0x8, s1, s15, $0xb8;
	[tilespmem:$0x10128] =	vst v63  }
0x7c: {  	s7 =	simm.s32 $0xD80;
	s10 =	simm.s32 $0x8500  }
0x7d: {  	[tilespmem:s10], [sflag:$0x2] =	stream.indirect.gather [hbm4b:s4+s15], $0x8, s7, s15, $0xb8;
	[tilespmem:$0x10128] =	vst v63  }
0x7e: {  	s11 =	simm.s32 $0xE00;
	s12 =	simm.s32 $0x8900  }
0x7f: {  	[tilespmem:s12], [sflag:$0x2] =	stream.indirect.gather [hbm4b:s4+s15], $0x8, s11, s15, $0xb8;
	[tilespmem:$0x10128] =	vst v63  }
0x80: {  	s7 =	simm.s32 $0xE80;
	s10 =	simm.s32 $0x8D00  }
0x81: {  	[tilespmem:s10], [sflag:$0x2] =	stream.indirect.gather [hbm4b:s4+s15], $0x8, s7, s15, $0xb8;
	[tilespmem:$0x10128] =	vst v63  }
0x82: {  	s11 =	simm.s32 $0xF00;
	s12 =	simm.s32 $0x9100  }
0x83: {  	[tilespmem:s12], [sflag:$0x2] =	stream.indirect.gather [hbm4b:s4+s15], $0x8, s11, s15, $0xb8;
	[tilespmem:$0x10128] =	vst v63  }
0x84: {  	s7 =	simm.s32 $0xF80;
	s10 =	simm.s32 $0x9500  }
0x85: {  	[tilespmem:s10], [sflag:$0x2] =	stream.indirect.gather [hbm4b:s4+s15], $0x8, s7, s15, $0xb8;
	[tilespmem:$0x10128] =	vst v63  }
0x86: {  	s11 =	simm.s32 $0x1000;
	s12 =	simm.s32 $0x9900  }
0x87: {  	[tilespmem:s12], [sflag:$0x2] =	stream.indirect.gather [hbm4b:s4+s15], $0x8, s11, s15, $0xb8;
	[tilespmem:$0x10128] =	vst v63  }
0x88: {  	s7 =	simm.s32 $0x1080;
	s10 =	simm.s32 $0x9D00  }
0x89: {  	[tilespmem:s10], [sflag:$0x2] =	stream.indirect.gather [hbm4b:s4+s15], $0x8, s7, s15, $0xb8;
	[tilespmem:$0x10128] =	vst v63  }
0x8a: {  	s11 =	simm.s32 $0x1100;
	s12 =	simm.s32 $0xA100  }
0x8b: {  	[tilespmem:s12], [sflag:$0x2] =	stream.indirect.gather [hbm4b:s4+s15], $0x8, s11, s15, $0xb8;
	[tilespmem:$0x10128] =	vst v63  }
0x8c: {  	s7 =	simm.s32 $0x1180;
	s10 =	simm.s32 $0xA500  }
0x8d: {  	[tilespmem:s10], [sflag:$0x2] =	stream.indirect.gather [hbm4b:s4+s15], $0x8, s7, s15, $0xb8;
	[tilespmem:$0x10128] =	vst v63  }
0x8e: {  	s11 =	simm.s32 $0x1200;
	s12 =	simm.s32 $0xA900  }
0x8f: {  	[tilespmem:s12], [sflag:$0x2] =	stream.indirect.gather [hbm4b:s4+s15], $0x8, s11, s15, $0xb8;
	[tilespmem:$0x10128] =	vst v63  }
0x90: {  	s7 =	simm.s32 $0x1280;
	s10 =	simm.s32 $0xAD00  }
0x91: {  	[tilespmem:s10], [sflag:$0x2] =	stream.indirect.gather [hbm4b:s4+s15], $0x8, s7, s15, $0xb8;
	[tilespmem:$0x10128] =	vst v63  }
0x92: {  	s11 =	simm.s32 $0x1300;
	s12 =	simm.s32 $0xB100  }
0x93: {  	[tilespmem:s12], [sflag:$0x2] =	stream.indirect.gather [hbm4b:s4+s15], $0x8, s11, s15, $0xb8;
	[tilespmem:$0x10128] =	vst v63  }
0x94: {  	s7 =	simm.s32 $0x1380;
	s10 =	simm.s32 $0xB500  }
0x95: {  	[tilespmem:s10], [sflag:$0x2] =	stream.indirect.gather [hbm4b:s4+s15], $0x8, s7, s15, $0xb8;
	[tilespmem:$0x10128] =	vst v63  }
0x96: {  	s11 =	simm.s32 $0x1400;
	s12 =	simm.s32 $0xB900  }
0x97: {  	[tilespmem:s12], [sflag:$0x2] =	stream.indirect.gather [hbm4b:s4+s15], $0x8, s11, s15, $0xb8;
	[tilespmem:$0x10128] =	vst v63  }
0x98: {  	s7 =	simm.s32 $0x1480;
	s10 =	simm.s32 $0xBD00  }
0x99: {  	[tilespmem:s10], [sflag:$0x2] =	stream.indirect.gather [hbm4b:s4+s15], $0x8, s7, s15, $0xb8;
	[tilespmem:$0x10128] =	vst v63  }
0x9a: {  	s11 =	simm.s32 $0x1500;
	s12 =	simm.s32 $0xC100  }
0x9b: {  	[tilespmem:s12], [sflag:$0x2] =	stream.indirect.gather [hbm4b:s4+s15], $0x8, s11, s15, $0xb8;
	[tilespmem:$0x10128] =	vst v63  }
0x9c: {  	s2 =	simm.s32 $0x1580;
	s7 =	simm.s32 $0xC500  }
0x9d: {  	[tilespmem:s7], [sflag:$0x2] =	stream.indirect.gather [hbm4b:s4+s15], $0x8, s2, s15, $0xb8;
	[tilespmem:$0x10128] =	vst v63  }
0x9e: {  	_ = 	snop  }
0x9f: {  	[tilespmem:s13], [sflag:$0x2] =	stream.indirect.gather [hbm4b:s4+s15], $0x8, s6, s15, $0xb8;
	[tilespmem:$0x10128] =	vst v63  }
0xa0: {  	p0 =	seq.s32 s0, $0xF;
	s10 =	simm.s32 $0x2  }
0xa1: {  	[tilespmem:s9], [sflag:$0x2] =	stream.indirect.gather [hbm4b:s4+s15], $0x8, s17, s15, $0xb8;
	[tilespmem:$0x10128] =	vst v63  }
0xa2: {  	s1 =	sshll.u32 @!p0 s0, $0x5;
	v3 =	vmov s10;
	s10 =	simm.s32 $0xA;
	s11 =	simm.s32 $0x4  }
0xa3: {  	[tilespmem:s23], [sflag:$0x2] =	stream.indirect.gather [hbm4b:s4+s15], $0x8, s22, s15, $0xb8;
	[tilespmem:$0x10128] =	vst v63  }
0xa4: {  	s1 =	sadd.s32 @!p0 s1, s8;
	s12 =	simm.s32 $0x0;
	v3 =	vshll.u32 v3, $0x3;
	v9 =	vmov s10;
	v5 =	vmov s11  }
0xa5: {  	v6 =	vmov s12;
	v3 =	vor.u32 v1, v3;
	v5 =	vshll.u32 v5, $0x3;
	[tilespmem:s25], [sflag:$0x2] =	stream.indirect.gather [hbm4b:s4+s15], $0x8, s24, s15, $0xb8;
	[tilespmem:$0x10128] =	vst v63  }
0xa6: {  	s1 =	smul.u32 @!p0 $0x19, s1;
	s12 =	simm.s32 $0x6;
	s11 =	simm.s32 $0xC;
	v9 =	vshll.u32 v9, $0x3;
	v6 =	vshll.u32 v6, $0x3;
	v5 =	vor.u32 v1, v5  }
0xa7: {  	v3 =	vor.u32 v2, v3;
	v7 =	vmov s12;
	v5 =	vor.u32 v2, v5;
	[tilespmem:s28], [sflag:$0x2] =	stream.indirect.gather [hbm4b:s4+s15], $0x8, s26, s15, $0xb8;
	[tilespmem:$0x10128] =	vst v63  }
0xa8: {  	s1 =	sadd.s32 @!p0 s5, s1;
	v10 =	vmov s11;
	v6 =	vor.u32 v1, v6;
	v7 =	vshll.u32 v7, $0x3  }
0xa9: {  	v10 =	vshll.u32 v10, $0x3;
	v6 =	vor.u32 v2, v6;
	v7 =	vor.u32 v1, v7;
	[tilespmem:s30], [sflag:$0x2] =	stream.indirect.gather [hbm4b:s4+s15], $0x8, s29, s15, $0xb8;
	[tilespmem:$0x10128] =	vst v63  }
0xaa: {  	s7 =	simm.s32 $0x8;
	s12 =	simm.s32 @!p0 $0x0;
	v9 =	vor.u32 v1, v9;
	s11 =	simm.s32 $0x12;
	v10 =	vor.u32 v1, v10;
	v7 =	vor.u32 v2, v7  }
0xab: {  	v8 =	vmov s7;
	v12 =	vor.u32 v2, v9;
	v9 =	vor.u32 v2, v10;
	[tilespmem:s12], [sflag:$0x3] =	stream.linear.gather @!p0 [hbm4b:s1+s12], $0xC80, $0x38;
	[tilespmem:$0x10128] =	vst v63  }
0xac: {  	v11 =	vmov s11;
	v8 =	vshll.u32 v8, $0x3;
	v5 =	vld.idx.msk [tilespmem:v5+s16+$0x0], $0xffff  }
0xad: {  	v4 =	vimm.f32 $0.0e+00;
	s10 =	simm.s32 $0x10;
	s7 =	simm.s32 $0xE;
	v14 =	vshll.u32 v11, $0x3;
	v8 =	vor.u32 v1, v8;
	v10 =	vld.idx.msk [tilespmem:v3+s16+$0x0], $0xffff  }
0xae: {  	v8 =	vor.u32 v2, v8;
	v3 =	vmov s7;
	v16 =	vld.idx.msk [tilespmem:v6+s16+$0x0], $0xffff;
	v6 =	vmov s10  }
0xaf: {  	v14 =	vor.u32 v1, v14;
	s12 =	simm.s32 $0x14;
	v7 =	vld.idx.msk [tilespmem:v7+s16+$0x0], $0xffff;
	v13 =	vshll.u32 v3, $0x3;
	v6 =	vshll.u32 v6, $0x3  }
0xb0: {  	v9 =	vld.idx.msk [tilespmem:v9+s16+$0x0], $0xffff;
	v11 =	vor.u32 v1, v13;
	v13 =	vor.u32 v1, v6;
	v6 =	vmov s12  }
0xb1: {  	v15 =	vor.u32 v2, v14;
	v12 =	vld.idx.msk [tilespmem:v12+s16+$0x0], $0xffff;
	v11 =	vor.u32 v2, v11;
	v17 =	vshll.u32 v6, $0x3  }
0xb2: {  	v3 =	vld [tilespmem:$0x10100];
	v14 =	vor.u32 v2, v13;
	v17 =	vor.u32 v1, v17;
	v5 =	vadd.f32 v5, v4  }
0xb3: {  	s2 =	simm.s32 $0x16;
	s1 =	sshll.u32 s0, $0xB;
	s12 =	simm.s32 $0x1E;
	v6 =	vld.idx.msk [tilespmem:v8+s16+$0x0], $0xffff;
	v8 =	vadd.f32 v10, v4;
	v13 =	vor.u32 v2, v17;
	v10 =	vadd.f32 v16, v4  }
.LBB2_7:
0xb4: {  	s7 =	sadd.s32 $0xFFFFFFFA, s12  }
0xb5: {  	s10 =	sadd.s32 $0xFFFFFFFC, s12;
	v16 =	vmov s2;
	v4 =	vadd.f32 v7, v4;
	v17 =	vmov v15;
	s2 =	smov.u32 s12;
	s11 =	sadd.s32 $0x8, s12  }
0xb6: {  	p1 =	sne.s32 s12, $0xC6;
	v15 =	vmov s7;
	v18 =	vmov s10;
	v21 =	vshll.u32 v16, $0x3;
	v7 =	vld.idx.msk [tilespmem:v11+s16+$0x0], $0xffff  }
.Ltmp4:
0xb7: {  	s7 =	sadd.s32 $0xFFFFFFFE, s2;
	v11 =	vshll.u32 v15, $0x3;
	v15 =	vshll.u32 v18, $0x3;
	v20 =	vor.u32 v1, v21;
	(pc) =	sbr.rel @p1 .LBB2_7-.Ltmp4, $4  }
0xb8: {  	v19 =	vmov s7;
	v18 =	vor.u32 v1, v11;
	v11 =	vor.u32 v2, v20;
	v16 =	vmovc v6  }
0xb9: {  	v15 =	vor.u32 v1, v15;
	v19 =	vshll.u32 v19, $0x3;
	v5 =	vadd.f32 v9, v5;
	v6 =	vld.idx.msk [tilespmem:v14+s16+$0x0], $0xffff  }
0xba: {  	v15 =	vor.u32 v2, v15;
	v19 =	vor.u32 v1, v19;
	v8 =	vadd.f32 v12, v8;
	v9 =	vld.idx.msk [tilespmem:v13+s16+$0x0], $0xffff  }
0xbb: {  	s12 =	smov.u32 s11;
	v14 =	vor.u32 v2, v18;
	v10 =	vadd.f32 v16, v10;
	v13 =	vor.u32 v2, v19;
	v12 =	vld.idx.msk [tilespmem:v17+s16+$0x0], $0xffff  }
0xbc: {  	v16 =	vmov s2  }
0xbd: {  	v16 =	vshll.u32 v16, $0x3  }
0xbe: {  	v16 =	vor.u32 v1, v16  }
0xbf: {  	v16 =	vor.u32 v2, v16  }
0xc0: {  	v11 =	vld.idx.msk [tilespmem:v11+s16+$0x0], $0xffff  }
0xc1: {  	v14 =	vld.idx.msk [tilespmem:v14+s16+$0x0], $0xffff  }
0xc2: {  	v13 =	vld.idx.msk [tilespmem:v13+s16+$0x0], $0xffff  }
0xc3: {  	v15 =	vld.idx.msk [tilespmem:v15+s16+$0x0], $0xffff  }
0xc4: {  	v16 =	vld.idx.msk [tilespmem:v16+s16+$0x0], $0xffff  }
0xc5: {  	v4 =	vadd.f32 v7, v4  }
0xc6: {  	v6 =	vadd.f32 v6, v10;
	v5 =	vadd.f32 v9, v5  }
0xc7: {  	v7 =	vadd.f32 v12, v8;
	v4 =	vadd.f32 v11, v4  }
0xc8: {  	v5 =	vadd.f32 v13, v5;
	v6 =	vadd.f32 v14, v6  }
0xc9: {  	v7 =	vadd.f32 v15, v7;
	v4 =	vadd.f32 v16, v4;
	_ =	sdelay $0x1  }
0xca: {  	v6 =	vadd.f32 v7, v6;
	v4 =	vadd.f32 v4, v5;
	_ =	sdelay $0x1  }
0xcb: {  	v4 =	vadd.f32 v4, v6;
	_ =	sdelay $0x1  }
0xcc: {  	[tilespmem:$0x10110] =	vst v4  }
0xcd: {  	v5 =	vld [tilespmem:$0x10118]  }
0xce: {  	s11 =	simm.s32 $0xCE;
	s7 =	simm.s32 $0xCC  }
0xcf: {  	v7 =	vmov s7;
	s7 =	simm.s32 $0xC8;
	v6 =	vmov s11  }
0xd0: {  	v7 =	vshll.u32 v7, $0x3;
	v9 =	vmov s7;
	v6 =	vshll.u32 v6, $0x3  }
0xd1: {  	s12 =	simm.s32 $0xCA;
	v7 =	vor.u32 v1, v7;
	v9 =	vshll.u32 v9, $0x3;
	v6 =	vor.u32 v1, v6  }
0xd2: {  	v6 =	vor.u32 v2, v6;
	v4 =	vadd.f32 v5, v4;
	v5 =	vmov s12  }
0xd3: {  	v7 =	vor.u32 v2, v7;
	v9 =	vor.u32 v1, v9;
	v5 =	vshll.u32 v5, $0x3  }
0xd4: {  	v9 =	vor.u32 v2, v9;
	s11 =	simm.s32 $0xD2;
	s12 =	simm.s32 $0xD6;
	v8 =	vadd.f32 v4, v3;
	v5 =	vor.u32 v1, v5  }
0xd5: {  	s1 =	sshrl.u32 s1, $0x2;
	v10 =	vmov s11;
	s11 =	simm.s32 $0xDC;
	v11 =	vmov s12;
	v5 =	vor.u32 v2, v5  }
0xd6: {  	s10 =	simm.s32 $0xD4;
	v10 =	vshll.u32 v10, $0x3;
	v13 =	vmov s11;
	v11 =	vshll.u32 v11, $0x3;
	[tilespmem:s1+$0xE100] =	vst v8  }
0xd7: {  	v10 =	vor.u32 v1, v10;
	v11 =	vor.u32 v1, v11;
	v8 =	vmov s10;
	v6 =	vld.idx.msk [tilespmem:v6+s16+$0x0], $0xffff  }
0xd8: {  	v10 =	vor.u32 v2, v10;
	s12 =	simm.s32 $0xDE;
	v11 =	vor.u32 v2, v11;
	v8 =	vshll.u32 v8, $0x3  }
0xd9: {  	s7 =	simm.s32 $0xD0;
	v4 =	vimm.f32 $0.0e+00;
	v14 =	vmov s12;
	s10 =	simm.s32 $0xDA;
	v16 =	vld.idx.msk [tilespmem:v7+s16+$0x0], $0xffff;
	v8 =	vor.u32 v1, v8  }
0xda: {  	v7 =	vmov s7;
	v12 =	vmov s10;
	v8 =	vor.u32 v2, v8;
	v17 =	vld.idx.msk [tilespmem:v5+s16+$0x0], $0xffff  }
0xdb: {  	v14 =	vshll.u32 v14, $0x3;
	v5 =	vshll.u32 v7, $0x3;
	v7 =	vld.idx.msk [tilespmem:v9+s16+$0x0], $0xffff;
	v9 =	vshll.u32 v12, $0x3  }
0xdc: {  	v15 =	vor.u32 v1, v5;
	v9 =	vor.u32 v1, v9;
	v5 =	vadd.f32 v6, v4  }
0xdd: {  	v12 =	vor.u32 v2, v15;
	v6 =	vld.idx.msk [tilespmem:v11+s16+$0x0], $0xffff;
	v11 =	vshll.u32 v13, $0x3;
	v13 =	vor.u32 v1, v14  }
0xde: {  	v9 =	vor.u32 v2, v9;
	v11 =	vor.u32 v1, v11;
	v14 =	vor.u32 v2, v13;
	v13 =	vld.idx.msk [tilespmem:v10+s16+$0x0], $0xffff  }
0xdf: {  	s2 =	simm.s32 $0xD8;
	s12 =	simm.s32 $0xE0;
	v8 =	vld.idx.msk [tilespmem:v8+s16+$0x0], $0xffff;
	v15 =	vor.u32 v2, v11;
	v11 =	vadd.f32 v16, v4;
	v10 =	vadd.f32 v17, v4  }
.LBB2_9:
0xe0: {  	s7 =	sadd.s32 $0x2, s12  }
0xe1: {  	s10 =	sadd.s32 $0x4, s12;
	v16 =	vmov s2;
	v4 =	vadd.f32 v7, v4;
	s2 =	smov.u32 s12;
	s11 =	sadd.s32 $0x8, s12  }
0xe2: {  	p1 =	sne.s32 s12, $0x188;
	v17 =	vmov s7;
	v18 =	vmov s10;
	s7 =	sadd.s32 $0x6, s2;
	v19 =	vshll.u32 v16, $0x3;
	v7 =	vld.idx.msk [tilespmem:v12+s16+$0x0], $0xffff  }
.Ltmp5:
0xe3: {  	v5 =	vadd.f32 v6, v5;
	v12 =	vmov s7;
	v20 =	vor.u32 v1, v19;
	(pc) =	sbr.rel @p1 .LBB2_9-.Ltmp5, $4  }
0xe4: {  	v17 =	vshll.u32 v17, $0x3;
	v21 =	vshll.u32 v12, $0x3;
	v12 =	vor.u32 v2, v20;
	v6 =	vld.idx.msk [tilespmem:v14+s16+$0x0], $0xffff;
	v16 =	vmovc v8  }
0xe5: {  	v17 =	vor.u32 v1, v17;
	v14 =	vshll.u32 v18, $0x3;
	v18 =	vor.u32 v1, v21;
	v8 =	vld.idx.msk [tilespmem:v15+s16+$0x0], $0xffff;
	v19 =	vmovc v13  }
0xe6: {  	v15 =	vor.u32 v1, v14;
	v14 =	vor.u32 v2, v18;
	v13 =	vld.idx.msk [tilespmem:v9+s16+$0x0], $0xffff;
	v9 =	vor.u32 v2, v17  }
0xe7: {  	s12 =	smov.u32 s11;
	v11 =	vadd.f32 v16, v11;
	v15 =	vor.u32 v2, v15;
	v10 =	vadd.f32 v19, v10  }
0xe8: {  	v16 =	vmov s2  }
0xe9: {  	v16 =	vshll.u32 v16, $0x3  }
0xea: {  	v16 =	vor.u32 v1, v16  }
0xeb: {  	v16 =	vor.u32 v2, v16  }
0xec: {  	v12 =	vld.idx.msk [tilespmem:v12+s16+$0x0], $0xffff  }
0xed: {  	v14 =	vld.idx.msk [tilespmem:v14+s16+$0x0], $0xffff  }
0xee: {  	v15 =	vld.idx.msk [tilespmem:v15+s16+$0x0], $0xffff  }
0xef: {  	v9 =	vld.idx.msk [tilespmem:v9+s16+$0x0], $0xffff  }
0xf0: {  	v16 =	vld.idx.msk [tilespmem:v16+s16+$0x0], $0xffff  }
0xf1: {  	v4 =	vadd.f32 v7, v4  }
0xf2: {  	v5 =	vadd.f32 v6, v5;
	v6 =	vadd.f32 v13, v10  }
0xf3: {  	v7 =	vadd.f32 v8, v11;
	v4 =	vadd.f32 v12, v4  }
0xf4: {  	v5 =	vadd.f32 v14, v5;
	v6 =	vadd.f32 v9, v6  }
0xf5: {  	v7 =	vadd.f32 v15, v7;
	v4 =	vadd.f32 v16, v4;
	_ =	sdelay $0x1  }
0xf6: {  	v5 =	vadd.f32 v5, v7;
	v4 =	vadd.f32 v6, v4;
	_ =	sdelay $0x1  }
0xf7: {  	v4 =	vadd.f32 v5, v4;
	_ =	sdelay $0x1  }
0xf8: {  	[tilespmem:$0x10110] =	vst v4  }
0xf9: {  	v5 =	vld [tilespmem:$0x10118]  }
0xfa: {  	s11 =	simm.s32 $0x196;
	s7 =	simm.s32 $0x194  }
0xfb: {  	v7 =	vmov s7;
	s7 =	simm.s32 $0x190;
	v6 =	vmov s11  }
0xfc: {  	v7 =	vshll.u32 v7, $0x3;
	v9 =	vmov s7;
	v6 =	vshll.u32 v6, $0x3  }
0xfd: {  	s12 =	simm.s32 $0x192;
	v7 =	vor.u32 v1, v7;
	v9 =	vshll.u32 v9, $0x3;
	v6 =	vor.u32 v1, v6  }
0xfe: {  	v6 =	vor.u32 v2, v6;
	v4 =	vadd.f32 v5, v4;
	v5 =	vmov s12  }
0xff: {  	v7 =	vor.u32 v2, v7;
	v9 =	vor.u32 v1, v9;
	v5 =	vshll.u32 v5, $0x3  }
0x100: {  	v9 =	vor.u32 v2, v9;
	s11 =	simm.s32 $0x19A;
	s12 =	simm.s32 $0x19E;
	v8 =	vadd.f32 v4, v3;
	v5 =	vor.u32 v1, v5  }
0x101: {  	v10 =	vmov s11;
	s11 =	simm.s32 $0x1A4;
	v11 =	vmov s12;
	v5 =	vor.u32 v2, v5  }
0x102: {  	s10 =	simm.s32 $0x19C;
	v10 =	vshll.u32 v10, $0x3;
	v13 =	vmov s11;
	v11 =	vshll.u32 v11, $0x3;
	[tilespmem:s1+$0xE110] =	vst v8  }
0x103: {  	v10 =	vor.u32 v1, v10;
	v11 =	vor.u32 v1, v11;
	v8 =	vmov s10;
	v6 =	vld.idx.msk [tilespmem:v6+s16+$0x0], $0xffff  }
0x104: {  	v10 =	vor.u32 v2, v10;
	s12 =	simm.s32 $0x1A6;
	v11 =	vor.u32 v2, v11;
	v8 =	vshll.u32 v8, $0x3  }
0x105: {  	s7 =	simm.s32 $0x198;
	v4 =	vimm.f32 $0.0e+00;
	v14 =	vmov s12;
	s10 =	simm.s32 $0x1A2;
	v16 =	vld.idx.msk [tilespmem:v7+s16+$0x0], $0xffff;
	v8 =	vor.u32 v1, v8  }
0x106: {  	v7 =	vmov s7;
	v12 =	vmov s10;
	v8 =	vor.u32 v2, v8;
	v17 =	vld.idx.msk [tilespmem:v5+s16+$0x0], $0xffff  }
0x107: {  	v14 =	vshll.u32 v14, $0x3;
	v5 =	vshll.u32 v7, $0x3;
	v7 =	vld.idx.msk [tilespmem:v9+s16+$0x0], $0xffff;
	v9 =	vshll.u32 v12, $0x3  }
0x108: {  	v15 =	vor.u32 v1, v5;
	v9 =	vor.u32 v1, v9;
	v5 =	vadd.f32 v6, v4  }
0x109: {  	v12 =	vor.u32 v2, v15;
	v6 =	vld.idx.msk [tilespmem:v11+s16+$0x0], $0xffff;
	v11 =	vshll.u32 v13, $0x3;
	v13 =	vor.u32 v1, v14  }
0x10a: {  	v9 =	vor.u32 v2, v9;
	v11 =	vor.u32 v1, v11;
	v14 =	vor.u32 v2, v13;
	v13 =	vld.idx.msk [tilespmem:v10+s16+$0x0], $0xffff  }
0x10b: {  	s2 =	simm.s32 $0x1A0;
	s12 =	simm.s32 $0x1A8;
	v8 =	vld.idx.msk [tilespmem:v8+s16+$0x0], $0xffff;
	v15 =	vor.u32 v2, v11;
	v11 =	vadd.f32 v16, v4;
	v10 =	vadd.f32 v17, v4  }
.LBB2_11:
0x10c: {  	s7 =	sadd.s32 $0x2, s12  }
0x10d: {  	s10 =	sadd.s32 $0x4, s12;
	v16 =	vmov s2;
	v4 =	vadd.f32 v7, v4;
	s2 =	smov.u32 s12;
	s11 =	sadd.s32 $0x8, s12  }
0x10e: {  	p1 =	sne.s32 s12, $0x250;
	v17 =	vmov s7;
	v18 =	vmov s10;
	s7 =	sadd.s32 $0x6, s2;
	v19 =	vshll.u32 v16, $0x3;
	v7 =	vld.idx.msk [tilespmem:v12+s16+$0x0], $0xffff  }
.Ltmp6:
0x10f: {  	v5 =	vadd.f32 v6, v5;
	v12 =	vmov s7;
	v20 =	vor.u32 v1, v19;
	(pc) =	sbr.rel @p1 .LBB2_11-.Ltmp6, $4  }
0x110: {  	v17 =	vshll.u32 v17, $0x3;
	v21 =	vshll.u32 v12, $0x3;
	v12 =	vor.u32 v2, v20;
	v6 =	vld.idx.msk [tilespmem:v14+s16+$0x0], $0xffff;
	v16 =	vmovc v8  }
0x111: {  	v17 =	vor.u32 v1, v17;
	v14 =	vshll.u32 v18, $0x3;
	v18 =	vor.u32 v1, v21;
	v8 =	vld.idx.msk [tilespmem:v15+s16+$0x0], $0xffff;
	v19 =	vmovc v13  }
0x112: {  	v15 =	vor.u32 v1, v14;
	v14 =	vor.u32 v2, v18;
	v13 =	vld.idx.msk [tilespmem:v9+s16+$0x0], $0xffff;
	v9 =	vor.u32 v2, v17  }
0x113: {  	s12 =	smov.u32 s11;
	v11 =	vadd.f32 v16, v11;
	v15 =	vor.u32 v2, v15;
	v10 =	vadd.f32 v19, v10  }
0x114: {  	v16 =	vmov s2  }
0x115: {  	v16 =	vshll.u32 v16, $0x3  }
0x116: {  	v16 =	vor.u32 v1, v16  }
0x117: {  	v16 =	vor.u32 v2, v16  }
0x118: {  	v12 =	vld.idx.msk [tilespmem:v12+s16+$0x0], $0xffff  }
0x119: {  	v14 =	vld.idx.msk [tilespmem:v14+s16+$0x0], $0xffff  }
0x11a: {  	v15 =	vld.idx.msk [tilespmem:v15+s16+$0x0], $0xffff  }
0x11b: {  	v9 =	vld.idx.msk [tilespmem:v9+s16+$0x0], $0xffff  }
0x11c: {  	v16 =	vld.idx.msk [tilespmem:v16+s16+$0x0], $0xffff  }
0x11d: {  	v4 =	vadd.f32 v7, v4  }
0x11e: {  	v5 =	vadd.f32 v6, v5;
	v6 =	vadd.f32 v13, v10  }
0x11f: {  	v7 =	vadd.f32 v8, v11;
	v4 =	vadd.f32 v12, v4  }
0x120: {  	v5 =	vadd.f32 v14, v5;
	v6 =	vadd.f32 v9, v6  }
0x121: {  	v7 =	vadd.f32 v15, v7;
	v4 =	vadd.f32 v16, v4;
	_ =	sdelay $0x1  }
0x122: {  	v5 =	vadd.f32 v5, v7;
	v4 =	vadd.f32 v6, v4;
	_ =	sdelay $0x1  }
0x123: {  	v4 =	vadd.f32 v5, v4;
	_ =	sdelay $0x1  }
0x124: {  	[tilespmem:$0x10110] =	vst v4  }
0x125: {  	v5 =	vld [tilespmem:$0x10118]  }
0x126: {  	s11 =	simm.s32 $0x25E;
	s7 =	simm.s32 $0x25C  }
0x127: {  	v7 =	vmov s7;
	s7 =	simm.s32 $0x258;
	v6 =	vmov s11  }
0x128: {  	v7 =	vshll.u32 v7, $0x3;
	v9 =	vmov s7;
	v6 =	vshll.u32 v6, $0x3  }
0x129: {  	s12 =	simm.s32 $0x25A;
	v7 =	vor.u32 v1, v7;
	v9 =	vshll.u32 v9, $0x3;
	v6 =	vor.u32 v1, v6  }
0x12a: {  	v6 =	vor.u32 v2, v6;
	v4 =	vadd.f32 v5, v4;
	v5 =	vmov s12  }
0x12b: {  	v7 =	vor.u32 v2, v7;
	v9 =	vor.u32 v1, v9;
	v5 =	vshll.u32 v5, $0x3  }
0x12c: {  	v9 =	vor.u32 v2, v9;
	s11 =	simm.s32 $0x262;
	s12 =	simm.s32 $0x266;
	v8 =	vadd.f32 v4, v3;
	v5 =	vor.u32 v1, v5  }
0x12d: {  	v10 =	vmov s11;
	s11 =	simm.s32 $0x26C;
	v11 =	vmov s12;
	v5 =	vor.u32 v2, v5  }
0x12e: {  	s10 =	simm.s32 $0x264;
	v10 =	vshll.u32 v10, $0x3;
	v13 =	vmov s11;
	v11 =	vshll.u32 v11, $0x3;
	[tilespmem:s1+$0xE120] =	vst v8  }
0x12f: {  	v10 =	vor.u32 v1, v10;
	v11 =	vor.u32 v1, v11;
	v8 =	vmov s10;
	v6 =	vld.idx.msk [tilespmem:v6+s16+$0x0], $0xffff  }
0x130: {  	v10 =	vor.u32 v2, v10;
	s12 =	simm.s32 $0x26E;
	v11 =	vor.u32 v2, v11;
	v8 =	vshll.u32 v8, $0x3  }
0x131: {  	s7 =	simm.s32 $0x260;
	v4 =	vimm.f32 $0.0e+00;
	v14 =	vmov s12;
	s10 =	simm.s32 $0x26A;
	v16 =	vld.idx.msk [tilespmem:v7+s16+$0x0], $0xffff;
	v8 =	vor.u32 v1, v8  }
0x132: {  	v7 =	vmov s7;
	v12 =	vmov s10;
	v8 =	vor.u32 v2, v8;
	v17 =	vld.idx.msk [tilespmem:v5+s16+$0x0], $0xffff  }
0x133: {  	v14 =	vshll.u32 v14, $0x3;
	v5 =	vshll.u32 v7, $0x3;
	v7 =	vld.idx.msk [tilespmem:v9+s16+$0x0], $0xffff;
	v9 =	vshll.u32 v12, $0x3  }
0x134: {  	v15 =	vor.u32 v1, v5;
	v9 =	vor.u32 v1, v9;
	v5 =	vadd.f32 v6, v4  }
0x135: {  	v12 =	vor.u32 v2, v15;
	v6 =	vld.idx.msk [tilespmem:v11+s16+$0x0], $0xffff;
	v11 =	vshll.u32 v13, $0x3;
	v13 =	vor.u32 v1, v14  }
0x136: {  	v9 =	vor.u32 v2, v9;
	v11 =	vor.u32 v1, v11;
	v14 =	vor.u32 v2, v13;
	v13 =	vld.idx.msk [tilespmem:v10+s16+$0x0], $0xffff  }
0x137: {  	s2 =	simm.s32 $0x268;
	s12 =	simm.s32 $0x270;
	v8 =	vld.idx.msk [tilespmem:v8+s16+$0x0], $0xffff;
	v15 =	vor.u32 v2, v11;
	v11 =	vadd.f32 v16, v4;
	v10 =	vadd.f32 v17, v4  }
.LBB2_13:
0x138: {  	s7 =	sadd.s32 $0x2, s12  }
0x139: {  	s10 =	sadd.s32 $0x4, s12;
	v16 =	vmov s2;
	v4 =	vadd.f32 v7, v4;
	s2 =	smov.u32 s12;
	s11 =	sadd.s32 $0x8, s12  }
0x13a: {  	p1 =	sne.s32 s12, $0x318;
	v17 =	vmov s7;
	v18 =	vmov s10;
	s7 =	sadd.s32 $0x6, s2;
	v19 =	vshll.u32 v16, $0x3;
	v7 =	vld.idx.msk [tilespmem:v12+s16+$0x0], $0xffff  }
.Ltmp7:
0x13b: {  	v5 =	vadd.f32 v6, v5;
	v12 =	vmov s7;
	v20 =	vor.u32 v1, v19;
	(pc) =	sbr.rel @p1 .LBB2_13-.Ltmp7, $4  }
0x13c: {  	v17 =	vshll.u32 v17, $0x3;
	v21 =	vshll.u32 v12, $0x3;
	v12 =	vor.u32 v2, v20;
	v6 =	vld.idx.msk [tilespmem:v14+s16+$0x0], $0xffff;
	v16 =	vmovc v8  }
0x13d: {  	v17 =	vor.u32 v1, v17;
	v14 =	vshll.u32 v18, $0x3;
	v18 =	vor.u32 v1, v21;
	v8 =	vld.idx.msk [tilespmem:v15+s16+$0x0], $0xffff;
	v19 =	vmovc v13  }
0x13e: {  	v15 =	vor.u32 v1, v14;
	v14 =	vor.u32 v2, v18;
	v13 =	vld.idx.msk [tilespmem:v9+s16+$0x0], $0xffff;
	v9 =	vor.u32 v2, v17  }
0x13f: {  	s12 =	smov.u32 s11;
	v11 =	vadd.f32 v16, v11;
	v15 =	vor.u32 v2, v15;
	v10 =	vadd.f32 v19, v10  }
0x140: {  	v16 =	vmov s2  }
0x141: {  	v16 =	vshll.u32 v16, $0x3  }
0x142: {  	v16 =	vor.u32 v1, v16  }
0x143: {  	v16 =	vor.u32 v2, v16  }
0x144: {  	v12 =	vld.idx.msk [tilespmem:v12+s16+$0x0], $0xffff  }
0x145: {  	v14 =	vld.idx.msk [tilespmem:v14+s16+$0x0], $0xffff  }
0x146: {  	v15 =	vld.idx.msk [tilespmem:v15+s16+$0x0], $0xffff  }
0x147: {  	v9 =	vld.idx.msk [tilespmem:v9+s16+$0x0], $0xffff  }
0x148: {  	v16 =	vld.idx.msk [tilespmem:v16+s16+$0x0], $0xffff  }
0x149: {  	v4 =	vadd.f32 v7, v4  }
0x14a: {  	v5 =	vadd.f32 v6, v5;
	v6 =	vadd.f32 v13, v10  }
0x14b: {  	v7 =	vadd.f32 v8, v11;
	v4 =	vadd.f32 v12, v4  }
0x14c: {  	v5 =	vadd.f32 v14, v5;
	v6 =	vadd.f32 v9, v6  }
0x14d: {  	v7 =	vadd.f32 v15, v7;
	v4 =	vadd.f32 v16, v4;
	_ =	sdelay $0x1  }
0x14e: {  	v5 =	vadd.f32 v5, v7;
	v4 =	vadd.f32 v6, v4;
	_ =	sdelay $0x1  }
0x14f: {  	v4 =	vadd.f32 v5, v4;
	_ =	sdelay $0x1  }
0x150: {  	[tilespmem:$0x10110] =	vst v4  }
0x151: {  	v5 =	vld [tilespmem:$0x10118]  }
0x152: {  	s11 =	simm.s32 $0x326;
	s7 =	simm.s32 $0x324  }
0x153: {  	v7 =	vmov s7;
	s7 =	simm.s32 $0x320;
	v6 =	vmov s11  }
0x154: {  	v7 =	vshll.u32 v7, $0x3;
	v9 =	vmov s7;
	v6 =	vshll.u32 v6, $0x3  }
0x155: {  	s12 =	simm.s32 $0x322;
	v7 =	vor.u32 v1, v7;
	v9 =	vshll.u32 v9, $0x3;
	v6 =	vor.u32 v1, v6  }
0x156: {  	v6 =	vor.u32 v2, v6;
	v4 =	vadd.f32 v5, v4;
	v5 =	vmov s12  }
0x157: {  	v7 =	vor.u32 v2, v7;
	v9 =	vor.u32 v1, v9;
	v5 =	vshll.u32 v5, $0x3  }
0x158: {  	v9 =	vor.u32 v2, v9;
	s11 =	simm.s32 $0x32A;
	s12 =	simm.s32 $0x32E;
	v8 =	vadd.f32 v4, v3;
	v5 =	vor.u32 v1, v5  }
0x159: {  	v10 =	vmov s11;
	s11 =	simm.s32 $0x334;
	v11 =	vmov s12;
	v5 =	vor.u32 v2, v5  }
0x15a: {  	s10 =	simm.s32 $0x32C;
	v10 =	vshll.u32 v10, $0x3;
	v13 =	vmov s11;
	v11 =	vshll.u32 v11, $0x3;
	[tilespmem:s1+$0xE130] =	vst v8  }
0x15b: {  	v10 =	vor.u32 v1, v10;
	v11 =	vor.u32 v1, v11;
	v8 =	vmov s10;
	v6 =	vld.idx.msk [tilespmem:v6+s16+$0x0], $0xffff  }
0x15c: {  	v10 =	vor.u32 v2, v10;
	s12 =	simm.s32 $0x336;
	v11 =	vor.u32 v2, v11;
	v8 =	vshll.u32 v8, $0x3  }
0x15d: {  	s7 =	simm.s32 $0x328;
	v4 =	vimm.f32 $0.0e+00;
	v14 =	vmov s12;
	s10 =	simm.s32 $0x332;
	v16 =	vld.idx.msk [tilespmem:v7+s16+$0x0], $0xffff;
	v8 =	vor.u32 v1, v8  }
0x15e: {  	v7 =	vmov s7;
	v12 =	vmov s10;
	v8 =	vor.u32 v2, v8;
	v17 =	vld.idx.msk [tilespmem:v5+s16+$0x0], $0xffff  }
0x15f: {  	v14 =	vshll.u32 v14, $0x3;
	v5 =	vshll.u32 v7, $0x3;
	v7 =	vld.idx.msk [tilespmem:v9+s16+$0x0], $0xffff;
	v9 =	vshll.u32 v12, $0x3  }
0x160: {  	v15 =	vor.u32 v1, v5;
	v9 =	vor.u32 v1, v9;
	v5 =	vadd.f32 v6, v4  }
0x161: {  	v12 =	vor.u32 v2, v15;
	v6 =	vld.idx.msk [tilespmem:v11+s16+$0x0], $0xffff;
	v11 =	vshll.u32 v13, $0x3;
	v13 =	vor.u32 v1, v14  }
0x162: {  	v9 =	vor.u32 v2, v9;
	v11 =	vor.u32 v1, v11;
	v14 =	vor.u32 v2, v13;
	v13 =	vld.idx.msk [tilespmem:v10+s16+$0x0], $0xffff  }
0x163: {  	s2 =	simm.s32 $0x330;
	s12 =	simm.s32 $0x338;
	v8 =	vld.idx.msk [tilespmem:v8+s16+$0x0], $0xffff;
	v15 =	vor.u32 v2, v11;
	v11 =	vadd.f32 v16, v4;
	v10 =	vadd.f32 v17, v4  }
.LBB2_15:
0x164: {  	s7 =	sadd.s32 $0x2, s12  }
0x165: {  	s10 =	sadd.s32 $0x4, s12;
	v16 =	vmov s2;
	v4 =	vadd.f32 v7, v4;
	s2 =	smov.u32 s12;
	s11 =	sadd.s32 $0x8, s12  }
0x166: {  	p1 =	sne.s32 s12, $0x3E0;
	v17 =	vmov s7;
	v18 =	vmov s10;
	s7 =	sadd.s32 $0x6, s2;
	v19 =	vshll.u32 v16, $0x3;
	v7 =	vld.idx.msk [tilespmem:v12+s16+$0x0], $0xffff  }
.Ltmp8:
0x167: {  	v5 =	vadd.f32 v6, v5;
	v12 =	vmov s7;
	v20 =	vor.u32 v1, v19;
	(pc) =	sbr.rel @p1 .LBB2_15-.Ltmp8, $4  }
0x168: {  	v17 =	vshll.u32 v17, $0x3;
	v21 =	vshll.u32 v12, $0x3;
	v12 =	vor.u32 v2, v20;
	v6 =	vld.idx.msk [tilespmem:v14+s16+$0x0], $0xffff;
	v16 =	vmovc v8  }
0x169: {  	v17 =	vor.u32 v1, v17;
	v14 =	vshll.u32 v18, $0x3;
	v18 =	vor.u32 v1, v21;
	v8 =	vld.idx.msk [tilespmem:v15+s16+$0x0], $0xffff;
	v19 =	vmovc v13  }
0x16a: {  	v15 =	vor.u32 v1, v14;
	v14 =	vor.u32 v2, v18;
	v13 =	vld.idx.msk [tilespmem:v9+s16+$0x0], $0xffff;
	v9 =	vor.u32 v2, v17  }
0x16b: {  	s12 =	smov.u32 s11;
	v11 =	vadd.f32 v16, v11;
	v15 =	vor.u32 v2, v15;
	v10 =	vadd.f32 v19, v10  }
0x16c: {  	v16 =	vmov s2  }
0x16d: {  	v16 =	vshll.u32 v16, $0x3  }
0x16e: {  	v16 =	vor.u32 v1, v16  }
0x16f: {  	v16 =	vor.u32 v2, v16  }
0x170: {  	v12 =	vld.idx.msk [tilespmem:v12+s16+$0x0], $0xffff  }
0x171: {  	v14 =	vld.idx.msk [tilespmem:v14+s16+$0x0], $0xffff  }
0x172: {  	v15 =	vld.idx.msk [tilespmem:v15+s16+$0x0], $0xffff  }
0x173: {  	v9 =	vld.idx.msk [tilespmem:v9+s16+$0x0], $0xffff  }
0x174: {  	v16 =	vld.idx.msk [tilespmem:v16+s16+$0x0], $0xffff  }
0x175: {  	v4 =	vadd.f32 v7, v4  }
0x176: {  	v5 =	vadd.f32 v6, v5;
	v6 =	vadd.f32 v13, v10  }
0x177: {  	v7 =	vadd.f32 v8, v11;
	v4 =	vadd.f32 v12, v4  }
0x178: {  	v5 =	vadd.f32 v14, v5;
	v6 =	vadd.f32 v9, v6  }
0x179: {  	v7 =	vadd.f32 v15, v7;
	v4 =	vadd.f32 v16, v4;
	_ =	sdelay $0x1  }
0x17a: {  	v5 =	vadd.f32 v5, v7;
	v4 =	vadd.f32 v6, v4;
	_ =	sdelay $0x1  }
0x17b: {  	v4 =	vadd.f32 v5, v4;
	_ =	sdelay $0x1  }
0x17c: {  	[tilespmem:$0x10110] =	vst v4  }
0x17d: {  	v5 =	vld [tilespmem:$0x10118]  }
0x17e: {  	s11 =	simm.s32 $0x3EE;
	s7 =	simm.s32 $0x3EC  }
0x17f: {  	v7 =	vmov s7;
	s7 =	simm.s32 $0x3E8;
	v6 =	vmov s11  }
0x180: {  	v7 =	vshll.u32 v7, $0x3;
	v9 =	vmov s7;
	v6 =	vshll.u32 v6, $0x3  }
0x181: {  	s12 =	simm.s32 $0x3EA;
	v7 =	vor.u32 v1, v7;
	v9 =	vshll.u32 v9, $0x3;
	v6 =	vor.u32 v1, v6  }
0x182: {  	v6 =	vor.u32 v2, v6;
	v4 =	vadd.f32 v5, v4;
	v5 =	vmov s12  }
0x183: {  	v7 =	vor.u32 v2, v7;
	v9 =	vor.u32 v1, v9;
	v5 =	vshll.u32 v5, $0x3  }
0x184: {  	v9 =	vor.u32 v2, v9;
	s11 =	simm.s32 $0x3F2;
	s12 =	simm.s32 $0x3F6;
	v8 =	vadd.f32 v4, v3;
	v5 =	vor.u32 v1, v5  }
0x185: {  	v10 =	vmov s11;
	s11 =	simm.s32 $0x3FC;
	v11 =	vmov s12;
	v5 =	vor.u32 v2, v5  }
0x186: {  	s10 =	simm.s32 $0x3F4;
	v10 =	vshll.u32 v10, $0x3;
	v13 =	vmov s11;
	v11 =	vshll.u32 v11, $0x3;
	[tilespmem:s1+$0xE140] =	vst v8  }
0x187: {  	v10 =	vor.u32 v1, v10;
	v11 =	vor.u32 v1, v11;
	v8 =	vmov s10;
	v6 =	vld.idx.msk [tilespmem:v6+s16+$0x0], $0xffff  }
0x188: {  	v10 =	vor.u32 v2, v10;
	s12 =	simm.s32 $0x3FE;
	v11 =	vor.u32 v2, v11;
	v8 =	vshll.u32 v8, $0x3  }
0x189: {  	s7 =	simm.s32 $0x3F0;
	v4 =	vimm.f32 $0.0e+00;
	v14 =	vmov s12;
	s10 =	simm.s32 $0x3FA;
	v16 =	vld.idx.msk [tilespmem:v7+s16+$0x0], $0xffff;
	v8 =	vor.u32 v1, v8  }
0x18a: {  	v7 =	vmov s7;
	v12 =	vmov s10;
	v8 =	vor.u32 v2, v8;
	v17 =	vld.idx.msk [tilespmem:v5+s16+$0x0], $0xffff  }
0x18b: {  	v14 =	vshll.u32 v14, $0x3;
	v5 =	vshll.u32 v7, $0x3;
	v7 =	vld.idx.msk [tilespmem:v9+s16+$0x0], $0xffff;
	v9 =	vshll.u32 v12, $0x3  }
0x18c: {  	v15 =	vor.u32 v1, v5;
	v9 =	vor.u32 v1, v9;
	v5 =	vadd.f32 v6, v4  }
0x18d: {  	v12 =	vor.u32 v2, v15;
	v6 =	vld.idx.msk [tilespmem:v11+s16+$0x0], $0xffff;
	v11 =	vshll.u32 v13, $0x3;
	v13 =	vor.u32 v1, v14  }
0x18e: {  	v9 =	vor.u32 v2, v9;
	v11 =	vor.u32 v1, v11;
	v14 =	vor.u32 v2, v13;
	v13 =	vld.idx.msk [tilespmem:v10+s16+$0x0], $0xffff  }
0x18f: {  	s2 =	simm.s32 $0x3F8;
	s12 =	simm.s32 $0x400;
	v8 =	vld.idx.msk [tilespmem:v8+s16+$0x0], $0xffff;
	v15 =	vor.u32 v2, v11;
	v11 =	vadd.f32 v16, v4;
	v10 =	vadd.f32 v17, v4  }
.LBB2_17:
0x190: {  	s7 =	sadd.s32 $0x2, s12  }
0x191: {  	s10 =	sadd.s32 $0x4, s12;
	v16 =	vmov s2;
	v4 =	vadd.f32 v7, v4;
	s2 =	smov.u32 s12;
	s11 =	sadd.s32 $0x8, s12  }
0x192: {  	p1 =	sne.s32 s12, $0x4A8;
	v17 =	vmov s7;
	v18 =	vmov s10;
	s7 =	sadd.s32 $0x6, s2;
	v19 =	vshll.u32 v16, $0x3;
	v7 =	vld.idx.msk [tilespmem:v12+s16+$0x0], $0xffff  }
.Ltmp9:
0x193: {  	v5 =	vadd.f32 v6, v5;
	v12 =	vmov s7;
	v20 =	vor.u32 v1, v19;
	(pc) =	sbr.rel @p1 .LBB2_17-.Ltmp9, $4  }
0x194: {  	v17 =	vshll.u32 v17, $0x3;
	v21 =	vshll.u32 v12, $0x3;
	v12 =	vor.u32 v2, v20;
	v6 =	vld.idx.msk [tilespmem:v14+s16+$0x0], $0xffff;
	v16 =	vmovc v8  }
0x195: {  	v17 =	vor.u32 v1, v17;
	v14 =	vshll.u32 v18, $0x3;
	v18 =	vor.u32 v1, v21;
	v8 =	vld.idx.msk [tilespmem:v15+s16+$0x0], $0xffff;
	v19 =	vmovc v13  }
0x196: {  	v15 =	vor.u32 v1, v14;
	v14 =	vor.u32 v2, v18;
	v13 =	vld.idx.msk [tilespmem:v9+s16+$0x0], $0xffff;
	v9 =	vor.u32 v2, v17  }
0x197: {  	s12 =	smov.u32 s11;
	v11 =	vadd.f32 v16, v11;
	v15 =	vor.u32 v2, v15;
	v10 =	vadd.f32 v19, v10  }
0x198: {  	v16 =	vmov s2  }
0x199: {  	v16 =	vshll.u32 v16, $0x3  }
0x19a: {  	v16 =	vor.u32 v1, v16  }
0x19b: {  	v16 =	vor.u32 v2, v16  }
0x19c: {  	v12 =	vld.idx.msk [tilespmem:v12+s16+$0x0], $0xffff  }
0x19d: {  	v14 =	vld.idx.msk [tilespmem:v14+s16+$0x0], $0xffff  }
0x19e: {  	v15 =	vld.idx.msk [tilespmem:v15+s16+$0x0], $0xffff  }
0x19f: {  	v9 =	vld.idx.msk [tilespmem:v9+s16+$0x0], $0xffff  }
0x1a0: {  	v16 =	vld.idx.msk [tilespmem:v16+s16+$0x0], $0xffff  }
0x1a1: {  	v4 =	vadd.f32 v7, v4  }
0x1a2: {  	v5 =	vadd.f32 v6, v5;
	v6 =	vadd.f32 v13, v10  }
0x1a3: {  	v7 =	vadd.f32 v8, v11;
	v4 =	vadd.f32 v12, v4  }
0x1a4: {  	v5 =	vadd.f32 v14, v5;
	v6 =	vadd.f32 v9, v6  }
0x1a5: {  	v7 =	vadd.f32 v15, v7;
	v4 =	vadd.f32 v16, v4;
	_ =	sdelay $0x1  }
0x1a6: {  	v5 =	vadd.f32 v5, v7;
	v4 =	vadd.f32 v6, v4;
	_ =	sdelay $0x1  }
0x1a7: {  	v4 =	vadd.f32 v5, v4;
	_ =	sdelay $0x1  }
0x1a8: {  	[tilespmem:$0x10110] =	vst v4  }
0x1a9: {  	v5 =	vld [tilespmem:$0x10118]  }
0x1aa: {  	s11 =	simm.s32 $0x4B6;
	s7 =	simm.s32 $0x4B4  }
0x1ab: {  	v7 =	vmov s7;
	s7 =	simm.s32 $0x4B0;
	v6 =	vmov s11  }
0x1ac: {  	v7 =	vshll.u32 v7, $0x3;
	v9 =	vmov s7;
	v6 =	vshll.u32 v6, $0x3  }
0x1ad: {  	s12 =	simm.s32 $0x4B2;
	v7 =	vor.u32 v1, v7;
	v9 =	vshll.u32 v9, $0x3;
	v6 =	vor.u32 v1, v6  }
0x1ae: {  	v6 =	vor.u32 v2, v6;
	v4 =	vadd.f32 v5, v4;
	v5 =	vmov s12  }
0x1af: {  	v7 =	vor.u32 v2, v7;
	v9 =	vor.u32 v1, v9;
	v5 =	vshll.u32 v5, $0x3  }
0x1b0: {  	v9 =	vor.u32 v2, v9;
	s11 =	simm.s32 $0x4BA;
	s12 =	simm.s32 $0x4BE;
	v8 =	vadd.f32 v4, v3;
	v5 =	vor.u32 v1, v5  }
0x1b1: {  	v10 =	vmov s11;
	s11 =	simm.s32 $0x4C4;
	v11 =	vmov s12;
	v5 =	vor.u32 v2, v5  }
0x1b2: {  	s10 =	simm.s32 $0x4BC;
	v10 =	vshll.u32 v10, $0x3;
	v13 =	vmov s11;
	v11 =	vshll.u32 v11, $0x3;
	[tilespmem:s1+$0xE150] =	vst v8  }
0x1b3: {  	v10 =	vor.u32 v1, v10;
	v11 =	vor.u32 v1, v11;
	v8 =	vmov s10;
	v6 =	vld.idx.msk [tilespmem:v6+s16+$0x0], $0xffff  }
0x1b4: {  	v10 =	vor.u32 v2, v10;
	s12 =	simm.s32 $0x4C6;
	v11 =	vor.u32 v2, v11;
	v8 =	vshll.u32 v8, $0x3  }
0x1b5: {  	s7 =	simm.s32 $0x4B8;
	v4 =	vimm.f32 $0.0e+00;
	v14 =	vmov s12;
	s10 =	simm.s32 $0x4C2;
	v16 =	vld.idx.msk [tilespmem:v7+s16+$0x0], $0xffff;
	v8 =	vor.u32 v1, v8  }
0x1b6: {  	v7 =	vmov s7;
	v12 =	vmov s10;
	v8 =	vor.u32 v2, v8;
	v17 =	vld.idx.msk [tilespmem:v5+s16+$0x0], $0xffff  }
0x1b7: {  	v14 =	vshll.u32 v14, $0x3;
	v5 =	vshll.u32 v7, $0x3;
	v7 =	vld.idx.msk [tilespmem:v9+s16+$0x0], $0xffff;
	v9 =	vshll.u32 v12, $0x3  }
0x1b8: {  	v15 =	vor.u32 v1, v5;
	v9 =	vor.u32 v1, v9;
	v5 =	vadd.f32 v6, v4  }
0x1b9: {  	v12 =	vor.u32 v2, v15;
	v6 =	vld.idx.msk [tilespmem:v11+s16+$0x0], $0xffff;
	v11 =	vshll.u32 v13, $0x3;
	v13 =	vor.u32 v1, v14  }
0x1ba: {  	v9 =	vor.u32 v2, v9;
	v11 =	vor.u32 v1, v11;
	v14 =	vor.u32 v2, v13;
	v13 =	vld.idx.msk [tilespmem:v10+s16+$0x0], $0xffff  }
0x1bb: {  	s2 =	simm.s32 $0x4C0;
	s12 =	simm.s32 $0x4C8;
	v8 =	vld.idx.msk [tilespmem:v8+s16+$0x0], $0xffff;
	v15 =	vor.u32 v2, v11;
	v11 =	vadd.f32 v16, v4;
	v10 =	vadd.f32 v17, v4  }
.LBB2_19:
0x1bc: {  	s7 =	sadd.s32 $0x2, s12  }
0x1bd: {  	s10 =	sadd.s32 $0x4, s12;
	v16 =	vmov s2;
	v4 =	vadd.f32 v7, v4;
	s2 =	smov.u32 s12;
	s11 =	sadd.s32 $0x8, s12  }
0x1be: {  	p1 =	sne.s32 s12, $0x570;
	v17 =	vmov s7;
	v18 =	vmov s10;
	s7 =	sadd.s32 $0x6, s2;
	v19 =	vshll.u32 v16, $0x3;
	v7 =	vld.idx.msk [tilespmem:v12+s16+$0x0], $0xffff  }
.Ltmp10:
0x1bf: {  	v5 =	vadd.f32 v6, v5;
	v12 =	vmov s7;
	v20 =	vor.u32 v1, v19;
	(pc) =	sbr.rel @p1 .LBB2_19-.Ltmp10, $4  }
0x1c0: {  	v17 =	vshll.u32 v17, $0x3;
	v21 =	vshll.u32 v12, $0x3;
	v12 =	vor.u32 v2, v20;
	v6 =	vld.idx.msk [tilespmem:v14+s16+$0x0], $0xffff;
	v16 =	vmovc v8  }
0x1c1: {  	v17 =	vor.u32 v1, v17;
	v14 =	vshll.u32 v18, $0x3;
	v18 =	vor.u32 v1, v21;
	v8 =	vld.idx.msk [tilespmem:v15+s16+$0x0], $0xffff;
	v19 =	vmovc v13  }
0x1c2: {  	v15 =	vor.u32 v1, v14;
	v14 =	vor.u32 v2, v18;
	v13 =	vld.idx.msk [tilespmem:v9+s16+$0x0], $0xffff;
	v9 =	vor.u32 v2, v17  }
0x1c3: {  	s12 =	smov.u32 s11;
	v11 =	vadd.f32 v16, v11;
	v15 =	vor.u32 v2, v15;
	v10 =	vadd.f32 v19, v10  }
0x1c4: {  	v16 =	vmov s2  }
0x1c5: {  	v16 =	vshll.u32 v16, $0x3  }
0x1c6: {  	v16 =	vor.u32 v1, v16  }
0x1c7: {  	v16 =	vor.u32 v2, v16  }
0x1c8: {  	v12 =	vld.idx.msk [tilespmem:v12+s16+$0x0], $0xffff  }
0x1c9: {  	v14 =	vld.idx.msk [tilespmem:v14+s16+$0x0], $0xffff  }
0x1ca: {  	v15 =	vld.idx.msk [tilespmem:v15+s16+$0x0], $0xffff  }
0x1cb: {  	v9 =	vld.idx.msk [tilespmem:v9+s16+$0x0], $0xffff  }
0x1cc: {  	v16 =	vld.idx.msk [tilespmem:v16+s16+$0x0], $0xffff  }
0x1cd: {  	v4 =	vadd.f32 v7, v4  }
0x1ce: {  	v5 =	vadd.f32 v6, v5;
	v6 =	vadd.f32 v13, v10  }
0x1cf: {  	v7 =	vadd.f32 v8, v11;
	v4 =	vadd.f32 v12, v4  }
0x1d0: {  	v5 =	vadd.f32 v14, v5;
	v6 =	vadd.f32 v9, v6  }
0x1d1: {  	v7 =	vadd.f32 v15, v7;
	v4 =	vadd.f32 v16, v4;
	_ =	sdelay $0x1  }
0x1d2: {  	v5 =	vadd.f32 v5, v7;
	v4 =	vadd.f32 v6, v4;
	_ =	sdelay $0x1  }
0x1d3: {  	v4 =	vadd.f32 v5, v4;
	_ =	sdelay $0x1  }
0x1d4: {  	[tilespmem:$0x10110] =	vst v4  }
0x1d5: {  	v5 =	vld [tilespmem:$0x10118]  }
0x1d6: {  	s11 =	simm.s32 $0x57E;
	s7 =	simm.s32 $0x57C  }
0x1d7: {  	v7 =	vmov s7;
	s7 =	simm.s32 $0x578;
	v6 =	vmov s11  }
0x1d8: {  	v7 =	vshll.u32 v7, $0x3;
	v9 =	vmov s7;
	v6 =	vshll.u32 v6, $0x3  }
0x1d9: {  	s12 =	simm.s32 $0x57A;
	v7 =	vor.u32 v1, v7;
	v9 =	vshll.u32 v9, $0x3;
	v6 =	vor.u32 v1, v6  }
0x1da: {  	v6 =	vor.u32 v2, v6;
	v4 =	vadd.f32 v5, v4;
	v5 =	vmov s12  }
0x1db: {  	v7 =	vor.u32 v2, v7;
	v9 =	vor.u32 v1, v9;
	v5 =	vshll.u32 v5, $0x3  }
0x1dc: {  	v9 =	vor.u32 v2, v9;
	s11 =	simm.s32 $0x582;
	s12 =	simm.s32 $0x586;
	v8 =	vadd.f32 v4, v3;
	v5 =	vor.u32 v1, v5  }
0x1dd: {  	v10 =	vmov s11;
	s11 =	simm.s32 $0x58C;
	v11 =	vmov s12;
	v5 =	vor.u32 v2, v5  }
0x1de: {  	s10 =	simm.s32 $0x584;
	v10 =	vshll.u32 v10, $0x3;
	v13 =	vmov s11;
	v11 =	vshll.u32 v11, $0x3;
	[tilespmem:s1+$0xE160] =	vst v8  }
0x1df: {  	v10 =	vor.u32 v1, v10;
	v11 =	vor.u32 v1, v11;
	v8 =	vmov s10;
	v6 =	vld.idx.msk [tilespmem:v6+s16+$0x0], $0xffff  }
0x1e0: {  	v10 =	vor.u32 v2, v10;
	s12 =	simm.s32 $0x58E;
	v11 =	vor.u32 v2, v11;
	v8 =	vshll.u32 v8, $0x3  }
0x1e1: {  	s7 =	simm.s32 $0x580;
	v4 =	vimm.f32 $0.0e+00;
	v14 =	vmov s12;
	s10 =	simm.s32 $0x58A;
	v16 =	vld.idx.msk [tilespmem:v7+s16+$0x0], $0xffff;
	v8 =	vor.u32 v1, v8  }
0x1e2: {  	v7 =	vmov s7;
	v12 =	vmov s10;
	v8 =	vor.u32 v2, v8;
	v17 =	vld.idx.msk [tilespmem:v5+s16+$0x0], $0xffff  }
0x1e3: {  	v14 =	vshll.u32 v14, $0x3;
	v5 =	vshll.u32 v7, $0x3;
	v7 =	vld.idx.msk [tilespmem:v9+s16+$0x0], $0xffff;
	v9 =	vshll.u32 v12, $0x3  }
0x1e4: {  	v15 =	vor.u32 v1, v5;
	v9 =	vor.u32 v1, v9;
	v5 =	vadd.f32 v6, v4  }
0x1e5: {  	v12 =	vor.u32 v2, v15;
	v6 =	vld.idx.msk [tilespmem:v11+s16+$0x0], $0xffff;
	v11 =	vshll.u32 v13, $0x3;
	v13 =	vor.u32 v1, v14  }
0x1e6: {  	v9 =	vor.u32 v2, v9;
	v11 =	vor.u32 v1, v11;
	v14 =	vor.u32 v2, v13;
	v13 =	vld.idx.msk [tilespmem:v10+s16+$0x0], $0xffff  }
0x1e7: {  	s2 =	simm.s32 $0x588;
	s12 =	simm.s32 $0x590;
	v8 =	vld.idx.msk [tilespmem:v8+s16+$0x0], $0xffff;
	v15 =	vor.u32 v2, v11;
	v11 =	vadd.f32 v16, v4;
	v10 =	vadd.f32 v17, v4  }
.LBB2_21:
0x1e8: {  	s7 =	sadd.s32 $0x2, s12  }
0x1e9: {  	s10 =	sadd.s32 $0x4, s12;
	v16 =	vmov s2;
	v4 =	vadd.f32 v7, v4;
	s2 =	smov.u32 s12;
	s11 =	sadd.s32 $0x8, s12  }
0x1ea: {  	p1 =	sne.s32 s12, $0x638;
	v17 =	vmov s7;
	v18 =	vmov s10;
	s7 =	sadd.s32 $0x6, s2;
	v19 =	vshll.u32 v16, $0x3;
	v7 =	vld.idx.msk [tilespmem:v12+s16+$0x0], $0xffff  }
.Ltmp11:
0x1eb: {  	v5 =	vadd.f32 v6, v5;
	v12 =	vmov s7;
	v20 =	vor.u32 v1, v19;
	(pc) =	sbr.rel @p1 .LBB2_21-.Ltmp11, $4  }
0x1ec: {  	v17 =	vshll.u32 v17, $0x3;
	v21 =	vshll.u32 v12, $0x3;
	v12 =	vor.u32 v2, v20;
	v6 =	vld.idx.msk [tilespmem:v14+s16+$0x0], $0xffff;
	v16 =	vmovc v8  }
0x1ed: {  	v17 =	vor.u32 v1, v17;
	v14 =	vshll.u32 v18, $0x3;
	v18 =	vor.u32 v1, v21;
	v8 =	vld.idx.msk [tilespmem:v15+s16+$0x0], $0xffff;
	v19 =	vmovc v13  }
0x1ee: {  	v15 =	vor.u32 v1, v14;
	v14 =	vor.u32 v2, v18;
	v13 =	vld.idx.msk [tilespmem:v9+s16+$0x0], $0xffff;
	v9 =	vor.u32 v2, v17  }
0x1ef: {  	s12 =	smov.u32 s11;
	v11 =	vadd.f32 v16, v11;
	v15 =	vor.u32 v2, v15;
	v10 =	vadd.f32 v19, v10  }
0x1f0: {  	v16 =	vmov s2  }
0x1f1: {  	v16 =	vshll.u32 v16, $0x3  }
0x1f2: {  	v16 =	vor.u32 v1, v16  }
0x1f3: {  	v16 =	vor.u32 v2, v16  }
0x1f4: {  	v12 =	vld.idx.msk [tilespmem:v12+s16+$0x0], $0xffff  }
0x1f5: {  	v14 =	vld.idx.msk [tilespmem:v14+s16+$0x0], $0xffff  }
0x1f6: {  	v15 =	vld.idx.msk [tilespmem:v15+s16+$0x0], $0xffff  }
0x1f7: {  	v9 =	vld.idx.msk [tilespmem:v9+s16+$0x0], $0xffff  }
0x1f8: {  	v16 =	vld.idx.msk [tilespmem:v16+s16+$0x0], $0xffff  }
0x1f9: {  	v4 =	vadd.f32 v7, v4  }
0x1fa: {  	v5 =	vadd.f32 v6, v5;
	v6 =	vadd.f32 v13, v10  }
0x1fb: {  	v7 =	vadd.f32 v8, v11;
	v4 =	vadd.f32 v12, v4  }
0x1fc: {  	v5 =	vadd.f32 v14, v5;
	v6 =	vadd.f32 v9, v6  }
0x1fd: {  	v7 =	vadd.f32 v15, v7;
	v4 =	vadd.f32 v16, v4;
	_ =	sdelay $0x1  }
0x1fe: {  	v5 =	vadd.f32 v5, v7;
	v4 =	vadd.f32 v6, v4;
	_ =	sdelay $0x1  }
0x1ff: {  	v4 =	vadd.f32 v5, v4;
	_ =	sdelay $0x1  }
0x200: {  	[tilespmem:$0x10110] =	vst v4  }
0x201: {  	v5 =	vld [tilespmem:$0x10118]  }
0x202: {  	s11 =	simm.s32 $0x646;
	s7 =	simm.s32 $0x644  }
0x203: {  	v7 =	vmov s7;
	s7 =	simm.s32 $0x640;
	v6 =	vmov s11  }
0x204: {  	v7 =	vshll.u32 v7, $0x3;
	v9 =	vmov s7;
	v6 =	vshll.u32 v6, $0x3  }
0x205: {  	s12 =	simm.s32 $0x642;
	v7 =	vor.u32 v1, v7;
	v9 =	vshll.u32 v9, $0x3;
	v6 =	vor.u32 v1, v6  }
0x206: {  	v6 =	vor.u32 v2, v6;
	v4 =	vadd.f32 v5, v4;
	v5 =	vmov s12  }
0x207: {  	v7 =	vor.u32 v2, v7;
	v9 =	vor.u32 v1, v9;
	v5 =	vshll.u32 v5, $0x3  }
0x208: {  	v9 =	vor.u32 v2, v9;
	s11 =	simm.s32 $0x64A;
	s12 =	simm.s32 $0x64E;
	v8 =	vadd.f32 v4, v3;
	v5 =	vor.u32 v1, v5  }
0x209: {  	v10 =	vmov s11;
	s11 =	simm.s32 $0x654;
	v11 =	vmov s12;
	v5 =	vor.u32 v2, v5  }
0x20a: {  	s10 =	simm.s32 $0x64C;
	v10 =	vshll.u32 v10, $0x3;
	v13 =	vmov s11;
	v11 =	vshll.u32 v11, $0x3;
	[tilespmem:s1+$0xE170] =	vst v8  }
0x20b: {  	v10 =	vor.u32 v1, v10;
	v11 =	vor.u32 v1, v11;
	v8 =	vmov s10;
	v6 =	vld.idx.msk [tilespmem:v6+s16+$0x0], $0xffff  }
0x20c: {  	v10 =	vor.u32 v2, v10;
	s12 =	simm.s32 $0x656;
	v11 =	vor.u32 v2, v11;
	v8 =	vshll.u32 v8, $0x3  }
0x20d: {  	s7 =	simm.s32 $0x648;
	v4 =	vimm.f32 $0.0e+00;
	v14 =	vmov s12;
	s10 =	simm.s32 $0x652;
	v16 =	vld.idx.msk [tilespmem:v7+s16+$0x0], $0xffff;
	v8 =	vor.u32 v1, v8  }
0x20e: {  	v7 =	vmov s7;
	v12 =	vmov s10;
	v8 =	vor.u32 v2, v8;
	v17 =	vld.idx.msk [tilespmem:v5+s16+$0x0], $0xffff  }
0x20f: {  	v14 =	vshll.u32 v14, $0x3;
	v5 =	vshll.u32 v7, $0x3;
	v7 =	vld.idx.msk [tilespmem:v9+s16+$0x0], $0xffff;
	v9 =	vshll.u32 v12, $0x3  }
0x210: {  	v15 =	vor.u32 v1, v5;
	v9 =	vor.u32 v1, v9;
	v5 =	vadd.f32 v6, v4  }
0x211: {  	v12 =	vor.u32 v2, v15;
	v6 =	vld.idx.msk [tilespmem:v11+s16+$0x0], $0xffff;
	v11 =	vshll.u32 v13, $0x3;
	v13 =	vor.u32 v1, v14  }
0x212: {  	v9 =	vor.u32 v2, v9;
	v11 =	vor.u32 v1, v11;
	v14 =	vor.u32 v2, v13;
	v13 =	vld.idx.msk [tilespmem:v10+s16+$0x0], $0xffff  }
0x213: {  	s2 =	simm.s32 $0x650;
	s12 =	simm.s32 $0x658;
	v8 =	vld.idx.msk [tilespmem:v8+s16+$0x0], $0xffff;
	v15 =	vor.u32 v2, v11;
	v11 =	vadd.f32 v16, v4;
	v10 =	vadd.f32 v17, v4  }
.LBB2_23:
0x214: {  	s7 =	sadd.s32 $0x2, s12  }
0x215: {  	s10 =	sadd.s32 $0x4, s12;
	v16 =	vmov s2;
	v4 =	vadd.f32 v7, v4;
	s2 =	smov.u32 s12;
	s11 =	sadd.s32 $0x8, s12  }
0x216: {  	p1 =	sne.s32 s12, $0x700;
	v17 =	vmov s7;
	v18 =	vmov s10;
	s7 =	sadd.s32 $0x6, s2;
	v19 =	vshll.u32 v16, $0x3;
	v7 =	vld.idx.msk [tilespmem:v12+s16+$0x0], $0xffff  }
.Ltmp12:
0x217: {  	v5 =	vadd.f32 v6, v5;
	v12 =	vmov s7;
	v20 =	vor.u32 v1, v19;
	(pc) =	sbr.rel @p1 .LBB2_23-.Ltmp12, $4  }
0x218: {  	v17 =	vshll.u32 v17, $0x3;
	v21 =	vshll.u32 v12, $0x3;
	v12 =	vor.u32 v2, v20;
	v6 =	vld.idx.msk [tilespmem:v14+s16+$0x0], $0xffff;
	v16 =	vmovc v8  }
0x219: {  	v17 =	vor.u32 v1, v17;
	v14 =	vshll.u32 v18, $0x3;
	v18 =	vor.u32 v1, v21;
	v8 =	vld.idx.msk [tilespmem:v15+s16+$0x0], $0xffff;
	v19 =	vmovc v13  }
0x21a: {  	v15 =	vor.u32 v1, v14;
	v14 =	vor.u32 v2, v18;
	v13 =	vld.idx.msk [tilespmem:v9+s16+$0x0], $0xffff;
	v9 =	vor.u32 v2, v17  }
0x21b: {  	s12 =	smov.u32 s11;
	v11 =	vadd.f32 v16, v11;
	v15 =	vor.u32 v2, v15;
	v10 =	vadd.f32 v19, v10  }
0x21c: {  	v16 =	vmov s2  }
0x21d: {  	v16 =	vshll.u32 v16, $0x3  }
0x21e: {  	v16 =	vor.u32 v1, v16  }
0x21f: {  	v16 =	vor.u32 v2, v16  }
0x220: {  	v12 =	vld.idx.msk [tilespmem:v12+s16+$0x0], $0xffff  }
0x221: {  	v14 =	vld.idx.msk [tilespmem:v14+s16+$0x0], $0xffff  }
0x222: {  	v15 =	vld.idx.msk [tilespmem:v15+s16+$0x0], $0xffff  }
0x223: {  	v9 =	vld.idx.msk [tilespmem:v9+s16+$0x0], $0xffff  }
0x224: {  	v16 =	vld.idx.msk [tilespmem:v16+s16+$0x0], $0xffff  }
0x225: {  	v4 =	vadd.f32 v7, v4  }
0x226: {  	v5 =	vadd.f32 v6, v5;
	v6 =	vadd.f32 v13, v10  }
0x227: {  	v7 =	vadd.f32 v8, v11;
	v4 =	vadd.f32 v12, v4  }
0x228: {  	v5 =	vadd.f32 v14, v5;
	v6 =	vadd.f32 v9, v6  }
0x229: {  	v7 =	vadd.f32 v15, v7;
	v4 =	vadd.f32 v16, v4;
	_ =	sdelay $0x1  }
0x22a: {  	v5 =	vadd.f32 v5, v7;
	v4 =	vadd.f32 v6, v4;
	_ =	sdelay $0x1  }
0x22b: {  	v4 =	vadd.f32 v5, v4;
	_ =	sdelay $0x1  }
0x22c: {  	[tilespmem:$0x10110] =	vst v4  }
0x22d: {  	v5 =	vld [tilespmem:$0x10118]  }
0x22e: {  	s11 =	simm.s32 $0x70E;
	s7 =	simm.s32 $0x70C  }
0x22f: {  	v7 =	vmov s7;
	s7 =	simm.s32 $0x708;
	v6 =	vmov s11  }
0x230: {  	v7 =	vshll.u32 v7, $0x3;
	v9 =	vmov s7;
	v6 =	vshll.u32 v6, $0x3  }
0x231: {  	s12 =	simm.s32 $0x70A;
	v7 =	vor.u32 v1, v7;
	v9 =	vshll.u32 v9, $0x3;
	v6 =	vor.u32 v1, v6  }
0x232: {  	v6 =	vor.u32 v2, v6;
	v4 =	vadd.f32 v5, v4;
	v5 =	vmov s12  }
0x233: {  	v7 =	vor.u32 v2, v7;
	v9 =	vor.u32 v1, v9;
	v5 =	vshll.u32 v5, $0x3  }
0x234: {  	v9 =	vor.u32 v2, v9;
	s11 =	simm.s32 $0x712;
	s12 =	simm.s32 $0x716;
	v8 =	vadd.f32 v4, v3;
	v5 =	vor.u32 v1, v5  }
0x235: {  	v10 =	vmov s11;
	s11 =	simm.s32 $0x71C;
	v11 =	vmov s12;
	v5 =	vor.u32 v2, v5  }
0x236: {  	s10 =	simm.s32 $0x714;
	v10 =	vshll.u32 v10, $0x3;
	v13 =	vmov s11;
	v11 =	vshll.u32 v11, $0x3;
	[tilespmem:s1+$0xE180] =	vst v8  }
0x237: {  	v10 =	vor.u32 v1, v10;
	v11 =	vor.u32 v1, v11;
	v8 =	vmov s10;
	v6 =	vld.idx.msk [tilespmem:v6+s16+$0x0], $0xffff  }
0x238: {  	v10 =	vor.u32 v2, v10;
	s12 =	simm.s32 $0x71E;
	v11 =	vor.u32 v2, v11;
	v8 =	vshll.u32 v8, $0x3  }
0x239: {  	s7 =	simm.s32 $0x710;
	v4 =	vimm.f32 $0.0e+00;
	v14 =	vmov s12;
	s10 =	simm.s32 $0x71A;
	v16 =	vld.idx.msk [tilespmem:v7+s16+$0x0], $0xffff;
	v8 =	vor.u32 v1, v8  }
0x23a: {  	v7 =	vmov s7;
	v12 =	vmov s10;
	v8 =	vor.u32 v2, v8;
	v17 =	vld.idx.msk [tilespmem:v5+s16+$0x0], $0xffff  }
0x23b: {  	v14 =	vshll.u32 v14, $0x3;
	v5 =	vshll.u32 v7, $0x3;
	v7 =	vld.idx.msk [tilespmem:v9+s16+$0x0], $0xffff;
	v9 =	vshll.u32 v12, $0x3  }
0x23c: {  	v15 =	vor.u32 v1, v5;
	v9 =	vor.u32 v1, v9;
	v5 =	vadd.f32 v6, v4  }
0x23d: {  	v12 =	vor.u32 v2, v15;
	v6 =	vld.idx.msk [tilespmem:v11+s16+$0x0], $0xffff;
	v11 =	vshll.u32 v13, $0x3;
	v13 =	vor.u32 v1, v14  }
0x23e: {  	v9 =	vor.u32 v2, v9;
	v11 =	vor.u32 v1, v11;
	v14 =	vor.u32 v2, v13;
	v13 =	vld.idx.msk [tilespmem:v10+s16+$0x0], $0xffff  }
0x23f: {  	s2 =	simm.s32 $0x718;
	s12 =	simm.s32 $0x720;
	v8 =	vld.idx.msk [tilespmem:v8+s16+$0x0], $0xffff;
	v15 =	vor.u32 v2, v11;
	v11 =	vadd.f32 v16, v4;
	v10 =	vadd.f32 v17, v4  }
.LBB2_25:
0x240: {  	s7 =	sadd.s32 $0x2, s12  }
0x241: {  	s10 =	sadd.s32 $0x4, s12;
	v16 =	vmov s2;
	v4 =	vadd.f32 v7, v4;
	s2 =	smov.u32 s12;
	s11 =	sadd.s32 $0x8, s12  }
0x242: {  	p1 =	sne.s32 s12, $0x7C8;
	v17 =	vmov s7;
	v18 =	vmov s10;
	s7 =	sadd.s32 $0x6, s2;
	v19 =	vshll.u32 v16, $0x3;
	v7 =	vld.idx.msk [tilespmem:v12+s16+$0x0], $0xffff  }
.Ltmp13:
0x243: {  	v5 =	vadd.f32 v6, v5;
	v12 =	vmov s7;
	v20 =	vor.u32 v1, v19;
	(pc) =	sbr.rel @p1 .LBB2_25-.Ltmp13, $4  }
0x244: {  	v17 =	vshll.u32 v17, $0x3;
	v21 =	vshll.u32 v12, $0x3;
	v12 =	vor.u32 v2, v20;
	v6 =	vld.idx.msk [tilespmem:v14+s16+$0x0], $0xffff;
	v16 =	vmovc v8  }
0x245: {  	v17 =	vor.u32 v1, v17;
	v14 =	vshll.u32 v18, $0x3;
	v18 =	vor.u32 v1, v21;
	v8 =	vld.idx.msk [tilespmem:v15+s16+$0x0], $0xffff;
	v19 =	vmovc v13  }
0x246: {  	v15 =	vor.u32 v1, v14;
	v14 =	vor.u32 v2, v18;
	v13 =	vld.idx.msk [tilespmem:v9+s16+$0x0], $0xffff;
	v9 =	vor.u32 v2, v17  }
0x247: {  	s12 =	smov.u32 s11;
	v11 =	vadd.f32 v16, v11;
	v15 =	vor.u32 v2, v15;
	v10 =	vadd.f32 v19, v10  }
0x248: {  	v16 =	vmov s2  }
0x249: {  	v16 =	vshll.u32 v16, $0x3  }
0x24a: {  	v16 =	vor.u32 v1, v16  }
0x24b: {  	v16 =	vor.u32 v2, v16  }
0x24c: {  	v12 =	vld.idx.msk [tilespmem:v12+s16+$0x0], $0xffff  }
0x24d: {  	v14 =	vld.idx.msk [tilespmem:v14+s16+$0x0], $0xffff  }
0x24e: {  	v15 =	vld.idx.msk [tilespmem:v15+s16+$0x0], $0xffff  }
0x24f: {  	v9 =	vld.idx.msk [tilespmem:v9+s16+$0x0], $0xffff  }
0x250: {  	v16 =	vld.idx.msk [tilespmem:v16+s16+$0x0], $0xffff  }
0x251: {  	v4 =	vadd.f32 v7, v4  }
0x252: {  	v5 =	vadd.f32 v6, v5;
	v6 =	vadd.f32 v13, v10  }
0x253: {  	v7 =	vadd.f32 v8, v11;
	v4 =	vadd.f32 v12, v4  }
0x254: {  	v5 =	vadd.f32 v14, v5;
	v6 =	vadd.f32 v9, v6  }
0x255: {  	v7 =	vadd.f32 v15, v7;
	v4 =	vadd.f32 v16, v4;
	_ =	sdelay $0x1  }
0x256: {  	v5 =	vadd.f32 v5, v7;
	v4 =	vadd.f32 v6, v4;
	_ =	sdelay $0x1  }
0x257: {  	v4 =	vadd.f32 v5, v4;
	_ =	sdelay $0x1  }
0x258: {  	[tilespmem:$0x10110] =	vst v4  }
0x259: {  	v5 =	vld [tilespmem:$0x10118]  }
0x25a: {  	s11 =	simm.s32 $0x7D6;
	s7 =	simm.s32 $0x7D4  }
0x25b: {  	v7 =	vmov s7;
	s7 =	simm.s32 $0x7D0;
	v6 =	vmov s11  }
0x25c: {  	v7 =	vshll.u32 v7, $0x3;
	v9 =	vmov s7;
	v6 =	vshll.u32 v6, $0x3  }
0x25d: {  	s12 =	simm.s32 $0x7D2;
	v7 =	vor.u32 v1, v7;
	v9 =	vshll.u32 v9, $0x3;
	v6 =	vor.u32 v1, v6  }
0x25e: {  	v6 =	vor.u32 v2, v6;
	v4 =	vadd.f32 v5, v4;
	v5 =	vmov s12  }
0x25f: {  	v7 =	vor.u32 v2, v7;
	v9 =	vor.u32 v1, v9;
	v5 =	vshll.u32 v5, $0x3  }
0x260: {  	v9 =	vor.u32 v2, v9;
	s11 =	simm.s32 $0x7DA;
	s12 =	simm.s32 $0x7DE;
	v8 =	vadd.f32 v4, v3;
	v5 =	vor.u32 v1, v5  }
0x261: {  	v10 =	vmov s11;
	s11 =	simm.s32 $0x7E4;
	v11 =	vmov s12;
	v5 =	vor.u32 v2, v5  }
0x262: {  	s10 =	simm.s32 $0x7DC;
	v10 =	vshll.u32 v10, $0x3;
	v13 =	vmov s11;
	v11 =	vshll.u32 v11, $0x3;
	[tilespmem:s1+$0xE190] =	vst v8  }
0x263: {  	v10 =	vor.u32 v1, v10;
	v11 =	vor.u32 v1, v11;
	v8 =	vmov s10;
	v6 =	vld.idx.msk [tilespmem:v6+s16+$0x0], $0xffff  }
0x264: {  	v10 =	vor.u32 v2, v10;
	s12 =	simm.s32 $0x7E6;
	v11 =	vor.u32 v2, v11;
	v8 =	vshll.u32 v8, $0x3  }
0x265: {  	s7 =	simm.s32 $0x7D8;
	v4 =	vimm.f32 $0.0e+00;
	v14 =	vmov s12;
	s10 =	simm.s32 $0x7E2;
	v16 =	vld.idx.msk [tilespmem:v7+s16+$0x0], $0xffff;
	v8 =	vor.u32 v1, v8  }
0x266: {  	v7 =	vmov s7;
	v12 =	vmov s10;
	v8 =	vor.u32 v2, v8;
	v17 =	vld.idx.msk [tilespmem:v5+s16+$0x0], $0xffff  }
0x267: {  	v14 =	vshll.u32 v14, $0x3;
	v5 =	vshll.u32 v7, $0x3;
	v7 =	vld.idx.msk [tilespmem:v9+s16+$0x0], $0xffff;
	v9 =	vshll.u32 v12, $0x3  }
0x268: {  	v15 =	vor.u32 v1, v5;
	v9 =	vor.u32 v1, v9;
	v5 =	vadd.f32 v6, v4  }
0x269: {  	v12 =	vor.u32 v2, v15;
	v6 =	vld.idx.msk [tilespmem:v11+s16+$0x0], $0xffff;
	v11 =	vshll.u32 v13, $0x3;
	v13 =	vor.u32 v1, v14  }
0x26a: {  	v9 =	vor.u32 v2, v9;
	v11 =	vor.u32 v1, v11;
	v14 =	vor.u32 v2, v13;
	v13 =	vld.idx.msk [tilespmem:v10+s16+$0x0], $0xffff  }
0x26b: {  	s2 =	simm.s32 $0x7E0;
	s12 =	simm.s32 $0x7E8;
	v8 =	vld.idx.msk [tilespmem:v8+s16+$0x0], $0xffff;
	v15 =	vor.u32 v2, v11;
	v11 =	vadd.f32 v16, v4;
	v10 =	vadd.f32 v17, v4  }
.LBB2_27:
0x26c: {  	s7 =	sadd.s32 $0x2, s12  }
0x26d: {  	s10 =	sadd.s32 $0x4, s12;
	v16 =	vmov s2;
	v4 =	vadd.f32 v7, v4;
	s2 =	smov.u32 s12;
	s11 =	sadd.s32 $0x8, s12  }
0x26e: {  	p1 =	sne.s32 s12, $0x890;
	v17 =	vmov s7;
	v18 =	vmov s10;
	s7 =	sadd.s32 $0x6, s2;
	v19 =	vshll.u32 v16, $0x3;
	v7 =	vld.idx.msk [tilespmem:v12+s16+$0x0], $0xffff  }
.Ltmp14:
0x26f: {  	v5 =	vadd.f32 v6, v5;
	v12 =	vmov s7;
	v20 =	vor.u32 v1, v19;
	(pc) =	sbr.rel @p1 .LBB2_27-.Ltmp14, $4  }
0x270: {  	v17 =	vshll.u32 v17, $0x3;
	v21 =	vshll.u32 v12, $0x3;
	v12 =	vor.u32 v2, v20;
	v6 =	vld.idx.msk [tilespmem:v14+s16+$0x0], $0xffff;
	v16 =	vmovc v8  }
0x271: {  	v17 =	vor.u32 v1, v17;
	v14 =	vshll.u32 v18, $0x3;
	v18 =	vor.u32 v1, v21;
	v8 =	vld.idx.msk [tilespmem:v15+s16+$0x0], $0xffff;
	v19 =	vmovc v13  }
0x272: {  	v15 =	vor.u32 v1, v14;
	v14 =	vor.u32 v2, v18;
	v13 =	vld.idx.msk [tilespmem:v9+s16+$0x0], $0xffff;
	v9 =	vor.u32 v2, v17  }
0x273: {  	s12 =	smov.u32 s11;
	v11 =	vadd.f32 v16, v11;
	v15 =	vor.u32 v2, v15;
	v10 =	vadd.f32 v19, v10  }
0x274: {  	v16 =	vmov s2  }
0x275: {  	v16 =	vshll.u32 v16, $0x3  }
0x276: {  	v16 =	vor.u32 v1, v16  }
0x277: {  	v16 =	vor.u32 v2, v16  }
0x278: {  	v12 =	vld.idx.msk [tilespmem:v12+s16+$0x0], $0xffff  }
0x279: {  	v14 =	vld.idx.msk [tilespmem:v14+s16+$0x0], $0xffff  }
0x27a: {  	v15 =	vld.idx.msk [tilespmem:v15+s16+$0x0], $0xffff  }
0x27b: {  	v9 =	vld.idx.msk [tilespmem:v9+s16+$0x0], $0xffff  }
0x27c: {  	v16 =	vld.idx.msk [tilespmem:v16+s16+$0x0], $0xffff  }
0x27d: {  	v4 =	vadd.f32 v7, v4  }
0x27e: {  	v5 =	vadd.f32 v6, v5;
	v6 =	vadd.f32 v13, v10  }
0x27f: {  	v7 =	vadd.f32 v8, v11;
	v4 =	vadd.f32 v12, v4  }
0x280: {  	v5 =	vadd.f32 v14, v5;
	v6 =	vadd.f32 v9, v6  }
0x281: {  	v7 =	vadd.f32 v15, v7;
	v4 =	vadd.f32 v16, v4;
	_ =	sdelay $0x1  }
0x282: {  	v5 =	vadd.f32 v5, v7;
	v4 =	vadd.f32 v6, v4;
	_ =	sdelay $0x1  }
0x283: {  	v4 =	vadd.f32 v5, v4;
	_ =	sdelay $0x1  }
0x284: {  	[tilespmem:$0x10110] =	vst v4  }
0x285: {  	v5 =	vld [tilespmem:$0x10118]  }
0x286: {  	s11 =	simm.s32 $0x89E;
	s7 =	simm.s32 $0x89C  }
0x287: {  	v7 =	vmov s7;
	s7 =	simm.s32 $0x898;
	v6 =	vmov s11  }
0x288: {  	v7 =	vshll.u32 v7, $0x3;
	v9 =	vmov s7;
	v6 =	vshll.u32 v6, $0x3  }
0x289: {  	s12 =	simm.s32 $0x89A;
	v7 =	vor.u32 v1, v7;
	v9 =	vshll.u32 v9, $0x3;
	v6 =	vor.u32 v1, v6  }
0x28a: {  	v6 =	vor.u32 v2, v6;
	v4 =	vadd.f32 v5, v4;
	v5 =	vmov s12  }
0x28b: {  	v7 =	vor.u32 v2, v7;
	v9 =	vor.u32 v1, v9;
	v5 =	vshll.u32 v5, $0x3  }
0x28c: {  	v9 =	vor.u32 v2, v9;
	s11 =	simm.s32 $0x8A2;
	s12 =	simm.s32 $0x8A6;
	v8 =	vadd.f32 v4, v3;
	v5 =	vor.u32 v1, v5  }
0x28d: {  	v10 =	vmov s11;
	s11 =	simm.s32 $0x8AC;
	v11 =	vmov s12;
	v5 =	vor.u32 v2, v5  }
0x28e: {  	s10 =	simm.s32 $0x8A4;
	v10 =	vshll.u32 v10, $0x3;
	v13 =	vmov s11;
	v11 =	vshll.u32 v11, $0x3;
	[tilespmem:s1+$0xE1A0] =	vst v8  }
0x28f: {  	v10 =	vor.u32 v1, v10;
	v11 =	vor.u32 v1, v11;
	v8 =	vmov s10;
	v6 =	vld.idx.msk [tilespmem:v6+s16+$0x0], $0xffff  }
0x290: {  	v10 =	vor.u32 v2, v10;
	s12 =	simm.s32 $0x8AE;
	v11 =	vor.u32 v2, v11;
	v8 =	vshll.u32 v8, $0x3  }
0x291: {  	s7 =	simm.s32 $0x8A0;
	v4 =	vimm.f32 $0.0e+00;
	v14 =	vmov s12;
	s10 =	simm.s32 $0x8AA;
	v16 =	vld.idx.msk [tilespmem:v7+s16+$0x0], $0xffff;
	v8 =	vor.u32 v1, v8  }
0x292: {  	v7 =	vmov s7;
	v12 =	vmov s10;
	v8 =	vor.u32 v2, v8;
	v17 =	vld.idx.msk [tilespmem:v5+s16+$0x0], $0xffff  }
0x293: {  	v14 =	vshll.u32 v14, $0x3;
	v5 =	vshll.u32 v7, $0x3;
	v7 =	vld.idx.msk [tilespmem:v9+s16+$0x0], $0xffff;
	v9 =	vshll.u32 v12, $0x3  }
0x294: {  	v15 =	vor.u32 v1, v5;
	v9 =	vor.u32 v1, v9;
	v5 =	vadd.f32 v6, v4  }
0x295: {  	v12 =	vor.u32 v2, v15;
	v6 =	vld.idx.msk [tilespmem:v11+s16+$0x0], $0xffff;
	v11 =	vshll.u32 v13, $0x3;
	v13 =	vor.u32 v1, v14  }
0x296: {  	v9 =	vor.u32 v2, v9;
	v11 =	vor.u32 v1, v11;
	v14 =	vor.u32 v2, v13;
	v13 =	vld.idx.msk [tilespmem:v10+s16+$0x0], $0xffff  }
0x297: {  	s2 =	simm.s32 $0x8A8;
	s12 =	simm.s32 $0x8B0;
	v8 =	vld.idx.msk [tilespmem:v8+s16+$0x0], $0xffff;
	v15 =	vor.u32 v2, v11;
	v11 =	vadd.f32 v16, v4;
	v10 =	vadd.f32 v17, v4  }
.LBB2_29:
0x298: {  	s7 =	sadd.s32 $0x2, s12  }
0x299: {  	s10 =	sadd.s32 $0x4, s12;
	v16 =	vmov s2;
	v4 =	vadd.f32 v7, v4;
	s2 =	smov.u32 s12;
	s11 =	sadd.s32 $0x8, s12  }
0x29a: {  	p1 =	sne.s32 s12, $0x958;
	v17 =	vmov s7;
	v18 =	vmov s10;
	s7 =	sadd.s32 $0x6, s2;
	v19 =	vshll.u32 v16, $0x3;
	v7 =	vld.idx.msk [tilespmem:v12+s16+$0x0], $0xffff  }
.Ltmp15:
0x29b: {  	v5 =	vadd.f32 v6, v5;
	v12 =	vmov s7;
	v20 =	vor.u32 v1, v19;
	(pc) =	sbr.rel @p1 .LBB2_29-.Ltmp15, $4  }
0x29c: {  	v17 =	vshll.u32 v17, $0x3;
	v21 =	vshll.u32 v12, $0x3;
	v12 =	vor.u32 v2, v20;
	v6 =	vld.idx.msk [tilespmem:v14+s16+$0x0], $0xffff;
	v16 =	vmovc v8  }
0x29d: {  	v17 =	vor.u32 v1, v17;
	v14 =	vshll.u32 v18, $0x3;
	v18 =	vor.u32 v1, v21;
	v8 =	vld.idx.msk [tilespmem:v15+s16+$0x0], $0xffff;
	v19 =	vmovc v13  }
0x29e: {  	v15 =	vor.u32 v1, v14;
	v14 =	vor.u32 v2, v18;
	v13 =	vld.idx.msk [tilespmem:v9+s16+$0x0], $0xffff;
	v9 =	vor.u32 v2, v17  }
0x29f: {  	s12 =	smov.u32 s11;
	v11 =	vadd.f32 v16, v11;
	v15 =	vor.u32 v2, v15;
	v10 =	vadd.f32 v19, v10  }
0x2a0: {  	v16 =	vmov s2  }
0x2a1: {  	v16 =	vshll.u32 v16, $0x3  }
0x2a2: {  	v16 =	vor.u32 v1, v16  }
0x2a3: {  	v16 =	vor.u32 v2, v16  }
0x2a4: {  	v12 =	vld.idx.msk [tilespmem:v12+s16+$0x0], $0xffff  }
0x2a5: {  	v14 =	vld.idx.msk [tilespmem:v14+s16+$0x0], $0xffff  }
0x2a6: {  	v15 =	vld.idx.msk [tilespmem:v15+s16+$0x0], $0xffff  }
0x2a7: {  	v9 =	vld.idx.msk [tilespmem:v9+s16+$0x0], $0xffff  }
0x2a8: {  	v16 =	vld.idx.msk [tilespmem:v16+s16+$0x0], $0xffff  }
0x2a9: {  	v4 =	vadd.f32 v7, v4  }
0x2aa: {  	v5 =	vadd.f32 v6, v5;
	v6 =	vadd.f32 v13, v10  }
0x2ab: {  	v7 =	vadd.f32 v8, v11;
	v4 =	vadd.f32 v12, v4  }
0x2ac: {  	v5 =	vadd.f32 v14, v5;
	v6 =	vadd.f32 v9, v6  }
0x2ad: {  	v7 =	vadd.f32 v15, v7;
	v4 =	vadd.f32 v16, v4;
	_ =	sdelay $0x1  }
0x2ae: {  	v5 =	vadd.f32 v5, v7;
	v4 =	vadd.f32 v6, v4;
	_ =	sdelay $0x1  }
0x2af: {  	v4 =	vadd.f32 v5, v4;
	_ =	sdelay $0x1  }
0x2b0: {  	[tilespmem:$0x10110] =	vst v4  }
0x2b1: {  	v5 =	vld [tilespmem:$0x10118]  }
0x2b2: {  	s11 =	simm.s32 $0x966;
	s7 =	simm.s32 $0x964  }
0x2b3: {  	v7 =	vmov s7;
	s7 =	simm.s32 $0x960;
	v6 =	vmov s11  }
0x2b4: {  	v7 =	vshll.u32 v7, $0x3;
	v9 =	vmov s7;
	v6 =	vshll.u32 v6, $0x3  }
0x2b5: {  	s12 =	simm.s32 $0x962;
	v7 =	vor.u32 v1, v7;
	v9 =	vshll.u32 v9, $0x3;
	v6 =	vor.u32 v1, v6  }
0x2b6: {  	v6 =	vor.u32 v2, v6;
	v4 =	vadd.f32 v5, v4;
	v5 =	vmov s12  }
0x2b7: {  	v7 =	vor.u32 v2, v7;
	v9 =	vor.u32 v1, v9;
	v5 =	vshll.u32 v5, $0x3  }
0x2b8: {  	v9 =	vor.u32 v2, v9;
	s11 =	simm.s32 $0x96A;
	s12 =	simm.s32 $0x96E;
	v8 =	vadd.f32 v4, v3;
	v5 =	vor.u32 v1, v5  }
0x2b9: {  	v10 =	vmov s11;
	s11 =	simm.s32 $0x974;
	v11 =	vmov s12;
	v5 =	vor.u32 v2, v5  }
0x2ba: {  	s10 =	simm.s32 $0x96C;
	v10 =	vshll.u32 v10, $0x3;
	v13 =	vmov s11;
	v11 =	vshll.u32 v11, $0x3;
	[tilespmem:s1+$0xE1B0] =	vst v8  }
0x2bb: {  	v10 =	vor.u32 v1, v10;
	v11 =	vor.u32 v1, v11;
	v8 =	vmov s10;
	v6 =	vld.idx.msk [tilespmem:v6+s16+$0x0], $0xffff  }
0x2bc: {  	v10 =	vor.u32 v2, v10;
	s12 =	simm.s32 $0x976;
	v11 =	vor.u32 v2, v11;
	v8 =	vshll.u32 v8, $0x3  }
0x2bd: {  	s7 =	simm.s32 $0x968;
	v4 =	vimm.f32 $0.0e+00;
	v14 =	vmov s12;
	s10 =	simm.s32 $0x972;
	v16 =	vld.idx.msk [tilespmem:v7+s16+$0x0], $0xffff;
	v8 =	vor.u32 v1, v8  }
0x2be: {  	v7 =	vmov s7;
	v12 =	vmov s10;
	v8 =	vor.u32 v2, v8;
	v17 =	vld.idx.msk [tilespmem:v5+s16+$0x0], $0xffff  }
0x2bf: {  	v14 =	vshll.u32 v14, $0x3;
	v5 =	vshll.u32 v7, $0x3;
	v7 =	vld.idx.msk [tilespmem:v9+s16+$0x0], $0xffff;
	v9 =	vshll.u32 v12, $0x3  }
0x2c0: {  	v15 =	vor.u32 v1, v5;
	v9 =	vor.u32 v1, v9;
	v5 =	vadd.f32 v6, v4  }
0x2c1: {  	v12 =	vor.u32 v2, v15;
	v6 =	vld.idx.msk [tilespmem:v11+s16+$0x0], $0xffff;
	v11 =	vshll.u32 v13, $0x3;
	v13 =	vor.u32 v1, v14  }
0x2c2: {  	v9 =	vor.u32 v2, v9;
	v11 =	vor.u32 v1, v11;
	v14 =	vor.u32 v2, v13;
	v13 =	vld.idx.msk [tilespmem:v10+s16+$0x0], $0xffff  }
0x2c3: {  	s2 =	simm.s32 $0x970;
	s12 =	simm.s32 $0x978;
	v8 =	vld.idx.msk [tilespmem:v8+s16+$0x0], $0xffff;
	v15 =	vor.u32 v2, v11;
	v11 =	vadd.f32 v16, v4;
	v10 =	vadd.f32 v17, v4  }
.LBB2_31:
0x2c4: {  	s7 =	sadd.s32 $0x2, s12  }
0x2c5: {  	s10 =	sadd.s32 $0x4, s12;
	v16 =	vmov s2;
	v4 =	vadd.f32 v7, v4;
	s2 =	smov.u32 s12;
	s11 =	sadd.s32 $0x8, s12  }
0x2c6: {  	p1 =	sne.s32 s12, $0xA20;
	v17 =	vmov s7;
	v18 =	vmov s10;
	s7 =	sadd.s32 $0x6, s2;
	v19 =	vshll.u32 v16, $0x3;
	v7 =	vld.idx.msk [tilespmem:v12+s16+$0x0], $0xffff  }
.Ltmp16:
0x2c7: {  	v5 =	vadd.f32 v6, v5;
	v12 =	vmov s7;
	v20 =	vor.u32 v1, v19;
	(pc) =	sbr.rel @p1 .LBB2_31-.Ltmp16, $4  }
0x2c8: {  	v17 =	vshll.u32 v17, $0x3;
	v21 =	vshll.u32 v12, $0x3;
	v12 =	vor.u32 v2, v20;
	v6 =	vld.idx.msk [tilespmem:v14+s16+$0x0], $0xffff;
	v16 =	vmovc v8  }
0x2c9: {  	v17 =	vor.u32 v1, v17;
	v14 =	vshll.u32 v18, $0x3;
	v18 =	vor.u32 v1, v21;
	v8 =	vld.idx.msk [tilespmem:v15+s16+$0x0], $0xffff;
	v19 =	vmovc v13  }
0x2ca: {  	v15 =	vor.u32 v1, v14;
	v14 =	vor.u32 v2, v18;
	v13 =	vld.idx.msk [tilespmem:v9+s16+$0x0], $0xffff;
	v9 =	vor.u32 v2, v17  }
0x2cb: {  	s12 =	smov.u32 s11;
	v11 =	vadd.f32 v16, v11;
	v15 =	vor.u32 v2, v15;
	v10 =	vadd.f32 v19, v10  }
0x2cc: {  	v16 =	vmov s2  }
0x2cd: {  	v16 =	vshll.u32 v16, $0x3  }
0x2ce: {  	v16 =	vor.u32 v1, v16  }
0x2cf: {  	v16 =	vor.u32 v2, v16  }
0x2d0: {  	v12 =	vld.idx.msk [tilespmem:v12+s16+$0x0], $0xffff  }
0x2d1: {  	v14 =	vld.idx.msk [tilespmem:v14+s16+$0x0], $0xffff  }
0x2d2: {  	v15 =	vld.idx.msk [tilespmem:v15+s16+$0x0], $0xffff  }
0x2d3: {  	v9 =	vld.idx.msk [tilespmem:v9+s16+$0x0], $0xffff  }
0x2d4: {  	v16 =	vld.idx.msk [tilespmem:v16+s16+$0x0], $0xffff  }
0x2d5: {  	v4 =	vadd.f32 v7, v4  }
0x2d6: {  	v5 =	vadd.f32 v6, v5;
	v6 =	vadd.f32 v13, v10  }
0x2d7: {  	v7 =	vadd.f32 v8, v11;
	v4 =	vadd.f32 v12, v4  }
0x2d8: {  	v5 =	vadd.f32 v14, v5;
	v6 =	vadd.f32 v9, v6  }
0x2d9: {  	v7 =	vadd.f32 v15, v7;
	v4 =	vadd.f32 v16, v4;
	_ =	sdelay $0x1  }
0x2da: {  	v5 =	vadd.f32 v5, v7;
	v4 =	vadd.f32 v6, v4;
	_ =	sdelay $0x1  }
0x2db: {  	v4 =	vadd.f32 v5, v4;
	_ =	sdelay $0x1  }
0x2dc: {  	[tilespmem:$0x10110] =	vst v4  }
0x2dd: {  	v5 =	vld [tilespmem:$0x10118]  }
0x2de: {  	s11 =	simm.s32 $0xA2E;
	s7 =	simm.s32 $0xA2C  }
0x2df: {  	v7 =	vmov s7;
	s7 =	simm.s32 $0xA28;
	v6 =	vmov s11  }
0x2e0: {  	v7 =	vshll.u32 v7, $0x3;
	v9 =	vmov s7;
	v6 =	vshll.u32 v6, $0x3  }
0x2e1: {  	s12 =	simm.s32 $0xA2A;
	v7 =	vor.u32 v1, v7;
	v9 =	vshll.u32 v9, $0x3;
	v6 =	vor.u32 v1, v6  }
0x2e2: {  	v6 =	vor.u32 v2, v6;
	v4 =	vadd.f32 v5, v4;
	v5 =	vmov s12  }
0x2e3: {  	v7 =	vor.u32 v2, v7;
	v9 =	vor.u32 v1, v9;
	v5 =	vshll.u32 v5, $0x3  }
0x2e4: {  	v9 =	vor.u32 v2, v9;
	s11 =	simm.s32 $0xA32;
	s12 =	simm.s32 $0xA36;
	v8 =	vadd.f32 v4, v3;
	v5 =	vor.u32 v1, v5  }
0x2e5: {  	v10 =	vmov s11;
	s11 =	simm.s32 $0xA3C;
	v11 =	vmov s12;
	v5 =	vor.u32 v2, v5  }
0x2e6: {  	s10 =	simm.s32 $0xA34;
	v10 =	vshll.u32 v10, $0x3;
	v13 =	vmov s11;
	v11 =	vshll.u32 v11, $0x3;
	[tilespmem:s1+$0xE1C0] =	vst v8  }
0x2e7: {  	v10 =	vor.u32 v1, v10;
	v11 =	vor.u32 v1, v11;
	v8 =	vmov s10;
	v6 =	vld.idx.msk [tilespmem:v6+s16+$0x0], $0xffff  }
0x2e8: {  	v10 =	vor.u32 v2, v10;
	s12 =	simm.s32 $0xA3E;
	v11 =	vor.u32 v2, v11;
	v8 =	vshll.u32 v8, $0x3  }
0x2e9: {  	s7 =	simm.s32 $0xA30;
	v4 =	vimm.f32 $0.0e+00;
	v14 =	vmov s12;
	s10 =	simm.s32 $0xA3A;
	v16 =	vld.idx.msk [tilespmem:v7+s16+$0x0], $0xffff;
	v8 =	vor.u32 v1, v8  }
0x2ea: {  	v7 =	vmov s7;
	v12 =	vmov s10;
	v8 =	vor.u32 v2, v8;
	v17 =	vld.idx.msk [tilespmem:v5+s16+$0x0], $0xffff  }
0x2eb: {  	v14 =	vshll.u32 v14, $0x3;
	v5 =	vshll.u32 v7, $0x3;
	v7 =	vld.idx.msk [tilespmem:v9+s16+$0x0], $0xffff;
	v9 =	vshll.u32 v12, $0x3  }
0x2ec: {  	v15 =	vor.u32 v1, v5;
	v9 =	vor.u32 v1, v9;
	v5 =	vadd.f32 v6, v4  }
0x2ed: {  	v12 =	vor.u32 v2, v15;
	v6 =	vld.idx.msk [tilespmem:v11+s16+$0x0], $0xffff;
	v11 =	vshll.u32 v13, $0x3;
	v13 =	vor.u32 v1, v14  }
0x2ee: {  	v9 =	vor.u32 v2, v9;
	v11 =	vor.u32 v1, v11;
	v14 =	vor.u32 v2, v13;
	v13 =	vld.idx.msk [tilespmem:v10+s16+$0x0], $0xffff  }
0x2ef: {  	s2 =	simm.s32 $0xA38;
	s12 =	simm.s32 $0xA40;
	v8 =	vld.idx.msk [tilespmem:v8+s16+$0x0], $0xffff;
	v15 =	vor.u32 v2, v11;
	v11 =	vadd.f32 v16, v4;
	v10 =	vadd.f32 v17, v4  }
.LBB2_33:
0x2f0: {  	s7 =	sadd.s32 $0x2, s12  }
0x2f1: {  	s10 =	sadd.s32 $0x4, s12;
	v16 =	vmov s2;
	v4 =	vadd.f32 v7, v4;
	s2 =	smov.u32 s12;
	s11 =	sadd.s32 $0x8, s12  }
0x2f2: {  	p1 =	sne.s32 s12, $0xAE8;
	v17 =	vmov s7;
	v18 =	vmov s10;
	s7 =	sadd.s32 $0x6, s2;
	v19 =	vshll.u32 v16, $0x3;
	v7 =	vld.idx.msk [tilespmem:v12+s16+$0x0], $0xffff  }
.Ltmp17:
0x2f3: {  	v5 =	vadd.f32 v6, v5;
	v12 =	vmov s7;
	v20 =	vor.u32 v1, v19;
	(pc) =	sbr.rel @p1 .LBB2_33-.Ltmp17, $4  }
0x2f4: {  	v17 =	vshll.u32 v17, $0x3;
	v21 =	vshll.u32 v12, $0x3;
	v12 =	vor.u32 v2, v20;
	v6 =	vld.idx.msk [tilespmem:v14+s16+$0x0], $0xffff;
	v16 =	vmovc v8  }
0x2f5: {  	v17 =	vor.u32 v1, v17;
	v14 =	vshll.u32 v18, $0x3;
	v18 =	vor.u32 v1, v21;
	v8 =	vld.idx.msk [tilespmem:v15+s16+$0x0], $0xffff;
	v19 =	vmovc v13  }
0x2f6: {  	v15 =	vor.u32 v1, v14;
	v14 =	vor.u32 v2, v18;
	v13 =	vld.idx.msk [tilespmem:v9+s16+$0x0], $0xffff;
	v9 =	vor.u32 v2, v17  }
0x2f7: {  	s12 =	smov.u32 s11;
	v11 =	vadd.f32 v16, v11;
	v15 =	vor.u32 v2, v15;
	v10 =	vadd.f32 v19, v10  }
0x2f8: {  	v16 =	vmov s2  }
0x2f9: {  	v16 =	vshll.u32 v16, $0x3  }
0x2fa: {  	v16 =	vor.u32 v1, v16  }
0x2fb: {  	v16 =	vor.u32 v2, v16  }
0x2fc: {  	v12 =	vld.idx.msk [tilespmem:v12+s16+$0x0], $0xffff  }
0x2fd: {  	v14 =	vld.idx.msk [tilespmem:v14+s16+$0x0], $0xffff  }
0x2fe: {  	v15 =	vld.idx.msk [tilespmem:v15+s16+$0x0], $0xffff  }
0x2ff: {  	v9 =	vld.idx.msk [tilespmem:v9+s16+$0x0], $0xffff  }
0x300: {  	v16 =	vld.idx.msk [tilespmem:v16+s16+$0x0], $0xffff  }
0x301: {  	v4 =	vadd.f32 v7, v4  }
0x302: {  	v5 =	vadd.f32 v6, v5;
	v6 =	vadd.f32 v13, v10  }
0x303: {  	v7 =	vadd.f32 v8, v11;
	v4 =	vadd.f32 v12, v4  }
0x304: {  	v5 =	vadd.f32 v14, v5;
	v6 =	vadd.f32 v9, v6  }
0x305: {  	v7 =	vadd.f32 v15, v7;
	v4 =	vadd.f32 v16, v4;
	_ =	sdelay $0x1  }
0x306: {  	v5 =	vadd.f32 v5, v7;
	v4 =	vadd.f32 v6, v4;
	_ =	sdelay $0x1  }
0x307: {  	v4 =	vadd.f32 v5, v4;
	_ =	sdelay $0x1  }
0x308: {  	[tilespmem:$0x10110] =	vst v4  }
0x309: {  	v5 =	vld [tilespmem:$0x10118]  }
0x30a: {  	s11 =	simm.s32 $0xAF6;
	s7 =	simm.s32 $0xAF4  }
0x30b: {  	v7 =	vmov s7;
	s7 =	simm.s32 $0xAF0;
	v6 =	vmov s11  }
0x30c: {  	v7 =	vshll.u32 v7, $0x3;
	v9 =	vmov s7;
	v6 =	vshll.u32 v6, $0x3  }
0x30d: {  	s12 =	simm.s32 $0xAF2;
	v7 =	vor.u32 v1, v7;
	v9 =	vshll.u32 v9, $0x3;
	v6 =	vor.u32 v1, v6  }
0x30e: {  	v6 =	vor.u32 v2, v6;
	v4 =	vadd.f32 v5, v4;
	v5 =	vmov s12  }
0x30f: {  	v7 =	vor.u32 v2, v7;
	v9 =	vor.u32 v1, v9;
	v5 =	vshll.u32 v5, $0x3  }
0x310: {  	v9 =	vor.u32 v2, v9;
	s11 =	simm.s32 $0xAFA;
	s12 =	simm.s32 $0xAFE;
	v8 =	vadd.f32 v4, v3;
	v5 =	vor.u32 v1, v5  }
0x311: {  	v10 =	vmov s11;
	s11 =	simm.s32 $0xB04;
	v11 =	vmov s12;
	v5 =	vor.u32 v2, v5  }
0x312: {  	s10 =	simm.s32 $0xAFC;
	v10 =	vshll.u32 v10, $0x3;
	v13 =	vmov s11;
	v11 =	vshll.u32 v11, $0x3;
	[tilespmem:s1+$0xE1D0] =	vst v8  }
0x313: {  	v10 =	vor.u32 v1, v10;
	v11 =	vor.u32 v1, v11;
	v8 =	vmov s10;
	v6 =	vld.idx.msk [tilespmem:v6+s16+$0x0], $0xffff  }
0x314: {  	v10 =	vor.u32 v2, v10;
	s12 =	simm.s32 $0xB06;
	v11 =	vor.u32 v2, v11;
	v8 =	vshll.u32 v8, $0x3  }
0x315: {  	s7 =	simm.s32 $0xAF8;
	v4 =	vimm.f32 $0.0e+00;
	v14 =	vmov s12;
	s10 =	simm.s32 $0xB02;
	v16 =	vld.idx.msk [tilespmem:v7+s16+$0x0], $0xffff;
	v8 =	vor.u32 v1, v8  }
0x316: {  	v7 =	vmov s7;
	v12 =	vmov s10;
	v8 =	vor.u32 v2, v8;
	v17 =	vld.idx.msk [tilespmem:v5+s16+$0x0], $0xffff  }
0x317: {  	v14 =	vshll.u32 v14, $0x3;
	v5 =	vshll.u32 v7, $0x3;
	v7 =	vld.idx.msk [tilespmem:v9+s16+$0x0], $0xffff;
	v9 =	vshll.u32 v12, $0x3  }
0x318: {  	v15 =	vor.u32 v1, v5;
	v9 =	vor.u32 v1, v9;
	v5 =	vadd.f32 v6, v4  }
0x319: {  	v12 =	vor.u32 v2, v15;
	v6 =	vld.idx.msk [tilespmem:v11+s16+$0x0], $0xffff;
	v11 =	vshll.u32 v13, $0x3;
	v13 =	vor.u32 v1, v14  }
0x31a: {  	v9 =	vor.u32 v2, v9;
	v11 =	vor.u32 v1, v11;
	v14 =	vor.u32 v2, v13;
	v13 =	vld.idx.msk [tilespmem:v10+s16+$0x0], $0xffff  }
0x31b: {  	s2 =	simm.s32 $0xB00;
	s12 =	simm.s32 $0xB08;
	v8 =	vld.idx.msk [tilespmem:v8+s16+$0x0], $0xffff;
	v15 =	vor.u32 v2, v11;
	v11 =	vadd.f32 v16, v4;
	v10 =	vadd.f32 v17, v4  }
.LBB2_35:
0x31c: {  	s7 =	sadd.s32 $0x2, s12  }
0x31d: {  	s10 =	sadd.s32 $0x4, s12;
	v16 =	vmov s2;
	v4 =	vadd.f32 v7, v4;
	s2 =	smov.u32 s12;
	s11 =	sadd.s32 $0x8, s12  }
0x31e: {  	p1 =	sne.s32 s12, $0xBB0;
	v17 =	vmov s7;
	v18 =	vmov s10;
	s7 =	sadd.s32 $0x6, s2;
	v19 =	vshll.u32 v16, $0x3;
	v7 =	vld.idx.msk [tilespmem:v12+s16+$0x0], $0xffff  }
.Ltmp18:
0x31f: {  	v5 =	vadd.f32 v6, v5;
	v12 =	vmov s7;
	v20 =	vor.u32 v1, v19;
	(pc) =	sbr.rel @p1 .LBB2_35-.Ltmp18, $4  }
0x320: {  	v17 =	vshll.u32 v17, $0x3;
	v21 =	vshll.u32 v12, $0x3;
	v12 =	vor.u32 v2, v20;
	v6 =	vld.idx.msk [tilespmem:v14+s16+$0x0], $0xffff;
	v16 =	vmovc v8  }
0x321: {  	v17 =	vor.u32 v1, v17;
	v14 =	vshll.u32 v18, $0x3;
	v18 =	vor.u32 v1, v21;
	v8 =	vld.idx.msk [tilespmem:v15+s16+$0x0], $0xffff;
	v19 =	vmovc v13  }
0x322: {  	v15 =	vor.u32 v1, v14;
	v14 =	vor.u32 v2, v18;
	v13 =	vld.idx.msk [tilespmem:v9+s16+$0x0], $0xffff;
	v9 =	vor.u32 v2, v17  }
0x323: {  	s12 =	smov.u32 s11;
	v11 =	vadd.f32 v16, v11;
	v15 =	vor.u32 v2, v15;
	v10 =	vadd.f32 v19, v10  }
0x324: {  	v16 =	vmov s2  }
0x325: {  	v16 =	vshll.u32 v16, $0x3  }
0x326: {  	v16 =	vor.u32 v1, v16  }
0x327: {  	v16 =	vor.u32 v2, v16  }
0x328: {  	v12 =	vld.idx.msk [tilespmem:v12+s16+$0x0], $0xffff  }
0x329: {  	v14 =	vld.idx.msk [tilespmem:v14+s16+$0x0], $0xffff  }
0x32a: {  	v15 =	vld.idx.msk [tilespmem:v15+s16+$0x0], $0xffff  }
0x32b: {  	v9 =	vld.idx.msk [tilespmem:v9+s16+$0x0], $0xffff  }
0x32c: {  	v16 =	vld.idx.msk [tilespmem:v16+s16+$0x0], $0xffff  }
0x32d: {  	v4 =	vadd.f32 v7, v4  }
0x32e: {  	v5 =	vadd.f32 v6, v5;
	v6 =	vadd.f32 v13, v10  }
0x32f: {  	v7 =	vadd.f32 v8, v11;
	v4 =	vadd.f32 v12, v4  }
0x330: {  	v5 =	vadd.f32 v14, v5;
	v6 =	vadd.f32 v9, v6  }
0x331: {  	v7 =	vadd.f32 v15, v7;
	v4 =	vadd.f32 v16, v4;
	_ =	sdelay $0x1  }
0x332: {  	v5 =	vadd.f32 v5, v7;
	v4 =	vadd.f32 v6, v4;
	_ =	sdelay $0x1  }
0x333: {  	v4 =	vadd.f32 v5, v4;
	_ =	sdelay $0x1  }
0x334: {  	[tilespmem:$0x10110] =	vst v4  }
0x335: {  	v5 =	vld [tilespmem:$0x10118]  }
0x336: {  	s11 =	simm.s32 $0xBBE;
	s7 =	simm.s32 $0xBBC  }
0x337: {  	v7 =	vmov s7;
	s7 =	simm.s32 $0xBB8;
	v6 =	vmov s11  }
0x338: {  	v7 =	vshll.u32 v7, $0x3;
	v9 =	vmov s7;
	v6 =	vshll.u32 v6, $0x3  }
0x339: {  	s12 =	simm.s32 $0xBBA;
	v7 =	vor.u32 v1, v7;
	v9 =	vshll.u32 v9, $0x3;
	v6 =	vor.u32 v1, v6  }
0x33a: {  	v6 =	vor.u32 v2, v6;
	v4 =	vadd.f32 v5, v4;
	v5 =	vmov s12  }
0x33b: {  	v7 =	vor.u32 v2, v7;
	v9 =	vor.u32 v1, v9;
	v5 =	vshll.u32 v5, $0x3  }
0x33c: {  	v9 =	vor.u32 v2, v9;
	s11 =	simm.s32 $0xBC2;
	s12 =	simm.s32 $0xBC6;
	v8 =	vadd.f32 v4, v3;
	v5 =	vor.u32 v1, v5  }
0x33d: {  	v10 =	vmov s11;
	s11 =	simm.s32 $0xBCC;
	v11 =	vmov s12;
	v5 =	vor.u32 v2, v5  }
0x33e: {  	s10 =	simm.s32 $0xBC4;
	v10 =	vshll.u32 v10, $0x3;
	v13 =	vmov s11;
	v11 =	vshll.u32 v11, $0x3;
	[tilespmem:s1+$0xE1E0] =	vst v8  }
0x33f: {  	v10 =	vor.u32 v1, v10;
	v11 =	vor.u32 v1, v11;
	v8 =	vmov s10;
	v6 =	vld.idx.msk [tilespmem:v6+s16+$0x0], $0xffff  }
0x340: {  	v10 =	vor.u32 v2, v10;
	s12 =	simm.s32 $0xBCE;
	v11 =	vor.u32 v2, v11;
	v8 =	vshll.u32 v8, $0x3  }
0x341: {  	s7 =	simm.s32 $0xBC0;
	v4 =	vimm.f32 $0.0e+00;
	v14 =	vmov s12;
	s10 =	simm.s32 $0xBCA;
	v16 =	vld.idx.msk [tilespmem:v7+s16+$0x0], $0xffff;
	v8 =	vor.u32 v1, v8  }
0x342: {  	v7 =	vmov s7;
	v12 =	vmov s10;
	v8 =	vor.u32 v2, v8;
	v17 =	vld.idx.msk [tilespmem:v5+s16+$0x0], $0xffff  }
0x343: {  	v14 =	vshll.u32 v14, $0x3;
	v5 =	vshll.u32 v7, $0x3;
	v7 =	vld.idx.msk [tilespmem:v9+s16+$0x0], $0xffff;
	v9 =	vshll.u32 v12, $0x3  }
0x344: {  	v15 =	vor.u32 v1, v5;
	v9 =	vor.u32 v1, v9;
	v5 =	vadd.f32 v6, v4  }
0x345: {  	v12 =	vor.u32 v2, v15;
	v6 =	vld.idx.msk [tilespmem:v11+s16+$0x0], $0xffff;
	v11 =	vshll.u32 v13, $0x3;
	v13 =	vor.u32 v1, v14  }
0x346: {  	v9 =	vor.u32 v2, v9;
	v11 =	vor.u32 v1, v11;
	v14 =	vor.u32 v2, v13;
	v13 =	vld.idx.msk [tilespmem:v10+s16+$0x0], $0xffff  }
0x347: {  	s2 =	simm.s32 $0xBC8;
	s12 =	simm.s32 $0xBD0;
	v8 =	vld.idx.msk [tilespmem:v8+s16+$0x0], $0xffff;
	v15 =	vor.u32 v2, v11;
	v11 =	vadd.f32 v16, v4;
	v10 =	vadd.f32 v17, v4  }
.LBB2_37:
0x348: {  	s7 =	sadd.s32 $0x2, s12  }
0x349: {  	s10 =	sadd.s32 $0x4, s12;
	v16 =	vmov s2;
	v4 =	vadd.f32 v7, v4;
	s2 =	smov.u32 s12;
	s11 =	sadd.s32 $0x8, s12  }
0x34a: {  	p1 =	sne.s32 s12, $0xC78;
	v17 =	vmov s7;
	v18 =	vmov s10;
	s7 =	sadd.s32 $0x6, s2;
	v19 =	vshll.u32 v16, $0x3;
	v7 =	vld.idx.msk [tilespmem:v12+s16+$0x0], $0xffff  }
.Ltmp19:
0x34b: {  	v5 =	vadd.f32 v6, v5;
	v12 =	vmov s7;
	v20 =	vor.u32 v1, v19;
	(pc) =	sbr.rel @p1 .LBB2_37-.Ltmp19, $4  }
0x34c: {  	v17 =	vshll.u32 v17, $0x3;
	v21 =	vshll.u32 v12, $0x3;
	v12 =	vor.u32 v2, v20;
	v6 =	vld.idx.msk [tilespmem:v14+s16+$0x0], $0xffff;
	v16 =	vmovc v8  }
0x34d: {  	v17 =	vor.u32 v1, v17;
	v14 =	vshll.u32 v18, $0x3;
	v18 =	vor.u32 v1, v21;
	v8 =	vld.idx.msk [tilespmem:v15+s16+$0x0], $0xffff;
	v19 =	vmovc v13  }
0x34e: {  	v15 =	vor.u32 v1, v14;
	v14 =	vor.u32 v2, v18;
	v13 =	vld.idx.msk [tilespmem:v9+s16+$0x0], $0xffff;
	v9 =	vor.u32 v2, v17  }
0x34f: {  	s12 =	smov.u32 s11;
	v11 =	vadd.f32 v16, v11;
	v15 =	vor.u32 v2, v15;
	v10 =	vadd.f32 v19, v10  }
0x350: {  	v16 =	vmov s2  }
0x351: {  	v16 =	vshll.u32 v16, $0x3  }
0x352: {  	v16 =	vor.u32 v1, v16  }
0x353: {  	v16 =	vor.u32 v2, v16  }
0x354: {  	v12 =	vld.idx.msk [tilespmem:v12+s16+$0x0], $0xffff  }
0x355: {  	v14 =	vld.idx.msk [tilespmem:v14+s16+$0x0], $0xffff  }
0x356: {  	v15 =	vld.idx.msk [tilespmem:v15+s16+$0x0], $0xffff  }
0x357: {  	v9 =	vld.idx.msk [tilespmem:v9+s16+$0x0], $0xffff  }
0x358: {  	v16 =	vld.idx.msk [tilespmem:v16+s16+$0x0], $0xffff  }
0x359: {  	v4 =	vadd.f32 v7, v4  }
0x35a: {  	v5 =	vadd.f32 v6, v5;
	v61 =	vadd.f32 v13, v10  }
0x35b: {  	v62 =	vadd.f32 v8, v11;
	v4 =	vadd.f32 v12, v4  }
0x35c: {  	v5 =	vadd.f32 v14, v5;
	v6 =	vadd.f32 v9, v61  }
0x35d: {  	v7 =	vadd.f32 v15, v62;
	v4 =	vadd.f32 v16, v4;
	_ =	sdelay $0x1  }
0x35e: {  	v5 =	vadd.f32 v5, v7;
	v4 =	vadd.f32 v6, v4;
	_ =	sdelay $0x1  }
0x35f: {  	v4 =	vadd.f32 v5, v4;
	_ =	sdelay $0x1  }
0x360: {  	[tilespmem:$0x10110] =	vst v4  }
0x361: {  	v63 =	vld [tilespmem:$0x10118];
	_ =	sdelay $0x4  }
.Ltmp20:
0x362: {  	v4 =	vadd.f32 v63, v4;
	(pc) =	sbr.rel @!p0 .LBB2_39-.Ltmp20, $3  }
0x363: {  	_ = 	snop  }
0x364: {  	v3 =	vadd.f32 v4, v3;
	_ =	sdelay $0x1  }
0x365: {  	[tilespmem:s1+$0xE1F0] =	vst v3  }
.Ltmp21:
0x366: {  	(pc) =	sbr.rel .LBB2_42-.Ltmp21, $4  }
0x367: {  	_ = 	snop  }
0x368: {  	_ =	swait.ge [sflag:s31], $0x6400  }
0x369: {  	[sflag:s31] =	ssyncset.done $0x0  }
0x36a: {  	[sflag:s31] =	ssyncadd.s32 $0xFFFF9C00  }
.LBB2_39:
0x36b: {  	_ =	swait.ge [sflag:s14], $0xC80  }
0x36c: {  	[sflag:s14] =	ssyncset.done $0x0  }
0x36d: {  	s2 =	simm.s32 $0x0;
	s12 =	simm.s32 $0x40;
	[sflag:s14] =	ssyncadd.s32 $0xFFFFF380  }
.LBB2_40:
0x36e: {  	p1 =	seq.s32 s12, $0x31C0;
	v3 =	vld [tilespmem:s2+$0x0];
	_ =	sdelay $0x4  }
.Ltmp22:
0x36f: {  	v4 =	vshll.u32 v3, $0x4;
	(pc) =	sbr.rel @!p1 .LBB2_40-.Ltmp22, $4  }
0x370: {  	v5 =	vand.u32 $0xFFFF8000, v3;
	v3 =	vshrl.u32 v3, $0xB;
	v4 =	vand.u32 $0x7FF0, v4  }
0x371: {  	v3 =	vand.u32 $0xF, v3;
	v4 =	vor.u32 v5, v4  }
0x372: {  	v3 =	vor.u32 v3, v4  }
0x373: {  	[tilespmem:s2+$0x0] =	vst v3;
	s2 =	sshra.s32 s12, $0x2;
	s12 =	sadd.s32 $0x40, s12  }
0x374: {  	v3 =	vld [tilespmem:s2+$0x0];
	_ =	sdelay $0x4  }
0x375: {  	v4 =	vshll.u32 v3, $0x4  }
0x376: {  	v5 =	vand.u32 $0xFFFF8000, v3;
	v3 =	vshrl.u32 v3, $0xB;
	v4 =	vand.u32 $0x7FF0, v4  }
0x377: {  	v3 =	vand.u32 $0xF, v3;
	v4 =	vor.u32 v5, v4  }
0x378: {  	v3 =	vor.u32 v3, v4  }
0x379: {  	[tilespmem:s2+$0x0] =	vst v3  }
0x37a: {  	_ =	swait.ge [sflag:s31], $0x6400  }
0x37b: {  	[sflag:s31] =	ssyncset.done $0x0  }
0x37c: {  	[sflag:s31] =	ssyncadd.s32 $0xFFFF9C00  }
0x37d: {  	[tilespmem:s16], [sflag:$0x1] =	stream.indirect.gather [hbm4b:s4+s15], $0x8, s3, s15, $0xb8;
	[tilespmem:$0x10128] =	vst v63  }
0x37e: {  	s7 =	simm.s32 $0x1D00  }
0x37f: {  	[tilespmem:s7], [sflag:$0x1] =	stream.indirect.gather [hbm4b:s4+s15], $0x8, s15, s15, $0xb8;
	[tilespmem:$0x10128] =	vst v63  }
0x380: {  	s10 =	simm.s32 $0x100;
	s7 =	simm.s32 $0x2100  }
0x381: {  	[tilespmem:s7], [sflag:$0x1] =	stream.indirect.gather [hbm4b:s4+s15], $0x8, s10, s15, $0xb8;
	[tilespmem:$0x10128] =	vst v63  }
0x382: {  	s11 =	simm.s32 $0x180;
	s12 =	simm.s32 $0x2500  }
0x383: {  	[tilespmem:s12], [sflag:$0x1] =	stream.indirect.gather [hbm4b:s4+s15], $0x8, s11, s15, $0xb8;
	[tilespmem:$0x10128] =	vst v63  }
0x384: {  	s7 =	simm.s32 $0x200;
	s10 =	simm.s32 $0x2900  }
0x385: {  	[tilespmem:s10], [sflag:$0x1] =	stream.indirect.gather [hbm4b:s4+s15], $0x8, s7, s15, $0xb8;
	[tilespmem:$0x10128] =	vst v63  }
0x386: {  	s11 =	simm.s32 $0x280;
	s12 =	simm.s32 $0x2D00  }
0x387: {  	[tilespmem:s12], [sflag:$0x1] =	stream.indirect.gather [hbm4b:s4+s15], $0x8, s11, s15, $0xb8;
	[tilespmem:$0x10128] =	vst v63  }
0x388: {  	s7 =	simm.s32 $0x300;
	s10 =	simm.s32 $0x3100  }
0x389: {  	[tilespmem:s10], [sflag:$0x1] =	stream.indirect.gather [hbm4b:s4+s15], $0x8, s7, s15, $0xb8;
	[tilespmem:$0x10128] =	vst v63  }
0x38a: {  	s11 =	simm.s32 $0x380;
	s12 =	simm.s32 $0x3500  }
0x38b: {  	[tilespmem:s12], [sflag:$0x1] =	stream.indirect.gather [hbm4b:s4+s15], $0x8, s11, s15, $0xb8;
	[tilespmem:$0x10128] =	vst v63  }
0x38c: {  	s7 =	simm.s32 $0x400;
	s10 =	simm.s32 $0x3900  }
0x38d: {  	[tilespmem:s10], [sflag:$0x1] =	stream.indirect.gather [hbm4b:s4+s15], $0x8, s7, s15, $0xb8;
	[tilespmem:$0x10128] =	vst v63  }
0x38e: {  	s11 =	simm.s32 $0x480;
	s12 =	simm.s32 $0x3D00  }
0x38f: {  	[tilespmem:s12], [sflag:$0x1] =	stream.indirect.gather [hbm4b:s4+s15], $0x8, s11, s15, $0xb8;
	[tilespmem:$0x10128] =	vst v63  }
0x390: {  	s7 =	simm.s32 $0x500;
	s10 =	simm.s32 $0x4100  }
0x391: {  	[tilespmem:s10], [sflag:$0x1] =	stream.indirect.gather [hbm4b:s4+s15], $0x8, s7, s15, $0xb8;
	[tilespmem:$0x10128] =	vst v63  }
0x392: {  	s11 =	simm.s32 $0x580;
	s12 =	simm.s32 $0x4500  }
0x393: {  	[tilespmem:s12], [sflag:$0x1] =	stream.indirect.gather [hbm4b:s4+s15], $0x8, s11, s15, $0xb8;
	[tilespmem:$0x10128] =	vst v63  }
0x394: {  	s7 =	simm.s32 $0x600;
	s10 =	simm.s32 $0x4900  }
0x395: {  	[tilespmem:s10], [sflag:$0x1] =	stream.indirect.gather [hbm4b:s4+s15], $0x8, s7, s15, $0xb8;
	[tilespmem:$0x10128] =	vst v63  }
0x396: {  	s11 =	simm.s32 $0x680;
	s12 =	simm.s32 $0x4D00  }
0x397: {  	[tilespmem:s12], [sflag:$0x1] =	stream.indirect.gather [hbm4b:s4+s15], $0x8, s11, s15, $0xb8;
	[tilespmem:$0x10128] =	vst v63  }
0x398: {  	s7 =	simm.s32 $0x700;
	s10 =	simm.s32 $0x5100  }
0x399: {  	[tilespmem:s10], [sflag:$0x1] =	stream.indirect.gather [hbm4b:s4+s15], $0x8, s7, s15, $0xb8;
	[tilespmem:$0x10128] =	vst v63  }
0x39a: {  	s11 =	simm.s32 $0x780;
	s12 =	simm.s32 $0x5500  }
0x39b: {  	[tilespmem:s12], [sflag:$0x1] =	stream.indirect.gather [hbm4b:s4+s15], $0x8, s11, s15, $0xb8;
	[tilespmem:$0x10128] =	vst v63  }
0x39c: {  	s7 =	simm.s32 $0x800;
	s10 =	simm.s32 $0x5900  }
0x39d: {  	[tilespmem:s10], [sflag:$0x1] =	stream.indirect.gather [hbm4b:s4+s15], $0x8, s7, s15, $0xb8;
	[tilespmem:$0x10128] =	vst v63  }
0x39e: {  	s11 =	simm.s32 $0x880;
	s12 =	simm.s32 $0x5D00  }
0x39f: {  	[tilespmem:s12], [sflag:$0x1] =	stream.indirect.gather [hbm4b:s4+s15], $0x8, s11, s15, $0xb8;
	[tilespmem:$0x10128] =	vst v63  }
0x3a0: {  	s7 =	simm.s32 $0x900;
	s10 =	simm.s32 $0x6100  }
0x3a1: {  	[tilespmem:s10], [sflag:$0x1] =	stream.indirect.gather [hbm4b:s4+s15], $0x8, s7, s15, $0xb8;
	[tilespmem:$0x10128] =	vst v63  }
0x3a2: {  	s11 =	simm.s32 $0x980;
	s12 =	simm.s32 $0x6500  }
0x3a3: {  	[tilespmem:s12], [sflag:$0x1] =	stream.indirect.gather [hbm4b:s4+s15], $0x8, s11, s15, $0xb8;
	[tilespmem:$0x10128] =	vst v63  }
0x3a4: {  	s7 =	simm.s32 $0xA00;
	s10 =	simm.s32 $0x6900  }
0x3a5: {  	[tilespmem:s10], [sflag:$0x1] =	stream.indirect.gather [hbm4b:s4+s15], $0x8, s7, s15, $0xb8;
	[tilespmem:$0x10128] =	vst v63  }
0x3a6: {  	s11 =	simm.s32 $0xA80;
	s12 =	simm.s32 $0x6D00  }
0x3a7: {  	[tilespmem:s12], [sflag:$0x1] =	stream.indirect.gather [hbm4b:s4+s15], $0x8, s11, s15, $0xb8;
	[tilespmem:$0x10128] =	vst v63  }
0x3a8: {  	s7 =	simm.s32 $0xB00;
	s10 =	simm.s32 $0x7100  }
0x3a9: {  	[tilespmem:s10], [sflag:$0x1] =	stream.indirect.gather [hbm4b:s4+s15], $0x8, s7, s15, $0xb8;
	[tilespmem:$0x10128] =	vst v63  }
0x3aa: {  	s11 =	simm.s32 $0xB80;
	s12 =	simm.s32 $0x7500  }
0x3ab: {  	[tilespmem:s12], [sflag:$0x1] =	stream.indirect.gather [hbm4b:s4+s15], $0x8, s11, s15, $0xb8;
	[tilespmem:$0x10128] =	vst v63  }
0x3ac: {  	s10 =	sshll.u32 s0, $0x5;
	s11 =	rddreg [dreg:$0x5]  }
0x3ad: {  	s2 =	sadd.s32 s10, s11  }
0x3ae: {  	s12 =	simm.s32 $0xC00;
	s10 =	simm.s32 $0x7900;
	s2 =	smul.u32 $0x19, s2  }
0x3af: {  	[tilespmem:s10], [sflag:$0x1] =	stream.indirect.gather [hbm4b:s4+s15], $0x8, s12, s15, $0xb8;
	[tilespmem:$0x10128] =	vst v63  }
0x3b0: {  	s2 =	sadd.s32 s5, s2  }
0x3b1: {  	[tilespmem:s18], [sflag:$0x4] =	stream.linear.gather [hbm4b:s2+s3], $0xC80, $0x38;
	[tilespmem:$0x10128] =	vst v63  }
.LBB2_42:
0x3b2: {  	s2 =	simm.s32 $0x2;
	s7 =	simm.s32 $0x4  }
0x3b3: {  	s10 =	simm.s32 $0x0;
	s11 =	simm.s32 $0xA;
	s12 =	simm.s32 $0xC;
	v3 =	vmov s2;
	v5 =	vmov s7  }
0x3b4: {  	v6 =	vmov s10;
	v9 =	vmov s11;
	v10 =	vmov s12  }
0x3b5: {  	s7 =	simm.s32 $0x6;
	v3 =	vshll.u32 v3, $0x3;
	v5 =	vshll.u32 v5, $0x3;
	v6 =	vshll.u32 v6, $0x3  }
0x3b6: {  	v7 =	vmov s7;
	v9 =	vshll.u32 v9, $0x3;
	v5 =	vor.u32 v1, v5  }
0x3b7: {  	v10 =	vshll.u32 v10, $0x3;
	v3 =	vor.u32 v1, v3;
	v5 =	vor.u32 v2, v5  }
0x3b8: {  	v6 =	vor.u32 v1, v6;
	v7 =	vshll.u32 v7, $0x3;
	v3 =	vor.u32 v2, v3  }
0x3b9: {  	v9 =	vor.u32 v1, v9;
	v10 =	vor.u32 v1, v10;
	v6 =	vor.u32 v2, v6  }
0x3ba: {  	s10 =	simm.s32 $0x8;
	v7 =	vor.u32 v1, v7;
	v12 =	vor.u32 v2, v9;
	v9 =	vor.u32 v2, v10  }
0x3bb: {  	s11 =	simm.s32 $0x12;
	v8 =	vmov s10;
	v7 =	vor.u32 v2, v7  }
0x3bc: {  	v11 =	vmov s11;
	v8 =	vshll.u32 v8, $0x3;
	v5 =	vld.idx.msk [tilespmem:v5+s21+$0x0], $0xffff  }
0x3bd: {  	v4 =	vimm.f32 $0.0e+00;
	s7 =	simm.s32 $0xE;
	s10 =	simm.s32 $0x10;
	v14 =	vshll.u32 v11, $0x3;
	v8 =	vor.u32 v1, v8;
	v10 =	vld.idx.msk [tilespmem:v3+s21+$0x0], $0xffff  }
0x3be: {  	v8 =	vor.u32 v2, v8;
	v3 =	vmov s7;
	v16 =	vld.idx.msk [tilespmem:v6+s21+$0x0], $0xffff;
	v6 =	vmov s10  }
0x3bf: {  	s12 =	simm.s32 $0x14;
	v14 =	vor.u32 v1, v14;
	v9 =	vld.idx.msk [tilespmem:v9+s21+$0x0], $0xffff;
	v13 =	vshll.u32 v3, $0x3;
	v6 =	vshll.u32 v6, $0x3  }
0x3c0: {  	v7 =	vld.idx.msk [tilespmem:v7+s21+$0x0], $0xffff;
	v11 =	vor.u32 v1, v13;
	v13 =	vor.u32 v1, v6;
	v6 =	vmov s12  }
0x3c1: {  	v15 =	vor.u32 v2, v14;
	v12 =	vld.idx.msk [tilespmem:v12+s21+$0x0], $0xffff;
	v11 =	vor.u32 v2, v11;
	v17 =	vshll.u32 v6, $0x3  }
0x3c2: {  	v3 =	vld [tilespmem:$0x10100];
	v14 =	vor.u32 v2, v13;
	v17 =	vor.u32 v1, v17;
	v5 =	vadd.f32 v5, v4  }
0x3c3: {  	s2 =	simm.s32 $0x16;
	s12 =	simm.s32 $0x1E;
	v6 =	vld.idx.msk [tilespmem:v8+s21+$0x0], $0xffff;
	v8 =	vadd.f32 v10, v4;
	v13 =	vor.u32 v2, v17;
	v10 =	vadd.f32 v16, v4  }
.LBB2_43:
0x3c4: {  	s7 =	sadd.s32 $0xFFFFFFFA, s12  }
0x3c5: {  	s10 =	sadd.s32 $0xFFFFFFFC, s12;
	v16 =	vmov s2;
	v4 =	vadd.f32 v7, v4;
	v17 =	vmov v15;
	s2 =	smov.u32 s12;
	s11 =	sadd.s32 $0x8, s12  }
0x3c6: {  	p1 =	sne.s32 s12, $0xC6;
	v15 =	vmov s7;
	v18 =	vmov s10;
	v21 =	vshll.u32 v16, $0x3;
	v7 =	vld.idx.msk [tilespmem:v11+s21+$0x0], $0xffff  }
.Ltmp23:
0x3c7: {  	s7 =	sadd.s32 $0xFFFFFFFE, s2;
	v11 =	vshll.u32 v15, $0x3;
	v15 =	vshll.u32 v18, $0x3;
	v20 =	vor.u32 v1, v21;
	(pc) =	sbr.rel @p1 .LBB2_43-.Ltmp23, $4  }
0x3c8: {  	v19 =	vmov s7;
	v18 =	vor.u32 v1, v11;
	v11 =	vor.u32 v2, v20;
	v16 =	vmovc v6  }
0x3c9: {  	v15 =	vor.u32 v1, v15;
	v19 =	vshll.u32 v19, $0x3;
	v5 =	vadd.f32 v9, v5;
	v6 =	vld.idx.msk [tilespmem:v14+s21+$0x0], $0xffff  }
0x3ca: {  	v15 =	vor.u32 v2, v15;
	v19 =	vor.u32 v1, v19;
	v8 =	vadd.f32 v12, v8;
	v9 =	vld.idx.msk [tilespmem:v13+s21+$0x0], $0xffff  }
0x3cb: {  	s12 =	smov.u32 s11;
	v14 =	vor.u32 v2, v18;
	v10 =	vadd.f32 v16, v10;
	v13 =	vor.u32 v2, v19;
	v12 =	vld.idx.msk [tilespmem:v17+s21+$0x0], $0xffff  }
0x3cc: {  	v16 =	vmov s2  }
0x3cd: {  	v16 =	vshll.u32 v16, $0x3  }
0x3ce: {  	v16 =	vor.u32 v1, v16  }
0x3cf: {  	v16 =	vor.u32 v2, v16  }
0x3d0: {  	v11 =	vld.idx.msk [tilespmem:v11+s21+$0x0], $0xffff  }
0x3d1: {  	v14 =	vld.idx.msk [tilespmem:v14+s21+$0x0], $0xffff  }
0x3d2: {  	v13 =	vld.idx.msk [tilespmem:v13+s21+$0x0], $0xffff  }
0x3d3: {  	v15 =	vld.idx.msk [tilespmem:v15+s21+$0x0], $0xffff  }
0x3d4: {  	v16 =	vld.idx.msk [tilespmem:v16+s21+$0x0], $0xffff  }
0x3d5: {  	v4 =	vadd.f32 v7, v4  }
0x3d6: {  	v6 =	vadd.f32 v6, v10;
	v5 =	vadd.f32 v9, v5  }
0x3d7: {  	v7 =	vadd.f32 v12, v8;
	v4 =	vadd.f32 v11, v4  }
0x3d8: {  	v5 =	vadd.f32 v13, v5;
	v6 =	vadd.f32 v14, v6  }
0x3d9: {  	v7 =	vadd.f32 v15, v7;
	v4 =	vadd.f32 v16, v4;
	_ =	sdelay $0x1  }
0x3da: {  	v6 =	vadd.f32 v7, v6;
	v4 =	vadd.f32 v4, v5;
	_ =	sdelay $0x1  }
0x3db: {  	v4 =	vadd.f32 v4, v6;
	_ =	sdelay $0x1  }
0x3dc: {  	[tilespmem:$0x10110] =	vst v4  }
0x3dd: {  	v5 =	vld [tilespmem:$0x10118]  }
0x3de: {  	s11 =	simm.s32 $0xCE;
	s7 =	simm.s32 $0xCC  }
0x3df: {  	v7 =	vmov s7;
	s7 =	simm.s32 $0xC8;
	v6 =	vmov s11  }
0x3e0: {  	v7 =	vshll.u32 v7, $0x3;
	v9 =	vmov s7;
	v6 =	vshll.u32 v6, $0x3  }
0x3e1: {  	s12 =	simm.s32 $0xCA;
	v7 =	vor.u32 v1, v7;
	v9 =	vshll.u32 v9, $0x3;
	v6 =	vor.u32 v1, v6  }
0x3e2: {  	v6 =	vor.u32 v2, v6;
	v4 =	vadd.f32 v5, v4;
	v5 =	vmov s12  }
0x3e3: {  	v7 =	vor.u32 v2, v7;
	v9 =	vor.u32 v1, v9;
	v5 =	vshll.u32 v5, $0x3  }
0x3e4: {  	v9 =	vor.u32 v2, v9;
	s11 =	simm.s32 $0xD2;
	s12 =	simm.s32 $0xD6;
	v8 =	vadd.f32 v4, v3;
	v5 =	vor.u32 v1, v5  }
0x3e5: {  	v10 =	vmov s11;
	s11 =	simm.s32 $0xDC;
	v11 =	vmov s12;
	v5 =	vor.u32 v2, v5  }
0x3e6: {  	s10 =	simm.s32 $0xD4;
	v10 =	vshll.u32 v10, $0x3;
	v13 =	vmov s11;
	v11 =	vshll.u32 v11, $0x3;
	[tilespmem:s1+$0xE200] =	vst v8  }
0x3e7: {  	v10 =	vor.u32 v1, v10;
	v11 =	vor.u32 v1, v11;
	v8 =	vmov s10;
	v6 =	vld.idx.msk [tilespmem:v6+s21+$0x0], $0xffff  }
0x3e8: {  	v10 =	vor.u32 v2, v10;
	s12 =	simm.s32 $0xDE;
	v11 =	vor.u32 v2, v11;
	v8 =	vshll.u32 v8, $0x3  }
0x3e9: {  	s7 =	simm.s32 $0xD0;
	v4 =	vimm.f32 $0.0e+00;
	v14 =	vmov s12;
	s10 =	simm.s32 $0xDA;
	v16 =	vld.idx.msk [tilespmem:v7+s21+$0x0], $0xffff;
	v8 =	vor.u32 v1, v8  }
0x3ea: {  	v7 =	vmov s7;
	v12 =	vmov s10;
	v8 =	vor.u32 v2, v8;
	v17 =	vld.idx.msk [tilespmem:v5+s21+$0x0], $0xffff  }
0x3eb: {  	v14 =	vshll.u32 v14, $0x3;
	v5 =	vshll.u32 v7, $0x3;
	v7 =	vld.idx.msk [tilespmem:v9+s21+$0x0], $0xffff;
	v9 =	vshll.u32 v12, $0x3  }
0x3ec: {  	v15 =	vor.u32 v1, v5;
	v9 =	vor.u32 v1, v9;
	v5 =	vadd.f32 v6, v4  }
0x3ed: {  	v12 =	vor.u32 v2, v15;
	v6 =	vld.idx.msk [tilespmem:v11+s21+$0x0], $0xffff;
	v11 =	vshll.u32 v13, $0x3;
	v13 =	vor.u32 v1, v14  }
0x3ee: {  	v9 =	vor.u32 v2, v9;
	v11 =	vor.u32 v1, v11;
	v14 =	vor.u32 v2, v13;
	v13 =	vld.idx.msk [tilespmem:v10+s21+$0x0], $0xffff  }
0x3ef: {  	s2 =	simm.s32 $0xD8;
	s12 =	simm.s32 $0xE0;
	v8 =	vld.idx.msk [tilespmem:v8+s21+$0x0], $0xffff;
	v15 =	vor.u32 v2, v11;
	v11 =	vadd.f32 v16, v4;
	v10 =	vadd.f32 v17, v4  }
.LBB2_45:
0x3f0: {  	s7 =	sadd.s32 $0x2, s12  }
0x3f1: {  	s10 =	sadd.s32 $0x4, s12;
	v16 =	vmov s2;
	v4 =	vadd.f32 v7, v4;
	s2 =	smov.u32 s12;
	s11 =	sadd.s32 $0x8, s12  }
0x3f2: {  	p1 =	sne.s32 s12, $0x188;
	v17 =	vmov s7;
	v18 =	vmov s10;
	s7 =	sadd.s32 $0x6, s2;
	v19 =	vshll.u32 v16, $0x3;
	v7 =	vld.idx.msk [tilespmem:v12+s21+$0x0], $0xffff  }
.Ltmp24:
0x3f3: {  	v5 =	vadd.f32 v6, v5;
	v12 =	vmov s7;
	v20 =	vor.u32 v1, v19;
	(pc) =	sbr.rel @p1 .LBB2_45-.Ltmp24, $4  }
0x3f4: {  	v17 =	vshll.u32 v17, $0x3;
	v21 =	vshll.u32 v12, $0x3;
	v12 =	vor.u32 v2, v20;
	v6 =	vld.idx.msk [tilespmem:v14+s21+$0x0], $0xffff;
	v16 =	vmovc v8  }
0x3f5: {  	v17 =	vor.u32 v1, v17;
	v14 =	vshll.u32 v18, $0x3;
	v18 =	vor.u32 v1, v21;
	v8 =	vld.idx.msk [tilespmem:v15+s21+$0x0], $0xffff;
	v19 =	vmovc v13  }
0x3f6: {  	v15 =	vor.u32 v1, v14;
	v14 =	vor.u32 v2, v18;
	v13 =	vld.idx.msk [tilespmem:v9+s21+$0x0], $0xffff;
	v9 =	vor.u32 v2, v17  }
0x3f7: {  	s12 =	smov.u32 s11;
	v11 =	vadd.f32 v16, v11;
	v15 =	vor.u32 v2, v15;
	v10 =	vadd.f32 v19, v10  }
0x3f8: {  	v16 =	vmov s2  }
0x3f9: {  	v16 =	vshll.u32 v16, $0x3  }
0x3fa: {  	v16 =	vor.u32 v1, v16  }
0x3fb: {  	v16 =	vor.u32 v2, v16  }
0x3fc: {  	v12 =	vld.idx.msk [tilespmem:v12+s21+$0x0], $0xffff  }
0x3fd: {  	v14 =	vld.idx.msk [tilespmem:v14+s21+$0x0], $0xffff  }
0x3fe: {  	v15 =	vld.idx.msk [tilespmem:v15+s21+$0x0], $0xffff  }
0x3ff: {  	v9 =	vld.idx.msk [tilespmem:v9+s21+$0x0], $0xffff  }
0x400: {  	v16 =	vld.idx.msk [tilespmem:v16+s21+$0x0], $0xffff  }
0x401: {  	v4 =	vadd.f32 v7, v4  }
0x402: {  	v5 =	vadd.f32 v6, v5;
	v6 =	vadd.f32 v13, v10  }
0x403: {  	v7 =	vadd.f32 v8, v11;
	v4 =	vadd.f32 v12, v4  }
0x404: {  	v5 =	vadd.f32 v14, v5;
	v6 =	vadd.f32 v9, v6  }
0x405: {  	v7 =	vadd.f32 v15, v7;
	v4 =	vadd.f32 v16, v4;
	_ =	sdelay $0x1  }
0x406: {  	v5 =	vadd.f32 v5, v7;
	v4 =	vadd.f32 v6, v4;
	_ =	sdelay $0x1  }
0x407: {  	v4 =	vadd.f32 v5, v4;
	_ =	sdelay $0x1  }
0x408: {  	[tilespmem:$0x10110] =	vst v4  }
0x409: {  	v5 =	vld [tilespmem:$0x10118]  }
0x40a: {  	s11 =	simm.s32 $0x196;
	s7 =	simm.s32 $0x194  }
0x40b: {  	v7 =	vmov s7;
	s7 =	simm.s32 $0x190;
	v6 =	vmov s11  }
0x40c: {  	v7 =	vshll.u32 v7, $0x3;
	v9 =	vmov s7;
	v6 =	vshll.u32 v6, $0x3  }
0x40d: {  	s12 =	simm.s32 $0x192;
	v7 =	vor.u32 v1, v7;
	v9 =	vshll.u32 v9, $0x3;
	v6 =	vor.u32 v1, v6  }
0x40e: {  	v6 =	vor.u32 v2, v6;
	v4 =	vadd.f32 v5, v4;
	v5 =	vmov s12  }
0x40f: {  	v7 =	vor.u32 v2, v7;
	v9 =	vor.u32 v1, v9;
	v5 =	vshll.u32 v5, $0x3  }
0x410: {  	v9 =	vor.u32 v2, v9;
	s11 =	simm.s32 $0x19A;
	s12 =	simm.s32 $0x19E;
	v8 =	vadd.f32 v4, v3;
	v5 =	vor.u32 v1, v5  }
0x411: {  	v10 =	vmov s11;
	s11 =	simm.s32 $0x1A4;
	v11 =	vmov s12;
	v5 =	vor.u32 v2, v5  }
0x412: {  	s10 =	simm.s32 $0x19C;
	v10 =	vshll.u32 v10, $0x3;
	v13 =	vmov s11;
	v11 =	vshll.u32 v11, $0x3;
	[tilespmem:s1+$0xE210] =	vst v8  }
0x413: {  	v10 =	vor.u32 v1, v10;
	v11 =	vor.u32 v1, v11;
	v8 =	vmov s10;
	v6 =	vld.idx.msk [tilespmem:v6+s21+$0x0], $0xffff  }
0x414: {  	v10 =	vor.u32 v2, v10;
	s12 =	simm.s32 $0x1A6;
	v11 =	vor.u32 v2, v11;
	v8 =	vshll.u32 v8, $0x3  }
0x415: {  	s7 =	simm.s32 $0x198;
	v4 =	vimm.f32 $0.0e+00;
	v14 =	vmov s12;
	s10 =	simm.s32 $0x1A2;
	v16 =	vld.idx.msk [tilespmem:v7+s21+$0x0], $0xffff;
	v8 =	vor.u32 v1, v8  }
0x416: {  	v7 =	vmov s7;
	v12 =	vmov s10;
	v8 =	vor.u32 v2, v8;
	v17 =	vld.idx.msk [tilespmem:v5+s21+$0x0], $0xffff  }
0x417: {  	v14 =	vshll.u32 v14, $0x3;
	v5 =	vshll.u32 v7, $0x3;
	v7 =	vld.idx.msk [tilespmem:v9+s21+$0x0], $0xffff;
	v9 =	vshll.u32 v12, $0x3  }
0x418: {  	v15 =	vor.u32 v1, v5;
	v9 =	vor.u32 v1, v9;
	v5 =	vadd.f32 v6, v4  }
0x419: {  	v12 =	vor.u32 v2, v15;
	v6 =	vld.idx.msk [tilespmem:v11+s21+$0x0], $0xffff;
	v11 =	vshll.u32 v13, $0x3;
	v13 =	vor.u32 v1, v14  }
0x41a: {  	v9 =	vor.u32 v2, v9;
	v11 =	vor.u32 v1, v11;
	v14 =	vor.u32 v2, v13;
	v13 =	vld.idx.msk [tilespmem:v10+s21+$0x0], $0xffff  }
0x41b: {  	s2 =	simm.s32 $0x1A0;
	s12 =	simm.s32 $0x1A8;
	v8 =	vld.idx.msk [tilespmem:v8+s21+$0x0], $0xffff;
	v15 =	vor.u32 v2, v11;
	v11 =	vadd.f32 v16, v4;
	v10 =	vadd.f32 v17, v4  }
.LBB2_47:
0x41c: {  	s7 =	sadd.s32 $0x2, s12  }
0x41d: {  	s10 =	sadd.s32 $0x4, s12;
	v16 =	vmov s2;
	v4 =	vadd.f32 v7, v4;
	s2 =	smov.u32 s12;
	s11 =	sadd.s32 $0x8, s12  }
0x41e: {  	p1 =	sne.s32 s12, $0x250;
	v17 =	vmov s7;
	v18 =	vmov s10;
	s7 =	sadd.s32 $0x6, s2;
	v19 =	vshll.u32 v16, $0x3;
	v7 =	vld.idx.msk [tilespmem:v12+s21+$0x0], $0xffff  }
.Ltmp25:
0x41f: {  	v5 =	vadd.f32 v6, v5;
	v12 =	vmov s7;
	v20 =	vor.u32 v1, v19;
	(pc) =	sbr.rel @p1 .LBB2_47-.Ltmp25, $4  }
0x420: {  	v17 =	vshll.u32 v17, $0x3;
	v21 =	vshll.u32 v12, $0x3;
	v12 =	vor.u32 v2, v20;
	v6 =	vld.idx.msk [tilespmem:v14+s21+$0x0], $0xffff;
	v16 =	vmovc v8  }
0x421: {  	v17 =	vor.u32 v1, v17;
	v14 =	vshll.u32 v18, $0x3;
	v18 =	vor.u32 v1, v21;
	v8 =	vld.idx.msk [tilespmem:v15+s21+$0x0], $0xffff;
	v19 =	vmovc v13  }
0x422: {  	v15 =	vor.u32 v1, v14;
	v14 =	vor.u32 v2, v18;
	v13 =	vld.idx.msk [tilespmem:v9+s21+$0x0], $0xffff;
	v9 =	vor.u32 v2, v17  }
0x423: {  	s12 =	smov.u32 s11;
	v11 =	vadd.f32 v16, v11;
	v15 =	vor.u32 v2, v15;
	v10 =	vadd.f32 v19, v10  }
0x424: {  	v16 =	vmov s2  }
0x425: {  	v16 =	vshll.u32 v16, $0x3  }
0x426: {  	v16 =	vor.u32 v1, v16  }
0x427: {  	v16 =	vor.u32 v2, v16  }
0x428: {  	v12 =	vld.idx.msk [tilespmem:v12+s21+$0x0], $0xffff  }
0x429: {  	v14 =	vld.idx.msk [tilespmem:v14+s21+$0x0], $0xffff  }
0x42a: {  	v15 =	vld.idx.msk [tilespmem:v15+s21+$0x0], $0xffff  }
0x42b: {  	v9 =	vld.idx.msk [tilespmem:v9+s21+$0x0], $0xffff  }
0x42c: {  	v16 =	vld.idx.msk [tilespmem:v16+s21+$0x0], $0xffff  }
0x42d: {  	v4 =	vadd.f32 v7, v4  }
0x42e: {  	v5 =	vadd.f32 v6, v5;
	v6 =	vadd.f32 v13, v10  }
0x42f: {  	v7 =	vadd.f32 v8, v11;
	v4 =	vadd.f32 v12, v4  }
0x430: {  	v5 =	vadd.f32 v14, v5;
	v6 =	vadd.f32 v9, v6  }
0x431: {  	v7 =	vadd.f32 v15, v7;
	v4 =	vadd.f32 v16, v4;
	_ =	sdelay $0x1  }
0x432: {  	v5 =	vadd.f32 v5, v7;
	v4 =	vadd.f32 v6, v4;
	_ =	sdelay $0x1  }
0x433: {  	v4 =	vadd.f32 v5, v4;
	_ =	sdelay $0x1  }
0x434: {  	[tilespmem:$0x10110] =	vst v4  }
0x435: {  	v5 =	vld [tilespmem:$0x10118]  }
0x436: {  	s11 =	simm.s32 $0x25E;
	s7 =	simm.s32 $0x25C  }
0x437: {  	v7 =	vmov s7;
	s7 =	simm.s32 $0x258;
	v6 =	vmov s11  }
0x438: {  	v7 =	vshll.u32 v7, $0x3;
	v9 =	vmov s7;
	v6 =	vshll.u32 v6, $0x3  }
0x439: {  	s12 =	simm.s32 $0x25A;
	v7 =	vor.u32 v1, v7;
	v9 =	vshll.u32 v9, $0x3;
	v6 =	vor.u32 v1, v6  }
0x43a: {  	v6 =	vor.u32 v2, v6;
	v4 =	vadd.f32 v5, v4;
	v5 =	vmov s12  }
0x43b: {  	v7 =	vor.u32 v2, v7;
	v9 =	vor.u32 v1, v9;
	v5 =	vshll.u32 v5, $0x3  }
0x43c: {  	v9 =	vor.u32 v2, v9;
	s11 =	simm.s32 $0x262;
	s12 =	simm.s32 $0x266;
	v8 =	vadd.f32 v4, v3;
	v5 =	vor.u32 v1, v5  }
0x43d: {  	v10 =	vmov s11;
	s11 =	simm.s32 $0x26C;
	v11 =	vmov s12;
	v5 =	vor.u32 v2, v5  }
0x43e: {  	s10 =	simm.s32 $0x264;
	v10 =	vshll.u32 v10, $0x3;
	v13 =	vmov s11;
	v11 =	vshll.u32 v11, $0x3;
	[tilespmem:s1+$0xE220] =	vst v8  }
0x43f: {  	v10 =	vor.u32 v1, v10;
	v11 =	vor.u32 v1, v11;
	v8 =	vmov s10;
	v6 =	vld.idx.msk [tilespmem:v6+s21+$0x0], $0xffff  }
0x440: {  	v10 =	vor.u32 v2, v10;
	s12 =	simm.s32 $0x26E;
	v11 =	vor.u32 v2, v11;
	v8 =	vshll.u32 v8, $0x3  }
0x441: {  	s7 =	simm.s32 $0x260;
	v4 =	vimm.f32 $0.0e+00;
	v14 =	vmov s12;
	s10 =	simm.s32 $0x26A;
	v16 =	vld.idx.msk [tilespmem:v7+s21+$0x0], $0xffff;
	v8 =	vor.u32 v1, v8  }
0x442: {  	v7 =	vmov s7;
	v12 =	vmov s10;
	v8 =	vor.u32 v2, v8;
	v17 =	vld.idx.msk [tilespmem:v5+s21+$0x0], $0xffff  }
0x443: {  	v14 =	vshll.u32 v14, $0x3;
	v5 =	vshll.u32 v7, $0x3;
	v7 =	vld.idx.msk [tilespmem:v9+s21+$0x0], $0xffff;
	v9 =	vshll.u32 v12, $0x3  }
0x444: {  	v15 =	vor.u32 v1, v5;
	v9 =	vor.u32 v1, v9;
	v5 =	vadd.f32 v6, v4  }
0x445: {  	v12 =	vor.u32 v2, v15;
	v6 =	vld.idx.msk [tilespmem:v11+s21+$0x0], $0xffff;
	v11 =	vshll.u32 v13, $0x3;
	v13 =	vor.u32 v1, v14  }
0x446: {  	v9 =	vor.u32 v2, v9;
	v11 =	vor.u32 v1, v11;
	v14 =	vor.u32 v2, v13;
	v13 =	vld.idx.msk [tilespmem:v10+s21+$0x0], $0xffff  }
0x447: {  	s2 =	simm.s32 $0x268;
	s12 =	simm.s32 $0x270;
	v8 =	vld.idx.msk [tilespmem:v8+s21+$0x0], $0xffff;
	v15 =	vor.u32 v2, v11;
	v11 =	vadd.f32 v16, v4;
	v10 =	vadd.f32 v17, v4  }
.LBB2_49:
0x448: {  	s7 =	sadd.s32 $0x2, s12  }
0x449: {  	s10 =	sadd.s32 $0x4, s12;
	v16 =	vmov s2;
	v4 =	vadd.f32 v7, v4;
	s2 =	smov.u32 s12;
	s11 =	sadd.s32 $0x8, s12  }
0x44a: {  	p1 =	sne.s32 s12, $0x318;
	v17 =	vmov s7;
	v18 =	vmov s10;
	s7 =	sadd.s32 $0x6, s2;
	v19 =	vshll.u32 v16, $0x3;
	v7 =	vld.idx.msk [tilespmem:v12+s21+$0x0], $0xffff  }
.Ltmp26:
0x44b: {  	v5 =	vadd.f32 v6, v5;
	v12 =	vmov s7;
	v20 =	vor.u32 v1, v19;
	(pc) =	sbr.rel @p1 .LBB2_49-.Ltmp26, $4  }
0x44c: {  	v17 =	vshll.u32 v17, $0x3;
	v21 =	vshll.u32 v12, $0x3;
	v12 =	vor.u32 v2, v20;
	v6 =	vld.idx.msk [tilespmem:v14+s21+$0x0], $0xffff;
	v16 =	vmovc v8  }
0x44d: {  	v17 =	vor.u32 v1, v17;
	v14 =	vshll.u32 v18, $0x3;
	v18 =	vor.u32 v1, v21;
	v8 =	vld.idx.msk [tilespmem:v15+s21+$0x0], $0xffff;
	v19 =	vmovc v13  }
0x44e: {  	v15 =	vor.u32 v1, v14;
	v14 =	vor.u32 v2, v18;
	v13 =	vld.idx.msk [tilespmem:v9+s21+$0x0], $0xffff;
	v9 =	vor.u32 v2, v17  }
0x44f: {  	s12 =	smov.u32 s11;
	v11 =	vadd.f32 v16, v11;
	v15 =	vor.u32 v2, v15;
	v10 =	vadd.f32 v19, v10  }
0x450: {  	v16 =	vmov s2  }
0x451: {  	v16 =	vshll.u32 v16, $0x3  }
0x452: {  	v16 =	vor.u32 v1, v16  }
0x453: {  	v16 =	vor.u32 v2, v16  }
0x454: {  	v12 =	vld.idx.msk [tilespmem:v12+s21+$0x0], $0xffff  }
0x455: {  	v14 =	vld.idx.msk [tilespmem:v14+s21+$0x0], $0xffff  }
0x456: {  	v15 =	vld.idx.msk [tilespmem:v15+s21+$0x0], $0xffff  }
0x457: {  	v9 =	vld.idx.msk [tilespmem:v9+s21+$0x0], $0xffff  }
0x458: {  	v16 =	vld.idx.msk [tilespmem:v16+s21+$0x0], $0xffff  }
0x459: {  	v4 =	vadd.f32 v7, v4  }
0x45a: {  	v5 =	vadd.f32 v6, v5;
	v6 =	vadd.f32 v13, v10  }
0x45b: {  	v7 =	vadd.f32 v8, v11;
	v4 =	vadd.f32 v12, v4  }
0x45c: {  	v5 =	vadd.f32 v14, v5;
	v6 =	vadd.f32 v9, v6  }
0x45d: {  	v7 =	vadd.f32 v15, v7;
	v4 =	vadd.f32 v16, v4;
	_ =	sdelay $0x1  }
0x45e: {  	v5 =	vadd.f32 v5, v7;
	v4 =	vadd.f32 v6, v4;
	_ =	sdelay $0x1  }
0x45f: {  	v4 =	vadd.f32 v5, v4;
	_ =	sdelay $0x1  }
0x460: {  	[tilespmem:$0x10110] =	vst v4  }
0x461: {  	v5 =	vld [tilespmem:$0x10118]  }
0x462: {  	s11 =	simm.s32 $0x326;
	s7 =	simm.s32 $0x324  }
0x463: {  	v7 =	vmov s7;
	s7 =	simm.s32 $0x320;
	v6 =	vmov s11  }
0x464: {  	v7 =	vshll.u32 v7, $0x3;
	v9 =	vmov s7;
	v6 =	vshll.u32 v6, $0x3  }
0x465: {  	s12 =	simm.s32 $0x322;
	v7 =	vor.u32 v1, v7;
	v9 =	vshll.u32 v9, $0x3;
	v6 =	vor.u32 v1, v6  }
0x466: {  	v6 =	vor.u32 v2, v6;
	v4 =	vadd.f32 v5, v4;
	v5 =	vmov s12  }
0x467: {  	v7 =	vor.u32 v2, v7;
	v9 =	vor.u32 v1, v9;
	v5 =	vshll.u32 v5, $0x3  }
0x468: {  	v9 =	vor.u32 v2, v9;
	s11 =	simm.s32 $0x32A;
	s12 =	simm.s32 $0x32E;
	v8 =	vadd.f32 v4, v3;
	v5 =	vor.u32 v1, v5  }
0x469: {  	v10 =	vmov s11;
	s11 =	simm.s32 $0x334;
	v11 =	vmov s12;
	v5 =	vor.u32 v2, v5  }
0x46a: {  	s10 =	simm.s32 $0x32C;
	v10 =	vshll.u32 v10, $0x3;
	v13 =	vmov s11;
	v11 =	vshll.u32 v11, $0x3;
	[tilespmem:s1+$0xE230] =	vst v8  }
0x46b: {  	v10 =	vor.u32 v1, v10;
	v11 =	vor.u32 v1, v11;
	v8 =	vmov s10;
	v6 =	vld.idx.msk [tilespmem:v6+s21+$0x0], $0xffff  }
0x46c: {  	v10 =	vor.u32 v2, v10;
	s12 =	simm.s32 $0x336;
	v11 =	vor.u32 v2, v11;
	v8 =	vshll.u32 v8, $0x3  }
0x46d: {  	s7 =	simm.s32 $0x328;
	v4 =	vimm.f32 $0.0e+00;
	v14 =	vmov s12;
	s10 =	simm.s32 $0x332;
	v16 =	vld.idx.msk [tilespmem:v7+s21+$0x0], $0xffff;
	v8 =	vor.u32 v1, v8  }
0x46e: {  	v7 =	vmov s7;
	v12 =	vmov s10;
	v8 =	vor.u32 v2, v8;
	v17 =	vld.idx.msk [tilespmem:v5+s21+$0x0], $0xffff  }
0x46f: {  	v14 =	vshll.u32 v14, $0x3;
	v5 =	vshll.u32 v7, $0x3;
	v7 =	vld.idx.msk [tilespmem:v9+s21+$0x0], $0xffff;
	v9 =	vshll.u32 v12, $0x3  }
0x470: {  	v15 =	vor.u32 v1, v5;
	v9 =	vor.u32 v1, v9;
	v5 =	vadd.f32 v6, v4  }
0x471: {  	v12 =	vor.u32 v2, v15;
	v6 =	vld.idx.msk [tilespmem:v11+s21+$0x0], $0xffff;
	v11 =	vshll.u32 v13, $0x3;
	v13 =	vor.u32 v1, v14  }
0x472: {  	v9 =	vor.u32 v2, v9;
	v11 =	vor.u32 v1, v11;
	v14 =	vor.u32 v2, v13;
	v13 =	vld.idx.msk [tilespmem:v10+s21+$0x0], $0xffff  }
0x473: {  	s2 =	simm.s32 $0x330;
	s12 =	simm.s32 $0x338;
	v8 =	vld.idx.msk [tilespmem:v8+s21+$0x0], $0xffff;
	v15 =	vor.u32 v2, v11;
	v11 =	vadd.f32 v16, v4;
	v10 =	vadd.f32 v17, v4  }
.LBB2_51:
0x474: {  	s7 =	sadd.s32 $0x2, s12  }
0x475: {  	s10 =	sadd.s32 $0x4, s12;
	v16 =	vmov s2;
	v4 =	vadd.f32 v7, v4;
	s2 =	smov.u32 s12;
	s11 =	sadd.s32 $0x8, s12  }
0x476: {  	p1 =	sne.s32 s12, $0x3E0;
	v17 =	vmov s7;
	v18 =	vmov s10;
	s7 =	sadd.s32 $0x6, s2;
	v19 =	vshll.u32 v16, $0x3;
	v7 =	vld.idx.msk [tilespmem:v12+s21+$0x0], $0xffff  }
.Ltmp27:
0x477: {  	v5 =	vadd.f32 v6, v5;
	v12 =	vmov s7;
	v20 =	vor.u32 v1, v19;
	(pc) =	sbr.rel @p1 .LBB2_51-.Ltmp27, $4  }
0x478: {  	v17 =	vshll.u32 v17, $0x3;
	v21 =	vshll.u32 v12, $0x3;
	v12 =	vor.u32 v2, v20;
	v6 =	vld.idx.msk [tilespmem:v14+s21+$0x0], $0xffff;
	v16 =	vmovc v8  }
0x479: {  	v17 =	vor.u32 v1, v17;
	v14 =	vshll.u32 v18, $0x3;
	v18 =	vor.u32 v1, v21;
	v8 =	vld.idx.msk [tilespmem:v15+s21+$0x0], $0xffff;
	v19 =	vmovc v13  }
0x47a: {  	v15 =	vor.u32 v1, v14;
	v14 =	vor.u32 v2, v18;
	v13 =	vld.idx.msk [tilespmem:v9+s21+$0x0], $0xffff;
	v9 =	vor.u32 v2, v17  }
0x47b: {  	s12 =	smov.u32 s11;
	v11 =	vadd.f32 v16, v11;
	v15 =	vor.u32 v2, v15;
	v10 =	vadd.f32 v19, v10  }
0x47c: {  	v16 =	vmov s2  }
0x47d: {  	v16 =	vshll.u32 v16, $0x3  }
0x47e: {  	v16 =	vor.u32 v1, v16  }
0x47f: {  	v16 =	vor.u32 v2, v16  }
0x480: {  	v12 =	vld.idx.msk [tilespmem:v12+s21+$0x0], $0xffff  }
0x481: {  	v14 =	vld.idx.msk [tilespmem:v14+s21+$0x0], $0xffff  }
0x482: {  	v15 =	vld.idx.msk [tilespmem:v15+s21+$0x0], $0xffff  }
0x483: {  	v9 =	vld.idx.msk [tilespmem:v9+s21+$0x0], $0xffff  }
0x484: {  	v16 =	vld.idx.msk [tilespmem:v16+s21+$0x0], $0xffff  }
0x485: {  	v4 =	vadd.f32 v7, v4  }
0x486: {  	v5 =	vadd.f32 v6, v5;
	v6 =	vadd.f32 v13, v10  }
0x487: {  	v7 =	vadd.f32 v8, v11;
	v4 =	vadd.f32 v12, v4  }
0x488: {  	v5 =	vadd.f32 v14, v5;
	v6 =	vadd.f32 v9, v6  }
0x489: {  	v7 =	vadd.f32 v15, v7;
	v4 =	vadd.f32 v16, v4;
	_ =	sdelay $0x1  }
0x48a: {  	v5 =	vadd.f32 v5, v7;
	v4 =	vadd.f32 v6, v4;
	_ =	sdelay $0x1  }
0x48b: {  	v4 =	vadd.f32 v5, v4;
	_ =	sdelay $0x1  }
0x48c: {  	[tilespmem:$0x10110] =	vst v4  }
0x48d: {  	v5 =	vld [tilespmem:$0x10118]  }
0x48e: {  	s11 =	simm.s32 $0x3EE;
	s7 =	simm.s32 $0x3EC  }
0x48f: {  	v7 =	vmov s7;
	s7 =	simm.s32 $0x3E8;
	v6 =	vmov s11  }
0x490: {  	v7 =	vshll.u32 v7, $0x3;
	v9 =	vmov s7;
	v6 =	vshll.u32 v6, $0x3  }
0x491: {  	s12 =	simm.s32 $0x3EA;
	v7 =	vor.u32 v1, v7;
	v9 =	vshll.u32 v9, $0x3;
	v6 =	vor.u32 v1, v6  }
0x492: {  	v6 =	vor.u32 v2, v6;
	v4 =	vadd.f32 v5, v4;
	v5 =	vmov s12  }
0x493: {  	v7 =	vor.u32 v2, v7;
	v9 =	vor.u32 v1, v9;
	v5 =	vshll.u32 v5, $0x3  }
0x494: {  	v9 =	vor.u32 v2, v9;
	s11 =	simm.s32 $0x3F2;
	s12 =	simm.s32 $0x3F6;
	v8 =	vadd.f32 v4, v3;
	v5 =	vor.u32 v1, v5  }
0x495: {  	v10 =	vmov s11;
	s11 =	simm.s32 $0x3FC;
	v11 =	vmov s12;
	v5 =	vor.u32 v2, v5  }
0x496: {  	s10 =	simm.s32 $0x3F4;
	v10 =	vshll.u32 v10, $0x3;
	v13 =	vmov s11;
	v11 =	vshll.u32 v11, $0x3;
	[tilespmem:s1+$0xE240] =	vst v8  }
0x497: {  	v10 =	vor.u32 v1, v10;
	v11 =	vor.u32 v1, v11;
	v8 =	vmov s10;
	v6 =	vld.idx.msk [tilespmem:v6+s21+$0x0], $0xffff  }
0x498: {  	v10 =	vor.u32 v2, v10;
	s12 =	simm.s32 $0x3FE;
	v11 =	vor.u32 v2, v11;
	v8 =	vshll.u32 v8, $0x3  }
0x499: {  	s7 =	simm.s32 $0x3F0;
	v4 =	vimm.f32 $0.0e+00;
	v14 =	vmov s12;
	s10 =	simm.s32 $0x3FA;
	v16 =	vld.idx.msk [tilespmem:v7+s21+$0x0], $0xffff;
	v8 =	vor.u32 v1, v8  }
0x49a: {  	v7 =	vmov s7;
	v12 =	vmov s10;
	v8 =	vor.u32 v2, v8;
	v17 =	vld.idx.msk [tilespmem:v5+s21+$0x0], $0xffff  }
0x49b: {  	v14 =	vshll.u32 v14, $0x3;
	v5 =	vshll.u32 v7, $0x3;
	v7 =	vld.idx.msk [tilespmem:v9+s21+$0x0], $0xffff;
	v9 =	vshll.u32 v12, $0x3  }
0x49c: {  	v15 =	vor.u32 v1, v5;
	v9 =	vor.u32 v1, v9;
	v5 =	vadd.f32 v6, v4  }
0x49d: {  	v12 =	vor.u32 v2, v15;
	v6 =	vld.idx.msk [tilespmem:v11+s21+$0x0], $0xffff;
	v11 =	vshll.u32 v13, $0x3;
	v13 =	vor.u32 v1, v14  }
0x49e: {  	v9 =	vor.u32 v2, v9;
	v11 =	vor.u32 v1, v11;
	v14 =	vor.u32 v2, v13;
	v13 =	vld.idx.msk [tilespmem:v10+s21+$0x0], $0xffff  }
0x49f: {  	s2 =	simm.s32 $0x3F8;
	s12 =	simm.s32 $0x400;
	v8 =	vld.idx.msk [tilespmem:v8+s21+$0x0], $0xffff;
	v15 =	vor.u32 v2, v11;
	v11 =	vadd.f32 v16, v4;
	v10 =	vadd.f32 v17, v4  }
.LBB2_53:
0x4a0: {  	s7 =	sadd.s32 $0x2, s12  }
0x4a1: {  	s10 =	sadd.s32 $0x4, s12;
	v16 =	vmov s2;
	v4 =	vadd.f32 v7, v4;
	s2 =	smov.u32 s12;
	s11 =	sadd.s32 $0x8, s12  }
0x4a2: {  	p1 =	sne.s32 s12, $0x4A8;
	v17 =	vmov s7;
	v18 =	vmov s10;
	s7 =	sadd.s32 $0x6, s2;
	v19 =	vshll.u32 v16, $0x3;
	v7 =	vld.idx.msk [tilespmem:v12+s21+$0x0], $0xffff  }
.Ltmp28:
0x4a3: {  	v5 =	vadd.f32 v6, v5;
	v12 =	vmov s7;
	v20 =	vor.u32 v1, v19;
	(pc) =	sbr.rel @p1 .LBB2_53-.Ltmp28, $4  }
0x4a4: {  	v17 =	vshll.u32 v17, $0x3;
	v21 =	vshll.u32 v12, $0x3;
	v12 =	vor.u32 v2, v20;
	v6 =	vld.idx.msk [tilespmem:v14+s21+$0x0], $0xffff;
	v16 =	vmovc v8  }
0x4a5: {  	v17 =	vor.u32 v1, v17;
	v14 =	vshll.u32 v18, $0x3;
	v18 =	vor.u32 v1, v21;
	v8 =	vld.idx.msk [tilespmem:v15+s21+$0x0], $0xffff;
	v19 =	vmovc v13  }
0x4a6: {  	v15 =	vor.u32 v1, v14;
	v14 =	vor.u32 v2, v18;
	v13 =	vld.idx.msk [tilespmem:v9+s21+$0x0], $0xffff;
	v9 =	vor.u32 v2, v17  }
0x4a7: {  	s12 =	smov.u32 s11;
	v11 =	vadd.f32 v16, v11;
	v15 =	vor.u32 v2, v15;
	v10 =	vadd.f32 v19, v10  }
0x4a8: {  	v16 =	vmov s2  }
0x4a9: {  	v16 =	vshll.u32 v16, $0x3  }
0x4aa: {  	v16 =	vor.u32 v1, v16  }
0x4ab: {  	v16 =	vor.u32 v2, v16  }
0x4ac: {  	v12 =	vld.idx.msk [tilespmem:v12+s21+$0x0], $0xffff  }
0x4ad: {  	v14 =	vld.idx.msk [tilespmem:v14+s21+$0x0], $0xffff  }
0x4ae: {  	v15 =	vld.idx.msk [tilespmem:v15+s21+$0x0], $0xffff  }
0x4af: {  	v9 =	vld.idx.msk [tilespmem:v9+s21+$0x0], $0xffff  }
0x4b0: {  	v16 =	vld.idx.msk [tilespmem:v16+s21+$0x0], $0xffff  }
0x4b1: {  	v4 =	vadd.f32 v7, v4  }
0x4b2: {  	v5 =	vadd.f32 v6, v5;
	v6 =	vadd.f32 v13, v10  }
0x4b3: {  	v7 =	vadd.f32 v8, v11;
	v4 =	vadd.f32 v12, v4  }
0x4b4: {  	v5 =	vadd.f32 v14, v5;
	v6 =	vadd.f32 v9, v6  }
0x4b5: {  	v7 =	vadd.f32 v15, v7;
	v4 =	vadd.f32 v16, v4;
	_ =	sdelay $0x1  }
0x4b6: {  	v5 =	vadd.f32 v5, v7;
	v4 =	vadd.f32 v6, v4;
	_ =	sdelay $0x1  }
0x4b7: {  	v4 =	vadd.f32 v5, v4;
	_ =	sdelay $0x1  }
0x4b8: {  	[tilespmem:$0x10110] =	vst v4  }
0x4b9: {  	v5 =	vld [tilespmem:$0x10118]  }
0x4ba: {  	s11 =	simm.s32 $0x4B6;
	s7 =	simm.s32 $0x4B4  }
0x4bb: {  	v7 =	vmov s7;
	s7 =	simm.s32 $0x4B0;
	v6 =	vmov s11  }
0x4bc: {  	v7 =	vshll.u32 v7, $0x3;
	v9 =	vmov s7;
	v6 =	vshll.u32 v6, $0x3  }
0x4bd: {  	s12 =	simm.s32 $0x4B2;
	v7 =	vor.u32 v1, v7;
	v9 =	vshll.u32 v9, $0x3;
	v6 =	vor.u32 v1, v6  }
0x4be: {  	v6 =	vor.u32 v2, v6;
	v4 =	vadd.f32 v5, v4;
	v5 =	vmov s12  }
0x4bf: {  	v7 =	vor.u32 v2, v7;
	v9 =	vor.u32 v1, v9;
	v5 =	vshll.u32 v5, $0x3  }
0x4c0: {  	v9 =	vor.u32 v2, v9;
	s11 =	simm.s32 $0x4BA;
	s12 =	simm.s32 $0x4BE;
	v8 =	vadd.f32 v4, v3;
	v5 =	vor.u32 v1, v5  }
0x4c1: {  	v10 =	vmov s11;
	s11 =	simm.s32 $0x4C4;
	v11 =	vmov s12;
	v5 =	vor.u32 v2, v5  }
0x4c2: {  	s10 =	simm.s32 $0x4BC;
	v10 =	vshll.u32 v10, $0x3;
	v13 =	vmov s11;
	v11 =	vshll.u32 v11, $0x3;
	[tilespmem:s1+$0xE250] =	vst v8  }
0x4c3: {  	v10 =	vor.u32 v1, v10;
	v11 =	vor.u32 v1, v11;
	v8 =	vmov s10;
	v6 =	vld.idx.msk [tilespmem:v6+s21+$0x0], $0xffff  }
0x4c4: {  	v10 =	vor.u32 v2, v10;
	s12 =	simm.s32 $0x4C6;
	v11 =	vor.u32 v2, v11;
	v8 =	vshll.u32 v8, $0x3  }
0x4c5: {  	s7 =	simm.s32 $0x4B8;
	v4 =	vimm.f32 $0.0e+00;
	v14 =	vmov s12;
	s10 =	simm.s32 $0x4C2;
	v16 =	vld.idx.msk [tilespmem:v7+s21+$0x0], $0xffff;
	v8 =	vor.u32 v1, v8  }
0x4c6: {  	v7 =	vmov s7;
	v12 =	vmov s10;
	v8 =	vor.u32 v2, v8;
	v17 =	vld.idx.msk [tilespmem:v5+s21+$0x0], $0xffff  }
0x4c7: {  	v14 =	vshll.u32 v14, $0x3;
	v5 =	vshll.u32 v7, $0x3;
	v7 =	vld.idx.msk [tilespmem:v9+s21+$0x0], $0xffff;
	v9 =	vshll.u32 v12, $0x3  }
0x4c8: {  	v15 =	vor.u32 v1, v5;
	v9 =	vor.u32 v1, v9;
	v5 =	vadd.f32 v6, v4  }
0x4c9: {  	v12 =	vor.u32 v2, v15;
	v6 =	vld.idx.msk [tilespmem:v11+s21+$0x0], $0xffff;
	v11 =	vshll.u32 v13, $0x3;
	v13 =	vor.u32 v1, v14  }
0x4ca: {  	v9 =	vor.u32 v2, v9;
	v11 =	vor.u32 v1, v11;
	v14 =	vor.u32 v2, v13;
	v13 =	vld.idx.msk [tilespmem:v10+s21+$0x0], $0xffff  }
0x4cb: {  	s2 =	simm.s32 $0x4C0;
	s12 =	simm.s32 $0x4C8;
	v8 =	vld.idx.msk [tilespmem:v8+s21+$0x0], $0xffff;
	v15 =	vor.u32 v2, v11;
	v11 =	vadd.f32 v16, v4;
	v10 =	vadd.f32 v17, v4  }
.LBB2_55:
0x4cc: {  	s7 =	sadd.s32 $0x2, s12  }
0x4cd: {  	s10 =	sadd.s32 $0x4, s12;
	v16 =	vmov s2;
	v4 =	vadd.f32 v7, v4;
	s2 =	smov.u32 s12;
	s11 =	sadd.s32 $0x8, s12  }
0x4ce: {  	p1 =	sne.s32 s12, $0x570;
	v17 =	vmov s7;
	v18 =	vmov s10;
	s7 =	sadd.s32 $0x6, s2;
	v19 =	vshll.u32 v16, $0x3;
	v7 =	vld.idx.msk [tilespmem:v12+s21+$0x0], $0xffff  }
.Ltmp29:
0x4cf: {  	v5 =	vadd.f32 v6, v5;
	v12 =	vmov s7;
	v20 =	vor.u32 v1, v19;
	(pc) =	sbr.rel @p1 .LBB2_55-.Ltmp29, $4  }
0x4d0: {  	v17 =	vshll.u32 v17, $0x3;
	v21 =	vshll.u32 v12, $0x3;
	v12 =	vor.u32 v2, v20;
	v6 =	vld.idx.msk [tilespmem:v14+s21+$0x0], $0xffff;
	v16 =	vmovc v8  }
0x4d1: {  	v17 =	vor.u32 v1, v17;
	v14 =	vshll.u32 v18, $0x3;
	v18 =	vor.u32 v1, v21;
	v8 =	vld.idx.msk [tilespmem:v15+s21+$0x0], $0xffff;
	v19 =	vmovc v13  }
0x4d2: {  	v15 =	vor.u32 v1, v14;
	v14 =	vor.u32 v2, v18;
	v13 =	vld.idx.msk [tilespmem:v9+s21+$0x0], $0xffff;
	v9 =	vor.u32 v2, v17  }
0x4d3: {  	s12 =	smov.u32 s11;
	v11 =	vadd.f32 v16, v11;
	v15 =	vor.u32 v2, v15;
	v10 =	vadd.f32 v19, v10  }
0x4d4: {  	v16 =	vmov s2  }
0x4d5: {  	v16 =	vshll.u32 v16, $0x3  }
0x4d6: {  	v16 =	vor.u32 v1, v16  }
0x4d7: {  	v16 =	vor.u32 v2, v16  }
0x4d8: {  	v12 =	vld.idx.msk [tilespmem:v12+s21+$0x0], $0xffff  }
0x4d9: {  	v14 =	vld.idx.msk [tilespmem:v14+s21+$0x0], $0xffff  }
0x4da: {  	v15 =	vld.idx.msk [tilespmem:v15+s21+$0x0], $0xffff  }
0x4db: {  	v9 =	vld.idx.msk [tilespmem:v9+s21+$0x0], $0xffff  }
0x4dc: {  	v16 =	vld.idx.msk [tilespmem:v16+s21+$0x0], $0xffff  }
0x4dd: {  	v4 =	vadd.f32 v7, v4  }
0x4de: {  	v5 =	vadd.f32 v6, v5;
	v6 =	vadd.f32 v13, v10  }
0x4df: {  	v7 =	vadd.f32 v8, v11;
	v4 =	vadd.f32 v12, v4  }
0x4e0: {  	v5 =	vadd.f32 v14, v5;
	v6 =	vadd.f32 v9, v6  }
0x4e1: {  	v7 =	vadd.f32 v15, v7;
	v4 =	vadd.f32 v16, v4;
	_ =	sdelay $0x1  }
0x4e2: {  	v5 =	vadd.f32 v5, v7;
	v4 =	vadd.f32 v6, v4;
	_ =	sdelay $0x1  }
0x4e3: {  	v4 =	vadd.f32 v5, v4;
	_ =	sdelay $0x1  }
0x4e4: {  	[tilespmem:$0x10110] =	vst v4  }
0x4e5: {  	v5 =	vld [tilespmem:$0x10118]  }
0x4e6: {  	s11 =	simm.s32 $0x57E;
	s7 =	simm.s32 $0x57C  }
0x4e7: {  	v7 =	vmov s7;
	s7 =	simm.s32 $0x578;
	v6 =	vmov s11  }
0x4e8: {  	v7 =	vshll.u32 v7, $0x3;
	v9 =	vmov s7;
	v6 =	vshll.u32 v6, $0x3  }
0x4e9: {  	s12 =	simm.s32 $0x57A;
	v7 =	vor.u32 v1, v7;
	v9 =	vshll.u32 v9, $0x3;
	v6 =	vor.u32 v1, v6  }
0x4ea: {  	v6 =	vor.u32 v2, v6;
	v4 =	vadd.f32 v5, v4;
	v5 =	vmov s12  }
0x4eb: {  	v7 =	vor.u32 v2, v7;
	v9 =	vor.u32 v1, v9;
	v5 =	vshll.u32 v5, $0x3  }
0x4ec: {  	v9 =	vor.u32 v2, v9;
	s11 =	simm.s32 $0x582;
	s12 =	simm.s32 $0x586;
	v8 =	vadd.f32 v4, v3;
	v5 =	vor.u32 v1, v5  }
0x4ed: {  	v10 =	vmov s11;
	s11 =	simm.s32 $0x58C;
	v11 =	vmov s12;
	v5 =	vor.u32 v2, v5  }
0x4ee: {  	s10 =	simm.s32 $0x584;
	v10 =	vshll.u32 v10, $0x3;
	v13 =	vmov s11;
	v11 =	vshll.u32 v11, $0x3;
	[tilespmem:s1+$0xE260] =	vst v8  }
0x4ef: {  	v10 =	vor.u32 v1, v10;
	v11 =	vor.u32 v1, v11;
	v8 =	vmov s10;
	v6 =	vld.idx.msk [tilespmem:v6+s21+$0x0], $0xffff  }
0x4f0: {  	v10 =	vor.u32 v2, v10;
	s12 =	simm.s32 $0x58E;
	v11 =	vor.u32 v2, v11;
	v8 =	vshll.u32 v8, $0x3  }
0x4f1: {  	s7 =	simm.s32 $0x580;
	v4 =	vimm.f32 $0.0e+00;
	v14 =	vmov s12;
	s10 =	simm.s32 $0x58A;
	v16 =	vld.idx.msk [tilespmem:v7+s21+$0x0], $0xffff;
	v8 =	vor.u32 v1, v8  }
0x4f2: {  	v7 =	vmov s7;
	v12 =	vmov s10;
	v8 =	vor.u32 v2, v8;
	v17 =	vld.idx.msk [tilespmem:v5+s21+$0x0], $0xffff  }
0x4f3: {  	v14 =	vshll.u32 v14, $0x3;
	v5 =	vshll.u32 v7, $0x3;
	v7 =	vld.idx.msk [tilespmem:v9+s21+$0x0], $0xffff;
	v9 =	vshll.u32 v12, $0x3  }
0x4f4: {  	v15 =	vor.u32 v1, v5;
	v9 =	vor.u32 v1, v9;
	v5 =	vadd.f32 v6, v4  }
0x4f5: {  	v12 =	vor.u32 v2, v15;
	v6 =	vld.idx.msk [tilespmem:v11+s21+$0x0], $0xffff;
	v11 =	vshll.u32 v13, $0x3;
	v13 =	vor.u32 v1, v14  }
0x4f6: {  	v9 =	vor.u32 v2, v9;
	v11 =	vor.u32 v1, v11;
	v14 =	vor.u32 v2, v13;
	v13 =	vld.idx.msk [tilespmem:v10+s21+$0x0], $0xffff  }
0x4f7: {  	s2 =	simm.s32 $0x588;
	s12 =	simm.s32 $0x590;
	v8 =	vld.idx.msk [tilespmem:v8+s21+$0x0], $0xffff;
	v15 =	vor.u32 v2, v11;
	v11 =	vadd.f32 v16, v4;
	v10 =	vadd.f32 v17, v4  }
.LBB2_57:
0x4f8: {  	s7 =	sadd.s32 $0x2, s12  }
0x4f9: {  	s10 =	sadd.s32 $0x4, s12;
	v16 =	vmov s2;
	v4 =	vadd.f32 v7, v4;
	s2 =	smov.u32 s12;
	s11 =	sadd.s32 $0x8, s12  }
0x4fa: {  	p1 =	sne.s32 s12, $0x638;
	v17 =	vmov s7;
	v18 =	vmov s10;
	s7 =	sadd.s32 $0x6, s2;
	v19 =	vshll.u32 v16, $0x3;
	v7 =	vld.idx.msk [tilespmem:v12+s21+$0x0], $0xffff  }
.Ltmp30:
0x4fb: {  	v5 =	vadd.f32 v6, v5;
	v12 =	vmov s7;
	v20 =	vor.u32 v1, v19;
	(pc) =	sbr.rel @p1 .LBB2_57-.Ltmp30, $4  }
0x4fc: {  	v17 =	vshll.u32 v17, $0x3;
	v21 =	vshll.u32 v12, $0x3;
	v12 =	vor.u32 v2, v20;
	v6 =	vld.idx.msk [tilespmem:v14+s21+$0x0], $0xffff;
	v16 =	vmovc v8  }
0x4fd: {  	v17 =	vor.u32 v1, v17;
	v14 =	vshll.u32 v18, $0x3;
	v18 =	vor.u32 v1, v21;
	v8 =	vld.idx.msk [tilespmem:v15+s21+$0x0], $0xffff;
	v19 =	vmovc v13  }
0x4fe: {  	v15 =	vor.u32 v1, v14;
	v14 =	vor.u32 v2, v18;
	v13 =	vld.idx.msk [tilespmem:v9+s21+$0x0], $0xffff;
	v9 =	vor.u32 v2, v17  }
0x4ff: {  	s12 =	smov.u32 s11;
	v11 =	vadd.f32 v16, v11;
	v15 =	vor.u32 v2, v15;
	v10 =	vadd.f32 v19, v10  }
0x500: {  	v16 =	vmov s2  }
0x501: {  	v16 =	vshll.u32 v16, $0x3  }
0x502: {  	v16 =	vor.u32 v1, v16  }
0x503: {  	v16 =	vor.u32 v2, v16  }
0x504: {  	v12 =	vld.idx.msk [tilespmem:v12+s21+$0x0], $0xffff  }
0x505: {  	v14 =	vld.idx.msk [tilespmem:v14+s21+$0x0], $0xffff  }
0x506: {  	v15 =	vld.idx.msk [tilespmem:v15+s21+$0x0], $0xffff  }
0x507: {  	v9 =	vld.idx.msk [tilespmem:v9+s21+$0x0], $0xffff  }
0x508: {  	v16 =	vld.idx.msk [tilespmem:v16+s21+$0x0], $0xffff  }
0x509: {  	v4 =	vadd.f32 v7, v4  }
0x50a: {  	v5 =	vadd.f32 v6, v5;
	v6 =	vadd.f32 v13, v10  }
0x50b: {  	v7 =	vadd.f32 v8, v11;
	v4 =	vadd.f32 v12, v4  }
0x50c: {  	v5 =	vadd.f32 v14, v5;
	v6 =	vadd.f32 v9, v6  }
0x50d: {  	v7 =	vadd.f32 v15, v7;
	v4 =	vadd.f32 v16, v4;
	_ =	sdelay $0x1  }
0x50e: {  	v5 =	vadd.f32 v5, v7;
	v4 =	vadd.f32 v6, v4;
	_ =	sdelay $0x1  }
0x50f: {  	v4 =	vadd.f32 v5, v4;
	_ =	sdelay $0x1  }
0x510: {  	[tilespmem:$0x10110] =	vst v4  }
0x511: {  	v5 =	vld [tilespmem:$0x10118]  }
0x512: {  	s11 =	simm.s32 $0x646;
	s7 =	simm.s32 $0x644  }
0x513: {  	v7 =	vmov s7;
	s7 =	simm.s32 $0x640;
	v6 =	vmov s11  }
0x514: {  	v7 =	vshll.u32 v7, $0x3;
	v9 =	vmov s7;
	v6 =	vshll.u32 v6, $0x3  }
0x515: {  	s12 =	simm.s32 $0x642;
	v7 =	vor.u32 v1, v7;
	v9 =	vshll.u32 v9, $0x3;
	v6 =	vor.u32 v1, v6  }
0x516: {  	v6 =	vor.u32 v2, v6;
	v4 =	vadd.f32 v5, v4;
	v5 =	vmov s12  }
0x517: {  	v7 =	vor.u32 v2, v7;
	v9 =	vor.u32 v1, v9;
	v5 =	vshll.u32 v5, $0x3  }
0x518: {  	v9 =	vor.u32 v2, v9;
	s11 =	simm.s32 $0x64A;
	s12 =	simm.s32 $0x64E;
	v8 =	vadd.f32 v4, v3;
	v5 =	vor.u32 v1, v5  }
0x519: {  	v10 =	vmov s11;
	s11 =	simm.s32 $0x654;
	v11 =	vmov s12;
	v5 =	vor.u32 v2, v5  }
0x51a: {  	s10 =	simm.s32 $0x64C;
	v10 =	vshll.u32 v10, $0x3;
	v13 =	vmov s11;
	v11 =	vshll.u32 v11, $0x3;
	[tilespmem:s1+$0xE270] =	vst v8  }
0x51b: {  	v10 =	vor.u32 v1, v10;
	v11 =	vor.u32 v1, v11;
	v8 =	vmov s10;
	v6 =	vld.idx.msk [tilespmem:v6+s21+$0x0], $0xffff  }
0x51c: {  	v10 =	vor.u32 v2, v10;
	s12 =	simm.s32 $0x656;
	v11 =	vor.u32 v2, v11;
	v8 =	vshll.u32 v8, $0x3  }
0x51d: {  	s7 =	simm.s32 $0x648;
	v4 =	vimm.f32 $0.0e+00;
	v14 =	vmov s12;
	s10 =	simm.s32 $0x652;
	v16 =	vld.idx.msk [tilespmem:v7+s21+$0x0], $0xffff;
	v8 =	vor.u32 v1, v8  }
0x51e: {  	v7 =	vmov s7;
	v12 =	vmov s10;
	v8 =	vor.u32 v2, v8;
	v17 =	vld.idx.msk [tilespmem:v5+s21+$0x0], $0xffff  }
0x51f: {  	v14 =	vshll.u32 v14, $0x3;
	v5 =	vshll.u32 v7, $0x3;
	v7 =	vld.idx.msk [tilespmem:v9+s21+$0x0], $0xffff;
	v9 =	vshll.u32 v12, $0x3  }
0x520: {  	v15 =	vor.u32 v1, v5;
	v9 =	vor.u32 v1, v9;
	v5 =	vadd.f32 v6, v4  }
0x521: {  	v12 =	vor.u32 v2, v15;
	v6 =	vld.idx.msk [tilespmem:v11+s21+$0x0], $0xffff;
	v11 =	vshll.u32 v13, $0x3;
	v13 =	vor.u32 v1, v14  }
0x522: {  	v9 =	vor.u32 v2, v9;
	v11 =	vor.u32 v1, v11;
	v14 =	vor.u32 v2, v13;
	v13 =	vld.idx.msk [tilespmem:v10+s21+$0x0], $0xffff  }
0x523: {  	s2 =	simm.s32 $0x650;
	s12 =	simm.s32 $0x658;
	v8 =	vld.idx.msk [tilespmem:v8+s21+$0x0], $0xffff;
	v15 =	vor.u32 v2, v11;
	v11 =	vadd.f32 v16, v4;
	v10 =	vadd.f32 v17, v4  }
.LBB2_59:
0x524: {  	s7 =	sadd.s32 $0x2, s12  }
0x525: {  	s10 =	sadd.s32 $0x4, s12;
	v16 =	vmov s2;
	v4 =	vadd.f32 v7, v4;
	s2 =	smov.u32 s12;
	s11 =	sadd.s32 $0x8, s12  }
0x526: {  	p1 =	sne.s32 s12, $0x700;
	v17 =	vmov s7;
	v18 =	vmov s10;
	s7 =	sadd.s32 $0x6, s2;
	v19 =	vshll.u32 v16, $0x3;
	v7 =	vld.idx.msk [tilespmem:v12+s21+$0x0], $0xffff  }
.Ltmp31:
0x527: {  	v5 =	vadd.f32 v6, v5;
	v12 =	vmov s7;
	v20 =	vor.u32 v1, v19;
	(pc) =	sbr.rel @p1 .LBB2_59-.Ltmp31, $4  }
0x528: {  	v17 =	vshll.u32 v17, $0x3;
	v21 =	vshll.u32 v12, $0x3;
	v12 =	vor.u32 v2, v20;
	v6 =	vld.idx.msk [tilespmem:v14+s21+$0x0], $0xffff;
	v16 =	vmovc v8  }
0x529: {  	v17 =	vor.u32 v1, v17;
	v14 =	vshll.u32 v18, $0x3;
	v18 =	vor.u32 v1, v21;
	v8 =	vld.idx.msk [tilespmem:v15+s21+$0x0], $0xffff;
	v19 =	vmovc v13  }
0x52a: {  	v15 =	vor.u32 v1, v14;
	v14 =	vor.u32 v2, v18;
	v13 =	vld.idx.msk [tilespmem:v9+s21+$0x0], $0xffff;
	v9 =	vor.u32 v2, v17  }
0x52b: {  	s12 =	smov.u32 s11;
	v11 =	vadd.f32 v16, v11;
	v15 =	vor.u32 v2, v15;
	v10 =	vadd.f32 v19, v10  }
0x52c: {  	v16 =	vmov s2  }
0x52d: {  	v16 =	vshll.u32 v16, $0x3  }
0x52e: {  	v16 =	vor.u32 v1, v16  }
0x52f: {  	v16 =	vor.u32 v2, v16  }
0x530: {  	v12 =	vld.idx.msk [tilespmem:v12+s21+$0x0], $0xffff  }
0x531: {  	v14 =	vld.idx.msk [tilespmem:v14+s21+$0x0], $0xffff  }
0x532: {  	v15 =	vld.idx.msk [tilespmem:v15+s21+$0x0], $0xffff  }
0x533: {  	v9 =	vld.idx.msk [tilespmem:v9+s21+$0x0], $0xffff  }
0x534: {  	v16 =	vld.idx.msk [tilespmem:v16+s21+$0x0], $0xffff  }
0x535: {  	v4 =	vadd.f32 v7, v4  }
0x536: {  	v5 =	vadd.f32 v6, v5;
	v6 =	vadd.f32 v13, v10  }
0x537: {  	v7 =	vadd.f32 v8, v11;
	v4 =	vadd.f32 v12, v4  }
0x538: {  	v5 =	vadd.f32 v14, v5;
	v6 =	vadd.f32 v9, v6  }
0x539: {  	v7 =	vadd.f32 v15, v7;
	v4 =	vadd.f32 v16, v4;
	_ =	sdelay $0x1  }
0x53a: {  	v5 =	vadd.f32 v5, v7;
	v4 =	vadd.f32 v6, v4;
	_ =	sdelay $0x1  }
0x53b: {  	v4 =	vadd.f32 v5, v4;
	_ =	sdelay $0x1  }
0x53c: {  	[tilespmem:$0x10110] =	vst v4  }
0x53d: {  	v5 =	vld [tilespmem:$0x10118]  }
0x53e: {  	s11 =	simm.s32 $0x70E;
	s7 =	simm.s32 $0x70C  }
0x53f: {  	v7 =	vmov s7;
	s7 =	simm.s32 $0x708;
	v6 =	vmov s11  }
0x540: {  	v7 =	vshll.u32 v7, $0x3;
	v9 =	vmov s7;
	v6 =	vshll.u32 v6, $0x3  }
0x541: {  	s12 =	simm.s32 $0x70A;
	v7 =	vor.u32 v1, v7;
	v9 =	vshll.u32 v9, $0x3;
	v6 =	vor.u32 v1, v6  }
0x542: {  	v6 =	vor.u32 v2, v6;
	v4 =	vadd.f32 v5, v4;
	v5 =	vmov s12  }
0x543: {  	v7 =	vor.u32 v2, v7;
	v9 =	vor.u32 v1, v9;
	v5 =	vshll.u32 v5, $0x3  }
0x544: {  	v9 =	vor.u32 v2, v9;
	s11 =	simm.s32 $0x712;
	s12 =	simm.s32 $0x716;
	v8 =	vadd.f32 v4, v3;
	v5 =	vor.u32 v1, v5  }
0x545: {  	v10 =	vmov s11;
	s11 =	simm.s32 $0x71C;
	v11 =	vmov s12;
	v5 =	vor.u32 v2, v5  }
0x546: {  	s10 =	simm.s32 $0x714;
	v10 =	vshll.u32 v10, $0x3;
	v13 =	vmov s11;
	v11 =	vshll.u32 v11, $0x3;
	[tilespmem:s1+$0xE280] =	vst v8  }
0x547: {  	v10 =	vor.u32 v1, v10;
	v11 =	vor.u32 v1, v11;
	v8 =	vmov s10;
	v6 =	vld.idx.msk [tilespmem:v6+s21+$0x0], $0xffff  }
0x548: {  	v10 =	vor.u32 v2, v10;
	s12 =	simm.s32 $0x71E;
	v11 =	vor.u32 v2, v11;
	v8 =	vshll.u32 v8, $0x3  }
0x549: {  	s7 =	simm.s32 $0x710;
	v4 =	vimm.f32 $0.0e+00;
	v14 =	vmov s12;
	s10 =	simm.s32 $0x71A;
	v16 =	vld.idx.msk [tilespmem:v7+s21+$0x0], $0xffff;
	v8 =	vor.u32 v1, v8  }
0x54a: {  	v7 =	vmov s7;
	v12 =	vmov s10;
	v8 =	vor.u32 v2, v8;
	v17 =	vld.idx.msk [tilespmem:v5+s21+$0x0], $0xffff  }
0x54b: {  	v14 =	vshll.u32 v14, $0x3;
	v5 =	vshll.u32 v7, $0x3;
	v7 =	vld.idx.msk [tilespmem:v9+s21+$0x0], $0xffff;
	v9 =	vshll.u32 v12, $0x3  }
0x54c: {  	v15 =	vor.u32 v1, v5;
	v9 =	vor.u32 v1, v9;
	v5 =	vadd.f32 v6, v4  }
0x54d: {  	v12 =	vor.u32 v2, v15;
	v6 =	vld.idx.msk [tilespmem:v11+s21+$0x0], $0xffff;
	v11 =	vshll.u32 v13, $0x3;
	v13 =	vor.u32 v1, v14  }
0x54e: {  	v9 =	vor.u32 v2, v9;
	v11 =	vor.u32 v1, v11;
	v14 =	vor.u32 v2, v13;
	v13 =	vld.idx.msk [tilespmem:v10+s21+$0x0], $0xffff  }
0x54f: {  	s2 =	simm.s32 $0x718;
	s12 =	simm.s32 $0x720;
	v8 =	vld.idx.msk [tilespmem:v8+s21+$0x0], $0xffff;
	v15 =	vor.u32 v2, v11;
	v11 =	vadd.f32 v16, v4;
	v10 =	vadd.f32 v17, v4  }
.LBB2_61:
0x550: {  	s7 =	sadd.s32 $0x2, s12  }
0x551: {  	s10 =	sadd.s32 $0x4, s12;
	v16 =	vmov s2;
	v4 =	vadd.f32 v7, v4;
	s2 =	smov.u32 s12;
	s11 =	sadd.s32 $0x8, s12  }
0x552: {  	p1 =	sne.s32 s12, $0x7C8;
	v17 =	vmov s7;
	v18 =	vmov s10;
	s7 =	sadd.s32 $0x6, s2;
	v19 =	vshll.u32 v16, $0x3;
	v7 =	vld.idx.msk [tilespmem:v12+s21+$0x0], $0xffff  }
.Ltmp32:
0x553: {  	v5 =	vadd.f32 v6, v5;
	v12 =	vmov s7;
	v20 =	vor.u32 v1, v19;
	(pc) =	sbr.rel @p1 .LBB2_61-.Ltmp32, $4  }
0x554: {  	v17 =	vshll.u32 v17, $0x3;
	v21 =	vshll.u32 v12, $0x3;
	v12 =	vor.u32 v2, v20;
	v6 =	vld.idx.msk [tilespmem:v14+s21+$0x0], $0xffff;
	v16 =	vmovc v8  }
0x555: {  	v17 =	vor.u32 v1, v17;
	v14 =	vshll.u32 v18, $0x3;
	v18 =	vor.u32 v1, v21;
	v8 =	vld.idx.msk [tilespmem:v15+s21+$0x0], $0xffff;
	v19 =	vmovc v13  }
0x556: {  	v15 =	vor.u32 v1, v14;
	v14 =	vor.u32 v2, v18;
	v13 =	vld.idx.msk [tilespmem:v9+s21+$0x0], $0xffff;
	v9 =	vor.u32 v2, v17  }
0x557: {  	s12 =	smov.u32 s11;
	v11 =	vadd.f32 v16, v11;
	v15 =	vor.u32 v2, v15;
	v10 =	vadd.f32 v19, v10  }
0x558: {  	v16 =	vmov s2  }
0x559: {  	v16 =	vshll.u32 v16, $0x3  }
0x55a: {  	v16 =	vor.u32 v1, v16  }
0x55b: {  	v16 =	vor.u32 v2, v16  }
0x55c: {  	v12 =	vld.idx.msk [tilespmem:v12+s21+$0x0], $0xffff  }
0x55d: {  	v14 =	vld.idx.msk [tilespmem:v14+s21+$0x0], $0xffff  }
0x55e: {  	v15 =	vld.idx.msk [tilespmem:v15+s21+$0x0], $0xffff  }
0x55f: {  	v9 =	vld.idx.msk [tilespmem:v9+s21+$0x0], $0xffff  }
0x560: {  	v16 =	vld.idx.msk [tilespmem:v16+s21+$0x0], $0xffff  }
0x561: {  	v4 =	vadd.f32 v7, v4  }
0x562: {  	v5 =	vadd.f32 v6, v5;
	v6 =	vadd.f32 v13, v10  }
0x563: {  	v7 =	vadd.f32 v8, v11;
	v4 =	vadd.f32 v12, v4  }
0x564: {  	v5 =	vadd.f32 v14, v5;
	v6 =	vadd.f32 v9, v6  }
0x565: {  	v7 =	vadd.f32 v15, v7;
	v4 =	vadd.f32 v16, v4;
	_ =	sdelay $0x1  }
0x566: {  	v5 =	vadd.f32 v5, v7;
	v4 =	vadd.f32 v6, v4;
	_ =	sdelay $0x1  }
0x567: {  	v4 =	vadd.f32 v5, v4;
	_ =	sdelay $0x1  }
0x568: {  	[tilespmem:$0x10110] =	vst v4  }
0x569: {  	v5 =	vld [tilespmem:$0x10118]  }
0x56a: {  	s11 =	simm.s32 $0x7D6;
	s7 =	simm.s32 $0x7D4  }
0x56b: {  	v7 =	vmov s7;
	s7 =	simm.s32 $0x7D0;
	v6 =	vmov s11  }
0x56c: {  	v7 =	vshll.u32 v7, $0x3;
	v9 =	vmov s7;
	v6 =	vshll.u32 v6, $0x3  }
0x56d: {  	s12 =	simm.s32 $0x7D2;
	v7 =	vor.u32 v1, v7;
	v9 =	vshll.u32 v9, $0x3;
	v6 =	vor.u32 v1, v6  }
0x56e: {  	v6 =	vor.u32 v2, v6;
	v4 =	vadd.f32 v5, v4;
	v5 =	vmov s12  }
0x56f: {  	v7 =	vor.u32 v2, v7;
	v9 =	vor.u32 v1, v9;
	v5 =	vshll.u32 v5, $0x3  }
0x570: {  	v9 =	vor.u32 v2, v9;
	s11 =	simm.s32 $0x7DA;
	s12 =	simm.s32 $0x7DE;
	v8 =	vadd.f32 v4, v3;
	v5 =	vor.u32 v1, v5  }
0x571: {  	v10 =	vmov s11;
	s11 =	simm.s32 $0x7E4;
	v11 =	vmov s12;
	v5 =	vor.u32 v2, v5  }
0x572: {  	s10 =	simm.s32 $0x7DC;
	v10 =	vshll.u32 v10, $0x3;
	v13 =	vmov s11;
	v11 =	vshll.u32 v11, $0x3;
	[tilespmem:s1+$0xE290] =	vst v8  }
0x573: {  	v10 =	vor.u32 v1, v10;
	v11 =	vor.u32 v1, v11;
	v8 =	vmov s10;
	v6 =	vld.idx.msk [tilespmem:v6+s21+$0x0], $0xffff  }
0x574: {  	v10 =	vor.u32 v2, v10;
	s12 =	simm.s32 $0x7E6;
	v11 =	vor.u32 v2, v11;
	v8 =	vshll.u32 v8, $0x3  }
0x575: {  	s7 =	simm.s32 $0x7D8;
	v4 =	vimm.f32 $0.0e+00;
	v14 =	vmov s12;
	s10 =	simm.s32 $0x7E2;
	v16 =	vld.idx.msk [tilespmem:v7+s21+$0x0], $0xffff;
	v8 =	vor.u32 v1, v8  }
0x576: {  	v7 =	vmov s7;
	v12 =	vmov s10;
	v8 =	vor.u32 v2, v8;
	v17 =	vld.idx.msk [tilespmem:v5+s21+$0x0], $0xffff  }
0x577: {  	v14 =	vshll.u32 v14, $0x3;
	v5 =	vshll.u32 v7, $0x3;
	v7 =	vld.idx.msk [tilespmem:v9+s21+$0x0], $0xffff;
	v9 =	vshll.u32 v12, $0x3  }
0x578: {  	v15 =	vor.u32 v1, v5;
	v9 =	vor.u32 v1, v9;
	v5 =	vadd.f32 v6, v4  }
0x579: {  	v12 =	vor.u32 v2, v15;
	v6 =	vld.idx.msk [tilespmem:v11+s21+$0x0], $0xffff;
	v11 =	vshll.u32 v13, $0x3;
	v13 =	vor.u32 v1, v14  }
0x57a: {  	v9 =	vor.u32 v2, v9;
	v11 =	vor.u32 v1, v11;
	v14 =	vor.u32 v2, v13;
	v13 =	vld.idx.msk [tilespmem:v10+s21+$0x0], $0xffff  }
0x57b: {  	s2 =	simm.s32 $0x7E0;
	s12 =	simm.s32 $0x7E8;
	v8 =	vld.idx.msk [tilespmem:v8+s21+$0x0], $0xffff;
	v15 =	vor.u32 v2, v11;
	v11 =	vadd.f32 v16, v4;
	v10 =	vadd.f32 v17, v4  }
.LBB2_63:
0x57c: {  	s7 =	sadd.s32 $0x2, s12  }
0x57d: {  	s10 =	sadd.s32 $0x4, s12;
	v16 =	vmov s2;
	v4 =	vadd.f32 v7, v4;
	s2 =	smov.u32 s12;
	s11 =	sadd.s32 $0x8, s12  }
0x57e: {  	p1 =	sne.s32 s12, $0x890;
	v17 =	vmov s7;
	v18 =	vmov s10;
	s7 =	sadd.s32 $0x6, s2;
	v19 =	vshll.u32 v16, $0x3;
	v7 =	vld.idx.msk [tilespmem:v12+s21+$0x0], $0xffff  }
.Ltmp33:
0x57f: {  	v5 =	vadd.f32 v6, v5;
	v12 =	vmov s7;
	v20 =	vor.u32 v1, v19;
	(pc) =	sbr.rel @p1 .LBB2_63-.Ltmp33, $4  }
0x580: {  	v17 =	vshll.u32 v17, $0x3;
	v21 =	vshll.u32 v12, $0x3;
	v12 =	vor.u32 v2, v20;
	v6 =	vld.idx.msk [tilespmem:v14+s21+$0x0], $0xffff;
	v16 =	vmovc v8  }
0x581: {  	v17 =	vor.u32 v1, v17;
	v14 =	vshll.u32 v18, $0x3;
	v18 =	vor.u32 v1, v21;
	v8 =	vld.idx.msk [tilespmem:v15+s21+$0x0], $0xffff;
	v19 =	vmovc v13  }
0x582: {  	v15 =	vor.u32 v1, v14;
	v14 =	vor.u32 v2, v18;
	v13 =	vld.idx.msk [tilespmem:v9+s21+$0x0], $0xffff;
	v9 =	vor.u32 v2, v17  }
0x583: {  	s12 =	smov.u32 s11;
	v11 =	vadd.f32 v16, v11;
	v15 =	vor.u32 v2, v15;
	v10 =	vadd.f32 v19, v10  }
0x584: {  	v16 =	vmov s2  }
0x585: {  	v16 =	vshll.u32 v16, $0x3  }
0x586: {  	v16 =	vor.u32 v1, v16  }
0x587: {  	v16 =	vor.u32 v2, v16  }
0x588: {  	v12 =	vld.idx.msk [tilespmem:v12+s21+$0x0], $0xffff  }
0x589: {  	v14 =	vld.idx.msk [tilespmem:v14+s21+$0x0], $0xffff  }
0x58a: {  	v15 =	vld.idx.msk [tilespmem:v15+s21+$0x0], $0xffff  }
0x58b: {  	v9 =	vld.idx.msk [tilespmem:v9+s21+$0x0], $0xffff  }
0x58c: {  	v16 =	vld.idx.msk [tilespmem:v16+s21+$0x0], $0xffff  }
0x58d: {  	v4 =	vadd.f32 v7, v4  }
0x58e: {  	v5 =	vadd.f32 v6, v5;
	v6 =	vadd.f32 v13, v10  }
0x58f: {  	v7 =	vadd.f32 v8, v11;
	v4 =	vadd.f32 v12, v4  }
0x590: {  	v5 =	vadd.f32 v14, v5;
	v6 =	vadd.f32 v9, v6  }
0x591: {  	v7 =	vadd.f32 v15, v7;
	v4 =	vadd.f32 v16, v4;
	_ =	sdelay $0x1  }
0x592: {  	v5 =	vadd.f32 v5, v7;
	v4 =	vadd.f32 v6, v4;
	_ =	sdelay $0x1  }
0x593: {  	v4 =	vadd.f32 v5, v4;
	_ =	sdelay $0x1  }
0x594: {  	[tilespmem:$0x10110] =	vst v4  }
0x595: {  	v5 =	vld [tilespmem:$0x10118]  }
0x596: {  	s11 =	simm.s32 $0x89E;
	s7 =	simm.s32 $0x89C  }
0x597: {  	v7 =	vmov s7;
	s7 =	simm.s32 $0x898;
	v6 =	vmov s11  }
0x598: {  	v7 =	vshll.u32 v7, $0x3;
	v9 =	vmov s7;
	v6 =	vshll.u32 v6, $0x3  }
0x599: {  	s12 =	simm.s32 $0x89A;
	v7 =	vor.u32 v1, v7;
	v9 =	vshll.u32 v9, $0x3;
	v6 =	vor.u32 v1, v6  }
0x59a: {  	v6 =	vor.u32 v2, v6;
	v4 =	vadd.f32 v5, v4;
	v5 =	vmov s12  }
0x59b: {  	v7 =	vor.u32 v2, v7;
	v9 =	vor.u32 v1, v9;
	v5 =	vshll.u32 v5, $0x3  }
0x59c: {  	v9 =	vor.u32 v2, v9;
	s11 =	simm.s32 $0x8A2;
	s12 =	simm.s32 $0x8A6;
	v8 =	vadd.f32 v4, v3;
	v5 =	vor.u32 v1, v5  }
0x59d: {  	v10 =	vmov s11;
	s11 =	simm.s32 $0x8AC;
	v11 =	vmov s12;
	v5 =	vor.u32 v2, v5  }
0x59e: {  	s10 =	simm.s32 $0x8A4;
	v10 =	vshll.u32 v10, $0x3;
	v13 =	vmov s11;
	v11 =	vshll.u32 v11, $0x3;
	[tilespmem:s1+$0xE2A0] =	vst v8  }
0x59f: {  	v10 =	vor.u32 v1, v10;
	v11 =	vor.u32 v1, v11;
	v8 =	vmov s10;
	v6 =	vld.idx.msk [tilespmem:v6+s21+$0x0], $0xffff  }
0x5a0: {  	v10 =	vor.u32 v2, v10;
	s12 =	simm.s32 $0x8AE;
	v11 =	vor.u32 v2, v11;
	v8 =	vshll.u32 v8, $0x3  }
0x5a1: {  	s7 =	simm.s32 $0x8A0;
	v4 =	vimm.f32 $0.0e+00;
	v14 =	vmov s12;
	s10 =	simm.s32 $0x8AA;
	v16 =	vld.idx.msk [tilespmem:v7+s21+$0x0], $0xffff;
	v8 =	vor.u32 v1, v8  }
0x5a2: {  	v7 =	vmov s7;
	v12 =	vmov s10;
	v8 =	vor.u32 v2, v8;
	v17 =	vld.idx.msk [tilespmem:v5+s21+$0x0], $0xffff  }
0x5a3: {  	v14 =	vshll.u32 v14, $0x3;
	v5 =	vshll.u32 v7, $0x3;
	v7 =	vld.idx.msk [tilespmem:v9+s21+$0x0], $0xffff;
	v9 =	vshll.u32 v12, $0x3  }
0x5a4: {  	v15 =	vor.u32 v1, v5;
	v9 =	vor.u32 v1, v9;
	v5 =	vadd.f32 v6, v4  }
0x5a5: {  	v12 =	vor.u32 v2, v15;
	v6 =	vld.idx.msk [tilespmem:v11+s21+$0x0], $0xffff;
	v11 =	vshll.u32 v13, $0x3;
	v13 =	vor.u32 v1, v14  }
0x5a6: {  	v9 =	vor.u32 v2, v9;
	v11 =	vor.u32 v1, v11;
	v14 =	vor.u32 v2, v13;
	v13 =	vld.idx.msk [tilespmem:v10+s21+$0x0], $0xffff  }
0x5a7: {  	s2 =	simm.s32 $0x8A8;
	s12 =	simm.s32 $0x8B0;
	v8 =	vld.idx.msk [tilespmem:v8+s21+$0x0], $0xffff;
	v15 =	vor.u32 v2, v11;
	v11 =	vadd.f32 v16, v4;
	v10 =	vadd.f32 v17, v4  }
.LBB2_65:
0x5a8: {  	s7 =	sadd.s32 $0x2, s12  }
0x5a9: {  	s10 =	sadd.s32 $0x4, s12;
	v16 =	vmov s2;
	v4 =	vadd.f32 v7, v4;
	s2 =	smov.u32 s12;
	s11 =	sadd.s32 $0x8, s12  }
0x5aa: {  	p1 =	sne.s32 s12, $0x958;
	v17 =	vmov s7;
	v18 =	vmov s10;
	s7 =	sadd.s32 $0x6, s2;
	v19 =	vshll.u32 v16, $0x3;
	v7 =	vld.idx.msk [tilespmem:v12+s21+$0x0], $0xffff  }
.Ltmp34:
0x5ab: {  	v5 =	vadd.f32 v6, v5;
	v12 =	vmov s7;
	v20 =	vor.u32 v1, v19;
	(pc) =	sbr.rel @p1 .LBB2_65-.Ltmp34, $4  }
0x5ac: {  	v17 =	vshll.u32 v17, $0x3;
	v21 =	vshll.u32 v12, $0x3;
	v12 =	vor.u32 v2, v20;
	v6 =	vld.idx.msk [tilespmem:v14+s21+$0x0], $0xffff;
	v16 =	vmovc v8  }
0x5ad: {  	v17 =	vor.u32 v1, v17;
	v14 =	vshll.u32 v18, $0x3;
	v18 =	vor.u32 v1, v21;
	v8 =	vld.idx.msk [tilespmem:v15+s21+$0x0], $0xffff;
	v19 =	vmovc v13  }
0x5ae: {  	v15 =	vor.u32 v1, v14;
	v14 =	vor.u32 v2, v18;
	v13 =	vld.idx.msk [tilespmem:v9+s21+$0x0], $0xffff;
	v9 =	vor.u32 v2, v17  }
0x5af: {  	s12 =	smov.u32 s11;
	v11 =	vadd.f32 v16, v11;
	v15 =	vor.u32 v2, v15;
	v10 =	vadd.f32 v19, v10  }
0x5b0: {  	v16 =	vmov s2  }
0x5b1: {  	v16 =	vshll.u32 v16, $0x3  }
0x5b2: {  	v16 =	vor.u32 v1, v16  }
0x5b3: {  	v16 =	vor.u32 v2, v16  }
0x5b4: {  	v12 =	vld.idx.msk [tilespmem:v12+s21+$0x0], $0xffff  }
0x5b5: {  	v14 =	vld.idx.msk [tilespmem:v14+s21+$0x0], $0xffff  }
0x5b6: {  	v15 =	vld.idx.msk [tilespmem:v15+s21+$0x0], $0xffff  }
0x5b7: {  	v9 =	vld.idx.msk [tilespmem:v9+s21+$0x0], $0xffff  }
0x5b8: {  	v16 =	vld.idx.msk [tilespmem:v16+s21+$0x0], $0xffff  }
0x5b9: {  	v4 =	vadd.f32 v7, v4  }
0x5ba: {  	v5 =	vadd.f32 v6, v5;
	v6 =	vadd.f32 v13, v10  }
0x5bb: {  	v7 =	vadd.f32 v8, v11;
	v4 =	vadd.f32 v12, v4  }
0x5bc: {  	v5 =	vadd.f32 v14, v5;
	v6 =	vadd.f32 v9, v6  }
0x5bd: {  	v7 =	vadd.f32 v15, v7;
	v4 =	vadd.f32 v16, v4;
	_ =	sdelay $0x1  }
0x5be: {  	v5 =	vadd.f32 v5, v7;
	v4 =	vadd.f32 v6, v4;
	_ =	sdelay $0x1  }
0x5bf: {  	v4 =	vadd.f32 v5, v4;
	_ =	sdelay $0x1  }
0x5c0: {  	[tilespmem:$0x10110] =	vst v4  }
0x5c1: {  	v5 =	vld [tilespmem:$0x10118]  }
0x5c2: {  	s11 =	simm.s32 $0x966;
	s7 =	simm.s32 $0x964  }
0x5c3: {  	v7 =	vmov s7;
	s7 =	simm.s32 $0x960;
	v6 =	vmov s11  }
0x5c4: {  	v7 =	vshll.u32 v7, $0x3;
	v9 =	vmov s7;
	v6 =	vshll.u32 v6, $0x3  }
0x5c5: {  	s12 =	simm.s32 $0x962;
	v7 =	vor.u32 v1, v7;
	v9 =	vshll.u32 v9, $0x3;
	v6 =	vor.u32 v1, v6  }
0x5c6: {  	v6 =	vor.u32 v2, v6;
	v4 =	vadd.f32 v5, v4;
	v5 =	vmov s12  }
0x5c7: {  	v7 =	vor.u32 v2, v7;
	v9 =	vor.u32 v1, v9;
	v5 =	vshll.u32 v5, $0x3  }
0x5c8: {  	v9 =	vor.u32 v2, v9;
	s11 =	simm.s32 $0x96A;
	s12 =	simm.s32 $0x96E;
	v8 =	vadd.f32 v4, v3;
	v5 =	vor.u32 v1, v5  }
0x5c9: {  	v10 =	vmov s11;
	s11 =	simm.s32 $0x974;
	v11 =	vmov s12;
	v5 =	vor.u32 v2, v5  }
0x5ca: {  	s10 =	simm.s32 $0x96C;
	v10 =	vshll.u32 v10, $0x3;
	v13 =	vmov s11;
	v11 =	vshll.u32 v11, $0x3;
	[tilespmem:s1+$0xE2B0] =	vst v8  }
0x5cb: {  	v10 =	vor.u32 v1, v10;
	v11 =	vor.u32 v1, v11;
	v8 =	vmov s10;
	v6 =	vld.idx.msk [tilespmem:v6+s21+$0x0], $0xffff  }
0x5cc: {  	v10 =	vor.u32 v2, v10;
	s12 =	simm.s32 $0x976;
	v11 =	vor.u32 v2, v11;
	v8 =	vshll.u32 v8, $0x3  }
0x5cd: {  	s7 =	simm.s32 $0x968;
	v4 =	vimm.f32 $0.0e+00;
	v14 =	vmov s12;
	s10 =	simm.s32 $0x972;
	v16 =	vld.idx.msk [tilespmem:v7+s21+$0x0], $0xffff;
	v8 =	vor.u32 v1, v8  }
0x5ce: {  	v7 =	vmov s7;
	v12 =	vmov s10;
	v8 =	vor.u32 v2, v8;
	v17 =	vld.idx.msk [tilespmem:v5+s21+$0x0], $0xffff  }
0x5cf: {  	v14 =	vshll.u32 v14, $0x3;
	v5 =	vshll.u32 v7, $0x3;
	v7 =	vld.idx.msk [tilespmem:v9+s21+$0x0], $0xffff;
	v9 =	vshll.u32 v12, $0x3  }
0x5d0: {  	v15 =	vor.u32 v1, v5;
	v9 =	vor.u32 v1, v9;
	v5 =	vadd.f32 v6, v4  }
0x5d1: {  	v12 =	vor.u32 v2, v15;
	v6 =	vld.idx.msk [tilespmem:v11+s21+$0x0], $0xffff;
	v11 =	vshll.u32 v13, $0x3;
	v13 =	vor.u32 v1, v14  }
0x5d2: {  	v9 =	vor.u32 v2, v9;
	v11 =	vor.u32 v1, v11;
	v14 =	vor.u32 v2, v13;
	v13 =	vld.idx.msk [tilespmem:v10+s21+$0x0], $0xffff  }
0x5d3: {  	s2 =	simm.s32 $0x970;
	s12 =	simm.s32 $0x978;
	v8 =	vld.idx.msk [tilespmem:v8+s21+$0x0], $0xffff;
	v15 =	vor.u32 v2, v11;
	v11 =	vadd.f32 v16, v4;
	v10 =	vadd.f32 v17, v4  }
.LBB2_67:
0x5d4: {  	s7 =	sadd.s32 $0x2, s12  }
0x5d5: {  	s10 =	sadd.s32 $0x4, s12;
	v16 =	vmov s2;
	v4 =	vadd.f32 v7, v4;
	s2 =	smov.u32 s12;
	s11 =	sadd.s32 $0x8, s12  }
0x5d6: {  	p1 =	sne.s32 s12, $0xA20;
	v17 =	vmov s7;
	v18 =	vmov s10;
	s7 =	sadd.s32 $0x6, s2;
	v19 =	vshll.u32 v16, $0x3;
	v7 =	vld.idx.msk [tilespmem:v12+s21+$0x0], $0xffff  }
.Ltmp35:
0x5d7: {  	v5 =	vadd.f32 v6, v5;
	v12 =	vmov s7;
	v20 =	vor.u32 v1, v19;
	(pc) =	sbr.rel @p1 .LBB2_67-.Ltmp35, $4  }
0x5d8: {  	v17 =	vshll.u32 v17, $0x3;
	v21 =	vshll.u32 v12, $0x3;
	v12 =	vor.u32 v2, v20;
	v6 =	vld.idx.msk [tilespmem:v14+s21+$0x0], $0xffff;
	v16 =	vmovc v8  }
0x5d9: {  	v17 =	vor.u32 v1, v17;
	v14 =	vshll.u32 v18, $0x3;
	v18 =	vor.u32 v1, v21;
	v8 =	vld.idx.msk [tilespmem:v15+s21+$0x0], $0xffff;
	v19 =	vmovc v13  }
0x5da: {  	v15 =	vor.u32 v1, v14;
	v14 =	vor.u32 v2, v18;
	v13 =	vld.idx.msk [tilespmem:v9+s21+$0x0], $0xffff;
	v9 =	vor.u32 v2, v17  }
0x5db: {  	s12 =	smov.u32 s11;
	v11 =	vadd.f32 v16, v11;
	v15 =	vor.u32 v2, v15;
	v10 =	vadd.f32 v19, v10  }
0x5dc: {  	v16 =	vmov s2  }
0x5dd: {  	v16 =	vshll.u32 v16, $0x3  }
0x5de: {  	v16 =	vor.u32 v1, v16  }
0x5df: {  	v16 =	vor.u32 v2, v16  }
0x5e0: {  	v12 =	vld.idx.msk [tilespmem:v12+s21+$0x0], $0xffff  }
0x5e1: {  	v14 =	vld.idx.msk [tilespmem:v14+s21+$0x0], $0xffff  }
0x5e2: {  	v15 =	vld.idx.msk [tilespmem:v15+s21+$0x0], $0xffff  }
0x5e3: {  	v9 =	vld.idx.msk [tilespmem:v9+s21+$0x0], $0xffff  }
0x5e4: {  	v16 =	vld.idx.msk [tilespmem:v16+s21+$0x0], $0xffff  }
0x5e5: {  	v4 =	vadd.f32 v7, v4  }
0x5e6: {  	v5 =	vadd.f32 v6, v5;
	v6 =	vadd.f32 v13, v10  }
0x5e7: {  	v7 =	vadd.f32 v8, v11;
	v4 =	vadd.f32 v12, v4  }
0x5e8: {  	v5 =	vadd.f32 v14, v5;
	v6 =	vadd.f32 v9, v6  }
0x5e9: {  	v7 =	vadd.f32 v15, v7;
	v4 =	vadd.f32 v16, v4;
	_ =	sdelay $0x1  }
0x5ea: {  	v5 =	vadd.f32 v5, v7;
	v4 =	vadd.f32 v6, v4;
	_ =	sdelay $0x1  }
0x5eb: {  	v4 =	vadd.f32 v5, v4;
	_ =	sdelay $0x1  }
0x5ec: {  	[tilespmem:$0x10110] =	vst v4  }
0x5ed: {  	v5 =	vld [tilespmem:$0x10118]  }
0x5ee: {  	s11 =	simm.s32 $0xA2E;
	s7 =	simm.s32 $0xA2C  }
0x5ef: {  	v7 =	vmov s7;
	s7 =	simm.s32 $0xA28;
	v6 =	vmov s11  }
0x5f0: {  	v7 =	vshll.u32 v7, $0x3;
	v9 =	vmov s7;
	v6 =	vshll.u32 v6, $0x3  }
0x5f1: {  	s12 =	simm.s32 $0xA2A;
	v7 =	vor.u32 v1, v7;
	v9 =	vshll.u32 v9, $0x3;
	v6 =	vor.u32 v1, v6  }
0x5f2: {  	v6 =	vor.u32 v2, v6;
	v4 =	vadd.f32 v5, v4;
	v5 =	vmov s12  }
0x5f3: {  	v7 =	vor.u32 v2, v7;
	v9 =	vor.u32 v1, v9;
	v5 =	vshll.u32 v5, $0x3  }
0x5f4: {  	v9 =	vor.u32 v2, v9;
	s11 =	simm.s32 $0xA32;
	s12 =	simm.s32 $0xA36;
	v8 =	vadd.f32 v4, v3;
	v5 =	vor.u32 v1, v5  }
0x5f5: {  	v10 =	vmov s11;
	s11 =	simm.s32 $0xA3C;
	v11 =	vmov s12;
	v5 =	vor.u32 v2, v5  }
0x5f6: {  	s10 =	simm.s32 $0xA34;
	v10 =	vshll.u32 v10, $0x3;
	v13 =	vmov s11;
	v11 =	vshll.u32 v11, $0x3;
	[tilespmem:s1+$0xE2C0] =	vst v8  }
0x5f7: {  	v10 =	vor.u32 v1, v10;
	v11 =	vor.u32 v1, v11;
	v8 =	vmov s10;
	v6 =	vld.idx.msk [tilespmem:v6+s21+$0x0], $0xffff  }
0x5f8: {  	v10 =	vor.u32 v2, v10;
	s12 =	simm.s32 $0xA3E;
	v11 =	vor.u32 v2, v11;
	v8 =	vshll.u32 v8, $0x3  }
0x5f9: {  	s7 =	simm.s32 $0xA30;
	v4 =	vimm.f32 $0.0e+00;
	v14 =	vmov s12;
	s10 =	simm.s32 $0xA3A;
	v16 =	vld.idx.msk [tilespmem:v7+s21+$0x0], $0xffff;
	v8 =	vor.u32 v1, v8  }
0x5fa: {  	v7 =	vmov s7;
	v12 =	vmov s10;
	v8 =	vor.u32 v2, v8;
	v17 =	vld.idx.msk [tilespmem:v5+s21+$0x0], $0xffff  }
0x5fb: {  	v14 =	vshll.u32 v14, $0x3;
	v5 =	vshll.u32 v7, $0x3;
	v7 =	vld.idx.msk [tilespmem:v9+s21+$0x0], $0xffff;
	v9 =	vshll.u32 v12, $0x3  }
0x5fc: {  	v15 =	vor.u32 v1, v5;
	v9 =	vor.u32 v1, v9;
	v5 =	vadd.f32 v6, v4  }
0x5fd: {  	v12 =	vor.u32 v2, v15;
	v6 =	vld.idx.msk [tilespmem:v11+s21+$0x0], $0xffff;
	v11 =	vshll.u32 v13, $0x3;
	v13 =	vor.u32 v1, v14  }
0x5fe: {  	v9 =	vor.u32 v2, v9;
	v11 =	vor.u32 v1, v11;
	v14 =	vor.u32 v2, v13;
	v13 =	vld.idx.msk [tilespmem:v10+s21+$0x0], $0xffff  }
0x5ff: {  	s2 =	simm.s32 $0xA38;
	s12 =	simm.s32 $0xA40;
	v8 =	vld.idx.msk [tilespmem:v8+s21+$0x0], $0xffff;
	v15 =	vor.u32 v2, v11;
	v11 =	vadd.f32 v16, v4;
	v10 =	vadd.f32 v17, v4  }
.LBB2_69:
0x600: {  	s7 =	sadd.s32 $0x2, s12  }
0x601: {  	s10 =	sadd.s32 $0x4, s12;
	v16 =	vmov s2;
	v4 =	vadd.f32 v7, v4;
	s2 =	smov.u32 s12;
	s11 =	sadd.s32 $0x8, s12  }
0x602: {  	p1 =	sne.s32 s12, $0xAE8;
	v17 =	vmov s7;
	v18 =	vmov s10;
	s7 =	sadd.s32 $0x6, s2;
	v19 =	vshll.u32 v16, $0x3;
	v7 =	vld.idx.msk [tilespmem:v12+s21+$0x0], $0xffff  }
.Ltmp36:
0x603: {  	v5 =	vadd.f32 v6, v5;
	v12 =	vmov s7;
	v20 =	vor.u32 v1, v19;
	(pc) =	sbr.rel @p1 .LBB2_69-.Ltmp36, $4  }
0x604: {  	v17 =	vshll.u32 v17, $0x3;
	v21 =	vshll.u32 v12, $0x3;
	v12 =	vor.u32 v2, v20;
	v6 =	vld.idx.msk [tilespmem:v14+s21+$0x0], $0xffff;
	v16 =	vmovc v8  }
0x605: {  	v17 =	vor.u32 v1, v17;
	v14 =	vshll.u32 v18, $0x3;
	v18 =	vor.u32 v1, v21;
	v8 =	vld.idx.msk [tilespmem:v15+s21+$0x0], $0xffff;
	v19 =	vmovc v13  }
0x606: {  	v15 =	vor.u32 v1, v14;
	v14 =	vor.u32 v2, v18;
	v13 =	vld.idx.msk [tilespmem:v9+s21+$0x0], $0xffff;
	v9 =	vor.u32 v2, v17  }
0x607: {  	s12 =	smov.u32 s11;
	v11 =	vadd.f32 v16, v11;
	v15 =	vor.u32 v2, v15;
	v10 =	vadd.f32 v19, v10  }
0x608: {  	v16 =	vmov s2  }
0x609: {  	v16 =	vshll.u32 v16, $0x3  }
0x60a: {  	v16 =	vor.u32 v1, v16  }
0x60b: {  	v16 =	vor.u32 v2, v16  }
0x60c: {  	v12 =	vld.idx.msk [tilespmem:v12+s21+$0x0], $0xffff  }
0x60d: {  	v14 =	vld.idx.msk [tilespmem:v14+s21+$0x0], $0xffff  }
0x60e: {  	v15 =	vld.idx.msk [tilespmem:v15+s21+$0x0], $0xffff  }
0x60f: {  	v9 =	vld.idx.msk [tilespmem:v9+s21+$0x0], $0xffff  }
0x610: {  	v16 =	vld.idx.msk [tilespmem:v16+s21+$0x0], $0xffff  }
0x611: {  	v4 =	vadd.f32 v7, v4  }
0x612: {  	v5 =	vadd.f32 v6, v5;
	v6 =	vadd.f32 v13, v10  }
0x613: {  	v7 =	vadd.f32 v8, v11;
	v4 =	vadd.f32 v12, v4  }
0x614: {  	v5 =	vadd.f32 v14, v5;
	v6 =	vadd.f32 v9, v6  }
0x615: {  	v7 =	vadd.f32 v15, v7;
	v4 =	vadd.f32 v16, v4;
	_ =	sdelay $0x1  }
0x616: {  	v5 =	vadd.f32 v5, v7;
	v4 =	vadd.f32 v6, v4;
	_ =	sdelay $0x1  }
0x617: {  	v4 =	vadd.f32 v5, v4;
	_ =	sdelay $0x1  }
0x618: {  	[tilespmem:$0x10110] =	vst v4  }
0x619: {  	v5 =	vld [tilespmem:$0x10118]  }
0x61a: {  	s11 =	simm.s32 $0xAF6;
	s7 =	simm.s32 $0xAF4  }
0x61b: {  	v7 =	vmov s7;
	s7 =	simm.s32 $0xAF0;
	v6 =	vmov s11  }
0x61c: {  	v7 =	vshll.u32 v7, $0x3;
	v9 =	vmov s7;
	v6 =	vshll.u32 v6, $0x3  }
0x61d: {  	s12 =	simm.s32 $0xAF2;
	v7 =	vor.u32 v1, v7;
	v9 =	vshll.u32 v9, $0x3;
	v6 =	vor.u32 v1, v6  }
0x61e: {  	v6 =	vor.u32 v2, v6;
	v4 =	vadd.f32 v5, v4;
	v5 =	vmov s12  }
0x61f: {  	v7 =	vor.u32 v2, v7;
	v9 =	vor.u32 v1, v9;
	v5 =	vshll.u32 v5, $0x3  }
0x620: {  	v9 =	vor.u32 v2, v9;
	s11 =	simm.s32 $0xAFA;
	s12 =	simm.s32 $0xAFE;
	v8 =	vadd.f32 v4, v3;
	v5 =	vor.u32 v1, v5  }
0x621: {  	v10 =	vmov s11;
	s11 =	simm.s32 $0xB04;
	v11 =	vmov s12;
	v5 =	vor.u32 v2, v5  }
0x622: {  	s10 =	simm.s32 $0xAFC;
	v10 =	vshll.u32 v10, $0x3;
	v13 =	vmov s11;
	v11 =	vshll.u32 v11, $0x3;
	[tilespmem:s1+$0xE2D0] =	vst v8  }
0x623: {  	v10 =	vor.u32 v1, v10;
	v11 =	vor.u32 v1, v11;
	v8 =	vmov s10;
	v6 =	vld.idx.msk [tilespmem:v6+s21+$0x0], $0xffff  }
0x624: {  	v10 =	vor.u32 v2, v10;
	s12 =	simm.s32 $0xB06;
	v11 =	vor.u32 v2, v11;
	v8 =	vshll.u32 v8, $0x3  }
0x625: {  	s7 =	simm.s32 $0xAF8;
	v4 =	vimm.f32 $0.0e+00;
	v14 =	vmov s12;
	s10 =	simm.s32 $0xB02;
	v16 =	vld.idx.msk [tilespmem:v7+s21+$0x0], $0xffff;
	v8 =	vor.u32 v1, v8  }
0x626: {  	v7 =	vmov s7;
	v12 =	vmov s10;
	v8 =	vor.u32 v2, v8;
	v17 =	vld.idx.msk [tilespmem:v5+s21+$0x0], $0xffff  }
0x627: {  	v14 =	vshll.u32 v14, $0x3;
	v5 =	vshll.u32 v7, $0x3;
	v7 =	vld.idx.msk [tilespmem:v9+s21+$0x0], $0xffff;
	v9 =	vshll.u32 v12, $0x3  }
0x628: {  	v15 =	vor.u32 v1, v5;
	v9 =	vor.u32 v1, v9;
	v5 =	vadd.f32 v6, v4  }
0x629: {  	v12 =	vor.u32 v2, v15;
	v6 =	vld.idx.msk [tilespmem:v11+s21+$0x0], $0xffff;
	v11 =	vshll.u32 v13, $0x3;
	v13 =	vor.u32 v1, v14  }
0x62a: {  	v9 =	vor.u32 v2, v9;
	v11 =	vor.u32 v1, v11;
	v14 =	vor.u32 v2, v13;
	v13 =	vld.idx.msk [tilespmem:v10+s21+$0x0], $0xffff  }
0x62b: {  	s2 =	simm.s32 $0xB00;
	s12 =	simm.s32 $0xB08;
	v8 =	vld.idx.msk [tilespmem:v8+s21+$0x0], $0xffff;
	v15 =	vor.u32 v2, v11;
	v11 =	vadd.f32 v16, v4;
	v10 =	vadd.f32 v17, v4  }
.LBB2_71:
0x62c: {  	s7 =	sadd.s32 $0x2, s12  }
0x62d: {  	s10 =	sadd.s32 $0x4, s12;
	v16 =	vmov s2;
	v4 =	vadd.f32 v7, v4;
	s2 =	smov.u32 s12;
	s11 =	sadd.s32 $0x8, s12  }
0x62e: {  	p1 =	sne.s32 s12, $0xBB0;
	v17 =	vmov s7;
	v18 =	vmov s10;
	s7 =	sadd.s32 $0x6, s2;
	v19 =	vshll.u32 v16, $0x3;
	v7 =	vld.idx.msk [tilespmem:v12+s21+$0x0], $0xffff  }
.Ltmp37:
0x62f: {  	v5 =	vadd.f32 v6, v5;
	v12 =	vmov s7;
	v20 =	vor.u32 v1, v19;
	(pc) =	sbr.rel @p1 .LBB2_71-.Ltmp37, $4  }
0x630: {  	v17 =	vshll.u32 v17, $0x3;
	v21 =	vshll.u32 v12, $0x3;
	v12 =	vor.u32 v2, v20;
	v6 =	vld.idx.msk [tilespmem:v14+s21+$0x0], $0xffff;
	v16 =	vmovc v8  }
0x631: {  	v17 =	vor.u32 v1, v17;
	v14 =	vshll.u32 v18, $0x3;
	v18 =	vor.u32 v1, v21;
	v8 =	vld.idx.msk [tilespmem:v15+s21+$0x0], $0xffff;
	v19 =	vmovc v13  }
0x632: {  	v15 =	vor.u32 v1, v14;
	v14 =	vor.u32 v2, v18;
	v13 =	vld.idx.msk [tilespmem:v9+s21+$0x0], $0xffff;
	v9 =	vor.u32 v2, v17  }
0x633: {  	s12 =	smov.u32 s11;
	v11 =	vadd.f32 v16, v11;
	v15 =	vor.u32 v2, v15;
	v10 =	vadd.f32 v19, v10  }
0x634: {  	v16 =	vmov s2  }
0x635: {  	v16 =	vshll.u32 v16, $0x3  }
0x636: {  	v16 =	vor.u32 v1, v16  }
0x637: {  	v16 =	vor.u32 v2, v16  }
0x638: {  	v12 =	vld.idx.msk [tilespmem:v12+s21+$0x0], $0xffff  }
0x639: {  	v14 =	vld.idx.msk [tilespmem:v14+s21+$0x0], $0xffff  }
0x63a: {  	v15 =	vld.idx.msk [tilespmem:v15+s21+$0x0], $0xffff  }
0x63b: {  	v9 =	vld.idx.msk [tilespmem:v9+s21+$0x0], $0xffff  }
0x63c: {  	v16 =	vld.idx.msk [tilespmem:v16+s21+$0x0], $0xffff  }
0x63d: {  	v4 =	vadd.f32 v7, v4  }
0x63e: {  	v5 =	vadd.f32 v6, v5;
	v6 =	vadd.f32 v13, v10  }
0x63f: {  	v7 =	vadd.f32 v8, v11;
	v4 =	vadd.f32 v12, v4  }
0x640: {  	v5 =	vadd.f32 v14, v5;
	v6 =	vadd.f32 v9, v6  }
0x641: {  	v7 =	vadd.f32 v15, v7;
	v4 =	vadd.f32 v16, v4;
	_ =	sdelay $0x1  }
0x642: {  	v5 =	vadd.f32 v5, v7;
	v4 =	vadd.f32 v6, v4;
	_ =	sdelay $0x1  }
0x643: {  	v4 =	vadd.f32 v5, v4;
	_ =	sdelay $0x1  }
0x644: {  	[tilespmem:$0x10110] =	vst v4  }
0x645: {  	v5 =	vld [tilespmem:$0x10118]  }
0x646: {  	s11 =	simm.s32 $0xBBE;
	s7 =	simm.s32 $0xBBC  }
0x647: {  	v7 =	vmov s7;
	s7 =	simm.s32 $0xBB8;
	v6 =	vmov s11  }
0x648: {  	v7 =	vshll.u32 v7, $0x3;
	v9 =	vmov s7;
	v6 =	vshll.u32 v6, $0x3  }
0x649: {  	s12 =	simm.s32 $0xBBA;
	v7 =	vor.u32 v1, v7;
	v9 =	vshll.u32 v9, $0x3;
	v6 =	vor.u32 v1, v6  }
0x64a: {  	v6 =	vor.u32 v2, v6;
	v4 =	vadd.f32 v5, v4;
	v5 =	vmov s12  }
0x64b: {  	v7 =	vor.u32 v2, v7;
	v9 =	vor.u32 v1, v9;
	v5 =	vshll.u32 v5, $0x3  }
0x64c: {  	v9 =	vor.u32 v2, v9;
	s11 =	simm.s32 $0xBC2;
	s12 =	simm.s32 $0xBC6;
	v8 =	vadd.f32 v4, v3;
	v5 =	vor.u32 v1, v5  }
0x64d: {  	v10 =	vmov s11;
	s11 =	simm.s32 $0xBCC;
	v11 =	vmov s12;
	v5 =	vor.u32 v2, v5  }
0x64e: {  	s10 =	simm.s32 $0xBC4;
	v10 =	vshll.u32 v10, $0x3;
	v13 =	vmov s11;
	v11 =	vshll.u32 v11, $0x3;
	[tilespmem:s1+$0xE2E0] =	vst v8  }
0x64f: {  	v10 =	vor.u32 v1, v10;
	v11 =	vor.u32 v1, v11;
	v8 =	vmov s10;
	v6 =	vld.idx.msk [tilespmem:v6+s21+$0x0], $0xffff  }
0x650: {  	v10 =	vor.u32 v2, v10;
	s12 =	simm.s32 $0xBCE;
	v11 =	vor.u32 v2, v11;
	v8 =	vshll.u32 v8, $0x3  }
0x651: {  	s7 =	simm.s32 $0xBC0;
	v4 =	vimm.f32 $0.0e+00;
	v14 =	vmov s12;
	s10 =	simm.s32 $0xBCA;
	v16 =	vld.idx.msk [tilespmem:v7+s21+$0x0], $0xffff;
	v8 =	vor.u32 v1, v8  }
0x652: {  	v7 =	vmov s7;
	v12 =	vmov s10;
	v8 =	vor.u32 v2, v8;
	v17 =	vld.idx.msk [tilespmem:v5+s21+$0x0], $0xffff  }
0x653: {  	v14 =	vshll.u32 v14, $0x3;
	v5 =	vshll.u32 v7, $0x3;
	v7 =	vld.idx.msk [tilespmem:v9+s21+$0x0], $0xffff;
	v9 =	vshll.u32 v12, $0x3  }
0x654: {  	v15 =	vor.u32 v1, v5;
	v9 =	vor.u32 v1, v9;
	v5 =	vadd.f32 v6, v4  }
0x655: {  	v12 =	vor.u32 v2, v15;
	v6 =	vld.idx.msk [tilespmem:v11+s21+$0x0], $0xffff;
	v11 =	vshll.u32 v13, $0x3;
	v13 =	vor.u32 v1, v14  }
0x656: {  	v9 =	vor.u32 v2, v9;
	v11 =	vor.u32 v1, v11;
	v14 =	vor.u32 v2, v13;
	v13 =	vld.idx.msk [tilespmem:v10+s21+$0x0], $0xffff  }
0x657: {  	s2 =	simm.s32 $0xBC8;
	s12 =	simm.s32 $0xBD0;
	v8 =	vld.idx.msk [tilespmem:v8+s21+$0x0], $0xffff;
	v15 =	vor.u32 v2, v11;
	v11 =	vadd.f32 v16, v4;
	v10 =	vadd.f32 v17, v4  }
.LBB2_73:
0x658: {  	s7 =	sadd.s32 $0x2, s12  }
0x659: {  	s10 =	sadd.s32 $0x4, s12;
	v16 =	vmov s2;
	v4 =	vadd.f32 v7, v4;
	s2 =	smov.u32 s12;
	s11 =	sadd.s32 $0x8, s12  }
0x65a: {  	p1 =	sne.s32 s12, $0xC78;
	v17 =	vmov s7;
	v18 =	vmov s10;
	s7 =	sadd.s32 $0x6, s2;
	v19 =	vshll.u32 v16, $0x3;
	v7 =	vld.idx.msk [tilespmem:v12+s21+$0x0], $0xffff  }
.Ltmp38:
0x65b: {  	v5 =	vadd.f32 v6, v5;
	v12 =	vmov s7;
	v20 =	vor.u32 v1, v19;
	(pc) =	sbr.rel @p1 .LBB2_73-.Ltmp38, $4  }
0x65c: {  	v17 =	vshll.u32 v17, $0x3;
	v21 =	vshll.u32 v12, $0x3;
	v12 =	vor.u32 v2, v20;
	v6 =	vld.idx.msk [tilespmem:v14+s21+$0x0], $0xffff;
	v16 =	vmovc v8  }
0x65d: {  	v17 =	vor.u32 v1, v17;
	v14 =	vshll.u32 v18, $0x3;
	v18 =	vor.u32 v1, v21;
	v8 =	vld.idx.msk [tilespmem:v15+s21+$0x0], $0xffff;
	v19 =	vmovc v13  }
0x65e: {  	v15 =	vor.u32 v1, v14;
	v14 =	vor.u32 v2, v18;
	v13 =	vld.idx.msk [tilespmem:v9+s21+$0x0], $0xffff;
	v9 =	vor.u32 v2, v17  }
0x65f: {  	s12 =	smov.u32 s11;
	v11 =	vadd.f32 v16, v11;
	v15 =	vor.u32 v2, v15;
	v10 =	vadd.f32 v19, v10  }
0x660: {  	v16 =	vmov s2  }
0x661: {  	v16 =	vshll.u32 v16, $0x3  }
0x662: {  	v16 =	vor.u32 v1, v16  }
0x663: {  	v16 =	vor.u32 v2, v16  }
0x664: {  	v12 =	vld.idx.msk [tilespmem:v12+s21+$0x0], $0xffff  }
0x665: {  	v14 =	vld.idx.msk [tilespmem:v14+s21+$0x0], $0xffff  }
0x666: {  	v15 =	vld.idx.msk [tilespmem:v15+s21+$0x0], $0xffff  }
0x667: {  	v9 =	vld.idx.msk [tilespmem:v9+s21+$0x0], $0xffff  }
0x668: {  	v16 =	vld.idx.msk [tilespmem:v16+s21+$0x0], $0xffff  }
0x669: {  	v4 =	vadd.f32 v7, v4  }
0x66a: {  	v5 =	vadd.f32 v6, v5;
	v61 =	vadd.f32 v13, v10  }
0x66b: {  	v62 =	vadd.f32 v8, v11;
	v4 =	vadd.f32 v12, v4  }
0x66c: {  	v5 =	vadd.f32 v14, v5;
	v6 =	vadd.f32 v9, v61  }
0x66d: {  	v7 =	vadd.f32 v15, v62;
	v4 =	vadd.f32 v16, v4;
	_ =	sdelay $0x1  }
0x66e: {  	v5 =	vadd.f32 v5, v7;
	v4 =	vadd.f32 v6, v4;
	_ =	sdelay $0x1  }
0x66f: {  	v4 =	vadd.f32 v5, v4;
	_ =	sdelay $0x1  }
0x670: {  	[tilespmem:$0x10110] =	vst v4  }
0x671: {  	v63 =	vld [tilespmem:$0x10118];
	_ =	sdelay $0x4  }
.Ltmp39:
0x672: {  	v4 =	vadd.f32 v63, v4;
	(pc) =	sbr.rel @p0 .LBB2_78-.Ltmp39, $3  }
0x673: {  	_ = 	snop  }
0x674: {  	v3 =	vadd.f32 v4, v3;
	_ =	sdelay $0x1  }
0x675: {  	[tilespmem:s1+$0xE2F0] =	vst v3  }
0x676: {  	_ =	swait.ge [sflag:s19], $0xC80  }
0x677: {  	[sflag:s19] =	ssyncset.done $0x0  }
0x678: {  	s1 =	simm.s32 $0x0;
	s2 =	simm.s32 $0x40;
	[sflag:s19] =	ssyncadd.s32 $0xFFFFF380  }
.LBB2_76:
0x679: {  	p0 =	sne.s32 s2, $0x31C0;
	v3 =	vld [tilespmem:s1+$0xC80];
	_ =	sdelay $0x4  }
.Ltmp40:
0x67a: {  	v4 =	vshll.u32 v3, $0x4;
	(pc) =	sbr.rel @p0 .LBB2_76-.Ltmp40, $4  }
0x67b: {  	v5 =	vand.u32 $0xFFFF8000, v3;
	v3 =	vshrl.u32 v3, $0xB;
	v4 =	vand.u32 $0x7FF0, v4  }
0x67c: {  	v3 =	vand.u32 $0xF, v3;
	v4 =	vor.u32 v5, v4  }
0x67d: {  	v3 =	vor.u32 v3, v4  }
0x67e: {  	[tilespmem:s1+$0xC80] =	vst v3;
	s1 =	sshra.s32 s2, $0x2;
	s2 =	sadd.s32 $0x40, s2  }
0x67f: {  	v3 =	vld [tilespmem:s1+$0xC80];
	_ =	sdelay $0x4  }
.Ltmp41:
0x680: {  	v4 =	vshll.u32 v3, $0x4;
	(pc) =	sbr.rel .LBB2_6-.Ltmp41, $4  }
0x681: {  	v5 =	vand.u32 $0xFFFF8000, v3;
	v3 =	vshrl.u32 v3, $0xB;
	v4 =	vand.u32 $0x7FF0, v4  }
0x682: {  	v3 =	vand.u32 $0xF, v3;
	v4 =	vor.u32 v5, v4  }
0x683: {  	v3 =	vor.u32 v3, v4  }
0x684: {  	s0 =	sadd.s32 $0x1, s0;
	[tilespmem:s1+$0xC80] =	vst v3  }
.LBB2_79:
0x685: {  	_ =	sfence.sel $0x180000  }
0x686: {  	[bflag:$0x0] =	sbarrier.arrive $0xFFFF  }
0x687: {  	_ =	strace $0x90000047  }
0x688: {  	s0 =	stileid.u32;
	[bflag:$0x2] =	sbarrier.arrive $0xFFFF  }
0x689: {  	p0 =	sne.s32 s0, $0x0;
	s0 =	rddreg [dreg:$0x2]  }
0x68a: {  	s0 =	sadd.s32 @!p0 $0x100000, s0  }
0x68b: {  	[sflag:s0] =	ssyncadd.tile.s32 @!p0 $0x1;
	_ =	shalt  }
.Lfunc_end2:
_tile_overlayer_lowered:
.L_overlay_start_2:
0x68c: {  	(tag) =	ssettag $0x2  }
0x68d: {  	s0 =	rddreg [dreg:$0x0];
	s2 =	stileid.u32  }
0x68e: {  	s1 =	rddreg [dreg:$0x1];
	p0 =	sne.s32 s2, $0x0  }
0x68f: {  	s3 =	rddreg [dreg:$0x2];
	[bflag:$0x3] =	sbarrier.arrive $0xFFFF;
	s2 =	simm.s32 @!p0 $0x1C05  }
0x690: {  	[timem:s3], [sflag:s2] =	dma.local @!p0 [hbm:s0], s1  }
0x691: {  	s0 =	simm.s32 @!p0 $0x5  }
0x692: {  	_ =	swait.ge @!p0 [sflag:s0], s1  }
0x693: {  	s1 =	ssub.s32 @!p0 $0x0, s1;
	[sflag:s0] =	ssyncset.done @!p0 $0x0  }
0x694: {  	[sflag:s0] =	ssyncadd.s32 @!p0 s1  }
0x695: {  	[bflag:$0x3] =	sbarrier.arrive $0xFFFF  }
0x696: {  	_ =	shalt  }

</sc_bundles>
